<compile_context>
chip_gen: v7x
topology: tpu7x:2x2x1
jax: 0.10.2.dev20260603
libtpu: 0.0.44.dev20260713+nightly
codegen_flags: <defaults>
</compile_context>

<pallas_src>
import functools

import jax
import jax.numpy as jnp
from jax import lax
from jax.experimental import pallas as pl
from jax.experimental.pallas import tpu as pltpu
from jax.experimental.pallas import tpu_sc as plsc

B, T, H, V = 1024, 200, 64, 100000
N_STATIC, N_KC, N_KR, N_OBS = 3, 2, 4, 3
NK = N_KR + N_KC

NW = 32
HPW = (N_KC * H) // NW
SPW = (N_STATIC * H) // NW
TCH = 4
NTCH = T // TCH


def _sc_gather(tkc_t, kc_j, tst_t, st_k):
    mesh = plsc.VectorSubcoreMesh(core_axis_name="c", subcore_axis_name="s")

    @functools.partial(
        pl.kernel,
        mesh=mesh,
        out_type=(
            jax.ShapeDtypeStruct((T, NK, H, B), jnp.float32),
            jax.ShapeDtypeStruct((N_STATIC, H, B), jnp.float32),
        ),
        scratch_types=[
            pltpu.VMEM((V,), jnp.float32),
            pltpu.VMEM((2, TCH, B), jnp.int32),
            pltpu.VMEM((2, TCH, B), jnp.float32),
            pltpu.VMEM_SHARED((T, B), jnp.int32),
            pltpu.SemaphoreType.DMA,
            pltpu.SemaphoreType.DMA,
            pltpu.SemaphoreType.DMA,
            pltpu.SemaphoreType.DMA,
        ],
        compiler_params=pltpu.CompilerParams(
            use_tc_tiling_on_sc=True, needs_layout_passes=False),
    )
    def k(tkc, ikc, tst, ist, e_out, st_out, rowbuf, idxbuf, outbuf, idx_sh,
          si0, si1, so0, so1):
        wid = lax.axis_index("s") * 2 + lax.axis_index("c")

        j = lax.axis_index("c")
        hbase = 4 * lax.axis_index("s")

        @pl.when(lax.axis_index("s") == 0)
        def _():
            pltpu.sync_copy(ikc.at[j], idx_sh)

        plsc.subcore_barrier()

        def gather_rows(b, nrows):
            @plsc.parallel_loop(0, B, 16, unroll=8)
            def _(col):
                for r in range(nrows):
                    iv = idxbuf[b, r, pl.ds(col, 16)]
                    outbuf[b, r, pl.ds(col, 16)] = plsc.load_gather(rowbuf, [iv])

        for m in range(HPW):
            h = hbase + m
            pltpu.sync_copy(tkc.at[j, h], rowbuf)

            def idx_src(c):
                return idx_sh.at[pl.ds(c * TCH, TCH)]

            def out_dst(c):
                return e_out.at[pl.ds(c * TCH, TCH), N_KR + j, h]

            pltpu.async_copy(idx_src(0), idxbuf.at[0], si0)
            pltpu.async_copy(idx_src(1), idxbuf.at[1], si1)

            def t_body(g, carry):
                c0 = 2 * g
                c1 = c0 + 1
                pltpu.make_async_copy(idx_src(c0), idxbuf.at[0], si0).wait()

                @pl.when(g > 0)
                def _():
                    pltpu.make_async_copy(outbuf.at[0], out_dst(c0 - 2), so0).wait()

                gather_rows(0, TCH)
                pltpu.async_copy(outbuf.at[0], out_dst(c0), so0)

                @pl.when(c0 + 2 < NTCH)
                def _():
                    pltpu.async_copy(idx_src(c0 + 2), idxbuf.at[0], si0)

                pltpu.make_async_copy(idx_src(c1), idxbuf.at[1], si1).wait()

                @pl.when(g > 0)
                def _():
                    pltpu.make_async_copy(outbuf.at[1], out_dst(c1 - 2), so1).wait()

                gather_rows(1, TCH)
                pltpu.async_copy(outbuf.at[1], out_dst(c1), so1)

                @pl.when(c1 + 2 < NTCH)
                def _():
                    pltpu.async_copy(idx_src(c1 + 2), idxbuf.at[1], si1)

                return carry

            lax.fori_loop(0, NTCH // 2, t_body, 0)
            pltpu.make_async_copy(outbuf.at[0], out_dst(NTCH - 2), so0).wait()
            pltpu.make_async_copy(outbuf.at[1], out_dst(NTCH - 1), so1).wait()

        for m in range(SPW):
            p = wid * SPW + m
            kk = p // H
            h = p % H
            pltpu.sync_copy(tst.at[kk, h], rowbuf)
            pltpu.sync_copy(ist.at[kk], idxbuf.at[0, 0])
            gather_rows(0, 1)
            pltpu.sync_copy(outbuf.at[0, 0], st_out.at[kk, h])

    return k(tkc_t, kc_j, tst_t, st_k)


def _tc_assemble(xr_t, obs_t, kn_partial, W_kr, b_kr, W_obs, b_obs):

    TB = 4

    def body(x_ref, kn_in, wk, bk, kn_out):
        del kn_in
        wkv = wk[...][:, :, :, None]
        bkv = bk[...][:, :, :, None]
        x = x_ref[:, 0]
        kn_out[...] = x[:, :, None, :] * wkv + bkv

    kn_t = pl.pallas_call(
        body,
        grid=(T // TB, N_KR // 2),
        in_specs=[
            pl.BlockSpec((TB, 1, 2, B), lambda i, f: (i, f, 0, 0)),
            pl.BlockSpec((1, 1, H, B), lambda i, f: (0, 0, 0, 0)),
            pl.BlockSpec((1, 2, H), lambda i, f: (f, 0, 0)),
            pl.BlockSpec((1, 2, H), lambda i, f: (f, 0, 0)),
        ],
        out_specs=[
            pl.BlockSpec((TB, 2, H, B), lambda i, f: (i, f, 0, 0)),
        ],
        out_shape=[
            jax.ShapeDtypeStruct((T, NK, H, B), jnp.float32),
        ],
        input_output_aliases={1: 0},
    )(xr_t.reshape(T, 2, 2, B), kn_partial,
      W_kr.reshape(2, 2, H), b_kr.reshape(2, 2, H))[0]

    def obs_body(o_ref, wo, bo, ob_out):
        o = o_ref[...]
        ob_out[...] = (o[:, :, None, :] * wo[...][None, :, :, None]
                       + bo[...][None, :, :, None])

    ob_t = pl.pallas_call(
        obs_body,
        grid=(T // TB,),
        in_specs=[
            pl.BlockSpec((TB, N_OBS, B), lambda i: (i, 0, 0)),
            pl.BlockSpec((N_OBS, H), lambda i: (0, 0)),
            pl.BlockSpec((N_OBS, H), lambda i: (0, 0)),
        ],
        out_specs=[
            pl.BlockSpec((TB, N_OBS, H, B), lambda i: (i, 0, 0, 0)),
        ],
        out_shape=[
            jax.ShapeDtypeStruct((T, N_OBS, H, B), jnp.float32),
        ],
    )(obs_t, W_obs, b_obs)[0]
    return kn_t, ob_t


def kernel(static, known_real, known_categorical, observed, E_static, E_kc,
           W_kr, b_kr, W_obs, b_obs):
    tkc_t = jnp.transpose(E_kc, (0, 2, 1))
    tst_t = jnp.transpose(E_static, (0, 2, 1))
    kc_j = jnp.transpose(known_categorical.astype(jnp.int32), (2, 1, 0))
    st_k = jnp.transpose(static.astype(jnp.int32), (1, 0))
    xr_t = jnp.transpose(known_real, (1, 2, 0))
    obs_t = jnp.transpose(observed, (1, 2, 0))

    kn_partial, st_g = _sc_gather(tkc_t, kc_j, tst_t, st_k)

    kn_t, ob_t = _tc_assemble(xr_t, obs_t, kn_partial, W_kr, b_kr, W_obs, b_obs)

    static_emb = jnp.transpose(st_g, (2, 0, 1))
    known = jnp.transpose(kn_t, (3, 0, 2, 1))
    obs = jnp.transpose(ob_t, (3, 0, 2, 1))
    return (static_emb, known, obs)

# --- scband reference (transcript-rebuilt; emitter-appended) ---
"""Pipeline reference for scband-tftinput-embedding-17970143167187 (READ-ONLY COPY).

The authoritative reference and input builder live on the scoring server;
editing this copy changes nothing except your own understanding.
"""

import jax, jax.numpy as jnp
import numpy as np

B, T, H, V = 1024, 200, 64, 100000
N_STATIC, N_KC, N_KR, N_OBS = 3, 2, 4, 3

def setup_inputs(seed: int = 0) -> dict:
    key = jax.random.key(seed)
    ks = jax.random.split(key, 10)
    static = jax.random.randint(ks[0], (B, N_STATIC), 0, V, dtype=jnp.int64 if jax.config.jax_enable_x64 else jnp.int32)
    known_real = jax.random.normal(ks[1], (B, T, N_KR), dtype=jnp.float32)
    known_categorical = jax.random.randint(ks[2], (B, T, N_KC), 0, V, dtype=jnp.int64 if jax.config.jax_enable_x64 else jnp.int32)
    observed = jax.random.normal(ks[3], (B, T, N_OBS), dtype=jnp.float32)
    E_static = jax.random.normal(ks[4], (N_STATIC, V, H), dtype=jnp.float32) * 0.02
    E_kc = jax.random.normal(ks[5], (N_KC, V, H), dtype=jnp.float32) * 0.02
    W_kr = jax.random.normal(ks[6], (N_KR, H), dtype=jnp.float32) * 0.02
    b_kr = jnp.zeros((N_KR, H), dtype=jnp.float32)
    W_obs = jax.random.normal(ks[7], (N_OBS, H), dtype=jnp.float32) * 0.02
    b_obs = jnp.zeros((N_OBS, H), dtype=jnp.float32)
    return {"static": static, "known_real": known_real, "known_categorical": known_categorical,
            "observed": observed, "E_static": E_static, "E_kc": E_kc,
            "W_kr": W_kr, "b_kr": b_kr, "W_obs": W_obs, "b_obs": b_obs}

def reference(static, known_real, known_categorical, observed, E_static, E_kc, W_kr, b_kr, W_obs, b_obs):
    # static embeddings: for each static field i, gather column i and look up table i
    static_emb = jnp.stack([jnp.take(E_static[i], static[:, i], axis=0) for i in range(N_STATIC)], axis=1)  # (B, n_s, H)
    # known real: per-feature scalar -> H dense projection (TimeDistributed Dense on a 1-dim input)
    kr = jnp.stack([known_real[..., i][..., None] * W_kr[i][None, None, :] + b_kr[i][None, None, :]
                    for i in range(N_KR)], axis=-1)  # (B, T, H, n_kr)
    # known categorical: per-field embedding lookup over time
    kc = jnp.stack([jnp.take(E_kc[i], known_categorical[..., i], axis=0) for i in range(N_KC)], axis=-1)  # (B, T, H, n_kc)
    known = jnp.concatenate([kr, kc], axis=-1)  # (B, T, H, n_kr + n_kc)
    # observed real: per-feature scalar -> H dense projection
    obs = jnp.stack([observed[..., i][..., None] * W_obs[i][None, None, :] + b_obs[i][None, None, :]
                     for i in range(N_OBS)], axis=-1)  # (B, T, H, n_o)
    return (static_emb, known, obs)

if __name__ == "__main__":
    import jax
    _d = setup_inputs()
    print(jax.jit(kernel)(*tuple(_d.values())))

</pallas_src>

<mosaic_0001>
#map = affine_map<(d0, d1) -> (0, 0, 0)>
#map1 = affine_map<(d0, d1) -> (0, 0)>
#map2 = affine_map<(d0, d1) -> (0, 0, 0, 0)>
module attributes {stable_mosaic.version = 14 : i64} {
  func.func @k(%arg0: i32, %arg1: i32, %arg2: memref<2x64x100000xf32, #tpu.memory_space<hbm>>, %arg3: memref<2x200x1024xi32, #tpu.memory_space<hbm>>, %arg4: memref<3x64x100000xf32, #tpu.memory_space<hbm>>, %arg5: memref<3x1024xi32, #tpu.memory_space<hbm>>, %arg6: memref<200x6x64x1024xf32, #tpu.memory_space<hbm>>, %arg7: memref<3x64x1024xf32, #tpu.memory_space<hbm>>, %arg8: memref<100000xf32, #tpu.memory_space<vmem>>, %arg9: memref<2x4x1024xi32, #tpu.memory_space<vmem>>, %arg10: memref<2x4x1024xf32, #tpu.memory_space<vmem>>, %arg11: memref<200x1024xi32, #tpu.memory_space<vmem_shared>>, %arg12: memref<!tpu.dma_semaphore, #tpu.memory_space<semaphore_mem>>, %arg13: memref<!tpu.dma_semaphore, #tpu.memory_space<semaphore_mem>>, %arg14: memref<!tpu.dma_semaphore, #tpu.memory_space<semaphore_mem>>, %arg15: memref<!tpu.dma_semaphore, #tpu.memory_space<semaphore_mem>>) attributes {dimension_semantics = [#tpu.dimension_semantics<core_parallel>, #tpu.dimension_semantics<subcore_parallel>], iteration_bounds = array<i64: 2, 16>, scalar_prefetch = 0 : i64, scratch_operands = 8 : i64, tpu.core_type = #tpu.core_type<sc_vector_subcore>, window_params = [{transform_indices = #map}, {transform_indices = #map}, {transform_indices = #map}, {transform_indices = #map1}, {transform_indices = #map2}, {transform_indices = #map}]} {
    %mul3A = arith.constant 2 : i32
    %mul3A_0 = arith.muli %arg1, %mul3A : i32
    %add3A = arith.addi %mul3A_0, %arg0 : i32
    %mul3A_1 = arith.constant 4 : i32
    %mul3A_2 = arith.muli %mul3A_1, %arg1 : i32
    %eq3A = arith.constant 0 : i32
    %eq3A_3 = arith.cmpi eq, %arg1, %eq3A : i32
    %convert_element_type3A = arith.extui %eq3A_3 : i1 to i32
    %cond3A = arith.constant 0 : i32
    %cond3A_4 = arith.cmpi ne, %convert_element_type3A, %cond3A : i32
    scf.if %cond3A_4 {
      "tpu.region"() ({
        %run_scoped3A_601 = tpu.sem_alloc : memref<!tpu.dma_semaphore, #tpu.memory_space<semaphore_mem>>
        %dma_start3A_602 = arith.constant 0 : i32
        %dma_start3A_603 = arith.constant 0 : i32
        %dma_start3A_604 = tpu.memref_slice %arg3[%arg0, %dma_start3A_602, %dma_start3A_603] : memref<2x200x1024xi32, #tpu.memory_space<hbm>> -> memref<1x200x1024xi32, #tpu.memory_space<hbm>>
        %dma_start3A_605 = tpu.memref_squeeze %dma_start3A_604 : memref<1x200x1024xi32, #tpu.memory_space<hbm>> -> memref<200x1024xi32, #tpu.memory_space<hbm>>
        tpu.enqueue_dma source(%dma_start3A_605 : memref<200x1024xi32, #tpu.memory_space<hbm>>) target(%arg11 : memref<200x1024xi32, #tpu.memory_space<vmem_shared>>) target_semaphore(%run_scoped3A_601 : memref<!tpu.dma_semaphore, #tpu.memory_space<semaphore_mem>>)
        %dma_wait3A_606 = arith.constant 0 : i32
        %dma_wait3A_607 = arith.constant 0 : i32
        %dma_wait3A_608 = tpu.memref_slice %arg3[%arg0, %dma_wait3A_606, %dma_wait3A_607] : memref<2x200x1024xi32, #tpu.memory_space<hbm>> -> memref<1x200x1024xi32, #tpu.memory_space<hbm>>
        %dma_wait3A_609 = tpu.memref_squeeze %dma_wait3A_608 : memref<1x200x1024xi32, #tpu.memory_space<hbm>> -> memref<200x1024xi32, #tpu.memory_space<hbm>>
        tpu.wait_dma2 semaphore(%run_scoped3A_601 : memref<!tpu.dma_semaphore, #tpu.memory_space<semaphore_mem>>) src(%dma_wait3A_609 : memref<200x1024xi32, #tpu.memory_space<hbm>>) dst(%arg11 : memref<200x1024xi32, #tpu.memory_space<vmem_shared>>)
        tpu.yield
      }) : () -> ()
    } else {
    }
    %barrier3A = arith.constant 0 : index
    tpu.barrier barrier_id(%barrier3A)
    %add3A_5 = arith.constant 0 : i32
    %add3A_6 = arith.addi %mul3A_2, %add3A_5 : i32
    "tpu.region"() ({
      %run_scoped3A_601 = tpu.sem_alloc : memref<!tpu.dma_semaphore, #tpu.memory_space<semaphore_mem>>
      %dma_start3A_602 = arith.constant 0 : i32
      %dma_start3A_603 = tpu.memref_slice %arg2[%arg0, %add3A_6, %dma_start3A_602] : memref<2x64x100000xf32, #tpu.memory_space<hbm>> -> memref<1x1x100000xf32, #tpu.memory_space<hbm>>
      %dma_start3A_604 = tpu.memref_squeeze %dma_start3A_603 : memref<1x1x100000xf32, #tpu.memory_space<hbm>> -> memref<100000xf32, #tpu.memory_space<hbm>>
      %dma_start3A_605 = arith.constant 0 : i32
      %dma_start3A_606 = tpu.memref_slice %arg2[%arg0, %add3A_6, %dma_start3A_605] : memref<2x64x100000xf32, #tpu.memory_space<hbm>> -> memref<1x1x100000xf32, #tpu.memory_space<hbm>>
      %dma_start3A_607 = tpu.memref_squeeze %dma_start3A_606 : memref<1x1x100000xf32, #tpu.memory_space<hbm>> -> memref<100000xf32, #tpu.memory_space<hbm>>
      tpu.enqueue_dma source(%dma_start3A_607 : memref<100000xf32, #tpu.memory_space<hbm>>) target(%arg8 : memref<100000xf32, #tpu.memory_space<vmem>>) target_semaphore(%run_scoped3A_601 : memref<!tpu.dma_semaphore, #tpu.memory_space<semaphore_mem>>)
      %dma_wait3A_608 = arith.constant 0 : i32
      %dma_wait3A_609 = tpu.memref_slice %arg2[%arg0, %add3A_6, %dma_wait3A_608] : memref<2x64x100000xf32, #tpu.memory_space<hbm>> -> memref<1x1x100000xf32, #tpu.memory_space<hbm>>
      %dma_wait3A_610 = tpu.memref_squeeze %dma_wait3A_609 : memref<1x1x100000xf32, #tpu.memory_space<hbm>> -> memref<100000xf32, #tpu.memory_space<hbm>>
      %dma_wait3A_611 = arith.constant 0 : i32
      %dma_wait3A_612 = tpu.memref_slice %arg2[%arg0, %add3A_6, %dma_wait3A_611] : memref<2x64x100000xf32, #tpu.memory_space<hbm>> -> memref<1x1x100000xf32, #tpu.memory_space<hbm>>
      %dma_wait3A_613 = tpu.memref_squeeze %dma_wait3A_612 : memref<1x1x100000xf32, #tpu.memory_space<hbm>> -> memref<100000xf32, #tpu.memory_space<hbm>>
      tpu.wait_dma2 semaphore(%run_scoped3A_601 : memref<!tpu.dma_semaphore, #tpu.memory_space<semaphore_mem>>) src(%dma_wait3A_613 : memref<100000xf32, #tpu.memory_space<hbm>>) dst(%arg8 : memref<100000xf32, #tpu.memory_space<vmem>>)
      tpu.yield
    }) : () -> ()
    %dma_start3A = arith.constant 0 : i32
    %dma_start3A_7 = arith.constant 0 : i32
    %dma_start3A_8 = arith.constant 0 : i32
    %dma_start3A_9 = tpu.memref_slice %arg9[%dma_start3A, %dma_start3A_7, %dma_start3A_8] : memref<2x4x1024xi32, #tpu.memory_space<vmem>> -> memref<1x4x1024xi32, #tpu.memory_space<vmem>>
    %dma_start3A_10 = tpu.memref_squeeze %dma_start3A_9 : memref<1x4x1024xi32, #tpu.memory_space<vmem>> -> memref<4x1024xi32, #tpu.memory_space<vmem>>
    %dma_start3A_11 = arith.constant 0 : i32
    %dma_start3A_12 = arith.constant 0 : i32
    %dma_start3A_13 = tpu.memref_slice %arg11[%dma_start3A_11, %dma_start3A_12] : memref<200x1024xi32, #tpu.memory_space<vmem_shared>> -> memref<4x1024xi32, #tpu.memory_space<vmem_shared>>
    %dma_start3A_14 = arith.constant 0 : i32
    %dma_start3A_15 = arith.constant 0 : i32
    %dma_start3A_16 = tpu.memref_slice %arg9[%dma_start3A, %dma_start3A_14, %dma_start3A_15] : memref<2x4x1024xi32, #tpu.memory_space<vmem>> -> memref<1x4x1024xi32, #tpu.memory_space<vmem>>
    %dma_start3A_17 = tpu.memref_squeeze %dma_start3A_16 : memref<1x4x1024xi32, #tpu.memory_space<vmem>> -> memref<4x1024xi32, #tpu.memory_space<vmem>>
    %dma_start3A_18 = arith.constant 0 : i32
    %dma_start3A_19 = arith.constant 0 : i32
    %dma_start3A_20 = tpu.memref_slice %arg11[%dma_start3A_18, %dma_start3A_19] : memref<200x1024xi32, #tpu.memory_space<vmem_shared>> -> memref<4x1024xi32, #tpu.memory_space<vmem_shared>>
    tpu.enqueue_dma source(%dma_start3A_20 : memref<4x1024xi32, #tpu.memory_space<vmem_shared>>) target(%dma_start3A_17 : memref<4x1024xi32, #tpu.memory_space<vmem>>) target_semaphore(%arg12 : memref<!tpu.dma_semaphore, #tpu.memory_space<semaphore_mem>>)
    %dma_start3A_21 = arith.constant 1 : i32
    %dma_start3A_22 = arith.constant 0 : i32
    %dma_start3A_23 = arith.constant 0 : i32
    %dma_start3A_24 = tpu.memref_slice %arg9[%dma_start3A_21, %dma_start3A_22, %dma_start3A_23] : memref<2x4x1024xi32, #tpu.memory_space<vmem>> -> memref<1x4x1024xi32, #tpu.memory_space<vmem>>
    %dma_start3A_25 = tpu.memref_squeeze %dma_start3A_24 : memref<1x4x1024xi32, #tpu.memory_space<vmem>> -> memref<4x1024xi32, #tpu.memory_space<vmem>>
    %dma_start3A_26 = arith.constant 4 : i32
    %dma_start3A_27 = arith.constant 0 : i32
    %dma_start3A_28 = tpu.memref_slice %arg11[%dma_start3A_26, %dma_start3A_27] : memref<200x1024xi32, #tpu.memory_space<vmem_shared>> -> memref<4x1024xi32, #tpu.memory_space<vmem_shared>>
    %dma_start3A_29 = arith.constant 0 : i32
    %dma_start3A_30 = arith.constant 0 : i32
    %dma_start3A_31 = tpu.memref_slice %arg9[%dma_start3A_21, %dma_start3A_29, %dma_start3A_30] : memref<2x4x1024xi32, #tpu.memory_space<vmem>> -> memref<1x4x1024xi32, #tpu.memory_space<vmem>>
    %dma_start3A_32 = tpu.memref_squeeze %dma_start3A_31 : memref<1x4x1024xi32, #tpu.memory_space<vmem>> -> memref<4x1024xi32, #tpu.memory_space<vmem>>
    %dma_start3A_33 = arith.constant 4 : i32
    %dma_start3A_34 = arith.constant 0 : i32
    %dma_start3A_35 = tpu.memref_slice %arg11[%dma_start3A_33, %dma_start3A_34] : memref<200x1024xi32, #tpu.memory_space<vmem_shared>> -> memref<4x1024xi32, #tpu.memory_space<vmem_shared>>
    tpu.enqueue_dma source(%dma_start3A_35 : memref<4x1024xi32, #tpu.memory_space<vmem_shared>>) target(%dma_start3A_32 : memref<4x1024xi32, #tpu.memory_space<vmem>>) target_semaphore(%arg13 : memref<!tpu.dma_semaphore, #tpu.memory_space<semaphore_mem>>)
    %scan3A = arith.constant 0 : i32
    %scan3A_36 = arith.constant 0 : i32
    %scan3A_37 = arith.constant 25 : i32
    %scan3A_38 = arith.addi %scan3A_36, %scan3A_37 : i32
    %scan3A_39 = arith.constant 1 : i32
    scf.for %scan3A_601 = %scan3A_36 to %scan3A_38 step %scan3A_39  : i32 {
      %mul3A_602 = arith.constant 2 : i32
      %mul3A_603 = arith.muli %mul3A_602, %scan3A_601 : i32
      %add3A_604 = arith.constant 1 : i32
      %add3A_605 = arith.addi %mul3A_603, %add3A_604 : i32
      %mul3A_606 = arith.constant 4 : i32
      %mul3A_607 = arith.muli %mul3A_603, %mul3A_606 : i32
      %dma_wait3A_608 = arith.constant 0 : i32
      %dma_wait3A_609 = arith.constant 0 : i32
      %dma_wait3A_610 = arith.constant 0 : i32
      %dma_wait3A_611 = tpu.memref_slice %arg9[%dma_wait3A_608, %dma_wait3A_609, %dma_wait3A_610] : memref<2x4x1024xi32, #tpu.memory_space<vmem>> -> memref<1x4x1024xi32, #tpu.memory_space<vmem>>
      %dma_wait3A_612 = tpu.memref_squeeze %dma_wait3A_611 : memref<1x4x1024xi32, #tpu.memory_space<vmem>> -> memref<4x1024xi32, #tpu.memory_space<vmem>>
      %dma_wait3A_613 = arith.constant 0 : i32
      %dma_wait3A_614 = tpu.memref_slice %arg11[%mul3A_607, %dma_wait3A_613] : memref<200x1024xi32, #tpu.memory_space<vmem_shared>> -> memref<4x1024xi32, #tpu.memory_space<vmem_shared>>
      %dma_wait3A_615 = arith.constant 0 : i32
      %dma_wait3A_616 = arith.constant 0 : i32
      %dma_wait3A_617 = tpu.memref_slice %arg9[%dma_wait3A_608, %dma_wait3A_615, %dma_wait3A_616] : memref<2x4x1024xi32, #tpu.memory_space<vmem>> -> memref<1x4x1024xi32, #tpu.memory_space<vmem>>
      %dma_wait3A_618 = tpu.memref_squeeze %dma_wait3A_617 : memref<1x4x1024xi32, #tpu.memory_space<vmem>> -> memref<4x1024xi32, #tpu.memory_space<vmem>>
      %dma_wait3A_619 = arith.constant 0 : i32
      %dma_wait3A_620 = tpu.memref_slice %arg11[%mul3A_607, %dma_wait3A_619] : memref<200x1024xi32, #tpu.memory_space<vmem_shared>> -> memref<4x1024xi32, #tpu.memory_space<vmem_shared>>
      tpu.wait_dma2 semaphore(%arg12 : memref<!tpu.dma_semaphore, #tpu.memory_space<semaphore_mem>>) src(%dma_wait3A_620 : memref<4x1024xi32, #tpu.memory_space<vmem_shared>>) dst(%dma_wait3A_618 : memref<4x1024xi32, #tpu.memory_space<vmem>>)
      %gt3A = arith.constant 0 : i32
      %gt3A_621 = arith.cmpi sgt, %scan3A_601, %gt3A : i32
      %convert_element_type3A_622 = arith.extui %gt3A_621 : i1 to i32
      %cond3A_623 = arith.constant 0 : i32
      %cond3A_624 = arith.cmpi ne, %convert_element_type3A_622, %cond3A_623 : i32
      scf.if %cond3A_624 {
        %sub3A_703 = arith.constant 2 : i32
        %sub3A_704 = arith.subi %mul3A_603, %sub3A_703 : i32
        %mul3A_705 = arith.constant 4 : i32
        %mul3A_706 = arith.muli %sub3A_704, %mul3A_705 : i32
        %add3A_707 = arith.constant 4 : i32
        %add3A_708 = arith.addi %add3A_707, %arg0 : i32
        %dma_wait3A_709 = arith.constant 0 : i32
        %dma_wait3A_710 = arith.constant 0 : i32
        %dma_wait3A_711 = arith.constant 0 : i32
        %dma_wait3A_712 = tpu.memref_slice %arg10[%dma_wait3A_709, %dma_wait3A_710, %dma_wait3A_711] : memref<2x4x1024xf32, #tpu.memory_space<vmem>> -> memref<1x4x1024xf32, #tpu.memory_space<vmem>>
        %dma_wait3A_713 = tpu.memref_squeeze %dma_wait3A_712 : memref<1x4x1024xf32, #tpu.memory_space<vmem>> -> memref<4x1024xf32, #tpu.memory_space<vmem>>
        %dma_wait3A_714 = arith.constant 0 : i32
        %dma_wait3A_715 = tpu.memref_slice %arg6[%mul3A_706, %add3A_708, %add3A_6, %dma_wait3A_714] : memref<200x6x64x1024xf32, #tpu.memory_space<hbm>> -> memref<4x1x1x1024xf32, #tpu.memory_space<hbm>>
        %dma_wait3A_716 = tpu.memref_squeeze %dma_wait3A_715 : memref<4x1x1x1024xf32, #tpu.memory_space<hbm>> -> memref<4x1024xf32, #tpu.memory_space<hbm>>
        %dma_wait3A_717 = arith.constant 0 : i32
        %dma_wait3A_718 = tpu.memref_slice %arg6[%mul3A_706, %add3A_708, %add3A_6, %dma_wait3A_717] : memref<200x6x64x1024xf32, #tpu.memory_space<hbm>> -> memref<4x1x1x1024xf32, #tpu.memory_space<hbm>>
        %dma_wait3A_719 = tpu.memref_squeeze %dma_wait3A_718 : memref<4x1x1x1024xf32, #tpu.memory_space<hbm>> -> memref<4x1024xf32, #tpu.memory_space<hbm>>
        %dma_wait3A_720 = arith.constant 0 : i32
        %dma_wait3A_721 = arith.constant 0 : i32
        %dma_wait3A_722 = tpu.memref_slice %arg10[%dma_wait3A_709, %dma_wait3A_720, %dma_wait3A_721] : memref<2x4x1024xf32, #tpu.memory_space<vmem>> -> memref<1x4x1024xf32, #tpu.memory_space<vmem>>
        %dma_wait3A_723 = tpu.memref_squeeze %dma_wait3A_722 : memref<1x4x1024xf32, #tpu.memory_space<vmem>> -> memref<4x1024xf32, #tpu.memory_space<vmem>>
        tpu.wait_dma2 semaphore(%arg14 : memref<!tpu.dma_semaphore, #tpu.memory_space<semaphore_mem>>) src(%dma_wait3A_723 : memref<4x1024xf32, #tpu.memory_space<vmem>>) dst(%dma_wait3A_719 : memref<4x1024xf32, #tpu.memory_space<hbm>>)
      } else {
      }
      %parallel_loop3A_625 = arith.constant 0 : i32
      %parallel_loop3A_626 = arith.constant 1024 : i32
      %parallel_loop3A_627 = arith.constant 16 : i32
      scf.for %parallel_loop3A_703 = %parallel_loop3A_625 to %parallel_loop3A_626 step %parallel_loop3A_627  : i32 {
        %parallel_loop3A_704 = arith.constant 0 : i32
        %parallel_loop3A_705 = arith.constant 0 : i32
        %parallel_loop3A_706 = arith.index_cast %parallel_loop3A_704 : i32 to index
        %parallel_loop3A_707 = arith.index_cast %parallel_loop3A_705 : i32 to index
        %parallel_loop3A_708 = arith.index_cast %parallel_loop3A_703 : i32 to index
        %parallel_loop3A_709 = tpu.vector_load %arg9[%parallel_loop3A_706, %parallel_loop3A_707, %parallel_loop3A_708] {strides = array<i32>} : memref<2x4x1024xi32, #tpu.memory_space<vmem>>, vector<16xi32>,
        %parallel_loop3A_710 = tpu.vector_load_idx %arg8[%parallel_loop3A_709] : memref<100000xf32, #tpu.memory_space<vmem>>[vector<16xi32>], vector<16xf32>,
        %parallel_loop3A_711 = arith.constant 0 : i32
        %parallel_loop3A_712 = arith.constant 0 : i32
        %parallel_loop3A_713 = arith.index_cast %parallel_loop3A_711 : i32 to index
        %parallel_loop3A_714 = arith.index_cast %parallel_loop3A_712 : i32 to index
        %parallel_loop3A_715 = arith.index_cast %parallel_loop3A_703 : i32 to index
        %parallel_loop3A_716 = tpu.vector_load %arg10[%parallel_loop3A_713, %parallel_loop3A_714, %parallel_loop3A_715] {strides = array<i32>} : memref<2x4x1024xf32, #tpu.memory_space<vmem>>, vector<16xf32>,
        tpu.vector_store %arg10[%parallel_loop3A_713, %parallel_loop3A_714, %parallel_loop3A_715], %parallel_loop3A_710 {strides = array<i32>} : memref<2x4x1024xf32, #tpu.memory_space<vmem>>, vector<16xf32>,
        %parallel_loop3A_717 = arith.constant 0 : i32
        %parallel_loop3A_718 = arith.constant 1 : i32
        %parallel_loop3A_719 = arith.index_cast %parallel_loop3A_717 : i32 to index
        %parallel_loop3A_720 = arith.index_cast %parallel_loop3A_718 : i32 to index
        %parallel_loop3A_721 = arith.index_cast %parallel_loop3A_703 : i32 to index
        %parallel_loop3A_722 = tpu.vector_load %arg9[%parallel_loop3A_719, %parallel_loop3A_720, %parallel_loop3A_721] {strides = array<i32>} : memref<2x4x1024xi32, #tpu.memory_space<vmem>>, vector<16xi32>,
        %parallel_loop3A_723 = tpu.vector_load_idx %arg8[%parallel_loop3A_722] : memref<100000xf32, #tpu.memory_space<vmem>>[vector<16xi32>], vector<16xf32>,
        %parallel_loop3A_724 = arith.constant 0 : i32
        %parallel_loop3A_725 = arith.constant 1 : i32
        %parallel_loop3A_726 = arith.index_cast %parallel_loop3A_724 : i32 to index
        %parallel_loop3A_727 = arith.index_cast %parallel_loop3A_725 : i32 to index
        %parallel_loop3A_728 = arith.index_cast %parallel_loop3A_703 : i32 to index
        %parallel_loop3A_729 = tpu.vector_load %arg10[%parallel_loop3A_726, %parallel_loop3A_727, %parallel_loop3A_728] {strides = array<i32>} : memref<2x4x1024xf32, #tpu.memory_space<vmem>>, vector<16xf32>,
        tpu.vector_store %arg10[%parallel_loop3A_726, %parallel_loop3A_727, %parallel_loop3A_728], %parallel_loop3A_723 {strides = array<i32>} : memref<2x4x1024xf32, #tpu.memory_space<vmem>>, vector<16xf32>,
        %parallel_loop3A_730 = arith.constant 0 : i32
        %parallel_loop3A_731 = arith.constant 2 : i32
        %parallel_loop3A_732 = arith.index_cast %parallel_loop3A_730 : i32 to index
        %parallel_loop3A_733 = arith.index_cast %parallel_loop3A_731 : i32 to index
        %parallel_loop3A_734 = arith.index_cast %parallel_loop3A_703 : i32 to index
        %parallel_loop3A_735 = tpu.vector_load %arg9[%parallel_loop3A_732, %parallel_loop3A_733, %parallel_loop3A_734] {strides = array<i32>} : memref<2x4x1024xi32, #tpu.memory_space<vmem>>, vector<16xi32>,
        %parallel_loop3A_736 = tpu.vector_load_idx %arg8[%parallel_loop3A_735] : memref<100000xf32, #tpu.memory_space<vmem>>[vector<16xi32>], vector<16xf32>,
        %parallel_loop3A_737 = arith.constant 0 : i32
        %parallel_loop3A_738 = arith.constant 2 : i32
        %parallel_loop3A_739 = arith.index_cast %parallel_loop3A_737 : i32 to index
        %parallel_loop3A_740 = arith.index_cast %parallel_loop3A_738 : i32 to index
        %parallel_loop3A_741 = arith.index_cast %parallel_loop3A_703 : i32 to index
        %parallel_loop3A_742 = tpu.vector_load %arg10[%parallel_loop3A_739, %parallel_loop3A_740, %parallel_loop3A_741] {strides = array<i32>} : memref<2x4x1024xf32, #tpu.memory_space<vmem>>, vector<16xf32>,
        tpu.vector_store %arg10[%parallel_loop3A_739, %parallel_loop3A_740, %parallel_loop3A_741], %parallel_loop3A_736 {strides = array<i32>} : memref<2x4x1024xf32, #tpu.memory_space<vmem>>, vector<16xf32>,
        %parallel_loop3A_743 = arith.constant 0 : i32
        %parallel_loop3A_744 = arith.constant 3 : i32
        %parallel_loop3A_745 = arith.index_cast %parallel_loop3A_743 : i32 to index
        %parallel_loop3A_746 = arith.index_cast %parallel_loop3A_744 : i32 to index
        %parallel_loop3A_747 = arith.index_cast %parallel_loop3A_703 : i32 to index
        %parallel_loop3A_748 = tpu.vector_load %arg9[%parallel_loop3A_745, %parallel_loop3A_746, %parallel_loop3A_747] {strides = array<i32>} : memref<2x4x1024xi32, #tpu.memory_space<vmem>>, vector<16xi32>,
        %parallel_loop3A_749 = tpu.vector_load_idx %arg8[%parallel_loop3A_748] : memref<100000xf32, #tpu.memory_space<vmem>>[vector<16xi32>], vector<16xf32>,
        %parallel_loop3A_750 = arith.constant 0 : i32
        %parallel_loop3A_751 = arith.constant 3 : i32
        %parallel_loop3A_752 = arith.index_cast %parallel_loop3A_750 : i32 to index
        %parallel_loop3A_753 = arith.index_cast %parallel_loop3A_751 : i32 to index
        %parallel_loop3A_754 = arith.index_cast %parallel_loop3A_703 : i32 to index
        %parallel_loop3A_755 = tpu.vector_load %arg10[%parallel_loop3A_752, %parallel_loop3A_753, %parallel_loop3A_754] {strides = array<i32>} : memref<2x4x1024xf32, #tpu.memory_space<vmem>>, vector<16xf32>,
        tpu.vector_store %arg10[%parallel_loop3A_752, %parallel_loop3A_753, %parallel_loop3A_754], %parallel_loop3A_749 {strides = array<i32>} : memref<2x4x1024xf32, #tpu.memory_space<vmem>>, vector<16xf32>,
      } {sc.loop_unroll_factor = 8 : i64, sc.parallel_access}
      %mul3A_628 = arith.constant 4 : i32
      %mul3A_629 = arith.muli %mul3A_603, %mul3A_628 : i32
      %add3A_630 = arith.constant 4 : i32
      %add3A_631 = arith.addi %add3A_630, %arg0 : i32
      %dma_start3A_632 = arith.constant 0 : i32
      %dma_start3A_633 = arith.constant 0 : i32
      %dma_start3A_634 = arith.constant 0 : i32
      %dma_start3A_635 = tpu.memref_slice %arg10[%dma_start3A_632, %dma_start3A_633, %dma_start3A_634] : memref<2x4x1024xf32, #tpu.memory_space<vmem>> -> memref<1x4x1024xf32, #tpu.memory_space<vmem>>
      %dma_start3A_636 = tpu.memref_squeeze %dma_start3A_635 : memref<1x4x1024xf32, #tpu.memory_space<vmem>> -> memref<4x1024xf32, #tpu.memory_space<vmem>>
      %dma_start3A_637 = arith.constant 0 : i32
      %dma_start3A_638 = tpu.memref_slice %arg6[%mul3A_629, %add3A_631, %add3A_6, %dma_start3A_637] : memref<200x6x64x1024xf32, #tpu.memory_space<hbm>> -> memref<4x1x1x1024xf32, #tpu.memory_space<hbm>>
      %dma_start3A_639 = tpu.memref_squeeze %dma_start3A_638 : memref<4x1x1x1024xf32, #tpu.memory_space<hbm>> -> memref<4x1024xf32, #tpu.memory_space<hbm>>
      %dma_start3A_640 = arith.constant 0 : i32
      %dma_start3A_641 = tpu.memref_slice %arg6[%mul3A_629, %add3A_631, %add3A_6, %dma_start3A_640] : memref<200x6x64x1024xf32, #tpu.memory_space<hbm>> -> memref<4x1x1x1024xf32, #tpu.memory_space<hbm>>
      %dma_start3A_642 = tpu.memref_squeeze %dma_start3A_641 : memref<4x1x1x1024xf32, #tpu.memory_space<hbm>> -> memref<4x1024xf32, #tpu.memory_space<hbm>>
      %dma_start3A_643 = arith.constant 0 : i32
      %dma_start3A_644 = arith.constant 0 : i32
      %dma_start3A_645 = tpu.memref_slice %arg10[%dma_start3A_632, %dma_start3A_643, %dma_start3A_644] : memref<2x4x1024xf32, #tpu.memory_space<vmem>> -> memref<1x4x1024xf32, #tpu.memory_space<vmem>>
      %dma_start3A_646 = tpu.memref_squeeze %dma_start3A_645 : memref<1x4x1024xf32, #tpu.memory_space<vmem>> -> memref<4x1024xf32, #tpu.memory_space<vmem>>
      tpu.enqueue_dma source(%dma_start3A_646 : memref<4x1024xf32, #tpu.memory_space<vmem>>) target(%dma_start3A_642 : memref<4x1024xf32, #tpu.memory_space<hbm>>) target_semaphore(%arg14 : memref<!tpu.dma_semaphore, #tpu.memory_space<semaphore_mem>>)
      %add3A_647 = arith.constant 2 : i32
      %add3A_648 = arith.addi %mul3A_603, %add3A_647 : i32
      %lt3A_649 = arith.constant 50 : i32
      %lt3A_650 = arith.cmpi slt, %add3A_648, %lt3A_649 : i32
      %convert_element_type3A_651 = arith.extui %lt3A_650 : i1 to i32
      %cond3A_652 = arith.constant 0 : i32
      %cond3A_653 = arith.cmpi ne, %convert_element_type3A_651, %cond3A_652 : i32
      scf.if %cond3A_653 {
        %add3A_703 = arith.constant 2 : i32
        %add3A_704 = arith.addi %mul3A_603, %add3A_703 : i32
        %mul3A_705 = arith.constant 4 : i32
        %mul3A_706 = arith.muli %add3A_704, %mul3A_705 : i32
        %dma_start3A_707 = arith.constant 0 : i32
        %dma_start3A_708 = arith.constant 0 : i32
        %dma_start3A_709 = arith.constant 0 : i32
        %dma_start3A_710 = tpu.memref_slice %arg9[%dma_start3A_707, %dma_start3A_708, %dma_start3A_709] : memref<2x4x1024xi32, #tpu.memory_space<vmem>> -> memref<1x4x1024xi32, #tpu.memory_space<vmem>>
        %dma_start3A_711 = tpu.memref_squeeze %dma_start3A_710 : memref<1x4x1024xi32, #tpu.memory_space<vmem>> -> memref<4x1024xi32, #tpu.memory_space<vmem>>
        %dma_start3A_712 = arith.constant 0 : i32
        %dma_start3A_713 = tpu.memref_slice %arg11[%mul3A_706, %dma_start3A_712] : memref<200x1024xi32, #tpu.memory_space<vmem_shared>> -> memref<4x1024xi32, #tpu.memory_space<vmem_shared>>
        %dma_start3A_714 = arith.constant 0 : i32
        %dma_start3A_715 = arith.constant 0 : i32
        %dma_start3A_716 = tpu.memref_slice %arg9[%dma_start3A_707, %dma_start3A_714, %dma_start3A_715] : memref<2x4x1024xi32, #tpu.memory_space<vmem>> -> memref<1x4x1024xi32, #tpu.memory_space<vmem>>
        %dma_start3A_717 = tpu.memref_squeeze %dma_start3A_716 : memref<1x4x1024xi32, #tpu.memory_space<vmem>> -> memref<4x1024xi32, #tpu.memory_space<vmem>>
        %dma_start3A_718 = arith.constant 0 : i32
        %dma_start3A_719 = tpu.memref_slice %arg11[%mul3A_706, %dma_start3A_718] : memref<200x1024xi32, #tpu.memory_space<vmem_shared>> -> memref<4x1024xi32, #tpu.memory_space<vmem_shared>>
        tpu.enqueue_dma source(%dma_start3A_719 : memref<4x1024xi32, #tpu.memory_space<vmem_shared>>) target(%dma_start3A_717 : memref<4x1024xi32, #tpu.memory_space<vmem>>) target_semaphore(%arg12 : memref<!tpu.dma_semaphore, #tpu.memory_space<semaphore_mem>>)
      } else {
      }
      %mul3A_654 = arith.constant 4 : i32
      %mul3A_655 = arith.muli %add3A_605, %mul3A_654 : i32
      %dma_wait3A_656 = arith.constant 1 : i32
      %dma_wait3A_657 = arith.constant 0 : i32
      %dma_wait3A_658 = arith.constant 0 : i32
      %dma_wait3A_659 = tpu.memref_slice %arg9[%dma_wait3A_656, %dma_wait3A_657, %dma_wait3A_658] : memref<2x4x1024xi32, #tpu.memory_space<vmem>> -> memref<1x4x1024xi32, #tpu.memory_space<vmem>>
      %dma_wait3A_660 = tpu.memref_squeeze %dma_wait3A_659 : memref<1x4x1024xi32, #tpu.memory_space<vmem>> -> memref<4x1024xi32, #tpu.memory_space<vmem>>
      %dma_wait3A_661 = arith.constant 0 : i32
      %dma_wait3A_662 = tpu.memref_slice %arg11[%mul3A_655, %dma_wait3A_661] : memref<200x1024xi32, #tpu.memory_space<vmem_shared>> -> memref<4x1024xi32, #tpu.memory_space<vmem_shared>>
      %dma_wait3A_663 = arith.constant 0 : i32
      %dma_wait3A_664 = arith.constant 0 : i32
      %dma_wait3A_665 = tpu.memref_slice %arg9[%dma_wait3A_656, %dma_wait3A_663, %dma_wait3A_664] : memref<2x4x1024xi32, #tpu.memory_space<vmem>> -> memref<1x4x1024xi32, #tpu.memory_space<vmem>>
      %dma_wait3A_666 = tpu.memref_squeeze %dma_wait3A_665 : memref<1x4x1024xi32, #tpu.memory_space<vmem>> -> memref<4x1024xi32, #tpu.memory_space<vmem>>
      %dma_wait3A_667 = arith.constant 0 : i32
      %dma_wait3A_668 = tpu.memref_slice %arg11[%mul3A_655, %dma_wait3A_667] : memref<200x1024xi32, #tpu.memory_space<vmem_shared>> -> memref<4x1024xi32, #tpu.memory_space<vmem_shared>>
      tpu.wait_dma2 semaphore(%arg13 : memref<!tpu.dma_semaphore, #tpu.memory_space<semaphore_mem>>) src(%dma_wait3A_668 : memref<4x1024xi32, #tpu.memory_space<vmem_shared>>) dst(%dma_wait3A_666 : memref<4x1024xi32, #tpu.memory_space<vmem>>)
      %gt3A_669 = arith.constant 0 : i32
      %gt3A_670 = arith.cmpi sgt, %scan3A_601, %gt3A_669 : i32
      %convert_element_type3A_671 = arith.extui %gt3A_670 : i1 to i32
      %cond3A_672 = arith.constant 0 : i32
      %cond3A_673 = arith.cmpi ne, %convert_element_type3A_671, %cond3A_672 : i32
      scf.if %cond3A_673 {
        %sub3A_703 = arith.constant 2 : i32
        %sub3A_704 = arith.subi %add3A_605, %sub3A_703 : i32
        %mul3A_705 = arith.constant 4 : i32
        %mul3A_706 = arith.muli %sub3A_704, %mul3A_705 : i32
        %add3A_707 = arith.constant 4 : i32
        %add3A_708 = arith.addi %add3A_707, %arg0 : i32
        %dma_wait3A_709 = arith.constant 1 : i32
        %dma_wait3A_710 = arith.constant 0 : i32
        %dma_wait3A_711 = arith.constant 0 : i32
        %dma_wait3A_712 = tpu.memref_slice %arg10[%dma_wait3A_709, %dma_wait3A_710, %dma_wait3A_711] : memref<2x4x1024xf32, #tpu.memory_space<vmem>> -> memref<1x4x1024xf32, #tpu.memory_space<vmem>>
        %dma_wait3A_713 = tpu.memref_squeeze %dma_wait3A_712 : memref<1x4x1024xf32, #tpu.memory_space<vmem>> -> memref<4x1024xf32, #tpu.memory_space<vmem>>
        %dma_wait3A_714 = arith.constant 0 : i32
        %dma_wait3A_715 = tpu.memref_slice %arg6[%mul3A_706, %add3A_708, %add3A_6, %dma_wait3A_714] : memref<200x6x64x1024xf32, #tpu.memory_space<hbm>> -> memref<4x1x1x1024xf32, #tpu.memory_space<hbm>>
        %dma_wait3A_716 = tpu.memref_squeeze %dma_wait3A_715 : memref<4x1x1x1024xf32, #tpu.memory_space<hbm>> -> memref<4x1024xf32, #tpu.memory_space<hbm>>
        %dma_wait3A_717 = arith.constant 0 : i32
        %dma_wait3A_718 = tpu.memref_slice %arg6[%mul3A_706, %add3A_708, %add3A_6, %dma_wait3A_717] : memref<200x6x64x1024xf32, #tpu.memory_space<hbm>> -> memref<4x1x1x1024xf32, #tpu.memory_space<hbm>>
        %dma_wait3A_719 = tpu.memref_squeeze %dma_wait3A_718 : memref<4x1x1x1024xf32, #tpu.memory_space<hbm>> -> memref<4x1024xf32, #tpu.memory_space<hbm>>
        %dma_wait3A_720 = arith.constant 0 : i32
        %dma_wait3A_721 = arith.constant 0 : i32
        %dma_wait3A_722 = tpu.memref_slice %arg10[%dma_wait3A_709, %dma_wait3A_720, %dma_wait3A_721] : memref<2x4x1024xf32, #tpu.memory_space<vmem>> -> memref<1x4x1024xf32, #tpu.memory_space<vmem>>
        %dma_wait3A_723 = tpu.memref_squeeze %dma_wait3A_722 : memref<1x4x1024xf32, #tpu.memory_space<vmem>> -> memref<4x1024xf32, #tpu.memory_space<vmem>>
        tpu.wait_dma2 semaphore(%arg15 : memref<!tpu.dma_semaphore, #tpu.memory_space<semaphore_mem>>) src(%dma_wait3A_723 : memref<4x1024xf32, #tpu.memory_space<vmem>>) dst(%dma_wait3A_719 : memref<4x1024xf32, #tpu.memory_space<hbm>>)
      } else {
      }
      %parallel_loop3A_674 = arith.constant 0 : i32
      %parallel_loop3A_675 = arith.constant 1024 : i32
      %parallel_loop3A_676 = arith.constant 16 : i32
      scf.for %parallel_loop3A_703 = %parallel_loop3A_674 to %parallel_loop3A_675 step %parallel_loop3A_676  : i32 {
        %parallel_loop3A_704 = arith.constant 1 : i32
        %parallel_loop3A_705 = arith.constant 0 : i32
        %parallel_loop3A_706 = arith.index_cast %parallel_loop3A_704 : i32 to index
        %parallel_loop3A_707 = arith.index_cast %parallel_loop3A_705 : i32 to index
        %parallel_loop3A_708 = arith.index_cast %parallel_loop3A_703 : i32 to index
        %parallel_loop3A_709 = tpu.vector_load %arg9[%parallel_loop3A_706, %parallel_loop3A_707, %parallel_loop3A_708] {strides = array<i32>} : memref<2x4x1024xi32, #tpu.memory_space<vmem>>, vector<16xi32>,
        %parallel_loop3A_710 = tpu.vector_load_idx %arg8[%parallel_loop3A_709] : memref<100000xf32, #tpu.memory_space<vmem>>[vector<16xi32>], vector<16xf32>,
        %parallel_loop3A_711 = arith.constant 1 : i32
        %parallel_loop3A_712 = arith.constant 0 : i32
        %parallel_loop3A_713 = arith.index_cast %parallel_loop3A_711 : i32 to index
        %parallel_loop3A_714 = arith.index_cast %parallel_loop3A_712 : i32 to index
        %parallel_loop3A_715 = arith.index_cast %parallel_loop3A_703 : i32 to index
        %parallel_loop3A_716 = tpu.vector_load %arg10[%parallel_loop3A_713, %parallel_loop3A_714, %parallel_loop3A_715] {strides = array<i32>} : memref<2x4x1024xf32, #tpu.memory_space<vmem>>, vector<16xf32>,
        tpu.vector_store %arg10[%parallel_loop3A_713, %parallel_loop3A_714, %parallel_loop3A_715], %parallel_loop3A_710 {strides = array<i32>} : memref<2x4x1024xf32, #tpu.memory_space<vmem>>, vector<16xf32>,
        %parallel_loop3A_717 = arith.constant 1 : i32
        %parallel_loop3A_718 = arith.constant 1 : i32
        %parallel_loop3A_719 = arith.index_cast %parallel_loop3A_717 : i32 to index
        %parallel_loop3A_720 = arith.index_cast %parallel_loop3A_718 : i32 to index
        %parallel_loop3A_721 = arith.index_cast %parallel_loop3A_703 : i32 to index
        %parallel_loop3A_722 = tpu.vector_load %arg9[%parallel_loop3A_719, %parallel_loop3A_720, %parallel_loop3A_721] {strides = array<i32>} : memref<2x4x1024xi32, #tpu.memory_space<vmem>>, vector<16xi32>,
        %parallel_loop3A_723 = tpu.vector_load_idx %arg8[%parallel_loop3A_722] : memref<100000xf32, #tpu.memory_space<vmem>>[vector<16xi32>], vector<16xf32>,
        %parallel_loop3A_724 = arith.constant 1 : i32
        %parallel_loop3A_725 = arith.constant 1 : i32
        %parallel_loop3A_726 = arith.index_cast %parallel_loop3A_724 : i32 to index
        %parallel_loop3A_727 = arith.index_cast %parallel_loop3A_725 : i32 to index
        %parallel_loop3A_728 = arith.index_cast %parallel_loop3A_703 : i32 to index
        %parallel_loop3A_729 = tpu.vector_load %arg10[%parallel_loop3A_726, %parallel_loop3A_727, %parallel_loop3A_728] {strides = array<i32>} : memref<2x4x1024xf32, #tpu.memory_space<vmem>>, vector<16xf32>,
        tpu.vector_store %arg10[%parallel_loop3A_726, %parallel_loop3A_727, %parallel_loop3A_728], %parallel_loop3A_723 {strides = array<i32>} : memref<2x4x1024xf32, #tpu.memory_space<vmem>>, vector<16xf32>,
        %parallel_loop3A_730 = arith.constant 1 : i32
        %parallel_loop3A_731 = arith.constant 2 : i32
        %parallel_loop3A_732 = arith.index_cast %parallel_loop3A_730 : i32 to index
        %parallel_loop3A_733 = arith.index_cast %parallel_loop3A_731 : i32 to index
        %parallel_loop3A_734 = arith.index_cast %parallel_loop3A_703 : i32 to index
        %parallel_loop3A_735 = tpu.vector_load %arg9[%parallel_loop3A_732, %parallel_loop3A_733, %parallel_loop3A_734] {strides = array<i32>} : memref<2x4x1024xi32, #tpu.memory_space<vmem>>, vector<16xi32>,
        %parallel_loop3A_736 = tpu.vector_load_idx %arg8[%parallel_loop3A_735] : memref<100000xf32, #tpu.memory_space<vmem>>[vector<16xi32>], vector<16xf32>,
        %parallel_loop3A_737 = arith.constant 1 : i32
        %parallel_loop3A_738 = arith.constant 2 : i32
        %parallel_loop3A_739 = arith.index_cast %parallel_loop3A_737 : i32 to index
        %parallel_loop3A_740 = arith.index_cast %parallel_loop3A_738 : i32 to index
        %parallel_loop3A_741 = arith.index_cast %parallel_loop3A_703 : i32 to index
        %parallel_loop3A_742 = tpu.vector_load %arg10[%parallel_loop3A_739, %parallel_loop3A_740, %parallel_loop3A_741] {strides = array<i32>} : memref<2x4x1024xf32, #tpu.memory_space<vmem>>, vector<16xf32>,
        tpu.vector_store %arg10[%parallel_loop3A_739, %parallel_loop3A_740, %parallel_loop3A_741], %parallel_loop3A_736 {strides = array<i32>} : memref<2x4x1024xf32, #tpu.memory_space<vmem>>, vector<16xf32>,
        %parallel_loop3A_743 = arith.constant 1 : i32
        %parallel_loop3A_744 = arith.constant 3 : i32
        %parallel_loop3A_745 = arith.index_cast %parallel_loop3A_743 : i32 to index
        %parallel_loop3A_746 = arith.index_cast %parallel_loop3A_744 : i32 to index
        %parallel_loop3A_747 = arith.index_cast %parallel_loop3A_703 : i32 to index
        %parallel_loop3A_748 = tpu.vector_load %arg9[%parallel_loop3A_745, %parallel_loop3A_746, %parallel_loop3A_747] {strides = array<i32>} : memref<2x4x1024xi32, #tpu.memory_space<vmem>>, vector<16xi32>,
        %parallel_loop3A_749 = tpu.vector_load_idx %arg8[%parallel_loop3A_748] : memref<100000xf32, #tpu.memory_space<vmem>>[vector<16xi32>], vector<16xf32>,
        %parallel_loop3A_750 = arith.constant 1 : i32
        %parallel_loop3A_751 = arith.constant 3 : i32
        %parallel_loop3A_752 = arith.index_cast %parallel_loop3A_750 : i32 to index
        %parallel_loop3A_753 = arith.index_cast %parallel_loop3A_751 : i32 to index
        %parallel_loop3A_754 = arith.index_cast %parallel_loop3A_703 : i32 to index
        %parallel_loop3A_755 = tpu.vector_load %arg10[%parallel_loop3A_752, %parallel_loop3A_753, %parallel_loop3A_754] {strides = array<i32>} : memref<2x4x1024xf32, #tpu.memory_space<vmem>>, vector<16xf32>,
        tpu.vector_store %arg10[%parallel_loop3A_752, %parallel_loop3A_753, %parallel_loop3A_754], %parallel_loop3A_749 {strides = array<i32>} : memref<2x4x1024xf32, #tpu.memory_space<vmem>>, vector<16xf32>,
      } {sc.loop_unroll_factor = 8 : i64, sc.parallel_access}
      %mul3A_677 = arith.constant 4 : i32
      %mul3A_678 = arith.muli %add3A_605, %mul3A_677 : i32
      %add3A_679 = arith.constant 4 : i32
      %add3A_680 = arith.addi %add3A_679, %arg0 : i32
      %dma_start3A_681 = arith.constant 1 : i32
      %dma_start3A_682 = arith.constant 0 : i32
      %dma_start3A_683 = arith.constant 0 : i32
      %dma_start3A_684 = tpu.memref_slice %arg10[%dma_start3A_681, %dma_start3A_682, %dma_start3A_683] : memref<2x4x1024xf32, #tpu.memory_space<vmem>> -> memref<1x4x1024xf32, #tpu.memory_space<vmem>>
      %dma_start3A_685 = tpu.memref_squeeze %dma_start3A_684 : memref<1x4x1024xf32, #tpu.memory_space<vmem>> -> memref<4x1024xf32, #tpu.memory_space<vmem>>
      %dma_start3A_686 = arith.constant 0 : i32
      %dma_start3A_687 = tpu.memref_slice %arg6[%mul3A_678, %add3A_680, %add3A_6, %dma_start3A_686] : memref<200x6x64x1024xf32, #tpu.memory_space<hbm>> -> memref<4x1x1x1024xf32, #tpu.memory_space<hbm>>
      %dma_start3A_688 = tpu.memref_squeeze %dma_start3A_687 : memref<4x1x1x1024xf32, #tpu.memory_space<hbm>> -> memref<4x1024xf32, #tpu.memory_space<hbm>>
      %dma_start3A_689 = arith.constant 0 : i32
      %dma_start3A_690 = tpu.memref_slice %arg6[%mul3A_678, %add3A_680, %add3A_6, %dma_start3A_689] : memref<200x6x64x1024xf32, #tpu.memory_space<hbm>> -> memref<4x1x1x1024xf32, #tpu.memory_space<hbm>>
      %dma_start3A_691 = tpu.memref_squeeze %dma_start3A_690 : memref<4x1x1x1024xf32, #tpu.memory_space<hbm>> -> memref<4x1024xf32, #tpu.memory_space<hbm>>
      %dma_start3A_692 = arith.constant 0 : i32
      %dma_start3A_693 = arith.constant 0 : i32
      %dma_start3A_694 = tpu.memref_slice %arg10[%dma_start3A_681, %dma_start3A_692, %dma_start3A_693] : memref<2x4x1024xf32, #tpu.memory_space<vmem>> -> memref<1x4x1024xf32, #tpu.memory_space<vmem>>
      %dma_start3A_695 = tpu.memref_squeeze %dma_start3A_694 : memref<1x4x1024xf32, #tpu.memory_space<vmem>> -> memref<4x1024xf32, #tpu.memory_space<vmem>>
      tpu.enqueue_dma source(%dma_start3A_695 : memref<4x1024xf32, #tpu.memory_space<vmem>>) target(%dma_start3A_691 : memref<4x1024xf32, #tpu.memory_space<hbm>>) target_semaphore(%arg15 : memref<!tpu.dma_semaphore, #tpu.memory_space<semaphore_mem>>)
      %add3A_696 = arith.constant 2 : i32
      %add3A_697 = arith.addi %add3A_605, %add3A_696 : i32
      %lt3A_698 = arith.constant 50 : i32
      %lt3A_699 = arith.cmpi slt, %add3A_697, %lt3A_698 : i32
      %convert_element_type3A_700 = arith.extui %lt3A_699 : i1 to i32
      %cond3A_701 = arith.constant 0 : i32
      %cond3A_702 = arith.cmpi ne, %convert_element_type3A_700, %cond3A_701 : i32
      scf.if %cond3A_702 {
        %add3A_703 = arith.constant 2 : i32
        %add3A_704 = arith.addi %add3A_605, %add3A_703 : i32
        %mul3A_705 = arith.constant 4 : i32
        %mul3A_706 = arith.muli %add3A_704, %mul3A_705 : i32
        %dma_start3A_707 = arith.constant 1 : i32
        %dma_start3A_708 = arith.constant 0 : i32
        %dma_start3A_709 = arith.constant 0 : i32
        %dma_start3A_710 = tpu.memref_slice %arg9[%dma_start3A_707, %dma_start3A_708, %dma_start3A_709] : memref<2x4x1024xi32, #tpu.memory_space<vmem>> -> memref<1x4x1024xi32, #tpu.memory_space<vmem>>
        %dma_start3A_711 = tpu.memref_squeeze %dma_start3A_710 : memref<1x4x1024xi32, #tpu.memory_space<vmem>> -> memref<4x1024xi32, #tpu.memory_space<vmem>>
        %dma_start3A_712 = arith.constant 0 : i32
        %dma_start3A_713 = tpu.memref_slice %arg11[%mul3A_706, %dma_start3A_712] : memref<200x1024xi32, #tpu.memory_space<vmem_shared>> -> memref<4x1024xi32, #tpu.memory_space<vmem_shared>>
        %dma_start3A_714 = arith.constant 0 : i32
        %dma_start3A_715 = arith.constant 0 : i32
        %dma_start3A_716 = tpu.memref_slice %arg9[%dma_start3A_707, %dma_start3A_714, %dma_start3A_715] : memref<2x4x1024xi32, #tpu.memory_space<vmem>> -> memref<1x4x1024xi32, #tpu.memory_space<vmem>>
        %dma_start3A_717 = tpu.memref_squeeze %dma_start3A_716 : memref<1x4x1024xi32, #tpu.memory_space<vmem>> -> memref<4x1024xi32, #tpu.memory_space<vmem>>
        %dma_start3A_718 = arith.constant 0 : i32
        %dma_start3A_719 = tpu.memref_slice %arg11[%mul3A_706, %dma_start3A_718] : memref<200x1024xi32, #tpu.memory_space<vmem_shared>> -> memref<4x1024xi32, #tpu.memory_space<vmem_shared>>
        tpu.enqueue_dma source(%dma_start3A_719 : memref<4x1024xi32, #tpu.memory_space<vmem_shared>>) target(%dma_start3A_717 : memref<4x1024xi32, #tpu.memory_space<vmem>>) target_semaphore(%arg13 : memref<!tpu.dma_semaphore, #tpu.memory_space<semaphore_mem>>)
      } else {
      }
    }
    %scan3A_40 = arith.constant 25 : i32
    %add3A_41 = arith.constant 4 : i32
    %add3A_42 = arith.addi %add3A_41, %arg0 : i32
    %dma_wait3A = arith.constant 0 : i32
    %dma_wait3A_43 = arith.constant 0 : i32
    %dma_wait3A_44 = arith.constant 0 : i32
    %dma_wait3A_45 = tpu.memref_slice %arg10[%dma_wait3A, %dma_wait3A_43, %dma_wait3A_44] : memref<2x4x1024xf32, #tpu.memory_space<vmem>> -> memref<1x4x1024xf32, #tpu.memory_space<vmem>>
    %dma_wait3A_46 = tpu.memref_squeeze %dma_wait3A_45 : memref<1x4x1024xf32, #tpu.memory_space<vmem>> -> memref<4x1024xf32, #tpu.memory_space<vmem>>
    %dma_wait3A_47 = arith.constant 192 : i32
    %dma_wait3A_48 = arith.constant 0 : i32
    %dma_wait3A_49 = tpu.memref_slice %arg6[%dma_wait3A_47, %add3A_42, %add3A_6, %dma_wait3A_48] : memref<200x6x64x1024xf32, #tpu.memory_space<hbm>> -> memref<4x1x1x1024xf32, #tpu.memory_space<hbm>>
    %dma_wait3A_50 = tpu.memref_squeeze %dma_wait3A_49 : memref<4x1x1x1024xf32, #tpu.memory_space<hbm>> -> memref<4x1024xf32, #tpu.memory_space<hbm>>
    %dma_wait3A_51 = arith.constant 192 : i32
    %dma_wait3A_52 = arith.constant 0 : i32
    %dma_wait3A_53 = tpu.memref_slice %arg6[%dma_wait3A_51, %add3A_42, %add3A_6, %dma_wait3A_52] : memref<200x6x64x1024xf32, #tpu.memory_space<hbm>> -> memref<4x1x1x1024xf32, #tpu.memory_space<hbm>>
    %dma_wait3A_54 = tpu.memref_squeeze %dma_wait3A_53 : memref<4x1x1x1024xf32, #tpu.memory_space<hbm>> -> memref<4x1024xf32, #tpu.memory_space<hbm>>
    %dma_wait3A_55 = arith.constant 0 : i32
    %dma_wait3A_56 = arith.constant 0 : i32
    %dma_wait3A_57 = tpu.memref_slice %arg10[%dma_wait3A, %dma_wait3A_55, %dma_wait3A_56] : memref<2x4x1024xf32, #tpu.memory_space<vmem>> -> memref<1x4x1024xf32, #tpu.memory_space<vmem>>
    %dma_wait3A_58 = tpu.memref_squeeze %dma_wait3A_57 : memref<1x4x1024xf32, #tpu.memory_space<vmem>> -> memref<4x1024xf32, #tpu.memory_space<vmem>>
    tpu.wait_dma2 semaphore(%arg14 : memref<!tpu.dma_semaphore, #tpu.memory_space<semaphore_mem>>) src(%dma_wait3A_58 : memref<4x1024xf32, #tpu.memory_space<vmem>>) dst(%dma_wait3A_54 : memref<4x1024xf32, #tpu.memory_space<hbm>>)
    %add3A_59 = arith.constant 4 : i32
    %add3A_60 = arith.addi %add3A_59, %arg0 : i32
    %dma_wait3A_61 = arith.constant 1 : i32
    %dma_wait3A_62 = arith.constant 0 : i32
    %dma_wait3A_63 = arith.constant 0 : i32
    %dma_wait3A_64 = tpu.memref_slice %arg10[%dma_wait3A_61, %dma_wait3A_62, %dma_wait3A_63] : memref<2x4x1024xf32, #tpu.memory_space<vmem>> -> memref<1x4x1024xf32, #tpu.memory_space<vmem>>
    %dma_wait3A_65 = tpu.memref_squeeze %dma_wait3A_64 : memref<1x4x1024xf32, #tpu.memory_space<vmem>> -> memref<4x1024xf32, #tpu.memory_space<vmem>>
    %dma_wait3A_66 = arith.constant 196 : i32
    %dma_wait3A_67 = arith.constant 0 : i32
    %dma_wait3A_68 = tpu.memref_slice %arg6[%dma_wait3A_66, %add3A_60, %add3A_6, %dma_wait3A_67] : memref<200x6x64x1024xf32, #tpu.memory_space<hbm>> -> memref<4x1x1x1024xf32, #tpu.memory_space<hbm>>
    %dma_wait3A_69 = tpu.memref_squeeze %dma_wait3A_68 : memref<4x1x1x1024xf32, #tpu.memory_space<hbm>> -> memref<4x1024xf32, #tpu.memory_space<hbm>>
    %dma_wait3A_70 = arith.constant 196 : i32
    %dma_wait3A_71 = arith.constant 0 : i32
    %dma_wait3A_72 = tpu.memref_slice %arg6[%dma_wait3A_70, %add3A_60, %add3A_6, %dma_wait3A_71] : memref<200x6x64x1024xf32, #tpu.memory_space<hbm>> -> memref<4x1x1x1024xf32, #tpu.memory_space<hbm>>
    %dma_wait3A_73 = tpu.memref_squeeze %dma_wait3A_72 : memref<4x1x1x1024xf32, #tpu.memory_space<hbm>> -> memref<4x1024xf32, #tpu.memory_space<hbm>>
    %dma_wait3A_74 = arith.constant 0 : i32
    %dma_wait3A_75 = arith.constant 0 : i32
    %dma_wait3A_76 = tpu.memref_slice %arg10[%dma_wait3A_61, %dma_wait3A_74, %dma_wait3A_75] : memref<2x4x1024xf32, #tpu.memory_space<vmem>> -> memref<1x4x1024xf32, #tpu.memory_space<vmem>>
    %dma_wait3A_77 = tpu.memref_squeeze %dma_wait3A_76 : memref<1x4x1024xf32, #tpu.memory_space<vmem>> -> memref<4x1024xf32, #tpu.memory_space<vmem>>
    tpu.wait_dma2 semaphore(%arg15 : memref<!tpu.dma_semaphore, #tpu.memory_space<semaphore_mem>>) src(%dma_wait3A_77 : memref<4x1024xf32, #tpu.memory_space<vmem>>) dst(%dma_wait3A_73 : memref<4x1024xf32, #tpu.memory_space<hbm>>)
    %add3A_78 = arith.constant 1 : i32
    %add3A_79 = arith.addi %mul3A_2, %add3A_78 : i32
    "tpu.region"() ({
      %run_scoped3A_601 = tpu.sem_alloc : memref<!tpu.dma_semaphore, #tpu.memory_space<semaphore_mem>>
      %dma_start3A_602 = arith.constant 0 : i32
      %dma_start3A_603 = tpu.memref_slice %arg2[%arg0, %add3A_79, %dma_start3A_602] : memref<2x64x100000xf32, #tpu.memory_space<hbm>> -> memref<1x1x100000xf32, #tpu.memory_space<hbm>>
      %dma_start3A_604 = tpu.memref_squeeze %dma_start3A_603 : memref<1x1x100000xf32, #tpu.memory_space<hbm>> -> memref<100000xf32, #tpu.memory_space<hbm>>
      %dma_start3A_605 = arith.constant 0 : i32
      %dma_start3A_606 = tpu.memref_slice %arg2[%arg0, %add3A_79, %dma_start3A_605] : memref<2x64x100000xf32, #tpu.memory_space<hbm>> -> memref<1x1x100000xf32, #tpu.memory_space<hbm>>
      %dma_start3A_607 = tpu.memref_squeeze %dma_start3A_606 : memref<1x1x100000xf32, #tpu.memory_space<hbm>> -> memref<100000xf32, #tpu.memory_space<hbm>>
      tpu.enqueue_dma source(%dma_start3A_607 : memref<100000xf32, #tpu.memory_space<hbm>>) target(%arg8 : memref<100000xf32, #tpu.memory_space<vmem>>) target_semaphore(%run_scoped3A_601 : memref<!tpu.dma_semaphore, #tpu.memory_space<semaphore_mem>>)
      %dma_wait3A_608 = arith.constant 0 : i32
      %dma_wait3A_609 = tpu.memref_slice %arg2[%arg0, %add3A_79, %dma_wait3A_608] : memref<2x64x100000xf32, #tpu.memory_space<hbm>> -> memref<1x1x100000xf32, #tpu.memory_space<hbm>>
      %dma_wait3A_610 = tpu.memref_squeeze %dma_wait3A_609 : memref<1x1x100000xf32, #tpu.memory_space<hbm>> -> memref<100000xf32, #tpu.memory_space<hbm>>
      %dma_wait3A_611 = arith.constant 0 : i32
      %dma_wait3A_612 = tpu.memref_slice %arg2[%arg0, %add3A_79, %dma_wait3A_611] : memref<2x64x100000xf32, #tpu.memory_space<hbm>> -> memref<1x1x100000xf32, #tpu.memory_space<hbm>>
      %dma_wait3A_613 = tpu.memref_squeeze %dma_wait3A_612 : memref<1x1x100000xf32, #tpu.memory_space<hbm>> -> memref<100000xf32, #tpu.memory_space<hbm>>
      tpu.wait_dma2 semaphore(%run_scoped3A_601 : memref<!tpu.dma_semaphore, #tpu.memory_space<semaphore_mem>>) src(%dma_wait3A_613 : memref<100000xf32, #tpu.memory_space<hbm>>) dst(%arg8 : memref<100000xf32, #tpu.memory_space<vmem>>)
      tpu.yield
    }) : () -> ()
    %dma_start3A_80 = arith.constant 0 : i32
    %dma_start3A_81 = arith.constant 0 : i32
    %dma_start3A_82 = arith.constant 0 : i32
    %dma_start3A_83 = tpu.memref_slice %arg9[%dma_start3A_80, %dma_start3A_81, %dma_start3A_82] : memref<2x4x1024xi32, #tpu.memory_space<vmem>> -> memref<1x4x1024xi32, #tpu.memory_space<vmem>>
    %dma_start3A_84 = tpu.memref_squeeze %dma_start3A_83 : memref<1x4x1024xi32, #tpu.memory_space<vmem>> -> memref<4x1024xi32, #tpu.memory_space<vmem>>
    %dma_start3A_85 = arith.constant 0 : i32
    %dma_start3A_86 = arith.constant 0 : i32
    %dma_start3A_87 = tpu.memref_slice %arg11[%dma_start3A_85, %dma_start3A_86] : memref<200x1024xi32, #tpu.memory_space<vmem_shared>> -> memref<4x1024xi32, #tpu.memory_space<vmem_shared>>
    %dma_start3A_88 = arith.constant 0 : i32
    %dma_start3A_89 = arith.constant 0 : i32
    %dma_start3A_90 = tpu.memref_slice %arg9[%dma_start3A_80, %dma_start3A_88, %dma_start3A_89] : memref<2x4x1024xi32, #tpu.memory_space<vmem>> -> memref<1x4x1024xi32, #tpu.memory_space<vmem>>
    %dma_start3A_91 = tpu.memref_squeeze %dma_start3A_90 : memref<1x4x1024xi32, #tpu.memory_space<vmem>> -> memref<4x1024xi32, #tpu.memory_space<vmem>>
    %dma_start3A_92 = arith.constant 0 : i32
    %dma_start3A_93 = arith.constant 0 : i32
    %dma_start3A_94 = tpu.memref_slice %arg11[%dma_start3A_92, %dma_start3A_93] : memref<200x1024xi32, #tpu.memory_space<vmem_shared>> -> memref<4x1024xi32, #tpu.memory_space<vmem_shared>>
    tpu.enqueue_dma source(%dma_start3A_94 : memref<4x1024xi32, #tpu.memory_space<vmem_shared>>) target(%dma_start3A_91 : memref<4x1024xi32, #tpu.memory_space<vmem>>) target_semaphore(%arg12 : memref<!tpu.dma_semaphore, #tpu.memory_space<semaphore_mem>>)
    %dma_start3A_95 = arith.constant 1 : i32
    %dma_start3A_96 = arith.constant 0 : i32
    %dma_start3A_97 = arith.constant 0 : i32
    %dma_start3A_98 = tpu.memref_slice %arg9[%dma_start3A_95, %dma_start3A_96, %dma_start3A_97] : memref<2x4x1024xi32, #tpu.memory_space<vmem>> -> memref<1x4x1024xi32, #tpu.memory_space<vmem>>
    %dma_start3A_99 = tpu.memref_squeeze %dma_start3A_98 : memref<1x4x1024xi32, #tpu.memory_space<vmem>> -> memref<4x1024xi32, #tpu.memory_space<vmem>>
    %dma_start3A_100 = arith.constant 4 : i32
    %dma_start3A_101 = arith.constant 0 : i32
    %dma_start3A_102 = tpu.memref_slice %arg11[%dma_start3A_100, %dma_start3A_101] : memref<200x1024xi32, #tpu.memory_space<vmem_shared>> -> memref<4x1024xi32, #tpu.memory_space<vmem_shared>>
    %dma_start3A_103 = arith.constant 0 : i32
    %dma_start3A_104 = arith.constant 0 : i32
    %dma_start3A_105 = tpu.memref_slice %arg9[%dma_start3A_95, %dma_start3A_103, %dma_start3A_104] : memref<2x4x1024xi32, #tpu.memory_space<vmem>> -> memref<1x4x1024xi32, #tpu.memory_space<vmem>>
    %dma_start3A_106 = tpu.memref_squeeze %dma_start3A_105 : memref<1x4x1024xi32, #tpu.memory_space<vmem>> -> memref<4x1024xi32, #tpu.memory_space<vmem>>
    %dma_start3A_107 = arith.constant 4 : i32
    %dma_start3A_108 = arith.constant 0 : i32
    %dma_start3A_109 = tpu.memref_slice %arg11[%dma_start3A_107, %dma_start3A_108] : memref<200x1024xi32, #tpu.memory_space<vmem_shared>> -> memref<4x1024xi32, #tpu.memory_space<vmem_shared>>
    tpu.enqueue_dma source(%dma_start3A_109 : memref<4x1024xi32, #tpu.memory_space<vmem_shared>>) target(%dma_start3A_106 : memref<4x1024xi32, #tpu.memory_space<vmem>>) target_semaphore(%arg13 : memref<!tpu.dma_semaphore, #tpu.memory_space<semaphore_mem>>)
    %scan3A_110 = arith.constant 0 : i32
    %scan3A_111 = arith.constant 0 : i32
    %scan3A_112 = arith.constant 25 : i32
    %scan3A_113 = arith.addi %scan3A_111, %scan3A_112 : i32
    %scan3A_114 = arith.constant 1 : i32
    scf.for %scan3A_601 = %scan3A_111 to %scan3A_113 step %scan3A_114  : i32 {
      %mul3A_602 = arith.constant 2 : i32
      %mul3A_603 = arith.muli %mul3A_602, %scan3A_601 : i32
      %add3A_604 = arith.constant 1 : i32
      %add3A_605 = arith.addi %mul3A_603, %add3A_604 : i32
      %mul3A_606 = arith.constant 4 : i32
      %mul3A_607 = arith.muli %mul3A_603, %mul3A_606 : i32
      %dma_wait3A_608 = arith.constant 0 : i32
      %dma_wait3A_609 = arith.constant 0 : i32
      %dma_wait3A_610 = arith.constant 0 : i32
      %dma_wait3A_611 = tpu.memref_slice %arg9[%dma_wait3A_608, %dma_wait3A_609, %dma_wait3A_610] : memref<2x4x1024xi32, #tpu.memory_space<vmem>> -> memref<1x4x1024xi32, #tpu.memory_space<vmem>>
      %dma_wait3A_612 = tpu.memref_squeeze %dma_wait3A_611 : memref<1x4x1024xi32, #tpu.memory_space<vmem>> -> memref<4x1024xi32, #tpu.memory_space<vmem>>
      %dma_wait3A_613 = arith.constant 0 : i32
      %dma_wait3A_614 = tpu.memref_slice %arg11[%mul3A_607, %dma_wait3A_613] : memref<200x1024xi32, #tpu.memory_space<vmem_shared>> -> memref<4x1024xi32, #tpu.memory_space<vmem_shared>>
      %dma_wait3A_615 = arith.constant 0 : i32
      %dma_wait3A_616 = arith.constant 0 : i32
      %dma_wait3A_617 = tpu.memref_slice %arg9[%dma_wait3A_608, %dma_wait3A_615, %dma_wait3A_616] : memref<2x4x1024xi32, #tpu.memory_space<vmem>> -> memref<1x4x1024xi32, #tpu.memory_space<vmem>>
      %dma_wait3A_618 = tpu.memref_squeeze %dma_wait3A_617 : memref<1x4x1024xi32, #tpu.memory_space<vmem>> -> memref<4x1024xi32, #tpu.memory_space<vmem>>
      %dma_wait3A_619 = arith.constant 0 : i32
      %dma_wait3A_620 = tpu.memref_slice %arg11[%mul3A_607, %dma_wait3A_619] : memref<200x1024xi32, #tpu.memory_space<vmem_shared>> -> memref<4x1024xi32, #tpu.memory_space<vmem_shared>>
      tpu.wait_dma2 semaphore(%arg12 : memref<!tpu.dma_semaphore, #tpu.memory_space<semaphore_mem>>) src(%dma_wait3A_620 : memref<4x1024xi32, #tpu.memory_space<vmem_shared>>) dst(%dma_wait3A_618 : memref<4x1024xi32, #tpu.memory_space<vmem>>)
      %gt3A = arith.constant 0 : i32
      %gt3A_621 = arith.cmpi sgt, %scan3A_601, %gt3A : i32
      %convert_element_type3A_622 = arith.extui %gt3A_621 : i1 to i32
      %cond3A_623 = arith.constant 0 : i32
      %cond3A_624 = arith.cmpi ne, %convert_element_type3A_622, %cond3A_623 : i32
      scf.if %cond3A_624 {
        %sub3A_703 = arith.constant 2 : i32
        %sub3A_704 = arith.subi %mul3A_603, %sub3A_703 : i32
        %mul3A_705 = arith.constant 4 : i32
        %mul3A_706 = arith.muli %sub3A_704, %mul3A_705 : i32
        %add3A_707 = arith.constant 4 : i32
        %add3A_708 = arith.addi %add3A_707, %arg0 : i32
        %dma_wait3A_709 = arith.constant 0 : i32
        %dma_wait3A_710 = arith.constant 0 : i32
        %dma_wait3A_711 = arith.constant 0 : i32
        %dma_wait3A_712 = tpu.memref_slice %arg10[%dma_wait3A_709, %dma_wait3A_710, %dma_wait3A_711] : memref<2x4x1024xf32, #tpu.memory_space<vmem>> -> memref<1x4x1024xf32, #tpu.memory_space<vmem>>
        %dma_wait3A_713 = tpu.memref_squeeze %dma_wait3A_712 : memref<1x4x1024xf32, #tpu.memory_space<vmem>> -> memref<4x1024xf32, #tpu.memory_space<vmem>>
        %dma_wait3A_714 = arith.constant 0 : i32
        %dma_wait3A_715 = tpu.memref_slice %arg6[%mul3A_706, %add3A_708, %add3A_79, %dma_wait3A_714] : memref<200x6x64x1024xf32, #tpu.memory_space<hbm>> -> memref<4x1x1x1024xf32, #tpu.memory_space<hbm>>
        %dma_wait3A_716 = tpu.memref_squeeze %dma_wait3A_715 : memref<4x1x1x1024xf32, #tpu.memory_space<hbm>> -> memref<4x1024xf32, #tpu.memory_space<hbm>>
        %dma_wait3A_717 = arith.constant 0 : i32
        %dma_wait3A_718 = tpu.memref_slice %arg6[%mul3A_706, %add3A_708, %add3A_79, %dma_wait3A_717] : memref<200x6x64x1024xf32, #tpu.memory_space<hbm>> -> memref<4x1x1x1024xf32, #tpu.memory_space<hbm>>
        %dma_wait3A_719 = tpu.memref_squeeze %dma_wait3A_718 : memref<4x1x1x1024xf32, #tpu.memory_space<hbm>> -> memref<4x1024xf32, #tpu.memory_space<hbm>>
        %dma_wait3A_720 = arith.constant 0 : i32
        %dma_wait3A_721 = arith.constant 0 : i32
        %dma_wait3A_722 = tpu.memref_slice %arg10[%dma_wait3A_709, %dma_wait3A_720, %dma_wait3A_721] : memref<2x4x1024xf32, #tpu.memory_space<vmem>> -> memref<1x4x1024xf32, #tpu.memory_space<vmem>>
        %dma_wait3A_723 = tpu.memref_squeeze %dma_wait3A_722 : memref<1x4x1024xf32, #tpu.memory_space<vmem>> -> memref<4x1024xf32, #tpu.memory_space<vmem>>
        tpu.wait_dma2 semaphore(%arg14 : memref<!tpu.dma_semaphore, #tpu.memory_space<semaphore_mem>>) src(%dma_wait3A_723 : memref<4x1024xf32, #tpu.memory_space<vmem>>) dst(%dma_wait3A_719 : memref<4x1024xf32, #tpu.memory_space<hbm>>)
      } else {
      }
      %parallel_loop3A_625 = arith.constant 0 : i32
      %parallel_loop3A_626 = arith.constant 1024 : i32
      %parallel_loop3A_627 = arith.constant 16 : i32
      scf.for %parallel_loop3A_703 = %parallel_loop3A_625 to %parallel_loop3A_626 step %parallel_loop3A_627  : i32 {
        %parallel_loop3A_704 = arith.constant 0 : i32
        %parallel_loop3A_705 = arith.constant 0 : i32
        %parallel_loop3A_706 = arith.index_cast %parallel_loop3A_704 : i32 to index
        %parallel_loop3A_707 = arith.index_cast %parallel_loop3A_705 : i32 to index
        %parallel_loop3A_708 = arith.index_cast %parallel_loop3A_703 : i32 to index
        %parallel_loop3A_709 = tpu.vector_load %arg9[%parallel_loop3A_706, %parallel_loop3A_707, %parallel_loop3A_708] {strides = array<i32>} : memref<2x4x1024xi32, #tpu.memory_space<vmem>>, vector<16xi32>,
        %parallel_loop3A_710 = tpu.vector_load_idx %arg8[%parallel_loop3A_709] : memref<100000xf32, #tpu.memory_space<vmem>>[vector<16xi32>], vector<16xf32>,
        %parallel_loop3A_711 = arith.constant 0 : i32
        %parallel_loop3A_712 = arith.constant 0 : i32
        %parallel_loop3A_713 = arith.index_cast %parallel_loop3A_711 : i32 to index
        %parallel_loop3A_714 = arith.index_cast %parallel_loop3A_712 : i32 to index
        %parallel_loop3A_715 = arith.index_cast %parallel_loop3A_703 : i32 to index
        %parallel_loop3A_716 = tpu.vector_load %arg10[%parallel_loop3A_713, %parallel_loop3A_714, %parallel_loop3A_715] {strides = array<i32>} : memref<2x4x1024xf32, #tpu.memory_space<vmem>>, vector<16xf32>,
        tpu.vector_store %arg10[%parallel_loop3A_713, %parallel_loop3A_714, %parallel_loop3A_715], %parallel_loop3A_710 {strides = array<i32>} : memref<2x4x1024xf32, #tpu.memory_space<vmem>>, vector<16xf32>,
        %parallel_loop3A_717 = arith.constant 0 : i32
        %parallel_loop3A_718 = arith.constant 1 : i32
        %parallel_loop3A_719 = arith.index_cast %parallel_loop3A_717 : i32 to index
        %parallel_loop3A_720 = arith.index_cast %parallel_loop3A_718 : i32 to index
        %parallel_loop3A_721 = arith.index_cast %parallel_loop3A_703 : i32 to index
        %parallel_loop3A_722 = tpu.vector_load %arg9[%parallel_loop3A_719, %parallel_loop3A_720, %parallel_loop3A_721] {strides = array<i32>} : memref<2x4x1024xi32, #tpu.memory_space<vmem>>, vector<16xi32>,
        %parallel_loop3A_723 = tpu.vector_load_idx %arg8[%parallel_loop3A_722] : memref<100000xf32, #tpu.memory_space<vmem>>[vector<16xi32>], vector<16xf32>,
        %parallel_loop3A_724 = arith.constant 0 : i32
        %parallel_loop3A_725 = arith.constant 1 : i32
        %parallel_loop3A_726 = arith.index_cast %parallel_loop3A_724 : i32 to index
        %parallel_loop3A_727 = arith.index_cast %parallel_loop3A_725 : i32 to index
        %parallel_loop3A_728 = arith.index_cast %parallel_loop3A_703 : i32 to index
        %parallel_loop3A_729 = tpu.vector_load %arg10[%parallel_loop3A_726, %parallel_loop3A_727, %parallel_loop3A_728] {strides = array<i32>} : memref<2x4x1024xf32, #tpu.memory_space<vmem>>, vector<16xf32>,
        tpu.vector_store %arg10[%parallel_loop3A_726, %parallel_loop3A_727, %parallel_loop3A_728], %parallel_loop3A_723 {strides = array<i32>} : memref<2x4x1024xf32, #tpu.memory_space<vmem>>, vector<16xf32>,
        %parallel_loop3A_730 = arith.constant 0 : i32
        %parallel_loop3A_731 = arith.constant 2 : i32
        %parallel_loop3A_732 = arith.index_cast %parallel_loop3A_730 : i32 to index
        %parallel_loop3A_733 = arith.index_cast %parallel_loop3A_731 : i32 to index
        %parallel_loop3A_734 = arith.index_cast %parallel_loop3A_703 : i32 to index
        %parallel_loop3A_735 = tpu.vector_load %arg9[%parallel_loop3A_732, %parallel_loop3A_733, %parallel_loop3A_734] {strides = array<i32>} : memref<2x4x1024xi32, #tpu.memory_space<vmem>>, vector<16xi32>,
        %parallel_loop3A_736 = tpu.vector_load_idx %arg8[%parallel_loop3A_735] : memref<100000xf32, #tpu.memory_space<vmem>>[vector<16xi32>], vector<16xf32>,
        %parallel_loop3A_737 = arith.constant 0 : i32
        %parallel_loop3A_738 = arith.constant 2 : i32
        %parallel_loop3A_739 = arith.index_cast %parallel_loop3A_737 : i32 to index
        %parallel_loop3A_740 = arith.index_cast %parallel_loop3A_738 : i32 to index
        %parallel_loop3A_741 = arith.index_cast %parallel_loop3A_703 : i32 to index
        %parallel_loop3A_742 = tpu.vector_load %arg10[%parallel_loop3A_739, %parallel_loop3A_740, %parallel_loop3A_741] {strides = array<i32>} : memref<2x4x1024xf32, #tpu.memory_space<vmem>>, vector<16xf32>,
        tpu.vector_store %arg10[%parallel_loop3A_739, %parallel_loop3A_740, %parallel_loop3A_741], %parallel_loop3A_736 {strides = array<i32>} : memref<2x4x1024xf32, #tpu.memory_space<vmem>>, vector<16xf32>,
        %parallel_loop3A_743 = arith.constant 0 : i32
        %parallel_loop3A_744 = arith.constant 3 : i32
        %parallel_loop3A_745 = arith.index_cast %parallel_loop3A_743 : i32 to index
        %parallel_loop3A_746 = arith.index_cast %parallel_loop3A_744 : i32 to index
        %parallel_loop3A_747 = arith.index_cast %parallel_loop3A_703 : i32 to index
        %parallel_loop3A_748 = tpu.vector_load %arg9[%parallel_loop3A_745, %parallel_loop3A_746, %parallel_loop3A_747] {strides = array<i32>} : memref<2x4x1024xi32, #tpu.memory_space<vmem>>, vector<16xi32>,
        %parallel_loop3A_749 = tpu.vector_load_idx %arg8[%parallel_loop3A_748] : memref<100000xf32, #tpu.memory_space<vmem>>[vector<16xi32>], vector<16xf32>,
        %parallel_loop3A_750 = arith.constant 0 : i32
        %parallel_loop3A_751 = arith.constant 3 : i32
        %parallel_loop3A_752 = arith.index_cast %parallel_loop3A_750 : i32 to index
        %parallel_loop3A_753 = arith.index_cast %parallel_loop3A_751 : i32 to index
        %parallel_loop3A_754 = arith.index_cast %parallel_loop3A_703 : i32 to index
        %parallel_loop3A_755 = tpu.vector_load %arg10[%parallel_loop3A_752, %parallel_loop3A_753, %parallel_loop3A_754] {strides = array<i32>} : memref<2x4x1024xf32, #tpu.memory_space<vmem>>, vector<16xf32>,
        tpu.vector_store %arg10[%parallel_loop3A_752, %parallel_loop3A_753, %parallel_loop3A_754], %parallel_loop3A_749 {strides = array<i32>} : memref<2x4x1024xf32, #tpu.memory_space<vmem>>, vector<16xf32>,
      } {sc.loop_unroll_factor = 8 : i64, sc.parallel_access}
      %mul3A_628 = arith.constant 4 : i32
      %mul3A_629 = arith.muli %mul3A_603, %mul3A_628 : i32
      %add3A_630 = arith.constant 4 : i32
      %add3A_631 = arith.addi %add3A_630, %arg0 : i32
      %dma_start3A_632 = arith.constant 0 : i32
      %dma_start3A_633 = arith.constant 0 : i32
      %dma_start3A_634 = arith.constant 0 : i32
      %dma_start3A_635 = tpu.memref_slice %arg10[%dma_start3A_632, %dma_start3A_633, %dma_start3A_634] : memref<2x4x1024xf32, #tpu.memory_space<vmem>> -> memref<1x4x1024xf32, #tpu.memory_space<vmem>>
      %dma_start3A_636 = tpu.memref_squeeze %dma_start3A_635 : memref<1x4x1024xf32, #tpu.memory_space<vmem>> -> memref<4x1024xf32, #tpu.memory_space<vmem>>
      %dma_start3A_637 = arith.constant 0 : i32
      %dma_start3A_638 = tpu.memref_slice %arg6[%mul3A_629, %add3A_631, %add3A_79, %dma_start3A_637] : memref<200x6x64x1024xf32, #tpu.memory_space<hbm>> -> memref<4x1x1x1024xf32, #tpu.memory_space<hbm>>
      %dma_start3A_639 = tpu.memref_squeeze %dma_start3A_638 : memref<4x1x1x1024xf32, #tpu.memory_space<hbm>> -> memref<4x1024xf32, #tpu.memory_space<hbm>>
      %dma_start3A_640 = arith.constant 0 : i32
      %dma_start3A_641 = tpu.memref_slice %arg6[%mul3A_629, %add3A_631, %add3A_79, %dma_start3A_640] : memref<200x6x64x1024xf32, #tpu.memory_space<hbm>> -> memref<4x1x1x1024xf32, #tpu.memory_space<hbm>>
      %dma_start3A_642 = tpu.memref_squeeze %dma_start3A_641 : memref<4x1x1x1024xf32, #tpu.memory_space<hbm>> -> memref<4x1024xf32, #tpu.memory_space<hbm>>
      %dma_start3A_643 = arith.constant 0 : i32
      %dma_start3A_644 = arith.constant 0 : i32
      %dma_start3A_645 = tpu.memref_slice %arg10[%dma_start3A_632, %dma_start3A_643, %dma_start3A_644] : memref<2x4x1024xf32, #tpu.memory_space<vmem>> -> memref<1x4x1024xf32, #tpu.memory_space<vmem>>
      %dma_start3A_646 = tpu.memref_squeeze %dma_start3A_645 : memref<1x4x1024xf32, #tpu.memory_space<vmem>> -> memref<4x1024xf32, #tpu.memory_space<vmem>>
      tpu.enqueue_dma source(%dma_start3A_646 : memref<4x1024xf32, #tpu.memory_space<vmem>>) target(%dma_start3A_642 : memref<4x1024xf32, #tpu.memory_space<hbm>>) target_semaphore(%arg14 : memref<!tpu.dma_semaphore, #tpu.memory_space<semaphore_mem>>)
      %add3A_647 = arith.constant 2 : i32
      %add3A_648 = arith.addi %mul3A_603, %add3A_647 : i32
      %lt3A_649 = arith.constant 50 : i32
      %lt3A_650 = arith.cmpi slt, %add3A_648, %lt3A_649 : i32
      %convert_element_type3A_651 = arith.extui %lt3A_650 : i1 to i32
      %cond3A_652 = arith.constant 0 : i32
      %cond3A_653 = arith.cmpi ne, %convert_element_type3A_651, %cond3A_652 : i32
      scf.if %cond3A_653 {
        %add3A_703 = arith.constant 2 : i32
        %add3A_704 = arith.addi %mul3A_603, %add3A_703 : i32
        %mul3A_705 = arith.constant 4 : i32
        %mul3A_706 = arith.muli %add3A_704, %mul3A_705 : i32
        %dma_start3A_707 = arith.constant 0 : i32
        %dma_start3A_708 = arith.constant 0 : i32
        %dma_start3A_709 = arith.constant 0 : i32
        %dma_start3A_710 = tpu.memref_slice %arg9[%dma_start3A_707, %dma_start3A_708, %dma_start3A_709] : memref<2x4x1024xi32, #tpu.memory_space<vmem>> -> memref<1x4x1024xi32, #tpu.memory_space<vmem>>
        %dma_start3A_711 = tpu.memref_squeeze %dma_start3A_710 : memref<1x4x1024xi32, #tpu.memory_space<vmem>> -> memref<4x1024xi32, #tpu.memory_space<vmem>>
        %dma_start3A_712 = arith.constant 0 : i32
        %dma_start3A_713 = tpu.memref_slice %arg11[%mul3A_706, %dma_start3A_712] : memref<200x1024xi32, #tpu.memory_space<vmem_shared>> -> memref<4x1024xi32, #tpu.memory_space<vmem_shared>>
        %dma_start3A_714 = arith.constant 0 : i32
        %dma_start3A_715 = arith.constant 0 : i32
        %dma_start3A_716 = tpu.memref_slice %arg9[%dma_start3A_707, %dma_start3A_714, %dma_start3A_715] : memref<2x4x1024xi32, #tpu.memory_space<vmem>> -> memref<1x4x1024xi32, #tpu.memory_space<vmem>>
        %dma_start3A_717 = tpu.memref_squeeze %dma_start3A_716 : memref<1x4x1024xi32, #tpu.memory_space<vmem>> -> memref<4x1024xi32, #tpu.memory_space<vmem>>
        %dma_start3A_718 = arith.constant 0 : i32
        %dma_start3A_719 = tpu.memref_slice %arg11[%mul3A_706, %dma_start3A_718] : memref<200x1024xi32, #tpu.memory_space<vmem_shared>> -> memref<4x1024xi32, #tpu.memory_space<vmem_shared>>
        tpu.enqueue_dma source(%dma_start3A_719 : memref<4x1024xi32, #tpu.memory_space<vmem_shared>>) target(%dma_start3A_717 : memref<4x1024xi32, #tpu.memory_space<vmem>>) target_semaphore(%arg12 : memref<!tpu.dma_semaphore, #tpu.memory_space<semaphore_mem>>)
      } else {
      }
      %mul3A_654 = arith.constant 4 : i32
      %mul3A_655 = arith.muli %add3A_605, %mul3A_654 : i32
      %dma_wait3A_656 = arith.constant 1 : i32
      %dma_wait3A_657 = arith.constant 0 : i32
      %dma_wait3A_658 = arith.constant 0 : i32
      %dma_wait3A_659 = tpu.memref_slice %arg9[%dma_wait3A_656, %dma_wait3A_657, %dma_wait3A_658] : memref<2x4x1024xi32, #tpu.memory_space<vmem>> -> memref<1x4x1024xi32, #tpu.memory_space<vmem>>
      %dma_wait3A_660 = tpu.memref_squeeze %dma_wait3A_659 : memref<1x4x1024xi32, #tpu.memory_space<vmem>> -> memref<4x1024xi32, #tpu.memory_space<vmem>>
      %dma_wait3A_661 = arith.constant 0 : i32
      %dma_wait3A_662 = tpu.memref_slice %arg11[%mul3A_655, %dma_wait3A_661] : memref<200x1024xi32, #tpu.memory_space<vmem_shared>> -> memref<4x1024xi32, #tpu.memory_space<vmem_shared>>
      %dma_wait3A_663 = arith.constant 0 : i32
      %dma_wait3A_664 = arith.constant 0 : i32
      %dma_wait3A_665 = tpu.memref_slice %arg9[%dma_wait3A_656, %dma_wait3A_663, %dma_wait3A_664] : memref<2x4x1024xi32, #tpu.memory_space<vmem>> -> memref<1x4x1024xi32, #tpu.memory_space<vmem>>
      %dma_wait3A_666 = tpu.memref_squeeze %dma_wait3A_665 : memref<1x4x1024xi32, #tpu.memory_space<vmem>> -> memref<4x1024xi32, #tpu.memory_space<vmem>>
      %dma_wait3A_667 = arith.constant 0 : i32
      %dma_wait3A_668 = tpu.memref_slice %arg11[%mul3A_655, %dma_wait3A_667] : memref<200x1024xi32, #tpu.memory_space<vmem_shared>> -> memref<4x1024xi32, #tpu.memory_space<vmem_shared>>
      tpu.wait_dma2 semaphore(%arg13 : memref<!tpu.dma_semaphore, #tpu.memory_space<semaphore_mem>>) src(%dma_wait3A_668 : memref<4x1024xi32, #tpu.memory_space<vmem_shared>>) dst(%dma_wait3A_666 : memref<4x1024xi32, #tpu.memory_space<vmem>>)
      %gt3A_669 = arith.constant 0 : i32
      %gt3A_670 = arith.cmpi sgt, %scan3A_601, %gt3A_669 : i32
      %convert_element_type3A_671 = arith.extui %gt3A_670 : i1 to i32
      %cond3A_672 = arith.constant 0 : i32
      %cond3A_673 = arith.cmpi ne, %convert_element_type3A_671, %cond3A_672 : i32
      scf.if %cond3A_673 {
        %sub3A_703 = arith.constant 2 : i32
        %sub3A_704 = arith.subi %add3A_605, %sub3A_703 : i32
        %mul3A_705 = arith.constant 4 : i32
        %mul3A_706 = arith.muli %sub3A_704, %mul3A_705 : i32
        %add3A_707 = arith.constant 4 : i32
        %add3A_708 = arith.addi %add3A_707, %arg0 : i32
        %dma_wait3A_709 = arith.constant 1 : i32
        %dma_wait3A_710 = arith.constant 0 : i32
        %dma_wait3A_711 = arith.constant 0 : i32
        %dma_wait3A_712 = tpu.memref_slice %arg10[%dma_wait3A_709, %dma_wait3A_710, %dma_wait3A_711] : memref<2x4x1024xf32, #tpu.memory_space<vmem>> -> memref<1x4x1024xf32, #tpu.memory_space<vmem>>
        %dma_wait3A_713 = tpu.memref_squeeze %dma_wait3A_712 : memref<1x4x1024xf32, #tpu.memory_space<vmem>> -> memref<4x1024xf32, #tpu.memory_space<vmem>>
        %dma_wait3A_714 = arith.constant 0 : i32
        %dma_wait3A_715 = tpu.memref_slice %arg6[%mul3A_706, %add3A_708, %add3A_79, %dma_wait3A_714] : memref<200x6x64x1024xf32, #tpu.memory_space<hbm>> -> memref<4x1x1x1024xf32, #tpu.memory_space<hbm>>
        %dma_wait3A_716 = tpu.memref_squeeze %dma_wait3A_715 : memref<4x1x1x1024xf32, #tpu.memory_space<hbm>> -> memref<4x1024xf32, #tpu.memory_space<hbm>>
        %dma_wait3A_717 = arith.constant 0 : i32
        %dma_wait3A_718 = tpu.memref_slice %arg6[%mul3A_706, %add3A_708, %add3A_79, %dma_wait3A_717] : memref<200x6x64x1024xf32, #tpu.memory_space<hbm>> -> memref<4x1x1x1024xf32, #tpu.memory_space<hbm>>
        %dma_wait3A_719 = tpu.memref_squeeze %dma_wait3A_718 : memref<4x1x1x1024xf32, #tpu.memory_space<hbm>> -> memref<4x1024xf32, #tpu.memory_space<hbm>>
        %dma_wait3A_720 = arith.constant 0 : i32
        %dma_wait3A_721 = arith.constant 0 : i32
        %dma_wait3A_722 = tpu.memref_slice %arg10[%dma_wait3A_709, %dma_wait3A_720, %dma_wait3A_721] : memref<2x4x1024xf32, #tpu.memory_space<vmem>> -> memref<1x4x1024xf32, #tpu.memory_space<vmem>>
        %dma_wait3A_723 = tpu.memref_squeeze %dma_wait3A_722 : memref<1x4x1024xf32, #tpu.memory_space<vmem>> -> memref<4x1024xf32, #tpu.memory_space<vmem>>
        tpu.wait_dma2 semaphore(%arg15 : memref<!tpu.dma_semaphore, #tpu.memory_space<semaphore_mem>>) src(%dma_wait3A_723 : memref<4x1024xf32, #tpu.memory_space<vmem>>) dst(%dma_wait3A_719 : memref<4x1024xf32, #tpu.memory_space<hbm>>)
      } else {
      }
      %parallel_loop3A_674 = arith.constant 0 : i32
      %parallel_loop3A_675 = arith.constant 1024 : i32
      %parallel_loop3A_676 = arith.constant 16 : i32
      scf.for %parallel_loop3A_703 = %parallel_loop3A_674 to %parallel_loop3A_675 step %parallel_loop3A_676  : i32 {
        %parallel_loop3A_704 = arith.constant 1 : i32
        %parallel_loop3A_705 = arith.constant 0 : i32
        %parallel_loop3A_706 = arith.index_cast %parallel_loop3A_704 : i32 to index
        %parallel_loop3A_707 = arith.index_cast %parallel_loop3A_705 : i32 to index
        %parallel_loop3A_708 = arith.index_cast %parallel_loop3A_703 : i32 to index
        %parallel_loop3A_709 = tpu.vector_load %arg9[%parallel_loop3A_706, %parallel_loop3A_707, %parallel_loop3A_708] {strides = array<i32>} : memref<2x4x1024xi32, #tpu.memory_space<vmem>>, vector<16xi32>,
        %parallel_loop3A_710 = tpu.vector_load_idx %arg8[%parallel_loop3A_709] : memref<100000xf32, #tpu.memory_space<vmem>>[vector<16xi32>], vector<16xf32>,
        %parallel_loop3A_711 = arith.constant 1 : i32
        %parallel_loop3A_712 = arith.constant 0 : i32
        %parallel_loop3A_713 = arith.index_cast %parallel_loop3A_711 : i32 to index
        %parallel_loop3A_714 = arith.index_cast %parallel_loop3A_712 : i32 to index
        %parallel_loop3A_715 = arith.index_cast %parallel_loop3A_703 : i32 to index
        %parallel_loop3A_716 = tpu.vector_load %arg10[%parallel_loop3A_713, %parallel_loop3A_714, %parallel_loop3A_715] {strides = array<i32>} : memref<2x4x1024xf32, #tpu.memory_space<vmem>>, vector<16xf32>,
        tpu.vector_store %arg10[%parallel_loop3A_713, %parallel_loop3A_714, %parallel_loop3A_715], %parallel_loop3A_710 {strides = array<i32>} : memref<2x4x1024xf32, #tpu.memory_space<vmem>>, vector<16xf32>,
        %parallel_loop3A_717 = arith.constant 1 : i32
        %parallel_loop3A_718 = arith.constant 1 : i32
        %parallel_loop3A_719 = arith.index_cast %parallel_loop3A_717 : i32 to index
        %parallel_loop3A_720 = arith.index_cast %parallel_loop3A_718 : i32 to index
        %parallel_loop3A_721 = arith.index_cast %parallel_loop3A_703 : i32 to index
        %parallel_loop3A_722 = tpu.vector_load %arg9[%parallel_loop3A_719, %parallel_loop3A_720, %parallel_loop3A_721] {strides = array<i32>} : memref<2x4x1024xi32, #tpu.memory_space<vmem>>, vector<16xi32>,
        %parallel_loop3A_723 = tpu.vector_load_idx %arg8[%parallel_loop3A_722] : memref<100000xf32, #tpu.memory_space<vmem>>[vector<16xi32>], vector<16xf32>,
        %parallel_loop3A_724 = arith.constant 1 : i32
        %parallel_loop3A_725 = arith.constant 1 : i32
        %parallel_loop3A_726 = arith.index_cast %parallel_loop3A_724 : i32 to index
        %parallel_loop3A_727 = arith.index_cast %parallel_loop3A_725 : i32 to index
        %parallel_loop3A_728 = arith.index_cast %parallel_loop3A_703 : i32 to index
        %parallel_loop3A_729 = tpu.vector_load %arg10[%parallel_loop3A_726, %parallel_loop3A_727, %parallel_loop3A_728] {strides = array<i32>} : memref<2x4x1024xf32, #tpu.memory_space<vmem>>, vector<16xf32>,
        tpu.vector_store %arg10[%parallel_loop3A_726, %parallel_loop3A_727, %parallel_loop3A_728], %parallel_loop3A_723 {strides = array<i32>} : memref<2x4x1024xf32, #tpu.memory_space<vmem>>, vector<16xf32>,
        %parallel_loop3A_730 = arith.constant 1 : i32
        %parallel_loop3A_731 = arith.constant 2 : i32
        %parallel_loop3A_732 = arith.index_cast %parallel_loop3A_730 : i32 to index
        %parallel_loop3A_733 = arith.index_cast %parallel_loop3A_731 : i32 to index
        %parallel_loop3A_734 = arith.index_cast %parallel_loop3A_703 : i32 to index
        %parallel_loop3A_735 = tpu.vector_load %arg9[%parallel_loop3A_732, %parallel_loop3A_733, %parallel_loop3A_734] {strides = array<i32>} : memref<2x4x1024xi32, #tpu.memory_space<vmem>>, vector<16xi32>,
        %parallel_loop3A_736 = tpu.vector_load_idx %arg8[%parallel_loop3A_735] : memref<100000xf32, #tpu.memory_space<vmem>>[vector<16xi32>], vector<16xf32>,
        %parallel_loop3A_737 = arith.constant 1 : i32
        %parallel_loop3A_738 = arith.constant 2 : i32
        %parallel_loop3A_739 = arith.index_cast %parallel_loop3A_737 : i32 to index
        %parallel_loop3A_740 = arith.index_cast %parallel_loop3A_738 : i32 to index
        %parallel_loop3A_741 = arith.index_cast %parallel_loop3A_703 : i32 to index
        %parallel_loop3A_742 = tpu.vector_load %arg10[%parallel_loop3A_739, %parallel_loop3A_740, %parallel_loop3A_741] {strides = array<i32>} : memref<2x4x1024xf32, #tpu.memory_space<vmem>>, vector<16xf32>,
        tpu.vector_store %arg10[%parallel_loop3A_739, %parallel_loop3A_740, %parallel_loop3A_741], %parallel_loop3A_736 {strides = array<i32>} : memref<2x4x1024xf32, #tpu.memory_space<vmem>>, vector<16xf32>,
        %parallel_loop3A_743 = arith.constant 1 : i32
        %parallel_loop3A_744 = arith.constant 3 : i32
        %parallel_loop3A_745 = arith.index_cast %parallel_loop3A_743 : i32 to index
        %parallel_loop3A_746 = arith.index_cast %parallel_loop3A_744 : i32 to index
        %parallel_loop3A_747 = arith.index_cast %parallel_loop3A_703 : i32 to index
        %parallel_loop3A_748 = tpu.vector_load %arg9[%parallel_loop3A_745, %parallel_loop3A_746, %parallel_loop3A_747] {strides = array<i32>} : memref<2x4x1024xi32, #tpu.memory_space<vmem>>, vector<16xi32>,
        %parallel_loop3A_749 = tpu.vector_load_idx %arg8[%parallel_loop3A_748] : memref<100000xf32, #tpu.memory_space<vmem>>[vector<16xi32>], vector<16xf32>,
        %parallel_loop3A_750 = arith.constant 1 : i32
        %parallel_loop3A_751 = arith.constant 3 : i32
        %parallel_loop3A_752 = arith.index_cast %parallel_loop3A_750 : i32 to index
        %parallel_loop3A_753 = arith.index_cast %parallel_loop3A_751 : i32 to index
        %parallel_loop3A_754 = arith.index_cast %parallel_loop3A_703 : i32 to index
        %parallel_loop3A_755 = tpu.vector_load %arg10[%parallel_loop3A_752, %parallel_loop3A_753, %parallel_loop3A_754] {strides = array<i32>} : memref<2x4x1024xf32, #tpu.memory_space<vmem>>, vector<16xf32>,
        tpu.vector_store %arg10[%parallel_loop3A_752, %parallel_loop3A_753, %parallel_loop3A_754], %parallel_loop3A_749 {strides = array<i32>} : memref<2x4x1024xf32, #tpu.memory_space<vmem>>, vector<16xf32>,
      } {sc.loop_unroll_factor = 8 : i64, sc.parallel_access}
      %mul3A_677 = arith.constant 4 : i32
      %mul3A_678 = arith.muli %add3A_605, %mul3A_677 : i32
      %add3A_679 = arith.constant 4 : i32
      %add3A_680 = arith.addi %add3A_679, %arg0 : i32
      %dma_start3A_681 = arith.constant 1 : i32
      %dma_start3A_682 = arith.constant 0 : i32
      %dma_start3A_683 = arith.constant 0 : i32
      %dma_start3A_684 = tpu.memref_slice %arg10[%dma_start3A_681, %dma_start3A_682, %dma_start3A_683] : memref<2x4x1024xf32, #tpu.memory_space<vmem>> -> memref<1x4x1024xf32, #tpu.memory_space<vmem>>
      %dma_start3A_685 = tpu.memref_squeeze %dma_start3A_684 : memref<1x4x1024xf32, #tpu.memory_space<vmem>> -> memref<4x1024xf32, #tpu.memory_space<vmem>>
      %dma_start3A_686 = arith.constant 0 : i32
      %dma_start3A_687 = tpu.memref_slice %arg6[%mul3A_678, %add3A_680, %add3A_79, %dma_start3A_686] : memref<200x6x64x1024xf32, #tpu.memory_space<hbm>> -> memref<4x1x1x1024xf32, #tpu.memory_space<hbm>>
      %dma_start3A_688 = tpu.memref_squeeze %dma_start3A_687 : memref<4x1x1x1024xf32, #tpu.memory_space<hbm>> -> memref<4x1024xf32, #tpu.memory_space<hbm>>
      %dma_start3A_689 = arith.constant 0 : i32
      %dma_start3A_690 = tpu.memref_slice %arg6[%mul3A_678, %add3A_680, %add3A_79, %dma_start3A_689] : memref<200x6x64x1024xf32, #tpu.memory_space<hbm>> -> memref<4x1x1x1024xf32, #tpu.memory_space<hbm>>
      %dma_start3A_691 = tpu.memref_squeeze %dma_start3A_690 : memref<4x1x1x1024xf32, #tpu.memory_space<hbm>> -> memref<4x1024xf32, #tpu.memory_space<hbm>>
      %dma_start3A_692 = arith.constant 0 : i32
      %dma_start3A_693 = arith.constant 0 : i32
      %dma_start3A_694 = tpu.memref_slice %arg10[%dma_start3A_681, %dma_start3A_692, %dma_start3A_693] : memref<2x4x1024xf32, #tpu.memory_space<vmem>> -> memref<1x4x1024xf32, #tpu.memory_space<vmem>>
      %dma_start3A_695 = tpu.memref_squeeze %dma_start3A_694 : memref<1x4x1024xf32, #tpu.memory_space<vmem>> -> memref<4x1024xf32, #tpu.memory_space<vmem>>
      tpu.enqueue_dma source(%dma_start3A_695 : memref<4x1024xf32, #tpu.memory_space<vmem>>) target(%dma_start3A_691 : memref<4x1024xf32, #tpu.memory_space<hbm>>) target_semaphore(%arg15 : memref<!tpu.dma_semaphore, #tpu.memory_space<semaphore_mem>>)
      %add3A_696 = arith.constant 2 : i32
      %add3A_697 = arith.addi %add3A_605, %add3A_696 : i32
      %lt3A_698 = arith.constant 50 : i32
      %lt3A_699 = arith.cmpi slt, %add3A_697, %lt3A_698 : i32
      %convert_element_type3A_700 = arith.extui %lt3A_699 : i1 to i32
      %cond3A_701 = arith.constant 0 : i32
      %cond3A_702 = arith.cmpi ne, %convert_element_type3A_700, %cond3A_701 : i32
      scf.if %cond3A_702 {
        %add3A_703 = arith.constant 2 : i32
        %add3A_704 = arith.addi %add3A_605, %add3A_703 : i32
        %mul3A_705 = arith.constant 4 : i32
        %mul3A_706 = arith.muli %add3A_704, %mul3A_705 : i32
        %dma_start3A_707 = arith.constant 1 : i32
        %dma_start3A_708 = arith.constant 0 : i32
        %dma_start3A_709 = arith.constant 0 : i32
        %dma_start3A_710 = tpu.memref_slice %arg9[%dma_start3A_707, %dma_start3A_708, %dma_start3A_709] : memref<2x4x1024xi32, #tpu.memory_space<vmem>> -> memref<1x4x1024xi32, #tpu.memory_space<vmem>>
        %dma_start3A_711 = tpu.memref_squeeze %dma_start3A_710 : memref<1x4x1024xi32, #tpu.memory_space<vmem>> -> memref<4x1024xi32, #tpu.memory_space<vmem>>
        %dma_start3A_712 = arith.constant 0 : i32
        %dma_start3A_713 = tpu.memref_slice %arg11[%mul3A_706, %dma_start3A_712] : memref<200x1024xi32, #tpu.memory_space<vmem_shared>> -> memref<4x1024xi32, #tpu.memory_space<vmem_shared>>
        %dma_start3A_714 = arith.constant 0 : i32
        %dma_start3A_715 = arith.constant 0 : i32
        %dma_start3A_716 = tpu.memref_slice %arg9[%dma_start3A_707, %dma_start3A_714, %dma_start3A_715] : memref<2x4x1024xi32, #tpu.memory_space<vmem>> -> memref<1x4x1024xi32, #tpu.memory_space<vmem>>
        %dma_start3A_717 = tpu.memref_squeeze %dma_start3A_716 : memref<1x4x1024xi32, #tpu.memory_space<vmem>> -> memref<4x1024xi32, #tpu.memory_space<vmem>>
        %dma_start3A_718 = arith.constant 0 : i32
        %dma_start3A_719 = tpu.memref_slice %arg11[%mul3A_706, %dma_start3A_718] : memref<200x1024xi32, #tpu.memory_space<vmem_shared>> -> memref<4x1024xi32, #tpu.memory_space<vmem_shared>>
        tpu.enqueue_dma source(%dma_start3A_719 : memref<4x1024xi32, #tpu.memory_space<vmem_shared>>) target(%dma_start3A_717 : memref<4x1024xi32, #tpu.memory_space<vmem>>) target_semaphore(%arg13 : memref<!tpu.dma_semaphore, #tpu.memory_space<semaphore_mem>>)
      } else {
      }
    }
    %scan3A_115 = arith.constant 25 : i32
    %add3A_116 = arith.constant 4 : i32
    %add3A_117 = arith.addi %add3A_116, %arg0 : i32
    %dma_wait3A_118 = arith.constant 0 : i32
    %dma_wait3A_119 = arith.constant 0 : i32
    %dma_wait3A_120 = arith.constant 0 : i32
    %dma_wait3A_121 = tpu.memref_slice %arg10[%dma_wait3A_118, %dma_wait3A_119, %dma_wait3A_120] : memref<2x4x1024xf32, #tpu.memory_space<vmem>> -> memref<1x4x1024xf32, #tpu.memory_space<vmem>>
    %dma_wait3A_122 = tpu.memref_squeeze %dma_wait3A_121 : memref<1x4x1024xf32, #tpu.memory_space<vmem>> -> memref<4x1024xf32, #tpu.memory_space<vmem>>
    %dma_wait3A_123 = arith.constant 192 : i32
    %dma_wait3A_124 = arith.constant 0 : i32
    %dma_wait3A_125 = tpu.memref_slice %arg6[%dma_wait3A_123, %add3A_117, %add3A_79, %dma_wait3A_124] : memref<200x6x64x1024xf32, #tpu.memory_space<hbm>> -> memref<4x1x1x1024xf32, #tpu.memory_space<hbm>>
    %dma_wait3A_126 = tpu.memref_squeeze %dma_wait3A_125 : memref<4x1x1x1024xf32, #tpu.memory_space<hbm>> -> memref<4x1024xf32, #tpu.memory_space<hbm>>
    %dma_wait3A_127 = arith.constant 192 : i32
    %dma_wait3A_128 = arith.constant 0 : i32
    %dma_wait3A_129 = tpu.memref_slice %arg6[%dma_wait3A_127, %add3A_117, %add3A_79, %dma_wait3A_128] : memref<200x6x64x1024xf32, #tpu.memory_space<hbm>> -> memref<4x1x1x1024xf32, #tpu.memory_space<hbm>>
    %dma_wait3A_130 = tpu.memref_squeeze %dma_wait3A_129 : memref<4x1x1x1024xf32, #tpu.memory_space<hbm>> -> memref<4x1024xf32, #tpu.memory_space<hbm>>
    %dma_wait3A_131 = arith.constant 0 : i32
    %dma_wait3A_132 = arith.constant 0 : i32
    %dma_wait3A_133 = tpu.memref_slice %arg10[%dma_wait3A_118, %dma_wait3A_131, %dma_wait3A_132] : memref<2x4x1024xf32, #tpu.memory_space<vmem>> -> memref<1x4x1024xf32, #tpu.memory_space<vmem>>
    %dma_wait3A_134 = tpu.memref_squeeze %dma_wait3A_133 : memref<1x4x1024xf32, #tpu.memory_space<vmem>> -> memref<4x1024xf32, #tpu.memory_space<vmem>>
    tpu.wait_dma2 semaphore(%arg14 : memref<!tpu.dma_semaphore, #tpu.memory_space<semaphore_mem>>) src(%dma_wait3A_134 : memref<4x1024xf32, #tpu.memory_space<vmem>>) dst(%dma_wait3A_130 : memref<4x1024xf32, #tpu.memory_space<hbm>>)
    %add3A_135 = arith.constant 4 : i32
    %add3A_136 = arith.addi %add3A_135, %arg0 : i32
    %dma_wait3A_137 = arith.constant 1 : i32
    %dma_wait3A_138 = arith.constant 0 : i32
    %dma_wait3A_139 = arith.constant 0 : i32
    %dma_wait3A_140 = tpu.memref_slice %arg10[%dma_wait3A_137, %dma_wait3A_138, %dma_wait3A_139] : memref<2x4x1024xf32, #tpu.memory_space<vmem>> -> memref<1x4x1024xf32, #tpu.memory_space<vmem>>
    %dma_wait3A_141 = tpu.memref_squeeze %dma_wait3A_140 : memref<1x4x1024xf32, #tpu.memory_space<vmem>> -> memref<4x1024xf32, #tpu.memory_space<vmem>>
    %dma_wait3A_142 = arith.constant 196 : i32
    %dma_wait3A_143 = arith.constant 0 : i32
    %dma_wait3A_144 = tpu.memref_slice %arg6[%dma_wait3A_142, %add3A_136, %add3A_79, %dma_wait3A_143] : memref<200x6x64x1024xf32, #tpu.memory_space<hbm>> -> memref<4x1x1x1024xf32, #tpu.memory_space<hbm>>
    %dma_wait3A_145 = tpu.memref_squeeze %dma_wait3A_144 : memref<4x1x1x1024xf32, #tpu.memory_space<hbm>> -> memref<4x1024xf32, #tpu.memory_space<hbm>>
    %dma_wait3A_146 = arith.constant 196 : i32
    %dma_wait3A_147 = arith.constant 0 : i32
    %dma_wait3A_148 = tpu.memref_slice %arg6[%dma_wait3A_146, %add3A_136, %add3A_79, %dma_wait3A_147] : memref<200x6x64x1024xf32, #tpu.memory_space<hbm>> -> memref<4x1x1x1024xf32, #tpu.memory_space<hbm>>
    %dma_wait3A_149 = tpu.memref_squeeze %dma_wait3A_148 : memref<4x1x1x1024xf32, #tpu.memory_space<hbm>> -> memref<4x1024xf32, #tpu.memory_space<hbm>>
    %dma_wait3A_150 = arith.constant 0 : i32
    %dma_wait3A_151 = arith.constant 0 : i32
    %dma_wait3A_152 = tpu.memref_slice %arg10[%dma_wait3A_137, %dma_wait3A_150, %dma_wait3A_151] : memref<2x4x1024xf32, #tpu.memory_space<vmem>> -> memref<1x4x1024xf32, #tpu.memory_space<vmem>>
    %dma_wait3A_153 = tpu.memref_squeeze %dma_wait3A_152 : memref<1x4x1024xf32, #tpu.memory_space<vmem>> -> memref<4x1024xf32, #tpu.memory_space<vmem>>
    tpu.wait_dma2 semaphore(%arg15 : memref<!tpu.dma_semaphore, #tpu.memory_space<semaphore_mem>>) src(%dma_wait3A_153 : memref<4x1024xf32, #tpu.memory_space<vmem>>) dst(%dma_wait3A_149 : memref<4x1024xf32, #tpu.memory_space<hbm>>)
    %add3A_154 = arith.constant 2 : i32
    %add3A_155 = arith.addi %mul3A_2, %add3A_154 : i32
    "tpu.region"() ({
      %run_scoped3A_601 = tpu.sem_alloc : memref<!tpu.dma_semaphore, #tpu.memory_space<semaphore_mem>>
      %dma_start3A_602 = arith.constant 0 : i32
      %dma_start3A_603 = tpu.memref_slice %arg2[%arg0, %add3A_155, %dma_start3A_602] : memref<2x64x100000xf32, #tpu.memory_space<hbm>> -> memref<1x1x100000xf32, #tpu.memory_space<hbm>>
      %dma_start3A_604 = tpu.memref_squeeze %dma_start3A_603 : memref<1x1x100000xf32, #tpu.memory_space<hbm>> -> memref<100000xf32, #tpu.memory_space<hbm>>
      %dma_start3A_605 = arith.constant 0 : i32
      %dma_start3A_606 = tpu.memref_slice %arg2[%arg0, %add3A_155, %dma_start3A_605] : memref<2x64x100000xf32, #tpu.memory_space<hbm>> -> memref<1x1x100000xf32, #tpu.memory_space<hbm>>
      %dma_start3A_607 = tpu.memref_squeeze %dma_start3A_606 : memref<1x1x100000xf32, #tpu.memory_space<hbm>> -> memref<100000xf32, #tpu.memory_space<hbm>>
      tpu.enqueue_dma source(%dma_start3A_607 : memref<100000xf32, #tpu.memory_space<hbm>>) target(%arg8 : memref<100000xf32, #tpu.memory_space<vmem>>) target_semaphore(%run_scoped3A_601 : memref<!tpu.dma_semaphore, #tpu.memory_space<semaphore_mem>>)
      %dma_wait3A_608 = arith.constant 0 : i32
      %dma_wait3A_609 = tpu.memref_slice %arg2[%arg0, %add3A_155, %dma_wait3A_608] : memref<2x64x100000xf32, #tpu.memory_space<hbm>> -> memref<1x1x100000xf32, #tpu.memory_space<hbm>>
      %dma_wait3A_610 = tpu.memref_squeeze %dma_wait3A_609 : memref<1x1x100000xf32, #tpu.memory_space<hbm>> -> memref<100000xf32, #tpu.memory_space<hbm>>
      %dma_wait3A_611 = arith.constant 0 : i32
      %dma_wait3A_612 = tpu.memref_slice %arg2[%arg0, %add3A_155, %dma_wait3A_611] : memref<2x64x100000xf32, #tpu.memory_space<hbm>> -> memref<1x1x100000xf32, #tpu.memory_space<hbm>>
      %dma_wait3A_613 = tpu.memref_squeeze %dma_wait3A_612 : memref<1x1x100000xf32, #tpu.memory_space<hbm>> -> memref<100000xf32, #tpu.memory_space<hbm>>
      tpu.wait_dma2 semaphore(%run_scoped3A_601 : memref<!tpu.dma_semaphore, #tpu.memory_space<semaphore_mem>>) src(%dma_wait3A_613 : memref<100000xf32, #tpu.memory_space<hbm>>) dst(%arg8 : memref<100000xf32, #tpu.memory_space<vmem>>)
      tpu.yield
    }) : () -> ()
    %dma_start3A_156 = arith.constant 0 : i32
    %dma_start3A_157 = arith.constant 0 : i32
    %dma_start3A_158 = arith.constant 0 : i32
    %dma_start3A_159 = tpu.memref_slice %arg9[%dma_start3A_156, %dma_start3A_157, %dma_start3A_158] : memref<2x4x1024xi32, #tpu.memory_space<vmem>> -> memref<1x4x1024xi32, #tpu.memory_space<vmem>>
    %dma_start3A_160 = tpu.memref_squeeze %dma_start3A_159 : memref<1x4x1024xi32, #tpu.memory_space<vmem>> -> memref<4x1024xi32, #tpu.memory_space<vmem>>
    %dma_start3A_161 = arith.constant 0 : i32
    %dma_start3A_162 = arith.constant 0 : i32
    %dma_start3A_163 = tpu.memref_slice %arg11[%dma_start3A_161, %dma_start3A_162] : memref<200x1024xi32, #tpu.memory_space<vmem_shared>> -> memref<4x1024xi32, #tpu.memory_space<vmem_shared>>
    %dma_start3A_164 = arith.constant 0 : i32
    %dma_start3A_165 = arith.constant 0 : i32
    %dma_start3A_166 = tpu.memref_slice %arg9[%dma_start3A_156, %dma_start3A_164, %dma_start3A_165] : memref<2x4x1024xi32, #tpu.memory_space<vmem>> -> memref<1x4x1024xi32, #tpu.memory_space<vmem>>
    %dma_start3A_167 = tpu.memref_squeeze %dma_start3A_166 : memref<1x4x1024xi32, #tpu.memory_space<vmem>> -> memref<4x1024xi32, #tpu.memory_space<vmem>>
    %dma_start3A_168 = arith.constant 0 : i32
    %dma_start3A_169 = arith.constant 0 : i32
    %dma_start3A_170 = tpu.memref_slice %arg11[%dma_start3A_168, %dma_start3A_169] : memref<200x1024xi32, #tpu.memory_space<vmem_shared>> -> memref<4x1024xi32, #tpu.memory_space<vmem_shared>>
    tpu.enqueue_dma source(%dma_start3A_170 : memref<4x1024xi32, #tpu.memory_space<vmem_shared>>) target(%dma_start3A_167 : memref<4x1024xi32, #tpu.memory_space<vmem>>) target_semaphore(%arg12 : memref<!tpu.dma_semaphore, #tpu.memory_space<semaphore_mem>>)
    %dma_start3A_171 = arith.constant 1 : i32
    %dma_start3A_172 = arith.constant 0 : i32
    %dma_start3A_173 = arith.constant 0 : i32
    %dma_start3A_174 = tpu.memref_slice %arg9[%dma_start3A_171, %dma_start3A_172, %dma_start3A_173] : memref<2x4x1024xi32, #tpu.memory_space<vmem>> -> memref<1x4x1024xi32, #tpu.memory_space<vmem>>
    %dma_start3A_175 = tpu.memref_squeeze %dma_start3A_174 : memref<1x4x1024xi32, #tpu.memory_space<vmem>> -> memref<4x1024xi32, #tpu.memory_space<vmem>>
    %dma_start3A_176 = arith.constant 4 : i32
    %dma_start3A_177 = arith.constant 0 : i32
    %dma_start3A_178 = tpu.memref_slice %arg11[%dma_start3A_176, %dma_start3A_177] : memref<200x1024xi32, #tpu.memory_space<vmem_shared>> -> memref<4x1024xi32, #tpu.memory_space<vmem_shared>>
    %dma_start3A_179 = arith.constant 0 : i32
    %dma_start3A_180 = arith.constant 0 : i32
    %dma_start3A_181 = tpu.memref_slice %arg9[%dma_start3A_171, %dma_start3A_179, %dma_start3A_180] : memref<2x4x1024xi32, #tpu.memory_space<vmem>> -> memref<1x4x1024xi32, #tpu.memory_space<vmem>>
    %dma_start3A_182 = tpu.memref_squeeze %dma_start3A_181 : memref<1x4x1024xi32, #tpu.memory_space<vmem>> -> memref<4x1024xi32, #tpu.memory_space<vmem>>
    %dma_start3A_183 = arith.constant 4 : i32
    %dma_start3A_184 = arith.constant 0 : i32
    %dma_start3A_185 = tpu.memref_slice %arg11[%dma_start3A_183, %dma_start3A_184] : memref<200x1024xi32, #tpu.memory_space<vmem_shared>> -> memref<4x1024xi32, #tpu.memory_space<vmem_shared>>
    tpu.enqueue_dma source(%dma_start3A_185 : memref<4x1024xi32, #tpu.memory_space<vmem_shared>>) target(%dma_start3A_182 : memref<4x1024xi32, #tpu.memory_space<vmem>>) target_semaphore(%arg13 : memref<!tpu.dma_semaphore, #tpu.memory_space<semaphore_mem>>)
    %scan3A_186 = arith.constant 0 : i32
    %scan3A_187 = arith.constant 0 : i32
    %scan3A_188 = arith.constant 25 : i32
    %scan3A_189 = arith.addi %scan3A_187, %scan3A_188 : i32
    %scan3A_190 = arith.constant 1 : i32
    scf.for %scan3A_601 = %scan3A_187 to %scan3A_189 step %scan3A_190  : i32 {
      %mul3A_602 = arith.constant 2 : i32
      %mul3A_603 = arith.muli %mul3A_602, %scan3A_601 : i32
      %add3A_604 = arith.constant 1 : i32
      %add3A_605 = arith.addi %mul3A_603, %add3A_604 : i32
      %mul3A_606 = arith.constant 4 : i32
      %mul3A_607 = arith.muli %mul3A_603, %mul3A_606 : i32
      %dma_wait3A_608 = arith.constant 0 : i32
      %dma_wait3A_609 = arith.constant 0 : i32
      %dma_wait3A_610 = arith.constant 0 : i32
      %dma_wait3A_611 = tpu.memref_slice %arg9[%dma_wait3A_608, %dma_wait3A_609, %dma_wait3A_610] : memref<2x4x1024xi32, #tpu.memory_space<vmem>> -> memref<1x4x1024xi32, #tpu.memory_space<vmem>>
      %dma_wait3A_612 = tpu.memref_squeeze %dma_wait3A_611 : memref<1x4x1024xi32, #tpu.memory_space<vmem>> -> memref<4x1024xi32, #tpu.memory_space<vmem>>
      %dma_wait3A_613 = arith.constant 0 : i32
      %dma_wait3A_614 = tpu.memref_slice %arg11[%mul3A_607, %dma_wait3A_613] : memref<200x1024xi32, #tpu.memory_space<vmem_shared>> -> memref<4x1024xi32, #tpu.memory_space<vmem_shared>>
      %dma_wait3A_615 = arith.constant 0 : i32
      %dma_wait3A_616 = arith.constant 0 : i32
      %dma_wait3A_617 = tpu.memref_slice %arg9[%dma_wait3A_608, %dma_wait3A_615, %dma_wait3A_616] : memref<2x4x1024xi32, #tpu.memory_space<vmem>> -> memref<1x4x1024xi32, #tpu.memory_space<vmem>>
      %dma_wait3A_618 = tpu.memref_squeeze %dma_wait3A_617 : memref<1x4x1024xi32, #tpu.memory_space<vmem>> -> memref<4x1024xi32, #tpu.memory_space<vmem>>
      %dma_wait3A_619 = arith.constant 0 : i32
      %dma_wait3A_620 = tpu.memref_slice %arg11[%mul3A_607, %dma_wait3A_619] : memref<200x1024xi32, #tpu.memory_space<vmem_shared>> -> memref<4x1024xi32, #tpu.memory_space<vmem_shared>>
      tpu.wait_dma2 semaphore(%arg12 : memref<!tpu.dma_semaphore, #tpu.memory_space<semaphore_mem>>) src(%dma_wait3A_620 : memref<4x1024xi32, #tpu.memory_space<vmem_shared>>) dst(%dma_wait3A_618 : memref<4x1024xi32, #tpu.memory_space<vmem>>)
      %gt3A = arith.constant 0 : i32
      %gt3A_621 = arith.cmpi sgt, %scan3A_601, %gt3A : i32
      %convert_element_type3A_622 = arith.extui %gt3A_621 : i1 to i32
      %cond3A_623 = arith.constant 0 : i32
      %cond3A_624 = arith.cmpi ne, %convert_element_type3A_622, %cond3A_623 : i32
      scf.if %cond3A_624 {
        %sub3A_703 = arith.constant 2 : i32
        %sub3A_704 = arith.subi %mul3A_603, %sub3A_703 : i32
        %mul3A_705 = arith.constant 4 : i32
        %mul3A_706 = arith.muli %sub3A_704, %mul3A_705 : i32
        %add3A_707 = arith.constant 4 : i32
        %add3A_708 = arith.addi %add3A_707, %arg0 : i32
        %dma_wait3A_709 = arith.constant 0 : i32
        %dma_wait3A_710 = arith.constant 0 : i32
        %dma_wait3A_711 = arith.constant 0 : i32
        %dma_wait3A_712 = tpu.memref_slice %arg10[%dma_wait3A_709, %dma_wait3A_710, %dma_wait3A_711] : memref<2x4x1024xf32, #tpu.memory_space<vmem>> -> memref<1x4x1024xf32, #tpu.memory_space<vmem>>
        %dma_wait3A_713 = tpu.memref_squeeze %dma_wait3A_712 : memref<1x4x1024xf32, #tpu.memory_space<vmem>> -> memref<4x1024xf32, #tpu.memory_space<vmem>>
        %dma_wait3A_714 = arith.constant 0 : i32
        %dma_wait3A_715 = tpu.memref_slice %arg6[%mul3A_706, %add3A_708, %add3A_155, %dma_wait3A_714] : memref<200x6x64x1024xf32, #tpu.memory_space<hbm>> -> memref<4x1x1x1024xf32, #tpu.memory_space<hbm>>
        %dma_wait3A_716 = tpu.memref_squeeze %dma_wait3A_715 : memref<4x1x1x1024xf32, #tpu.memory_space<hbm>> -> memref<4x1024xf32, #tpu.memory_space<hbm>>
        %dma_wait3A_717 = arith.constant 0 : i32
        %dma_wait3A_718 = tpu.memref_slice %arg6[%mul3A_706, %add3A_708, %add3A_155, %dma_wait3A_717] : memref<200x6x64x1024xf32, #tpu.memory_space<hbm>> -> memref<4x1x1x1024xf32, #tpu.memory_space<hbm>>
        %dma_wait3A_719 = tpu.memref_squeeze %dma_wait3A_718 : memref<4x1x1x1024xf32, #tpu.memory_space<hbm>> -> memref<4x1024xf32, #tpu.memory_space<hbm>>
        %dma_wait3A_720 = arith.constant 0 : i32
        %dma_wait3A_721 = arith.constant 0 : i32
        %dma_wait3A_722 = tpu.memref_slice %arg10[%dma_wait3A_709, %dma_wait3A_720, %dma_wait3A_721] : memref<2x4x1024xf32, #tpu.memory_space<vmem>> -> memref<1x4x1024xf32, #tpu.memory_space<vmem>>
        %dma_wait3A_723 = tpu.memref_squeeze %dma_wait3A_722 : memref<1x4x1024xf32, #tpu.memory_space<vmem>> -> memref<4x1024xf32, #tpu.memory_space<vmem>>
        tpu.wait_dma2 semaphore(%arg14 : memref<!tpu.dma_semaphore, #tpu.memory_space<semaphore_mem>>) src(%dma_wait3A_723 : memref<4x1024xf32, #tpu.memory_space<vmem>>) dst(%dma_wait3A_719 : memref<4x1024xf32, #tpu.memory_space<hbm>>)
      } else {
      }
      %parallel_loop3A_625 = arith.constant 0 : i32
      %parallel_loop3A_626 = arith.constant 1024 : i32
      %parallel_loop3A_627 = arith.constant 16 : i32
      scf.for %parallel_loop3A_703 = %parallel_loop3A_625 to %parallel_loop3A_626 step %parallel_loop3A_627  : i32 {
        %parallel_loop3A_704 = arith.constant 0 : i32
        %parallel_loop3A_705 = arith.constant 0 : i32
        %parallel_loop3A_706 = arith.index_cast %parallel_loop3A_704 : i32 to index
        %parallel_loop3A_707 = arith.index_cast %parallel_loop3A_705 : i32 to index
        %parallel_loop3A_708 = arith.index_cast %parallel_loop3A_703 : i32 to index
        %parallel_loop3A_709 = tpu.vector_load %arg9[%parallel_loop3A_706, %parallel_loop3A_707, %parallel_loop3A_708] {strides = array<i32>} : memref<2x4x1024xi32, #tpu.memory_space<vmem>>, vector<16xi32>,
        %parallel_loop3A_710 = tpu.vector_load_idx %arg8[%parallel_loop3A_709] : memref<100000xf32, #tpu.memory_space<vmem>>[vector<16xi32>], vector<16xf32>,
        %parallel_loop3A_711 = arith.constant 0 : i32
        %parallel_loop3A_712 = arith.constant 0 : i32
        %parallel_loop3A_713 = arith.index_cast %parallel_loop3A_711 : i32 to index
        %parallel_loop3A_714 = arith.index_cast %parallel_loop3A_712 : i32 to index
        %parallel_loop3A_715 = arith.index_cast %parallel_loop3A_703 : i32 to index
        %parallel_loop3A_716 = tpu.vector_load %arg10[%parallel_loop3A_713, %parallel_loop3A_714, %parallel_loop3A_715] {strides = array<i32>} : memref<2x4x1024xf32, #tpu.memory_space<vmem>>, vector<16xf32>,
        tpu.vector_store %arg10[%parallel_loop3A_713, %parallel_loop3A_714, %parallel_loop3A_715], %parallel_loop3A_710 {strides = array<i32>} : memref<2x4x1024xf32, #tpu.memory_space<vmem>>, vector<16xf32>,
        %parallel_loop3A_717 = arith.constant 0 : i32
        %parallel_loop3A_718 = arith.constant 1 : i32
        %parallel_loop3A_719 = arith.index_cast %parallel_loop3A_717 : i32 to index
        %parallel_loop3A_720 = arith.index_cast %parallel_loop3A_718 : i32 to index
        %parallel_loop3A_721 = arith.index_cast %parallel_loop3A_703 : i32 to index
        %parallel_loop3A_722 = tpu.vector_load %arg9[%parallel_loop3A_719, %parallel_loop3A_720, %parallel_loop3A_721] {strides = array<i32>} : memref<2x4x1024xi32, #tpu.memory_space<vmem>>, vector<16xi32>,
        %parallel_loop3A_723 = tpu.vector_load_idx %arg8[%parallel_loop3A_722] : memref<100000xf32, #tpu.memory_space<vmem>>[vector<16xi32>], vector<16xf32>,
        %parallel_loop3A_724 = arith.constant 0 : i32
        %parallel_loop3A_725 = arith.constant 1 : i32
        %parallel_loop3A_726 = arith.index_cast %parallel_loop3A_724 : i32 to index
        %parallel_loop3A_727 = arith.index_cast %parallel_loop3A_725 : i32 to index
        %parallel_loop3A_728 = arith.index_cast %parallel_loop3A_703 : i32 to index
        %parallel_loop3A_729 = tpu.vector_load %arg10[%parallel_loop3A_726, %parallel_loop3A_727, %parallel_loop3A_728] {strides = array<i32>} : memref<2x4x1024xf32, #tpu.memory_space<vmem>>, vector<16xf32>,
        tpu.vector_store %arg10[%parallel_loop3A_726, %parallel_loop3A_727, %parallel_loop3A_728], %parallel_loop3A_723 {strides = array<i32>} : memref<2x4x1024xf32, #tpu.memory_space<vmem>>, vector<16xf32>,
        %parallel_loop3A_730 = arith.constant 0 : i32
        %parallel_loop3A_731 = arith.constant 2 : i32
        %parallel_loop3A_732 = arith.index_cast %parallel_loop3A_730 : i32 to index
        %parallel_loop3A_733 = arith.index_cast %parallel_loop3A_731 : i32 to index
        %parallel_loop3A_734 = arith.index_cast %parallel_loop3A_703 : i32 to index
        %parallel_loop3A_735 = tpu.vector_load %arg9[%parallel_loop3A_732, %parallel_loop3A_733, %parallel_loop3A_734] {strides = array<i32>} : memref<2x4x1024xi32, #tpu.memory_space<vmem>>, vector<16xi32>,
        %parallel_loop3A_736 = tpu.vector_load_idx %arg8[%parallel_loop3A_735] : memref<100000xf32, #tpu.memory_space<vmem>>[vector<16xi32>], vector<16xf32>,
        %parallel_loop3A_737 = arith.constant 0 : i32
        %parallel_loop3A_738 = arith.constant 2 : i32
        %parallel_loop3A_739 = arith.index_cast %parallel_loop3A_737 : i32 to index
        %parallel_loop3A_740 = arith.index_cast %parallel_loop3A_738 : i32 to index
        %parallel_loop3A_741 = arith.index_cast %parallel_loop3A_703 : i32 to index
        %parallel_loop3A_742 = tpu.vector_load %arg10[%parallel_loop3A_739, %parallel_loop3A_740, %parallel_loop3A_741] {strides = array<i32>} : memref<2x4x1024xf32, #tpu.memory_space<vmem>>, vector<16xf32>,
        tpu.vector_store %arg10[%parallel_loop3A_739, %parallel_loop3A_740, %parallel_loop3A_741], %parallel_loop3A_736 {strides = array<i32>} : memref<2x4x1024xf32, #tpu.memory_space<vmem>>, vector<16xf32>,
        %parallel_loop3A_743 = arith.constant 0 : i32
        %parallel_loop3A_744 = arith.constant 3 : i32
        %parallel_loop3A_745 = arith.index_cast %parallel_loop3A_743 : i32 to index
        %parallel_loop3A_746 = arith.index_cast %parallel_loop3A_744 : i32 to index
        %parallel_loop3A_747 = arith.index_cast %parallel_loop3A_703 : i32 to index
        %parallel_loop3A_748 = tpu.vector_load %arg9[%parallel_loop3A_745, %parallel_loop3A_746, %parallel_loop3A_747] {strides = array<i32>} : memref<2x4x1024xi32, #tpu.memory_space<vmem>>, vector<16xi32>,
        %parallel_loop3A_749 = tpu.vector_load_idx %arg8[%parallel_loop3A_748] : memref<100000xf32, #tpu.memory_space<vmem>>[vector<16xi32>], vector<16xf32>,
        %parallel_loop3A_750 = arith.constant 0 : i32
        %parallel_loop3A_751 = arith.constant 3 : i32
        %parallel_loop3A_752 = arith.index_cast %parallel_loop3A_750 : i32 to index
        %parallel_loop3A_753 = arith.index_cast %parallel_loop3A_751 : i32 to index
        %parallel_loop3A_754 = arith.index_cast %parallel_loop3A_703 : i32 to index
        %parallel_loop3A_755 = tpu.vector_load %arg10[%parallel_loop3A_752, %parallel_loop3A_753, %parallel_loop3A_754] {strides = array<i32>} : memref<2x4x1024xf32, #tpu.memory_space<vmem>>, vector<16xf32>,
        tpu.vector_store %arg10[%parallel_loop3A_752, %parallel_loop3A_753, %parallel_loop3A_754], %parallel_loop3A_749 {strides = array<i32>} : memref<2x4x1024xf32, #tpu.memory_space<vmem>>, vector<16xf32>,
      } {sc.loop_unroll_factor = 8 : i64, sc.parallel_access}
      %mul3A_628 = arith.constant 4 : i32
      %mul3A_629 = arith.muli %mul3A_603, %mul3A_628 : i32
      %add3A_630 = arith.constant 4 : i32
      %add3A_631 = arith.addi %add3A_630, %arg0 : i32
      %dma_start3A_632 = arith.constant 0 : i32
      %dma_start3A_633 = arith.constant 0 : i32
      %dma_start3A_634 = arith.constant 0 : i32
      %dma_start3A_635 = tpu.memref_slice %arg10[%dma_start3A_632, %dma_start3A_633, %dma_start3A_634] : memref<2x4x1024xf32, #tpu.memory_space<vmem>> -> memref<1x4x1024xf32, #tpu.memory_space<vmem>>
      %dma_start3A_636 = tpu.memref_squeeze %dma_start3A_635 : memref<1x4x1024xf32, #tpu.memory_space<vmem>> -> memref<4x1024xf32, #tpu.memory_space<vmem>>
      %dma_start3A_637 = arith.constant 0 : i32
      %dma_start3A_638 = tpu.memref_slice %arg6[%mul3A_629, %add3A_631, %add3A_155, %dma_start3A_637] : memref<200x6x64x1024xf32, #tpu.memory_space<hbm>> -> memref<4x1x1x1024xf32, #tpu.memory_space<hbm>>
      %dma_start3A_639 = tpu.memref_squeeze %dma_start3A_638 : memref<4x1x1x1024xf32, #tpu.memory_space<hbm>> -> memref<4x1024xf32, #tpu.memory_space<hbm>>
      %dma_start3A_640 = arith.constant 0 : i32
      %dma_start3A_641 = tpu.memref_slice %arg6[%mul3A_629, %add3A_631, %add3A_155, %dma_start3A_640] : memref<200x6x64x1024xf32, #tpu.memory_space<hbm>> -> memref<4x1x1x1024xf32, #tpu.memory_space<hbm>>
      %dma_start3A_642 = tpu.memref_squeeze %dma_start3A_641 : memref<4x1x1x1024xf32, #tpu.memory_space<hbm>> -> memref<4x1024xf32, #tpu.memory_space<hbm>>
      %dma_start3A_643 = arith.constant 0 : i32
      %dma_start3A_644 = arith.constant 0 : i32
      %dma_start3A_645 = tpu.memref_slice %arg10[%dma_start3A_632, %dma_start3A_643, %dma_start3A_644] : memref<2x4x1024xf32, #tpu.memory_space<vmem>> -> memref<1x4x1024xf32, #tpu.memory_space<vmem>>
      %dma_start3A_646 = tpu.memref_squeeze %dma_start3A_645 : memref<1x4x1024xf32, #tpu.memory_space<vmem>> -> memref<4x1024xf32, #tpu.memory_space<vmem>>
      tpu.enqueue_dma source(%dma_start3A_646 : memref<4x1024xf32, #tpu.memory_space<vmem>>) target(%dma_start3A_642 : memref<4x1024xf32, #tpu.memory_space<hbm>>) target_semaphore(%arg14 : memref<!tpu.dma_semaphore, #tpu.memory_space<semaphore_mem>>)
      %add3A_647 = arith.constant 2 : i32
      %add3A_648 = arith.addi %mul3A_603, %add3A_647 : i32
      %lt3A_649 = arith.constant 50 : i32
      %lt3A_650 = arith.cmpi slt, %add3A_648, %lt3A_649 : i32
      %convert_element_type3A_651 = arith.extui %lt3A_650 : i1 to i32
      %cond3A_652 = arith.constant 0 : i32
      %cond3A_653 = arith.cmpi ne, %convert_element_type3A_651, %cond3A_652 : i32
      scf.if %cond3A_653 {
        %add3A_703 = arith.constant 2 : i32
        %add3A_704 = arith.addi %mul3A_603, %add3A_703 : i32
        %mul3A_705 = arith.constant 4 : i32
        %mul3A_706 = arith.muli %add3A_704, %mul3A_705 : i32
        %dma_start3A_707 = arith.constant 0 : i32
        %dma_start3A_708 = arith.constant 0 : i32
        %dma_start3A_709 = arith.constant 0 : i32
        %dma_start3A_710 = tpu.memref_slice %arg9[%dma_start3A_707, %dma_start3A_708, %dma_start3A_709] : memref<2x4x1024xi32, #tpu.memory_space<vmem>> -> memref<1x4x1024xi32, #tpu.memory_space<vmem>>
        %dma_start3A_711 = tpu.memref_squeeze %dma_start3A_710 : memref<1x4x1024xi32, #tpu.memory_space<vmem>> -> memref<4x1024xi32, #tpu.memory_space<vmem>>
        %dma_start3A_712 = arith.constant 0 : i32
        %dma_start3A_713 = tpu.memref_slice %arg11[%mul3A_706, %dma_start3A_712] : memref<200x1024xi32, #tpu.memory_space<vmem_shared>> -> memref<4x1024xi32, #tpu.memory_space<vmem_shared>>
        %dma_start3A_714 = arith.constant 0 : i32
        %dma_start3A_715 = arith.constant 0 : i32
        %dma_start3A_716 = tpu.memref_slice %arg9[%dma_start3A_707, %dma_start3A_714, %dma_start3A_715] : memref<2x4x1024xi32, #tpu.memory_space<vmem>> -> memref<1x4x1024xi32, #tpu.memory_space<vmem>>
        %dma_start3A_717 = tpu.memref_squeeze %dma_start3A_716 : memref<1x4x1024xi32, #tpu.memory_space<vmem>> -> memref<4x1024xi32, #tpu.memory_space<vmem>>
        %dma_start3A_718 = arith.constant 0 : i32
        %dma_start3A_719 = tpu.memref_slice %arg11[%mul3A_706, %dma_start3A_718] : memref<200x1024xi32, #tpu.memory_space<vmem_shared>> -> memref<4x1024xi32, #tpu.memory_space<vmem_shared>>
        tpu.enqueue_dma source(%dma_start3A_719 : memref<4x1024xi32, #tpu.memory_space<vmem_shared>>) target(%dma_start3A_717 : memref<4x1024xi32, #tpu.memory_space<vmem>>) target_semaphore(%arg12 : memref<!tpu.dma_semaphore, #tpu.memory_space<semaphore_mem>>)
      } else {
      }
      %mul3A_654 = arith.constant 4 : i32
      %mul3A_655 = arith.muli %add3A_605, %mul3A_654 : i32
      %dma_wait3A_656 = arith.constant 1 : i32
      %dma_wait3A_657 = arith.constant 0 : i32
      %dma_wait3A_658 = arith.constant 0 : i32
      %dma_wait3A_659 = tpu.memref_slice %arg9[%dma_wait3A_656, %dma_wait3A_657, %dma_wait3A_658] : memref<2x4x1024xi32, #tpu.memory_space<vmem>> -> memref<1x4x1024xi32, #tpu.memory_space<vmem>>
      %dma_wait3A_660 = tpu.memref_squeeze %dma_wait3A_659 : memref<1x4x1024xi32, #tpu.memory_space<vmem>> -> memref<4x1024xi32, #tpu.memory_space<vmem>>
      %dma_wait3A_661 = arith.constant 0 : i32
      %dma_wait3A_662 = tpu.memref_slice %arg11[%mul3A_655, %dma_wait3A_661] : memref<200x1024xi32, #tpu.memory_space<vmem_shared>> -> memref<4x1024xi32, #tpu.memory_space<vmem_shared>>
      %dma_wait3A_663 = arith.constant 0 : i32
      %dma_wait3A_664 = arith.constant 0 : i32
      %dma_wait3A_665 = tpu.memref_slice %arg9[%dma_wait3A_656, %dma_wait3A_663, %dma_wait3A_664] : memref<2x4x1024xi32, #tpu.memory_space<vmem>> -> memref<1x4x1024xi32, #tpu.memory_space<vmem>>
      %dma_wait3A_666 = tpu.memref_squeeze %dma_wait3A_665 : memref<1x4x1024xi32, #tpu.memory_space<vmem>> -> memref<4x1024xi32, #tpu.memory_space<vmem>>
      %dma_wait3A_667 = arith.constant 0 : i32
      %dma_wait3A_668 = tpu.memref_slice %arg11[%mul3A_655, %dma_wait3A_667] : memref<200x1024xi32, #tpu.memory_space<vmem_shared>> -> memref<4x1024xi32, #tpu.memory_space<vmem_shared>>
      tpu.wait_dma2 semaphore(%arg13 : memref<!tpu.dma_semaphore, #tpu.memory_space<semaphore_mem>>) src(%dma_wait3A_668 : memref<4x1024xi32, #tpu.memory_space<vmem_shared>>) dst(%dma_wait3A_666 : memref<4x1024xi32, #tpu.memory_space<vmem>>)
      %gt3A_669 = arith.constant 0 : i32
      %gt3A_670 = arith.cmpi sgt, %scan3A_601, %gt3A_669 : i32
      %convert_element_type3A_671 = arith.extui %gt3A_670 : i1 to i32
      %cond3A_672 = arith.constant 0 : i32
      %cond3A_673 = arith.cmpi ne, %convert_element_type3A_671, %cond3A_672 : i32
      scf.if %cond3A_673 {
        %sub3A_703 = arith.constant 2 : i32
        %sub3A_704 = arith.subi %add3A_605, %sub3A_703 : i32
        %mul3A_705 = arith.constant 4 : i32
        %mul3A_706 = arith.muli %sub3A_704, %mul3A_705 : i32
        %add3A_707 = arith.constant 4 : i32
        %add3A_708 = arith.addi %add3A_707, %arg0 : i32
        %dma_wait3A_709 = arith.constant 1 : i32
        %dma_wait3A_710 = arith.constant 0 : i32
        %dma_wait3A_711 = arith.constant 0 : i32
        %dma_wait3A_712 = tpu.memref_slice %arg10[%dma_wait3A_709, %dma_wait3A_710, %dma_wait3A_711] : memref<2x4x1024xf32, #tpu.memory_space<vmem>> -> memref<1x4x1024xf32, #tpu.memory_space<vmem>>
        %dma_wait3A_713 = tpu.memref_squeeze %dma_wait3A_712 : memref<1x4x1024xf32, #tpu.memory_space<vmem>> -> memref<4x1024xf32, #tpu.memory_space<vmem>>
        %dma_wait3A_714 = arith.constant 0 : i32
        %dma_wait3A_715 = tpu.memref_slice %arg6[%mul3A_706, %add3A_708, %add3A_155, %dma_wait3A_714] : memref<200x6x64x1024xf32, #tpu.memory_space<hbm>> -> memref<4x1x1x1024xf32, #tpu.memory_space<hbm>>
        %dma_wait3A_716 = tpu.memref_squeeze %dma_wait3A_715 : memref<4x1x1x1024xf32, #tpu.memory_space<hbm>> -> memref<4x1024xf32, #tpu.memory_space<hbm>>
        %dma_wait3A_717 = arith.constant 0 : i32
        %dma_wait3A_718 = tpu.memref_slice %arg6[%mul3A_706, %add3A_708, %add3A_155, %dma_wait3A_717] : memref<200x6x64x1024xf32, #tpu.memory_space<hbm>> -> memref<4x1x1x1024xf32, #tpu.memory_space<hbm>>
        %dma_wait3A_719 = tpu.memref_squeeze %dma_wait3A_718 : memref<4x1x1x1024xf32, #tpu.memory_space<hbm>> -> memref<4x1024xf32, #tpu.memory_space<hbm>>
        %dma_wait3A_720 = arith.constant 0 : i32
        %dma_wait3A_721 = arith.constant 0 : i32
        %dma_wait3A_722 = tpu.memref_slice %arg10[%dma_wait3A_709, %dma_wait3A_720, %dma_wait3A_721] : memref<2x4x1024xf32, #tpu.memory_space<vmem>> -> memref<1x4x1024xf32, #tpu.memory_space<vmem>>
        %dma_wait3A_723 = tpu.memref_squeeze %dma_wait3A_722 : memref<1x4x1024xf32, #tpu.memory_space<vmem>> -> memref<4x1024xf32, #tpu.memory_space<vmem>>
        tpu.wait_dma2 semaphore(%arg15 : memref<!tpu.dma_semaphore, #tpu.memory_space<semaphore_mem>>) src(%dma_wait3A_723 : memref<4x1024xf32, #tpu.memory_space<vmem>>) dst(%dma_wait3A_719 : memref<4x1024xf32, #tpu.memory_space<hbm>>)
      } else {
      }
      %parallel_loop3A_674 = arith.constant 0 : i32
      %parallel_loop3A_675 = arith.constant 1024 : i32
      %parallel_loop3A_676 = arith.constant 16 : i32
      scf.for %parallel_loop3A_703 = %parallel_loop3A_674 to %parallel_loop3A_675 step %parallel_loop3A_676  : i32 {
        %parallel_loop3A_704 = arith.constant 1 : i32
        %parallel_loop3A_705 = arith.constant 0 : i32
        %parallel_loop3A_706 = arith.index_cast %parallel_loop3A_704 : i32 to index
        %parallel_loop3A_707 = arith.index_cast %parallel_loop3A_705 : i32 to index
        %parallel_loop3A_708 = arith.index_cast %parallel_loop3A_703 : i32 to index
        %parallel_loop3A_709 = tpu.vector_load %arg9[%parallel_loop3A_706, %parallel_loop3A_707, %parallel_loop3A_708] {strides = array<i32>} : memref<2x4x1024xi32, #tpu.memory_space<vmem>>, vector<16xi32>,
        %parallel_loop3A_710 = tpu.vector_load_idx %arg8[%parallel_loop3A_709] : memref<100000xf32, #tpu.memory_space<vmem>>[vector<16xi32>], vector<16xf32>,
        %parallel_loop3A_711 = arith.constant 1 : i32
        %parallel_loop3A_712 = arith.constant 0 : i32
        %parallel_loop3A_713 = arith.index_cast %parallel_loop3A_711 : i32 to index
        %parallel_loop3A_714 = arith.index_cast %parallel_loop3A_712 : i32 to index
        %parallel_loop3A_715 = arith.index_cast %parallel_loop3A_703 : i32 to index
        %parallel_loop3A_716 = tpu.vector_load %arg10[%parallel_loop3A_713, %parallel_loop3A_714, %parallel_loop3A_715] {strides = array<i32>} : memref<2x4x1024xf32, #tpu.memory_space<vmem>>, vector<16xf32>,
        tpu.vector_store %arg10[%parallel_loop3A_713, %parallel_loop3A_714, %parallel_loop3A_715], %parallel_loop3A_710 {strides = array<i32>} : memref<2x4x1024xf32, #tpu.memory_space<vmem>>, vector<16xf32>,
        %parallel_loop3A_717 = arith.constant 1 : i32
        %parallel_loop3A_718 = arith.constant 1 : i32
        %parallel_loop3A_719 = arith.index_cast %parallel_loop3A_717 : i32 to index
        %parallel_loop3A_720 = arith.index_cast %parallel_loop3A_718 : i32 to index
        %parallel_loop3A_721 = arith.index_cast %parallel_loop3A_703 : i32 to index
        %parallel_loop3A_722 = tpu.vector_load %arg9[%parallel_loop3A_719, %parallel_loop3A_720, %parallel_loop3A_721] {strides = array<i32>} : memref<2x4x1024xi32, #tpu.memory_space<vmem>>, vector<16xi32>,
        %parallel_loop3A_723 = tpu.vector_load_idx %arg8[%parallel_loop3A_722] : memref<100000xf32, #tpu.memory_space<vmem>>[vector<16xi32>], vector<16xf32>,
        %parallel_loop3A_724 = arith.constant 1 : i32
        %parallel_loop3A_725 = arith.constant 1 : i32
        %parallel_loop3A_726 = arith.index_cast %parallel_loop3A_724 : i32 to index
        %parallel_loop3A_727 = arith.index_cast %parallel_loop3A_725 : i32 to index
        %parallel_loop3A_728 = arith.index_cast %parallel_loop3A_703 : i32 to index
        %parallel_loop3A_729 = tpu.vector_load %arg10[%parallel_loop3A_726, %parallel_loop3A_727, %parallel_loop3A_728] {strides = array<i32>} : memref<2x4x1024xf32, #tpu.memory_space<vmem>>, vector<16xf32>,
        tpu.vector_store %arg10[%parallel_loop3A_726, %parallel_loop3A_727, %parallel_loop3A_728], %parallel_loop3A_723 {strides = array<i32>} : memref<2x4x1024xf32, #tpu.memory_space<vmem>>, vector<16xf32>,
        %parallel_loop3A_730 = arith.constant 1 : i32
        %parallel_loop3A_731 = arith.constant 2 : i32
        %parallel_loop3A_732 = arith.index_cast %parallel_loop3A_730 : i32 to index
        %parallel_loop3A_733 = arith.index_cast %parallel_loop3A_731 : i32 to index
        %parallel_loop3A_734 = arith.index_cast %parallel_loop3A_703 : i32 to index
        %parallel_loop3A_735 = tpu.vector_load %arg9[%parallel_loop3A_732, %parallel_loop3A_733, %parallel_loop3A_734] {strides = array<i32>} : memref<2x4x1024xi32, #tpu.memory_space<vmem>>, vector<16xi32>,
        %parallel_loop3A_736 = tpu.vector_load_idx %arg8[%parallel_loop3A_735] : memref<100000xf32, #tpu.memory_space<vmem>>[vector<16xi32>], vector<16xf32>,
        %parallel_loop3A_737 = arith.constant 1 : i32
        %parallel_loop3A_738 = arith.constant 2 : i32
        %parallel_loop3A_739 = arith.index_cast %parallel_loop3A_737 : i32 to index
        %parallel_loop3A_740 = arith.index_cast %parallel_loop3A_738 : i32 to index
        %parallel_loop3A_741 = arith.index_cast %parallel_loop3A_703 : i32 to index
        %parallel_loop3A_742 = tpu.vector_load %arg10[%parallel_loop3A_739, %parallel_loop3A_740, %parallel_loop3A_741] {strides = array<i32>} : memref<2x4x1024xf32, #tpu.memory_space<vmem>>, vector<16xf32>,
        tpu.vector_store %arg10[%parallel_loop3A_739, %parallel_loop3A_740, %parallel_loop3A_741], %parallel_loop3A_736 {strides = array<i32>} : memref<2x4x1024xf32, #tpu.memory_space<vmem>>, vector<16xf32>,
        %parallel_loop3A_743 = arith.constant 1 : i32
        %parallel_loop3A_744 = arith.constant 3 : i32
        %parallel_loop3A_745 = arith.index_cast %parallel_loop3A_743 : i32 to index
        %parallel_loop3A_746 = arith.index_cast %parallel_loop3A_744 : i32 to index
        %parallel_loop3A_747 = arith.index_cast %parallel_loop3A_703 : i32 to index
        %parallel_loop3A_748 = tpu.vector_load %arg9[%parallel_loop3A_745, %parallel_loop3A_746, %parallel_loop3A_747] {strides = array<i32>} : memref<2x4x1024xi32, #tpu.memory_space<vmem>>, vector<16xi32>,
        %parallel_loop3A_749 = tpu.vector_load_idx %arg8[%parallel_loop3A_748] : memref<100000xf32, #tpu.memory_space<vmem>>[vector<16xi32>], vector<16xf32>,
        %parallel_loop3A_750 = arith.constant 1 : i32
        %parallel_loop3A_751 = arith.constant 3 : i32
        %parallel_loop3A_752 = arith.index_cast %parallel_loop3A_750 : i32 to index
        %parallel_loop3A_753 = arith.index_cast %parallel_loop3A_751 : i32 to index
        %parallel_loop3A_754 = arith.index_cast %parallel_loop3A_703 : i32 to index
        %parallel_loop3A_755 = tpu.vector_load %arg10[%parallel_loop3A_752, %parallel_loop3A_753, %parallel_loop3A_754] {strides = array<i32>} : memref<2x4x1024xf32, #tpu.memory_space<vmem>>, vector<16xf32>,
        tpu.vector_store %arg10[%parallel_loop3A_752, %parallel_loop3A_753, %parallel_loop3A_754], %parallel_loop3A_749 {strides = array<i32>} : memref<2x4x1024xf32, #tpu.memory_space<vmem>>, vector<16xf32>,
      } {sc.loop_unroll_factor = 8 : i64, sc.parallel_access}
      %mul3A_677 = arith.constant 4 : i32
      %mul3A_678 = arith.muli %add3A_605, %mul3A_677 : i32
      %add3A_679 = arith.constant 4 : i32
      %add3A_680 = arith.addi %add3A_679, %arg0 : i32
      %dma_start3A_681 = arith.constant 1 : i32
      %dma_start3A_682 = arith.constant 0 : i32
      %dma_start3A_683 = arith.constant 0 : i32
      %dma_start3A_684 = tpu.memref_slice %arg10[%dma_start3A_681, %dma_start3A_682, %dma_start3A_683] : memref<2x4x1024xf32, #tpu.memory_space<vmem>> -> memref<1x4x1024xf32, #tpu.memory_space<vmem>>
      %dma_start3A_685 = tpu.memref_squeeze %dma_start3A_684 : memref<1x4x1024xf32, #tpu.memory_space<vmem>> -> memref<4x1024xf32, #tpu.memory_space<vmem>>
      %dma_start3A_686 = arith.constant 0 : i32
      %dma_start3A_687 = tpu.memref_slice %arg6[%mul3A_678, %add3A_680, %add3A_155, %dma_start3A_686] : memref<200x6x64x1024xf32, #tpu.memory_space<hbm>> -> memref<4x1x1x1024xf32, #tpu.memory_space<hbm>>
      %dma_start3A_688 = tpu.memref_squeeze %dma_start3A_687 : memref<4x1x1x1024xf32, #tpu.memory_space<hbm>> -> memref<4x1024xf32, #tpu.memory_space<hbm>>
      %dma_start3A_689 = arith.constant 0 : i32
      %dma_start3A_690 = tpu.memref_slice %arg6[%mul3A_678, %add3A_680, %add3A_155, %dma_start3A_689] : memref<200x6x64x1024xf32, #tpu.memory_space<hbm>> -> memref<4x1x1x1024xf32, #tpu.memory_space<hbm>>
      %dma_start3A_691 = tpu.memref_squeeze %dma_start3A_690 : memref<4x1x1x1024xf32, #tpu.memory_space<hbm>> -> memref<4x1024xf32, #tpu.memory_space<hbm>>
      %dma_start3A_692 = arith.constant 0 : i32
      %dma_start3A_693 = arith.constant 0 : i32
      %dma_start3A_694 = tpu.memref_slice %arg10[%dma_start3A_681, %dma_start3A_692, %dma_start3A_693] : memref<2x4x1024xf32, #tpu.memory_space<vmem>> -> memref<1x4x1024xf32, #tpu.memory_space<vmem>>
      %dma_start3A_695 = tpu.memref_squeeze %dma_start3A_694 : memref<1x4x1024xf32, #tpu.memory_space<vmem>> -> memref<4x1024xf32, #tpu.memory_space<vmem>>
      tpu.enqueue_dma source(%dma_start3A_695 : memref<4x1024xf32, #tpu.memory_space<vmem>>) target(%dma_start3A_691 : memref<4x1024xf32, #tpu.memory_space<hbm>>) target_semaphore(%arg15 : memref<!tpu.dma_semaphore, #tpu.memory_space<semaphore_mem>>)
      %add3A_696 = arith.constant 2 : i32
      %add3A_697 = arith.addi %add3A_605, %add3A_696 : i32
      %lt3A_698 = arith.constant 50 : i32
      %lt3A_699 = arith.cmpi slt, %add3A_697, %lt3A_698 : i32
      %convert_element_type3A_700 = arith.extui %lt3A_699 : i1 to i32
      %cond3A_701 = arith.constant 0 : i32
      %cond3A_702 = arith.cmpi ne, %convert_element_type3A_700, %cond3A_701 : i32
      scf.if %cond3A_702 {
        %add3A_703 = arith.constant 2 : i32
        %add3A_704 = arith.addi %add3A_605, %add3A_703 : i32
        %mul3A_705 = arith.constant 4 : i32
        %mul3A_706 = arith.muli %add3A_704, %mul3A_705 : i32
        %dma_start3A_707 = arith.constant 1 : i32
        %dma_start3A_708 = arith.constant 0 : i32
        %dma_start3A_709 = arith.constant 0 : i32
        %dma_start3A_710 = tpu.memref_slice %arg9[%dma_start3A_707, %dma_start3A_708, %dma_start3A_709] : memref<2x4x1024xi32, #tpu.memory_space<vmem>> -> memref<1x4x1024xi32, #tpu.memory_space<vmem>>
        %dma_start3A_711 = tpu.memref_squeeze %dma_start3A_710 : memref<1x4x1024xi32, #tpu.memory_space<vmem>> -> memref<4x1024xi32, #tpu.memory_space<vmem>>
        %dma_start3A_712 = arith.constant 0 : i32
        %dma_start3A_713 = tpu.memref_slice %arg11[%mul3A_706, %dma_start3A_712] : memref<200x1024xi32, #tpu.memory_space<vmem_shared>> -> memref<4x1024xi32, #tpu.memory_space<vmem_shared>>
        %dma_start3A_714 = arith.constant 0 : i32
        %dma_start3A_715 = arith.constant 0 : i32
        %dma_start3A_716 = tpu.memref_slice %arg9[%dma_start3A_707, %dma_start3A_714, %dma_start3A_715] : memref<2x4x1024xi32, #tpu.memory_space<vmem>> -> memref<1x4x1024xi32, #tpu.memory_space<vmem>>
        %dma_start3A_717 = tpu.memref_squeeze %dma_start3A_716 : memref<1x4x1024xi32, #tpu.memory_space<vmem>> -> memref<4x1024xi32, #tpu.memory_space<vmem>>
        %dma_start3A_718 = arith.constant 0 : i32
        %dma_start3A_719 = tpu.memref_slice %arg11[%mul3A_706, %dma_start3A_718] : memref<200x1024xi32, #tpu.memory_space<vmem_shared>> -> memref<4x1024xi32, #tpu.memory_space<vmem_shared>>
        tpu.enqueue_dma source(%dma_start3A_719 : memref<4x1024xi32, #tpu.memory_space<vmem_shared>>) target(%dma_start3A_717 : memref<4x1024xi32, #tpu.memory_space<vmem>>) target_semaphore(%arg13 : memref<!tpu.dma_semaphore, #tpu.memory_space<semaphore_mem>>)
      } else {
      }
    }
    %scan3A_191 = arith.constant 25 : i32
    %add3A_192 = arith.constant 4 : i32
    %add3A_193 = arith.addi %add3A_192, %arg0 : i32
    %dma_wait3A_194 = arith.constant 0 : i32
    %dma_wait3A_195 = arith.constant 0 : i32
    %dma_wait3A_196 = arith.constant 0 : i32
    %dma_wait3A_197 = tpu.memref_slice %arg10[%dma_wait3A_194, %dma_wait3A_195, %dma_wait3A_196] : memref<2x4x1024xf32, #tpu.memory_space<vmem>> -> memref<1x4x1024xf32, #tpu.memory_space<vmem>>
    %dma_wait3A_198 = tpu.memref_squeeze %dma_wait3A_197 : memref<1x4x1024xf32, #tpu.memory_space<vmem>> -> memref<4x1024xf32, #tpu.memory_space<vmem>>
    %dma_wait3A_199 = arith.constant 192 : i32
    %dma_wait3A_200 = arith.constant 0 : i32
    %dma_wait3A_201 = tpu.memref_slice %arg6[%dma_wait3A_199, %add3A_193, %add3A_155, %dma_wait3A_200] : memref<200x6x64x1024xf32, #tpu.memory_space<hbm>> -> memref<4x1x1x1024xf32, #tpu.memory_space<hbm>>
    %dma_wait3A_202 = tpu.memref_squeeze %dma_wait3A_201 : memref<4x1x1x1024xf32, #tpu.memory_space<hbm>> -> memref<4x1024xf32, #tpu.memory_space<hbm>>
    %dma_wait3A_203 = arith.constant 192 : i32
    %dma_wait3A_204 = arith.constant 0 : i32
    %dma_wait3A_205 = tpu.memref_slice %arg6[%dma_wait3A_203, %add3A_193, %add3A_155, %dma_wait3A_204] : memref<200x6x64x1024xf32, #tpu.memory_space<hbm>> -> memref<4x1x1x1024xf32, #tpu.memory_space<hbm>>
    %dma_wait3A_206 = tpu.memref_squeeze %dma_wait3A_205 : memref<4x1x1x1024xf32, #tpu.memory_space<hbm>> -> memref<4x1024xf32, #tpu.memory_space<hbm>>
    %dma_wait3A_207 = arith.constant 0 : i32
    %dma_wait3A_208 = arith.constant 0 : i32
    %dma_wait3A_209 = tpu.memref_slice %arg10[%dma_wait3A_194, %dma_wait3A_207, %dma_wait3A_208] : memref<2x4x1024xf32, #tpu.memory_space<vmem>> -> memref<1x4x1024xf32, #tpu.memory_space<vmem>>
    %dma_wait3A_210 = tpu.memref_squeeze %dma_wait3A_209 : memref<1x4x1024xf32, #tpu.memory_space<vmem>> -> memref<4x1024xf32, #tpu.memory_space<vmem>>
    tpu.wait_dma2 semaphore(%arg14 : memref<!tpu.dma_semaphore, #tpu.memory_space<semaphore_mem>>) src(%dma_wait3A_210 : memref<4x1024xf32, #tpu.memory_space<vmem>>) dst(%dma_wait3A_206 : memref<4x1024xf32, #tpu.memory_space<hbm>>)
    %add3A_211 = arith.constant 4 : i32
    %add3A_212 = arith.addi %add3A_211, %arg0 : i32
    %dma_wait3A_213 = arith.constant 1 : i32
    %dma_wait3A_214 = arith.constant 0 : i32
    %dma_wait3A_215 = arith.constant 0 : i32
    %dma_wait3A_216 = tpu.memref_slice %arg10[%dma_wait3A_213, %dma_wait3A_214, %dma_wait3A_215] : memref<2x4x1024xf32, #tpu.memory_space<vmem>> -> memref<1x4x1024xf32, #tpu.memory_space<vmem>>
    %dma_wait3A_217 = tpu.memref_squeeze %dma_wait3A_216 : memref<1x4x1024xf32, #tpu.memory_space<vmem>> -> memref<4x1024xf32, #tpu.memory_space<vmem>>
    %dma_wait3A_218 = arith.constant 196 : i32
    %dma_wait3A_219 = arith.constant 0 : i32
    %dma_wait3A_220 = tpu.memref_slice %arg6[%dma_wait3A_218, %add3A_212, %add3A_155, %dma_wait3A_219] : memref<200x6x64x1024xf32, #tpu.memory_space<hbm>> -> memref<4x1x1x1024xf32, #tpu.memory_space<hbm>>
    %dma_wait3A_221 = tpu.memref_squeeze %dma_wait3A_220 : memref<4x1x1x1024xf32, #tpu.memory_space<hbm>> -> memref<4x1024xf32, #tpu.memory_space<hbm>>
    %dma_wait3A_222 = arith.constant 196 : i32
    %dma_wait3A_223 = arith.constant 0 : i32
    %dma_wait3A_224 = tpu.memref_slice %arg6[%dma_wait3A_222, %add3A_212, %add3A_155, %dma_wait3A_223] : memref<200x6x64x1024xf32, #tpu.memory_space<hbm>> -> memref<4x1x1x1024xf32, #tpu.memory_space<hbm>>
    %dma_wait3A_225 = tpu.memref_squeeze %dma_wait3A_224 : memref<4x1x1x1024xf32, #tpu.memory_space<hbm>> -> memref<4x1024xf32, #tpu.memory_space<hbm>>
    %dma_wait3A_226 = arith.constant 0 : i32
    %dma_wait3A_227 = arith.constant 0 : i32
    %dma_wait3A_228 = tpu.memref_slice %arg10[%dma_wait3A_213, %dma_wait3A_226, %dma_wait3A_227] : memref<2x4x1024xf32, #tpu.memory_space<vmem>> -> memref<1x4x1024xf32, #tpu.memory_space<vmem>>
    %dma_wait3A_229 = tpu.memref_squeeze %dma_wait3A_228 : memref<1x4x1024xf32, #tpu.memory_space<vmem>> -> memref<4x1024xf32, #tpu.memory_space<vmem>>
    tpu.wait_dma2 semaphore(%arg15 : memref<!tpu.dma_semaphore, #tpu.memory_space<semaphore_mem>>) src(%dma_wait3A_229 : memref<4x1024xf32, #tpu.memory_space<vmem>>) dst(%dma_wait3A_225 : memref<4x1024xf32, #tpu.memory_space<hbm>>)
    %add3A_230 = arith.constant 3 : i32
    %add3A_231 = arith.addi %mul3A_2, %add3A_230 : i32
    "tpu.region"() ({
      %run_scoped3A_601 = tpu.sem_alloc : memref<!tpu.dma_semaphore, #tpu.memory_space<semaphore_mem>>
      %dma_start3A_602 = arith.constant 0 : i32
      %dma_start3A_603 = tpu.memref_slice %arg2[%arg0, %add3A_231, %dma_start3A_602] : memref<2x64x100000xf32, #tpu.memory_space<hbm>> -> memref<1x1x100000xf32, #tpu.memory_space<hbm>>
      %dma_start3A_604 = tpu.memref_squeeze %dma_start3A_603 : memref<1x1x100000xf32, #tpu.memory_space<hbm>> -> memref<100000xf32, #tpu.memory_space<hbm>>
      %dma_start3A_605 = arith.constant 0 : i32
      %dma_start3A_606 = tpu.memref_slice %arg2[%arg0, %add3A_231, %dma_start3A_605] : memref<2x64x100000xf32, #tpu.memory_space<hbm>> -> memref<1x1x100000xf32, #tpu.memory_space<hbm>>
      %dma_start3A_607 = tpu.memref_squeeze %dma_start3A_606 : memref<1x1x100000xf32, #tpu.memory_space<hbm>> -> memref<100000xf32, #tpu.memory_space<hbm>>
      tpu.enqueue_dma source(%dma_start3A_607 : memref<100000xf32, #tpu.memory_space<hbm>>) target(%arg8 : memref<100000xf32, #tpu.memory_space<vmem>>) target_semaphore(%run_scoped3A_601 : memref<!tpu.dma_semaphore, #tpu.memory_space<semaphore_mem>>)
      %dma_wait3A_608 = arith.constant 0 : i32
      %dma_wait3A_609 = tpu.memref_slice %arg2[%arg0, %add3A_231, %dma_wait3A_608] : memref<2x64x100000xf32, #tpu.memory_space<hbm>> -> memref<1x1x100000xf32, #tpu.memory_space<hbm>>
      %dma_wait3A_610 = tpu.memref_squeeze %dma_wait3A_609 : memref<1x1x100000xf32, #tpu.memory_space<hbm>> -> memref<100000xf32, #tpu.memory_space<hbm>>
      %dma_wait3A_611 = arith.constant 0 : i32
      %dma_wait3A_612 = tpu.memref_slice %arg2[%arg0, %add3A_231, %dma_wait3A_611] : memref<2x64x100000xf32, #tpu.memory_space<hbm>> -> memref<1x1x100000xf32, #tpu.memory_space<hbm>>
      %dma_wait3A_613 = tpu.memref_squeeze %dma_wait3A_612 : memref<1x1x100000xf32, #tpu.memory_space<hbm>> -> memref<100000xf32, #tpu.memory_space<hbm>>
      tpu.wait_dma2 semaphore(%run_scoped3A_601 : memref<!tpu.dma_semaphore, #tpu.memory_space<semaphore_mem>>) src(%dma_wait3A_613 : memref<100000xf32, #tpu.memory_space<hbm>>) dst(%arg8 : memref<100000xf32, #tpu.memory_space<vmem>>)
      tpu.yield
    }) : () -> ()
    %dma_start3A_232 = arith.constant 0 : i32
    %dma_start3A_233 = arith.constant 0 : i32
    %dma_start3A_234 = arith.constant 0 : i32
    %dma_start3A_235 = tpu.memref_slice %arg9[%dma_start3A_232, %dma_start3A_233, %dma_start3A_234] : memref<2x4x1024xi32, #tpu.memory_space<vmem>> -> memref<1x4x1024xi32, #tpu.memory_space<vmem>>
    %dma_start3A_236 = tpu.memref_squeeze %dma_start3A_235 : memref<1x4x1024xi32, #tpu.memory_space<vmem>> -> memref<4x1024xi32, #tpu.memory_space<vmem>>
    %dma_start3A_237 = arith.constant 0 : i32
    %dma_start3A_238 = arith.constant 0 : i32
    %dma_start3A_239 = tpu.memref_slice %arg11[%dma_start3A_237, %dma_start3A_238] : memref<200x1024xi32, #tpu.memory_space<vmem_shared>> -> memref<4x1024xi32, #tpu.memory_space<vmem_shared>>
    %dma_start3A_240 = arith.constant 0 : i32
    %dma_start3A_241 = arith.constant 0 : i32
    %dma_start3A_242 = tpu.memref_slice %arg9[%dma_start3A_232, %dma_start3A_240, %dma_start3A_241] : memref<2x4x1024xi32, #tpu.memory_space<vmem>> -> memref<1x4x1024xi32, #tpu.memory_space<vmem>>
    %dma_start3A_243 = tpu.memref_squeeze %dma_start3A_242 : memref<1x4x1024xi32, #tpu.memory_space<vmem>> -> memref<4x1024xi32, #tpu.memory_space<vmem>>
    %dma_start3A_244 = arith.constant 0 : i32
    %dma_start3A_245 = arith.constant 0 : i32
    %dma_start3A_246 = tpu.memref_slice %arg11[%dma_start3A_244, %dma_start3A_245] : memref<200x1024xi32, #tpu.memory_space<vmem_shared>> -> memref<4x1024xi32, #tpu.memory_space<vmem_shared>>
    tpu.enqueue_dma source(%dma_start3A_246 : memref<4x1024xi32, #tpu.memory_space<vmem_shared>>) target(%dma_start3A_243 : memref<4x1024xi32, #tpu.memory_space<vmem>>) target_semaphore(%arg12 : memref<!tpu.dma_semaphore, #tpu.memory_space<semaphore_mem>>)
    %dma_start3A_247 = arith.constant 1 : i32
    %dma_start3A_248 = arith.constant 0 : i32
    %dma_start3A_249 = arith.constant 0 : i32
    %dma_start3A_250 = tpu.memref_slice %arg9[%dma_start3A_247, %dma_start3A_248, %dma_start3A_249] : memref<2x4x1024xi32, #tpu.memory_space<vmem>> -> memref<1x4x1024xi32, #tpu.memory_space<vmem>>
    %dma_start3A_251 = tpu.memref_squeeze %dma_start3A_250 : memref<1x4x1024xi32, #tpu.memory_space<vmem>> -> memref<4x1024xi32, #tpu.memory_space<vmem>>
    %dma_start3A_252 = arith.constant 4 : i32
    %dma_start3A_253 = arith.constant 0 : i32
    %dma_start3A_254 = tpu.memref_slice %arg11[%dma_start3A_252, %dma_start3A_253] : memref<200x1024xi32, #tpu.memory_space<vmem_shared>> -> memref<4x1024xi32, #tpu.memory_space<vmem_shared>>
    %dma_start3A_255 = arith.constant 0 : i32
    %dma_start3A_256 = arith.constant 0 : i32
    %dma_start3A_257 = tpu.memref_slice %arg9[%dma_start3A_247, %dma_start3A_255, %dma_start3A_256] : memref<2x4x1024xi32, #tpu.memory_space<vmem>> -> memref<1x4x1024xi32, #tpu.memory_space<vmem>>
    %dma_start3A_258 = tpu.memref_squeeze %dma_start3A_257 : memref<1x4x1024xi32, #tpu.memory_space<vmem>> -> memref<4x1024xi32, #tpu.memory_space<vmem>>
    %dma_start3A_259 = arith.constant 4 : i32
    %dma_start3A_260 = arith.constant 0 : i32
    %dma_start3A_261 = tpu.memref_slice %arg11[%dma_start3A_259, %dma_start3A_260] : memref<200x1024xi32, #tpu.memory_space<vmem_shared>> -> memref<4x1024xi32, #tpu.memory_space<vmem_shared>>
    tpu.enqueue_dma source(%dma_start3A_261 : memref<4x1024xi32, #tpu.memory_space<vmem_shared>>) target(%dma_start3A_258 : memref<4x1024xi32, #tpu.memory_space<vmem>>) target_semaphore(%arg13 : memref<!tpu.dma_semaphore, #tpu.memory_space<semaphore_mem>>)
    %scan3A_262 = arith.constant 0 : i32
    %scan3A_263 = arith.constant 0 : i32
    %scan3A_264 = arith.constant 25 : i32
    %scan3A_265 = arith.addi %scan3A_263, %scan3A_264 : i32
    %scan3A_266 = arith.constant 1 : i32
    scf.for %scan3A_601 = %scan3A_263 to %scan3A_265 step %scan3A_266  : i32 {
      %mul3A_602 = arith.constant 2 : i32
      %mul3A_603 = arith.muli %mul3A_602, %scan3A_601 : i32
      %add3A_604 = arith.constant 1 : i32
      %add3A_605 = arith.addi %mul3A_603, %add3A_604 : i32
      %mul3A_606 = arith.constant 4 : i32
      %mul3A_607 = arith.muli %mul3A_603, %mul3A_606 : i32
      %dma_wait3A_608 = arith.constant 0 : i32
      %dma_wait3A_609 = arith.constant 0 : i32
      %dma_wait3A_610 = arith.constant 0 : i32
      %dma_wait3A_611 = tpu.memref_slice %arg9[%dma_wait3A_608, %dma_wait3A_609, %dma_wait3A_610] : memref<2x4x1024xi32, #tpu.memory_space<vmem>> -> memref<1x4x1024xi32, #tpu.memory_space<vmem>>
      %dma_wait3A_612 = tpu.memref_squeeze %dma_wait3A_611 : memref<1x4x1024xi32, #tpu.memory_space<vmem>> -> memref<4x1024xi32, #tpu.memory_space<vmem>>
      %dma_wait3A_613 = arith.constant 0 : i32
      %dma_wait3A_614 = tpu.memref_slice %arg11[%mul3A_607, %dma_wait3A_613] : memref<200x1024xi32, #tpu.memory_space<vmem_shared>> -> memref<4x1024xi32, #tpu.memory_space<vmem_shared>>
      %dma_wait3A_615 = arith.constant 0 : i32
      %dma_wait3A_616 = arith.constant 0 : i32
      %dma_wait3A_617 = tpu.memref_slice %arg9[%dma_wait3A_608, %dma_wait3A_615, %dma_wait3A_616] : memref<2x4x1024xi32, #tpu.memory_space<vmem>> -> memref<1x4x1024xi32, #tpu.memory_space<vmem>>
      %dma_wait3A_618 = tpu.memref_squeeze %dma_wait3A_617 : memref<1x4x1024xi32, #tpu.memory_space<vmem>> -> memref<4x1024xi32, #tpu.memory_space<vmem>>
      %dma_wait3A_619 = arith.constant 0 : i32
      %dma_wait3A_620 = tpu.memref_slice %arg11[%mul3A_607, %dma_wait3A_619] : memref<200x1024xi32, #tpu.memory_space<vmem_shared>> -> memref<4x1024xi32, #tpu.memory_space<vmem_shared>>
      tpu.wait_dma2 semaphore(%arg12 : memref<!tpu.dma_semaphore, #tpu.memory_space<semaphore_mem>>) src(%dma_wait3A_620 : memref<4x1024xi32, #tpu.memory_space<vmem_shared>>) dst(%dma_wait3A_618 : memref<4x1024xi32, #tpu.memory_space<vmem>>)
      %gt3A = arith.constant 0 : i32
      %gt3A_621 = arith.cmpi sgt, %scan3A_601, %gt3A : i32
      %convert_element_type3A_622 = arith.extui %gt3A_621 : i1 to i32
      %cond3A_623 = arith.constant 0 : i32
      %cond3A_624 = arith.cmpi ne, %convert_element_type3A_622, %cond3A_623 : i32
      scf.if %cond3A_624 {
        %sub3A_703 = arith.constant 2 : i32
        %sub3A_704 = arith.subi %mul3A_603, %sub3A_703 : i32
        %mul3A_705 = arith.constant 4 : i32
        %mul3A_706 = arith.muli %sub3A_704, %mul3A_705 : i32
        %add3A_707 = arith.constant 4 : i32
        %add3A_708 = arith.addi %add3A_707, %arg0 : i32
        %dma_wait3A_709 = arith.constant 0 : i32
        %dma_wait3A_710 = arith.constant 0 : i32
        %dma_wait3A_711 = arith.constant 0 : i32
        %dma_wait3A_712 = tpu.memref_slice %arg10[%dma_wait3A_709, %dma_wait3A_710, %dma_wait3A_711] : memref<2x4x1024xf32, #tpu.memory_space<vmem>> -> memref<1x4x1024xf32, #tpu.memory_space<vmem>>
        %dma_wait3A_713 = tpu.memref_squeeze %dma_wait3A_712 : memref<1x4x1024xf32, #tpu.memory_space<vmem>> -> memref<4x1024xf32, #tpu.memory_space<vmem>>
        %dma_wait3A_714 = arith.constant 0 : i32
        %dma_wait3A_715 = tpu.memref_slice %arg6[%mul3A_706, %add3A_708, %add3A_231, %dma_wait3A_714] : memref<200x6x64x1024xf32, #tpu.memory_space<hbm>> -> memref<4x1x1x1024xf32, #tpu.memory_space<hbm>>
        %dma_wait3A_716 = tpu.memref_squeeze %dma_wait3A_715 : memref<4x1x1x1024xf32, #tpu.memory_space<hbm>> -> memref<4x1024xf32, #tpu.memory_space<hbm>>
        %dma_wait3A_717 = arith.constant 0 : i32
        %dma_wait3A_718 = tpu.memref_slice %arg6[%mul3A_706, %add3A_708, %add3A_231, %dma_wait3A_717] : memref<200x6x64x1024xf32, #tpu.memory_space<hbm>> -> memref<4x1x1x1024xf32, #tpu.memory_space<hbm>>
        %dma_wait3A_719 = tpu.memref_squeeze %dma_wait3A_718 : memref<4x1x1x1024xf32, #tpu.memory_space<hbm>> -> memref<4x1024xf32, #tpu.memory_space<hbm>>
        %dma_wait3A_720 = arith.constant 0 : i32
        %dma_wait3A_721 = arith.constant 0 : i32
        %dma_wait3A_722 = tpu.memref_slice %arg10[%dma_wait3A_709, %dma_wait3A_720, %dma_wait3A_721] : memref<2x4x1024xf32, #tpu.memory_space<vmem>> -> memref<1x4x1024xf32, #tpu.memory_space<vmem>>
        %dma_wait3A_723 = tpu.memref_squeeze %dma_wait3A_722 : memref<1x4x1024xf32, #tpu.memory_space<vmem>> -> memref<4x1024xf32, #tpu.memory_space<vmem>>
        tpu.wait_dma2 semaphore(%arg14 : memref<!tpu.dma_semaphore, #tpu.memory_space<semaphore_mem>>) src(%dma_wait3A_723 : memref<4x1024xf32, #tpu.memory_space<vmem>>) dst(%dma_wait3A_719 : memref<4x1024xf32, #tpu.memory_space<hbm>>)
      } else {
      }
      %parallel_loop3A_625 = arith.constant 0 : i32
      %parallel_loop3A_626 = arith.constant 1024 : i32
      %parallel_loop3A_627 = arith.constant 16 : i32
      scf.for %parallel_loop3A_703 = %parallel_loop3A_625 to %parallel_loop3A_626 step %parallel_loop3A_627  : i32 {
        %parallel_loop3A_704 = arith.constant 0 : i32
        %parallel_loop3A_705 = arith.constant 0 : i32
        %parallel_loop3A_706 = arith.index_cast %parallel_loop3A_704 : i32 to index
        %parallel_loop3A_707 = arith.index_cast %parallel_loop3A_705 : i32 to index
        %parallel_loop3A_708 = arith.index_cast %parallel_loop3A_703 : i32 to index
        %parallel_loop3A_709 = tpu.vector_load %arg9[%parallel_loop3A_706, %parallel_loop3A_707, %parallel_loop3A_708] {strides = array<i32>} : memref<2x4x1024xi32, #tpu.memory_space<vmem>>, vector<16xi32>,
        %parallel_loop3A_710 = tpu.vector_load_idx %arg8[%parallel_loop3A_709] : memref<100000xf32, #tpu.memory_space<vmem>>[vector<16xi32>], vector<16xf32>,
        %parallel_loop3A_711 = arith.constant 0 : i32
        %parallel_loop3A_712 = arith.constant 0 : i32
        %parallel_loop3A_713 = arith.index_cast %parallel_loop3A_711 : i32 to index
        %parallel_loop3A_714 = arith.index_cast %parallel_loop3A_712 : i32 to index
        %parallel_loop3A_715 = arith.index_cast %parallel_loop3A_703 : i32 to index
        %parallel_loop3A_716 = tpu.vector_load %arg10[%parallel_loop3A_713, %parallel_loop3A_714, %parallel_loop3A_715] {strides = array<i32>} : memref<2x4x1024xf32, #tpu.memory_space<vmem>>, vector<16xf32>,
        tpu.vector_store %arg10[%parallel_loop3A_713, %parallel_loop3A_714, %parallel_loop3A_715], %parallel_loop3A_710 {strides = array<i32>} : memref<2x4x1024xf32, #tpu.memory_space<vmem>>, vector<16xf32>,
        %parallel_loop3A_717 = arith.constant 0 : i32
        %parallel_loop3A_718 = arith.constant 1 : i32
        %parallel_loop3A_719 = arith.index_cast %parallel_loop3A_717 : i32 to index
        %parallel_loop3A_720 = arith.index_cast %parallel_loop3A_718 : i32 to index
        %parallel_loop3A_721 = arith.index_cast %parallel_loop3A_703 : i32 to index
        %parallel_loop3A_722 = tpu.vector_load %arg9[%parallel_loop3A_719, %parallel_loop3A_720, %parallel_loop3A_721] {strides = array<i32>} : memref<2x4x1024xi32, #tpu.memory_space<vmem>>, vector<16xi32>,
        %parallel_loop3A_723 = tpu.vector_load_idx %arg8[%parallel_loop3A_722] : memref<100000xf32, #tpu.memory_space<vmem>>[vector<16xi32>], vector<16xf32>,
        %parallel_loop3A_724 = arith.constant 0 : i32
        %parallel_loop3A_725 = arith.constant 1 : i32
        %parallel_loop3A_726 = arith.index_cast %parallel_loop3A_724 : i32 to index
        %parallel_loop3A_727 = arith.index_cast %parallel_loop3A_725 : i32 to index
        %parallel_loop3A_728 = arith.index_cast %parallel_loop3A_703 : i32 to index
        %parallel_loop3A_729 = tpu.vector_load %arg10[%parallel_loop3A_726, %parallel_loop3A_727, %parallel_loop3A_728] {strides = array<i32>} : memref<2x4x1024xf32, #tpu.memory_space<vmem>>, vector<16xf32>,
        tpu.vector_store %arg10[%parallel_loop3A_726, %parallel_loop3A_727, %parallel_loop3A_728], %parallel_loop3A_723 {strides = array<i32>} : memref<2x4x1024xf32, #tpu.memory_space<vmem>>, vector<16xf32>,
        %parallel_loop3A_730 = arith.constant 0 : i32
        %parallel_loop3A_731 = arith.constant 2 : i32
        %parallel_loop3A_732 = arith.index_cast %parallel_loop3A_730 : i32 to index
        %parallel_loop3A_733 = arith.index_cast %parallel_loop3A_731 : i32 to index
        %parallel_loop3A_734 = arith.index_cast %parallel_loop3A_703 : i32 to index
        %parallel_loop3A_735 = tpu.vector_load %arg9[%parallel_loop3A_732, %parallel_loop3A_733, %parallel_loop3A_734] {strides = array<i32>} : memref<2x4x1024xi32, #tpu.memory_space<vmem>>, vector<16xi32>,
        %parallel_loop3A_736 = tpu.vector_load_idx %arg8[%parallel_loop3A_735] : memref<100000xf32, #tpu.memory_space<vmem>>[vector<16xi32>], vector<16xf32>,
        %parallel_loop3A_737 = arith.constant 0 : i32
        %parallel_loop3A_738 = arith.constant 2 : i32
        %parallel_loop3A_739 = arith.index_cast %parallel_loop3A_737 : i32 to index
        %parallel_loop3A_740 = arith.index_cast %parallel_loop3A_738 : i32 to index
        %parallel_loop3A_741 = arith.index_cast %parallel_loop3A_703 : i32 to index
        %parallel_loop3A_742 = tpu.vector_load %arg10[%parallel_loop3A_739, %parallel_loop3A_740, %parallel_loop3A_741] {strides = array<i32>} : memref<2x4x1024xf32, #tpu.memory_space<vmem>>, vector<16xf32>,
        tpu.vector_store %arg10[%parallel_loop3A_739, %parallel_loop3A_740, %parallel_loop3A_741], %parallel_loop3A_736 {strides = array<i32>} : memref<2x4x1024xf32, #tpu.memory_space<vmem>>, vector<16xf32>,
        %parallel_loop3A_743 = arith.constant 0 : i32
        %parallel_loop3A_744 = arith.constant 3 : i32
        %parallel_loop3A_745 = arith.index_cast %parallel_loop3A_743 : i32 to index
        %parallel_loop3A_746 = arith.index_cast %parallel_loop3A_744 : i32 to index
        %parallel_loop3A_747 = arith.index_cast %parallel_loop3A_703 : i32 to index
        %parallel_loop3A_748 = tpu.vector_load %arg9[%parallel_loop3A_745, %parallel_loop3A_746, %parallel_loop3A_747] {strides = array<i32>} : memref<2x4x1024xi32, #tpu.memory_space<vmem>>, vector<16xi32>,
        %parallel_loop3A_749 = tpu.vector_load_idx %arg8[%parallel_loop3A_748] : memref<100000xf32, #tpu.memory_space<vmem>>[vector<16xi32>], vector<16xf32>,
        %parallel_loop3A_750 = arith.constant 0 : i32
        %parallel_loop3A_751 = arith.constant 3 : i32
        %parallel_loop3A_752 = arith.index_cast %parallel_loop3A_750 : i32 to index
        %parallel_loop3A_753 = arith.index_cast %parallel_loop3A_751 : i32 to index
        %parallel_loop3A_754 = arith.index_cast %parallel_loop3A_703 : i32 to index
        %parallel_loop3A_755 = tpu.vector_load %arg10[%parallel_loop3A_752, %parallel_loop3A_753, %parallel_loop3A_754] {strides = array<i32>} : memref<2x4x1024xf32, #tpu.memory_space<vmem>>, vector<16xf32>,
        tpu.vector_store %arg10[%parallel_loop3A_752, %parallel_loop3A_753, %parallel_loop3A_754], %parallel_loop3A_749 {strides = array<i32>} : memref<2x4x1024xf32, #tpu.memory_space<vmem>>, vector<16xf32>,
      } {sc.loop_unroll_factor = 8 : i64, sc.parallel_access}
      %mul3A_628 = arith.constant 4 : i32
      %mul3A_629 = arith.muli %mul3A_603, %mul3A_628 : i32
      %add3A_630 = arith.constant 4 : i32
      %add3A_631 = arith.addi %add3A_630, %arg0 : i32
      %dma_start3A_632 = arith.constant 0 : i32
      %dma_start3A_633 = arith.constant 0 : i32
      %dma_start3A_634 = arith.constant 0 : i32
      %dma_start3A_635 = tpu.memref_slice %arg10[%dma_start3A_632, %dma_start3A_633, %dma_start3A_634] : memref<2x4x1024xf32, #tpu.memory_space<vmem>> -> memref<1x4x1024xf32, #tpu.memory_space<vmem>>
      %dma_start3A_636 = tpu.memref_squeeze %dma_start3A_635 : memref<1x4x1024xf32, #tpu.memory_space<vmem>> -> memref<4x1024xf32, #tpu.memory_space<vmem>>
      %dma_start3A_637 = arith.constant 0 : i32
      %dma_start3A_638 = tpu.memref_slice %arg6[%mul3A_629, %add3A_631, %add3A_231, %dma_start3A_637] : memref<200x6x64x1024xf32, #tpu.memory_space<hbm>> -> memref<4x1x1x1024xf32, #tpu.memory_space<hbm>>
      %dma_start3A_639 = tpu.memref_squeeze %dma_start3A_638 : memref<4x1x1x1024xf32, #tpu.memory_space<hbm>> -> memref<4x1024xf32, #tpu.memory_space<hbm>>
      %dma_start3A_640 = arith.constant 0 : i32
      %dma_start3A_641 = tpu.memref_slice %arg6[%mul3A_629, %add3A_631, %add3A_231, %dma_start3A_640] : memref<200x6x64x1024xf32, #tpu.memory_space<hbm>> -> memref<4x1x1x1024xf32, #tpu.memory_space<hbm>>
      %dma_start3A_642 = tpu.memref_squeeze %dma_start3A_641 : memref<4x1x1x1024xf32, #tpu.memory_space<hbm>> -> memref<4x1024xf32, #tpu.memory_space<hbm>>
      %dma_start3A_643 = arith.constant 0 : i32
      %dma_start3A_644 = arith.constant 0 : i32
      %dma_start3A_645 = tpu.memref_slice %arg10[%dma_start3A_632, %dma_start3A_643, %dma_start3A_644] : memref<2x4x1024xf32, #tpu.memory_space<vmem>> -> memref<1x4x1024xf32, #tpu.memory_space<vmem>>
      %dma_start3A_646 = tpu.memref_squeeze %dma_start3A_645 : memref<1x4x1024xf32, #tpu.memory_space<vmem>> -> memref<4x1024xf32, #tpu.memory_space<vmem>>
      tpu.enqueue_dma source(%dma_start3A_646 : memref<4x1024xf32, #tpu.memory_space<vmem>>) target(%dma_start3A_642 : memref<4x1024xf32, #tpu.memory_space<hbm>>) target_semaphore(%arg14 : memref<!tpu.dma_semaphore, #tpu.memory_space<semaphore_mem>>)
      %add3A_647 = arith.constant 2 : i32
      %add3A_648 = arith.addi %mul3A_603, %add3A_647 : i32
      %lt3A_649 = arith.constant 50 : i32
      %lt3A_650 = arith.cmpi slt, %add3A_648, %lt3A_649 : i32
      %convert_element_type3A_651 = arith.extui %lt3A_650 : i1 to i32
      %cond3A_652 = arith.constant 0 : i32
      %cond3A_653 = arith.cmpi ne, %convert_element_type3A_651, %cond3A_652 : i32
      scf.if %cond3A_653 {
        %add3A_703 = arith.constant 2 : i32
        %add3A_704 = arith.addi %mul3A_603, %add3A_703 : i32
        %mul3A_705 = arith.constant 4 : i32
        %mul3A_706 = arith.muli %add3A_704, %mul3A_705 : i32
        %dma_start3A_707 = arith.constant 0 : i32
        %dma_start3A_708 = arith.constant 0 : i32
        %dma_start3A_709 = arith.constant 0 : i32
        %dma_start3A_710 = tpu.memref_slice %arg9[%dma_start3A_707, %dma_start3A_708, %dma_start3A_709] : memref<2x4x1024xi32, #tpu.memory_space<vmem>> -> memref<1x4x1024xi32, #tpu.memory_space<vmem>>
        %dma_start3A_711 = tpu.memref_squeeze %dma_start3A_710 : memref<1x4x1024xi32, #tpu.memory_space<vmem>> -> memref<4x1024xi32, #tpu.memory_space<vmem>>
        %dma_start3A_712 = arith.constant 0 : i32
        %dma_start3A_713 = tpu.memref_slice %arg11[%mul3A_706, %dma_start3A_712] : memref<200x1024xi32, #tpu.memory_space<vmem_shared>> -> memref<4x1024xi32, #tpu.memory_space<vmem_shared>>
        %dma_start3A_714 = arith.constant 0 : i32
        %dma_start3A_715 = arith.constant 0 : i32
        %dma_start3A_716 = tpu.memref_slice %arg9[%dma_start3A_707, %dma_start3A_714, %dma_start3A_715] : memref<2x4x1024xi32, #tpu.memory_space<vmem>> -> memref<1x4x1024xi32, #tpu.memory_space<vmem>>
        %dma_start3A_717 = tpu.memref_squeeze %dma_start3A_716 : memref<1x4x1024xi32, #tpu.memory_space<vmem>> -> memref<4x1024xi32, #tpu.memory_space<vmem>>
        %dma_start3A_718 = arith.constant 0 : i32
        %dma_start3A_719 = tpu.memref_slice %arg11[%mul3A_706, %dma_start3A_718] : memref<200x1024xi32, #tpu.memory_space<vmem_shared>> -> memref<4x1024xi32, #tpu.memory_space<vmem_shared>>
        tpu.enqueue_dma source(%dma_start3A_719 : memref<4x1024xi32, #tpu.memory_space<vmem_shared>>) target(%dma_start3A_717 : memref<4x1024xi32, #tpu.memory_space<vmem>>) target_semaphore(%arg12 : memref<!tpu.dma_semaphore, #tpu.memory_space<semaphore_mem>>)
      } else {
      }
      %mul3A_654 = arith.constant 4 : i32
      %mul3A_655 = arith.muli %add3A_605, %mul3A_654 : i32
      %dma_wait3A_656 = arith.constant 1 : i32
      %dma_wait3A_657 = arith.constant 0 : i32
      %dma_wait3A_658 = arith.constant 0 : i32
      %dma_wait3A_659 = tpu.memref_slice %arg9[%dma_wait3A_656, %dma_wait3A_657, %dma_wait3A_658] : memref<2x4x1024xi32, #tpu.memory_space<vmem>> -> memref<1x4x1024xi32, #tpu.memory_space<vmem>>
      %dma_wait3A_660 = tpu.memref_squeeze %dma_wait3A_659 : memref<1x4x1024xi32, #tpu.memory_space<vmem>> -> memref<4x1024xi32, #tpu.memory_space<vmem>>
      %dma_wait3A_661 = arith.constant 0 : i32
      %dma_wait3A_662 = tpu.memref_slice %arg11[%mul3A_655, %dma_wait3A_661] : memref<200x1024xi32, #tpu.memory_space<vmem_shared>> -> memref<4x1024xi32, #tpu.memory_space<vmem_shared>>
      %dma_wait3A_663 = arith.constant 0 : i32
      %dma_wait3A_664 = arith.constant 0 : i32
      %dma_wait3A_665 = tpu.memref_slice %arg9[%dma_wait3A_656, %dma_wait3A_663, %dma_wait3A_664] : memref<2x4x1024xi32, #tpu.memory_space<vmem>> -> memref<1x4x1024xi32, #tpu.memory_space<vmem>>
      %dma_wait3A_666 = tpu.memref_squeeze %dma_wait3A_665 : memref<1x4x1024xi32, #tpu.memory_space<vmem>> -> memref<4x1024xi32, #tpu.memory_space<vmem>>
      %dma_wait3A_667 = arith.constant 0 : i32
      %dma_wait3A_668 = tpu.memref_slice %arg11[%mul3A_655, %dma_wait3A_667] : memref<200x1024xi32, #tpu.memory_space<vmem_shared>> -> memref<4x1024xi32, #tpu.memory_space<vmem_shared>>
      tpu.wait_dma2 semaphore(%arg13 : memref<!tpu.dma_semaphore, #tpu.memory_space<semaphore_mem>>) src(%dma_wait3A_668 : memref<4x1024xi32, #tpu.memory_space<vmem_shared>>) dst(%dma_wait3A_666 : memref<4x1024xi32, #tpu.memory_space<vmem>>)
      %gt3A_669 = arith.constant 0 : i32
      %gt3A_670 = arith.cmpi sgt, %scan3A_601, %gt3A_669 : i32
      %convert_element_type3A_671 = arith.extui %gt3A_670 : i1 to i32
      %cond3A_672 = arith.constant 0 : i32
      %cond3A_673 = arith.cmpi ne, %convert_element_type3A_671, %cond3A_672 : i32
      scf.if %cond3A_673 {
        %sub3A_703 = arith.constant 2 : i32
        %sub3A_704 = arith.subi %add3A_605, %sub3A_703 : i32
        %mul3A_705 = arith.constant 4 : i32
        %mul3A_706 = arith.muli %sub3A_704, %mul3A_705 : i32
        %add3A_707 = arith.constant 4 : i32
        %add3A_708 = arith.addi %add3A_707, %arg0 : i32
        %dma_wait3A_709 = arith.constant 1 : i32
        %dma_wait3A_710 = arith.constant 0 : i32
        %dma_wait3A_711 = arith.constant 0 : i32
        %dma_wait3A_712 = tpu.memref_slice %arg10[%dma_wait3A_709, %dma_wait3A_710, %dma_wait3A_711] : memref<2x4x1024xf32, #tpu.memory_space<vmem>> -> memref<1x4x1024xf32, #tpu.memory_space<vmem>>
        %dma_wait3A_713 = tpu.memref_squeeze %dma_wait3A_712 : memref<1x4x1024xf32, #tpu.memory_space<vmem>> -> memref<4x1024xf32, #tpu.memory_space<vmem>>
        %dma_wait3A_714 = arith.constant 0 : i32
        %dma_wait3A_715 = tpu.memref_slice %arg6[%mul3A_706, %add3A_708, %add3A_231, %dma_wait3A_714] : memref<200x6x64x1024xf32, #tpu.memory_space<hbm>> -> memref<4x1x1x1024xf32, #tpu.memory_space<hbm>>
        %dma_wait3A_716 = tpu.memref_squeeze %dma_wait3A_715 : memref<4x1x1x1024xf32, #tpu.memory_space<hbm>> -> memref<4x1024xf32, #tpu.memory_space<hbm>>
        %dma_wait3A_717 = arith.constant 0 : i32
        %dma_wait3A_718 = tpu.memref_slice %arg6[%mul3A_706, %add3A_708, %add3A_231, %dma_wait3A_717] : memref<200x6x64x1024xf32, #tpu.memory_space<hbm>> -> memref<4x1x1x1024xf32, #tpu.memory_space<hbm>>
        %dma_wait3A_719 = tpu.memref_squeeze %dma_wait3A_718 : memref<4x1x1x1024xf32, #tpu.memory_space<hbm>> -> memref<4x1024xf32, #tpu.memory_space<hbm>>
        %dma_wait3A_720 = arith.constant 0 : i32
        %dma_wait3A_721 = arith.constant 0 : i32
        %dma_wait3A_722 = tpu.memref_slice %arg10[%dma_wait3A_709, %dma_wait3A_720, %dma_wait3A_721] : memref<2x4x1024xf32, #tpu.memory_space<vmem>> -> memref<1x4x1024xf32, #tpu.memory_space<vmem>>
        %dma_wait3A_723 = tpu.memref_squeeze %dma_wait3A_722 : memref<1x4x1024xf32, #tpu.memory_space<vmem>> -> memref<4x1024xf32, #tpu.memory_space<vmem>>
        tpu.wait_dma2 semaphore(%arg15 : memref<!tpu.dma_semaphore, #tpu.memory_space<semaphore_mem>>) src(%dma_wait3A_723 : memref<4x1024xf32, #tpu.memory_space<vmem>>) dst(%dma_wait3A_719 : memref<4x1024xf32, #tpu.memory_space<hbm>>)
      } else {
      }
      %parallel_loop3A_674 = arith.constant 0 : i32
      %parallel_loop3A_675 = arith.constant 1024 : i32
      %parallel_loop3A_676 = arith.constant 16 : i32
      scf.for %parallel_loop3A_703 = %parallel_loop3A_674 to %parallel_loop3A_675 step %parallel_loop3A_676  : i32 {
        %parallel_loop3A_704 = arith.constant 1 : i32
        %parallel_loop3A_705 = arith.constant 0 : i32
        %parallel_loop3A_706 = arith.index_cast %parallel_loop3A_704 : i32 to index
        %parallel_loop3A_707 = arith.index_cast %parallel_loop3A_705 : i32 to index
        %parallel_loop3A_708 = arith.index_cast %parallel_loop3A_703 : i32 to index
        %parallel_loop3A_709 = tpu.vector_load %arg9[%parallel_loop3A_706, %parallel_loop3A_707, %parallel_loop3A_708] {strides = array<i32>} : memref<2x4x1024xi32, #tpu.memory_space<vmem>>, vector<16xi32>,
        %parallel_loop3A_710 = tpu.vector_load_idx %arg8[%parallel_loop3A_709] : memref<100000xf32, #tpu.memory_space<vmem>>[vector<16xi32>], vector<16xf32>,
        %parallel_loop3A_711 = arith.constant 1 : i32
        %parallel_loop3A_712 = arith.constant 0 : i32
        %parallel_loop3A_713 = arith.index_cast %parallel_loop3A_711 : i32 to index
        %parallel_loop3A_714 = arith.index_cast %parallel_loop3A_712 : i32 to index
        %parallel_loop3A_715 = arith.index_cast %parallel_loop3A_703 : i32 to index
        %parallel_loop3A_716 = tpu.vector_load %arg10[%parallel_loop3A_713, %parallel_loop3A_714, %parallel_loop3A_715] {strides = array<i32>} : memref<2x4x1024xf32, #tpu.memory_space<vmem>>, vector<16xf32>,
        tpu.vector_store %arg10[%parallel_loop3A_713, %parallel_loop3A_714, %parallel_loop3A_715], %parallel_loop3A_710 {strides = array<i32>} : memref<2x4x1024xf32, #tpu.memory_space<vmem>>, vector<16xf32>,
        %parallel_loop3A_717 = arith.constant 1 : i32
        %parallel_loop3A_718 = arith.constant 1 : i32
        %parallel_loop3A_719 = arith.index_cast %parallel_loop3A_717 : i32 to index
        %parallel_loop3A_720 = arith.index_cast %parallel_loop3A_718 : i32 to index
        %parallel_loop3A_721 = arith.index_cast %parallel_loop3A_703 : i32 to index
        %parallel_loop3A_722 = tpu.vector_load %arg9[%parallel_loop3A_719, %parallel_loop3A_720, %parallel_loop3A_721] {strides = array<i32>} : memref<2x4x1024xi32, #tpu.memory_space<vmem>>, vector<16xi32>,
        %parallel_loop3A_723 = tpu.vector_load_idx %arg8[%parallel_loop3A_722] : memref<100000xf32, #tpu.memory_space<vmem>>[vector<16xi32>], vector<16xf32>,
        %parallel_loop3A_724 = arith.constant 1 : i32
        %parallel_loop3A_725 = arith.constant 1 : i32
        %parallel_loop3A_726 = arith.index_cast %parallel_loop3A_724 : i32 to index
        %parallel_loop3A_727 = arith.index_cast %parallel_loop3A_725 : i32 to index
        %parallel_loop3A_728 = arith.index_cast %parallel_loop3A_703 : i32 to index
        %parallel_loop3A_729 = tpu.vector_load %arg10[%parallel_loop3A_726, %parallel_loop3A_727, %parallel_loop3A_728] {strides = array<i32>} : memref<2x4x1024xf32, #tpu.memory_space<vmem>>, vector<16xf32>,
        tpu.vector_store %arg10[%parallel_loop3A_726, %parallel_loop3A_727, %parallel_loop3A_728], %parallel_loop3A_723 {strides = array<i32>} : memref<2x4x1024xf32, #tpu.memory_space<vmem>>, vector<16xf32>,
        %parallel_loop3A_730 = arith.constant 1 : i32
        %parallel_loop3A_731 = arith.constant 2 : i32
        %parallel_loop3A_732 = arith.index_cast %parallel_loop3A_730 : i32 to index
        %parallel_loop3A_733 = arith.index_cast %parallel_loop3A_731 : i32 to index
        %parallel_loop3A_734 = arith.index_cast %parallel_loop3A_703 : i32 to index
        %parallel_loop3A_735 = tpu.vector_load %arg9[%parallel_loop3A_732, %parallel_loop3A_733, %parallel_loop3A_734] {strides = array<i32>} : memref<2x4x1024xi32, #tpu.memory_space<vmem>>, vector<16xi32>,
        %parallel_loop3A_736 = tpu.vector_load_idx %arg8[%parallel_loop3A_735] : memref<100000xf32, #tpu.memory_space<vmem>>[vector<16xi32>], vector<16xf32>,
        %parallel_loop3A_737 = arith.constant 1 : i32
        %parallel_loop3A_738 = arith.constant 2 : i32
        %parallel_loop3A_739 = arith.index_cast %parallel_loop3A_737 : i32 to index
        %parallel_loop3A_740 = arith.index_cast %parallel_loop3A_738 : i32 to index
        %parallel_loop3A_741 = arith.index_cast %parallel_loop3A_703 : i32 to index
        %parallel_loop3A_742 = tpu.vector_load %arg10[%parallel_loop3A_739, %parallel_loop3A_740, %parallel_loop3A_741] {strides = array<i32>} : memref<2x4x1024xf32, #tpu.memory_space<vmem>>, vector<16xf32>,
        tpu.vector_store %arg10[%parallel_loop3A_739, %parallel_loop3A_740, %parallel_loop3A_741], %parallel_loop3A_736 {strides = array<i32>} : memref<2x4x1024xf32, #tpu.memory_space<vmem>>, vector<16xf32>,
        %parallel_loop3A_743 = arith.constant 1 : i32
        %parallel_loop3A_744 = arith.constant 3 : i32
        %parallel_loop3A_745 = arith.index_cast %parallel_loop3A_743 : i32 to index
        %parallel_loop3A_746 = arith.index_cast %parallel_loop3A_744 : i32 to index
        %parallel_loop3A_747 = arith.index_cast %parallel_loop3A_703 : i32 to index
        %parallel_loop3A_748 = tpu.vector_load %arg9[%parallel_loop3A_745, %parallel_loop3A_746, %parallel_loop3A_747] {strides = array<i32>} : memref<2x4x1024xi32, #tpu.memory_space<vmem>>, vector<16xi32>,
        %parallel_loop3A_749 = tpu.vector_load_idx %arg8[%parallel_loop3A_748] : memref<100000xf32, #tpu.memory_space<vmem>>[vector<16xi32>], vector<16xf32>,
        %parallel_loop3A_750 = arith.constant 1 : i32
        %parallel_loop3A_751 = arith.constant 3 : i32
        %parallel_loop3A_752 = arith.index_cast %parallel_loop3A_750 : i32 to index
        %parallel_loop3A_753 = arith.index_cast %parallel_loop3A_751 : i32 to index
        %parallel_loop3A_754 = arith.index_cast %parallel_loop3A_703 : i32 to index
        %parallel_loop3A_755 = tpu.vector_load %arg10[%parallel_loop3A_752, %parallel_loop3A_753, %parallel_loop3A_754] {strides = array<i32>} : memref<2x4x1024xf32, #tpu.memory_space<vmem>>, vector<16xf32>,
        tpu.vector_store %arg10[%parallel_loop3A_752, %parallel_loop3A_753, %parallel_loop3A_754], %parallel_loop3A_749 {strides = array<i32>} : memref<2x4x1024xf32, #tpu.memory_space<vmem>>, vector<16xf32>,
      } {sc.loop_unroll_factor = 8 : i64, sc.parallel_access}
      %mul3A_677 = arith.constant 4 : i32
      %mul3A_678 = arith.muli %add3A_605, %mul3A_677 : i32
      %add3A_679 = arith.constant 4 : i32
      %add3A_680 = arith.addi %add3A_679, %arg0 : i32
      %dma_start3A_681 = arith.constant 1 : i32
      %dma_start3A_682 = arith.constant 0 : i32
      %dma_start3A_683 = arith.constant 0 : i32
      %dma_start3A_684 = tpu.memref_slice %arg10[%dma_start3A_681, %dma_start3A_682, %dma_start3A_683] : memref<2x4x1024xf32, #tpu.memory_space<vmem>> -> memref<1x4x1024xf32, #tpu.memory_space<vmem>>
      %dma_start3A_685 = tpu.memref_squeeze %dma_start3A_684 : memref<1x4x1024xf32, #tpu.memory_space<vmem>> -> memref<4x1024xf32, #tpu.memory_space<vmem>>
      %dma_start3A_686 = arith.constant 0 : i32
      %dma_start3A_687 = tpu.memref_slice %arg6[%mul3A_678, %add3A_680, %add3A_231, %dma_start3A_686] : memref<200x6x64x1024xf32, #tpu.memory_space<hbm>> -> memref<4x1x1x1024xf32, #tpu.memory_space<hbm>>
      %dma_start3A_688 = tpu.memref_squeeze %dma_start3A_687 : memref<4x1x1x1024xf32, #tpu.memory_space<hbm>> -> memref<4x1024xf32, #tpu.memory_space<hbm>>
      %dma_start3A_689 = arith.constant 0 : i32
      %dma_start3A_690 = tpu.memref_slice %arg6[%mul3A_678, %add3A_680, %add3A_231, %dma_start3A_689] : memref<200x6x64x1024xf32, #tpu.memory_space<hbm>> -> memref<4x1x1x1024xf32, #tpu.memory_space<hbm>>
      %dma_start3A_691 = tpu.memref_squeeze %dma_start3A_690 : memref<4x1x1x1024xf32, #tpu.memory_space<hbm>> -> memref<4x1024xf32, #tpu.memory_space<hbm>>
      %dma_start3A_692 = arith.constant 0 : i32
      %dma_start3A_693 = arith.constant 0 : i32
      %dma_start3A_694 = tpu.memref_slice %arg10[%dma_start3A_681, %dma_start3A_692, %dma_start3A_693] : memref<2x4x1024xf32, #tpu.memory_space<vmem>> -> memref<1x4x1024xf32, #tpu.memory_space<vmem>>
      %dma_start3A_695 = tpu.memref_squeeze %dma_start3A_694 : memref<1x4x1024xf32, #tpu.memory_space<vmem>> -> memref<4x1024xf32, #tpu.memory_space<vmem>>
      tpu.enqueue_dma source(%dma_start3A_695 : memref<4x1024xf32, #tpu.memory_space<vmem>>) target(%dma_start3A_691 : memref<4x1024xf32, #tpu.memory_space<hbm>>) target_semaphore(%arg15 : memref<!tpu.dma_semaphore, #tpu.memory_space<semaphore_mem>>)
      %add3A_696 = arith.constant 2 : i32
      %add3A_697 = arith.addi %add3A_605, %add3A_696 : i32
      %lt3A_698 = arith.constant 50 : i32
      %lt3A_699 = arith.cmpi slt, %add3A_697, %lt3A_698 : i32
      %convert_element_type3A_700 = arith.extui %lt3A_699 : i1 to i32
      %cond3A_701 = arith.constant 0 : i32
      %cond3A_702 = arith.cmpi ne, %convert_element_type3A_700, %cond3A_701 : i32
      scf.if %cond3A_702 {
        %add3A_703 = arith.constant 2 : i32
        %add3A_704 = arith.addi %add3A_605, %add3A_703 : i32
        %mul3A_705 = arith.constant 4 : i32
        %mul3A_706 = arith.muli %add3A_704, %mul3A_705 : i32
        %dma_start3A_707 = arith.constant 1 : i32
        %dma_start3A_708 = arith.constant 0 : i32
        %dma_start3A_709 = arith.constant 0 : i32
        %dma_start3A_710 = tpu.memref_slice %arg9[%dma_start3A_707, %dma_start3A_708, %dma_start3A_709] : memref<2x4x1024xi32, #tpu.memory_space<vmem>> -> memref<1x4x1024xi32, #tpu.memory_space<vmem>>
        %dma_start3A_711 = tpu.memref_squeeze %dma_start3A_710 : memref<1x4x1024xi32, #tpu.memory_space<vmem>> -> memref<4x1024xi32, #tpu.memory_space<vmem>>
        %dma_start3A_712 = arith.constant 0 : i32
        %dma_start3A_713 = tpu.memref_slice %arg11[%mul3A_706, %dma_start3A_712] : memref<200x1024xi32, #tpu.memory_space<vmem_shared>> -> memref<4x1024xi32, #tpu.memory_space<vmem_shared>>
        %dma_start3A_714 = arith.constant 0 : i32
        %dma_start3A_715 = arith.constant 0 : i32
        %dma_start3A_716 = tpu.memref_slice %arg9[%dma_start3A_707, %dma_start3A_714, %dma_start3A_715] : memref<2x4x1024xi32, #tpu.memory_space<vmem>> -> memref<1x4x1024xi32, #tpu.memory_space<vmem>>
        %dma_start3A_717 = tpu.memref_squeeze %dma_start3A_716 : memref<1x4x1024xi32, #tpu.memory_space<vmem>> -> memref<4x1024xi32, #tpu.memory_space<vmem>>
        %dma_start3A_718 = arith.constant 0 : i32
        %dma_start3A_719 = tpu.memref_slice %arg11[%mul3A_706, %dma_start3A_718] : memref<200x1024xi32, #tpu.memory_space<vmem_shared>> -> memref<4x1024xi32, #tpu.memory_space<vmem_shared>>
        tpu.enqueue_dma source(%dma_start3A_719 : memref<4x1024xi32, #tpu.memory_space<vmem_shared>>) target(%dma_start3A_717 : memref<4x1024xi32, #tpu.memory_space<vmem>>) target_semaphore(%arg13 : memref<!tpu.dma_semaphore, #tpu.memory_space<semaphore_mem>>)
      } else {
      }
    }
    %scan3A_267 = arith.constant 25 : i32
    %add3A_268 = arith.constant 4 : i32
    %add3A_269 = arith.addi %add3A_268, %arg0 : i32
    %dma_wait3A_270 = arith.constant 0 : i32
    %dma_wait3A_271 = arith.constant 0 : i32
    %dma_wait3A_272 = arith.constant 0 : i32
    %dma_wait3A_273 = tpu.memref_slice %arg10[%dma_wait3A_270, %dma_wait3A_271, %dma_wait3A_272] : memref<2x4x1024xf32, #tpu.memory_space<vmem>> -> memref<1x4x1024xf32, #tpu.memory_space<vmem>>
    %dma_wait3A_274 = tpu.memref_squeeze %dma_wait3A_273 : memref<1x4x1024xf32, #tpu.memory_space<vmem>> -> memref<4x1024xf32, #tpu.memory_space<vmem>>
    %dma_wait3A_275 = arith.constant 192 : i32
    %dma_wait3A_276 = arith.constant 0 : i32
    %dma_wait3A_277 = tpu.memref_slice %arg6[%dma_wait3A_275, %add3A_269, %add3A_231, %dma_wait3A_276] : memref<200x6x64x1024xf32, #tpu.memory_space<hbm>> -> memref<4x1x1x1024xf32, #tpu.memory_space<hbm>>
    %dma_wait3A_278 = tpu.memref_squeeze %dma_wait3A_277 : memref<4x1x1x1024xf32, #tpu.memory_space<hbm>> -> memref<4x1024xf32, #tpu.memory_space<hbm>>
    %dma_wait3A_279 = arith.constant 192 : i32
    %dma_wait3A_280 = arith.constant 0 : i32
    %dma_wait3A_281 = tpu.memref_slice %arg6[%dma_wait3A_279, %add3A_269, %add3A_231, %dma_wait3A_280] : memref<200x6x64x1024xf32, #tpu.memory_space<hbm>> -> memref<4x1x1x1024xf32, #tpu.memory_space<hbm>>
    %dma_wait3A_282 = tpu.memref_squeeze %dma_wait3A_281 : memref<4x1x1x1024xf32, #tpu.memory_space<hbm>> -> memref<4x1024xf32, #tpu.memory_space<hbm>>
    %dma_wait3A_283 = arith.constant 0 : i32
    %dma_wait3A_284 = arith.constant 0 : i32
    %dma_wait3A_285 = tpu.memref_slice %arg10[%dma_wait3A_270, %dma_wait3A_283, %dma_wait3A_284] : memref<2x4x1024xf32, #tpu.memory_space<vmem>> -> memref<1x4x1024xf32, #tpu.memory_space<vmem>>
    %dma_wait3A_286 = tpu.memref_squeeze %dma_wait3A_285 : memref<1x4x1024xf32, #tpu.memory_space<vmem>> -> memref<4x1024xf32, #tpu.memory_space<vmem>>
    tpu.wait_dma2 semaphore(%arg14 : memref<!tpu.dma_semaphore, #tpu.memory_space<semaphore_mem>>) src(%dma_wait3A_286 : memref<4x1024xf32, #tpu.memory_space<vmem>>) dst(%dma_wait3A_282 : memref<4x1024xf32, #tpu.memory_space<hbm>>)
    %add3A_287 = arith.constant 4 : i32
    %add3A_288 = arith.addi %add3A_287, %arg0 : i32
    %dma_wait3A_289 = arith.constant 1 : i32
    %dma_wait3A_290 = arith.constant 0 : i32
    %dma_wait3A_291 = arith.constant 0 : i32
    %dma_wait3A_292 = tpu.memref_slice %arg10[%dma_wait3A_289, %dma_wait3A_290, %dma_wait3A_291] : memref<2x4x1024xf32, #tpu.memory_space<vmem>> -> memref<1x4x1024xf32, #tpu.memory_space<vmem>>
    %dma_wait3A_293 = tpu.memref_squeeze %dma_wait3A_292 : memref<1x4x1024xf32, #tpu.memory_space<vmem>> -> memref<4x1024xf32, #tpu.memory_space<vmem>>
    %dma_wait3A_294 = arith.constant 196 : i32
    %dma_wait3A_295 = arith.constant 0 : i32
    %dma_wait3A_296 = tpu.memref_slice %arg6[%dma_wait3A_294, %add3A_288, %add3A_231, %dma_wait3A_295] : memref<200x6x64x1024xf32, #tpu.memory_space<hbm>> -> memref<4x1x1x1024xf32, #tpu.memory_space<hbm>>
    %dma_wait3A_297 = tpu.memref_squeeze %dma_wait3A_296 : memref<4x1x1x1024xf32, #tpu.memory_space<hbm>> -> memref<4x1024xf32, #tpu.memory_space<hbm>>
    %dma_wait3A_298 = arith.constant 196 : i32
    %dma_wait3A_299 = arith.constant 0 : i32
    %dma_wait3A_300 = tpu.memref_slice %arg6[%dma_wait3A_298, %add3A_288, %add3A_231, %dma_wait3A_299] : memref<200x6x64x1024xf32, #tpu.memory_space<hbm>> -> memref<4x1x1x1024xf32, #tpu.memory_space<hbm>>
    %dma_wait3A_301 = tpu.memref_squeeze %dma_wait3A_300 : memref<4x1x1x1024xf32, #tpu.memory_space<hbm>> -> memref<4x1024xf32, #tpu.memory_space<hbm>>
    %dma_wait3A_302 = arith.constant 0 : i32
    %dma_wait3A_303 = arith.constant 0 : i32
    %dma_wait3A_304 = tpu.memref_slice %arg10[%dma_wait3A_289, %dma_wait3A_302, %dma_wait3A_303] : memref<2x4x1024xf32, #tpu.memory_space<vmem>> -> memref<1x4x1024xf32, #tpu.memory_space<vmem>>
    %dma_wait3A_305 = tpu.memref_squeeze %dma_wait3A_304 : memref<1x4x1024xf32, #tpu.memory_space<vmem>> -> memref<4x1024xf32, #tpu.memory_space<vmem>>
    tpu.wait_dma2 semaphore(%arg15 : memref<!tpu.dma_semaphore, #tpu.memory_space<semaphore_mem>>) src(%dma_wait3A_305 : memref<4x1024xf32, #tpu.memory_space<vmem>>) dst(%dma_wait3A_301 : memref<4x1024xf32, #tpu.memory_space<hbm>>)
    %mul3A_306 = arith.constant 6 : i32
    %mul3A_307 = arith.muli %add3A, %mul3A_306 : i32
    %add3A_308 = arith.constant 0 : i32
    %add3A_309 = arith.addi %mul3A_307, %add3A_308 : i32
    %jit3A = arith.constant 64 : i32
    %div3A = arith.divsi %add3A_309, %jit3A : i32
    %sign3A = arith.constant 0 : i32
    %sign3A_310 = arith.cmpi sgt, %add3A_309, %sign3A : i32
    %sign3A_311 = arith.extui %sign3A_310 : i1 to i32
    %sign3A_312 = arith.constant 0 : i32
    %sign3A_313 = arith.cmpi slt, %add3A_309, %sign3A_312 : i32
    %sign3A_314 = arith.extui %sign3A_313 : i1 to i32
    %sign3A_315 = arith.subi %sign3A_311, %sign3A_314 : i32
    %sign3A_316 = arith.constant 0 : i32
    %sign3A_317 = arith.cmpi sgt, %jit3A, %sign3A_316 : i32
    %sign3A_318 = arith.extui %sign3A_317 : i1 to i32
    %sign3A_319 = arith.constant 0 : i32
    %sign3A_320 = arith.cmpi slt, %jit3A, %sign3A_319 : i32
    %sign3A_321 = arith.extui %sign3A_320 : i1 to i32
    %sign3A_322 = arith.subi %sign3A_318, %sign3A_321 : i32
    %ne3A = arith.cmpi ne, %sign3A_315, %sign3A_322 : i32
    %rem3A = arith.remsi %add3A_309, %jit3A : i32
    %ne3A_323 = arith.constant 0 : i32
    %ne3A_324 = arith.cmpi ne, %rem3A, %ne3A_323 : i32
    %and3A = arith.andi %ne3A, %ne3A_324 : i1
    %sub3A = arith.constant 1 : i32
    %sub3A_325 = arith.subi %div3A, %sub3A : i32
    %select_n3A = arith.select %and3A, %sub3A_325, %div3A : i32
    %jit3A_326 = arith.constant 64 : i32
    %eq3A_327 = arith.constant 0 : i32
    %eq3A_328 = arith.cmpi eq, %jit3A_326, %eq3A_327 : i32
    %jit3A_329 = arith.constant 1 : i32
    %select_n3A_330 = arith.select %eq3A_328, %jit3A_329, %jit3A_326 : i32
    %rem3A_331 = arith.remsi %add3A_309, %select_n3A_330 : i32
    %ne3A_332 = arith.constant 0 : i32
    %ne3A_333 = arith.cmpi ne, %rem3A_331, %ne3A_332 : i32
    %lt3A = arith.constant 0 : i32
    %lt3A_334 = arith.cmpi slt, %rem3A_331, %lt3A : i32
    %lt3A_335 = arith.constant 0 : i32
    %lt3A_336 = arith.cmpi slt, %select_n3A_330, %lt3A_335 : i32
    %ne3A_337 = arith.xori %lt3A_334, %lt3A_336 : i1
    %and3A_338 = arith.andi %ne3A_337, %ne3A_333 : i1
    %add3A_339 = arith.addi %rem3A_331, %select_n3A_330 : i32
    %select_n3A_340 = arith.select %and3A_338, %add3A_339, %rem3A_331 : i32
    "tpu.region"() ({
      %run_scoped3A_601 = tpu.sem_alloc : memref<!tpu.dma_semaphore, #tpu.memory_space<semaphore_mem>>
      %dma_start3A_602 = arith.constant 0 : i32
      %dma_start3A_603 = tpu.memref_slice %arg4[%select_n3A, %select_n3A_340, %dma_start3A_602] : memref<3x64x100000xf32, #tpu.memory_space<hbm>> -> memref<1x1x100000xf32, #tpu.memory_space<hbm>>
      %dma_start3A_604 = tpu.memref_squeeze %dma_start3A_603 : memref<1x1x100000xf32, #tpu.memory_space<hbm>> -> memref<100000xf32, #tpu.memory_space<hbm>>
      %dma_start3A_605 = arith.constant 0 : i32
      %dma_start3A_606 = tpu.memref_slice %arg4[%select_n3A, %select_n3A_340, %dma_start3A_605] : memref<3x64x100000xf32, #tpu.memory_space<hbm>> -> memref<1x1x100000xf32, #tpu.memory_space<hbm>>
      %dma_start3A_607 = tpu.memref_squeeze %dma_start3A_606 : memref<1x1x100000xf32, #tpu.memory_space<hbm>> -> memref<100000xf32, #tpu.memory_space<hbm>>
      tpu.enqueue_dma source(%dma_start3A_607 : memref<100000xf32, #tpu.memory_space<hbm>>) target(%arg8 : memref<100000xf32, #tpu.memory_space<vmem>>) target_semaphore(%run_scoped3A_601 : memref<!tpu.dma_semaphore, #tpu.memory_space<semaphore_mem>>)
      %dma_wait3A_608 = arith.constant 0 : i32
      %dma_wait3A_609 = tpu.memref_slice %arg4[%select_n3A, %select_n3A_340, %dma_wait3A_608] : memref<3x64x100000xf32, #tpu.memory_space<hbm>> -> memref<1x1x100000xf32, #tpu.memory_space<hbm>>
      %dma_wait3A_610 = tpu.memref_squeeze %dma_wait3A_609 : memref<1x1x100000xf32, #tpu.memory_space<hbm>> -> memref<100000xf32, #tpu.memory_space<hbm>>
      %dma_wait3A_611 = arith.constant 0 : i32
      %dma_wait3A_612 = tpu.memref_slice %arg4[%select_n3A, %select_n3A_340, %dma_wait3A_611] : memref<3x64x100000xf32, #tpu.memory_space<hbm>> -> memref<1x1x100000xf32, #tpu.memory_space<hbm>>
      %dma_wait3A_613 = tpu.memref_squeeze %dma_wait3A_612 : memref<1x1x100000xf32, #tpu.memory_space<hbm>> -> memref<100000xf32, #tpu.memory_space<hbm>>
      tpu.wait_dma2 semaphore(%run_scoped3A_601 : memref<!tpu.dma_semaphore, #tpu.memory_space<semaphore_mem>>) src(%dma_wait3A_613 : memref<100000xf32, #tpu.memory_space<hbm>>) dst(%arg8 : memref<100000xf32, #tpu.memory_space<vmem>>)
      tpu.yield
    }) : () -> ()
    %run_scoped3A = arith.constant 0 : i32
    %run_scoped3A_341 = arith.constant 0 : i32
    "tpu.region"() ({
      %run_scoped3A_601 = tpu.sem_alloc : memref<!tpu.dma_semaphore, #tpu.memory_space<semaphore_mem>>
      %dma_start3A_602 = arith.constant 0 : i32
      %dma_start3A_603 = tpu.memref_slice %arg9[%run_scoped3A, %run_scoped3A_341, %dma_start3A_602] : memref<2x4x1024xi32, #tpu.memory_space<vmem>> -> memref<1x1x1024xi32, #tpu.memory_space<vmem>>
      %dma_start3A_604 = tpu.memref_squeeze %dma_start3A_603 : memref<1x1x1024xi32, #tpu.memory_space<vmem>> -> memref<1024xi32, #tpu.memory_space<vmem>>
      %dma_start3A_605 = arith.constant 0 : i32
      %dma_start3A_606 = tpu.memref_slice %arg5[%select_n3A, %dma_start3A_605] : memref<3x1024xi32, #tpu.memory_space<hbm>> -> memref<1x1024xi32, #tpu.memory_space<hbm>>
      %dma_start3A_607 = tpu.memref_squeeze %dma_start3A_606 : memref<1x1024xi32, #tpu.memory_space<hbm>> -> memref<1024xi32, #tpu.memory_space<hbm>>
      %dma_start3A_608 = arith.constant 0 : i32
      %dma_start3A_609 = tpu.memref_slice %arg9[%run_scoped3A, %run_scoped3A_341, %dma_start3A_608] : memref<2x4x1024xi32, #tpu.memory_space<vmem>> -> memref<1x1x1024xi32, #tpu.memory_space<vmem>>
      %dma_start3A_610 = tpu.memref_squeeze %dma_start3A_609 : memref<1x1x1024xi32, #tpu.memory_space<vmem>> -> memref<1024xi32, #tpu.memory_space<vmem>>
      %dma_start3A_611 = arith.constant 0 : i32
      %dma_start3A_612 = tpu.memref_slice %arg5[%select_n3A, %dma_start3A_611] : memref<3x1024xi32, #tpu.memory_space<hbm>> -> memref<1x1024xi32, #tpu.memory_space<hbm>>
      %dma_start3A_613 = tpu.memref_squeeze %dma_start3A_612 : memref<1x1024xi32, #tpu.memory_space<hbm>> -> memref<1024xi32, #tpu.memory_space<hbm>>
      tpu.enqueue_dma source(%dma_start3A_613 : memref<1024xi32, #tpu.memory_space<hbm>>) target(%dma_start3A_610 : memref<1024xi32, #tpu.memory_space<vmem>>) target_semaphore(%run_scoped3A_601 : memref<!tpu.dma_semaphore, #tpu.memory_space<semaphore_mem>>)
      %dma_wait3A_614 = arith.constant 0 : i32
      %dma_wait3A_615 = tpu.memref_slice %arg9[%run_scoped3A, %run_scoped3A_341, %dma_wait3A_614] : memref<2x4x1024xi32, #tpu.memory_space<vmem>> -> memref<1x1x1024xi32, #tpu.memory_space<vmem>>
      %dma_wait3A_616 = tpu.memref_squeeze %dma_wait3A_615 : memref<1x1x1024xi32, #tpu.memory_space<vmem>> -> memref<1024xi32, #tpu.memory_space<vmem>>
      %dma_wait3A_617 = arith.constant 0 : i32
      %dma_wait3A_618 = tpu.memref_slice %arg5[%select_n3A, %dma_wait3A_617] : memref<3x1024xi32, #tpu.memory_space<hbm>> -> memref<1x1024xi32, #tpu.memory_space<hbm>>
      %dma_wait3A_619 = tpu.memref_squeeze %dma_wait3A_618 : memref<1x1024xi32, #tpu.memory_space<hbm>> -> memref<1024xi32, #tpu.memory_space<hbm>>
      %dma_wait3A_620 = arith.constant 0 : i32
      %dma_wait3A_621 = tpu.memref_slice %arg9[%run_scoped3A, %run_scoped3A_341, %dma_wait3A_620] : memref<2x4x1024xi32, #tpu.memory_space<vmem>> -> memref<1x1x1024xi32, #tpu.memory_space<vmem>>
      %dma_wait3A_622 = tpu.memref_squeeze %dma_wait3A_621 : memref<1x1x1024xi32, #tpu.memory_space<vmem>> -> memref<1024xi32, #tpu.memory_space<vmem>>
      %dma_wait3A_623 = arith.constant 0 : i32
      %dma_wait3A_624 = tpu.memref_slice %arg5[%select_n3A, %dma_wait3A_623] : memref<3x1024xi32, #tpu.memory_space<hbm>> -> memref<1x1024xi32, #tpu.memory_space<hbm>>
      %dma_wait3A_625 = tpu.memref_squeeze %dma_wait3A_624 : memref<1x1024xi32, #tpu.memory_space<hbm>> -> memref<1024xi32, #tpu.memory_space<hbm>>
      tpu.wait_dma2 semaphore(%run_scoped3A_601 : memref<!tpu.dma_semaphore, #tpu.memory_space<semaphore_mem>>) src(%dma_wait3A_625 : memref<1024xi32, #tpu.memory_space<hbm>>) dst(%dma_wait3A_622 : memref<1024xi32, #tpu.memory_space<vmem>>)
      tpu.yield
    }) : () -> ()
    %parallel_loop3A = arith.constant 0 : i32
    %parallel_loop3A_342 = arith.constant 1024 : i32
    %parallel_loop3A_343 = arith.constant 16 : i32
    scf.for %parallel_loop3A_601 = %parallel_loop3A to %parallel_loop3A_342 step %parallel_loop3A_343  : i32 {
      %parallel_loop3A_602 = arith.constant 0 : i32
      %parallel_loop3A_603 = arith.constant 0 : i32
      %parallel_loop3A_604 = arith.index_cast %parallel_loop3A_602 : i32 to index
      %parallel_loop3A_605 = arith.index_cast %parallel_loop3A_603 : i32 to index
      %parallel_loop3A_606 = arith.index_cast %parallel_loop3A_601 : i32 to index
      %parallel_loop3A_607 = tpu.vector_load %arg9[%parallel_loop3A_604, %parallel_loop3A_605, %parallel_loop3A_606] {strides = array<i32>} : memref<2x4x1024xi32, #tpu.memory_space<vmem>>, vector<16xi32>,
      %parallel_loop3A_608 = tpu.vector_load_idx %arg8[%parallel_loop3A_607] : memref<100000xf32, #tpu.memory_space<vmem>>[vector<16xi32>], vector<16xf32>,
      %parallel_loop3A_609 = arith.constant 0 : i32
      %parallel_loop3A_610 = arith.constant 0 : i32
      %parallel_loop3A_611 = arith.index_cast %parallel_loop3A_609 : i32 to index
      %parallel_loop3A_612 = arith.index_cast %parallel_loop3A_610 : i32 to index
      %parallel_loop3A_613 = arith.index_cast %parallel_loop3A_601 : i32 to index
      %parallel_loop3A_614 = tpu.vector_load %arg10[%parallel_loop3A_611, %parallel_loop3A_612, %parallel_loop3A_613] {strides = array<i32>} : memref<2x4x1024xf32, #tpu.memory_space<vmem>>, vector<16xf32>,
      tpu.vector_store %arg10[%parallel_loop3A_611, %parallel_loop3A_612, %parallel_loop3A_613], %parallel_loop3A_608 {strides = array<i32>} : memref<2x4x1024xf32, #tpu.memory_space<vmem>>, vector<16xf32>,
    } {sc.loop_unroll_factor = 8 : i64, sc.parallel_access}
    %run_scoped3A_344 = arith.constant 0 : i32
    %run_scoped3A_345 = arith.constant 0 : i32
    "tpu.region"() ({
      %run_scoped3A_601 = tpu.sem_alloc : memref<!tpu.dma_semaphore, #tpu.memory_space<semaphore_mem>>
      %dma_start3A_602 = arith.constant 0 : i32
      %dma_start3A_603 = tpu.memref_slice %arg10[%run_scoped3A_344, %run_scoped3A_345, %dma_start3A_602] : memref<2x4x1024xf32, #tpu.memory_space<vmem>> -> memref<1x1x1024xf32, #tpu.memory_space<vmem>>
      %dma_start3A_604 = tpu.memref_squeeze %dma_start3A_603 : memref<1x1x1024xf32, #tpu.memory_space<vmem>> -> memref<1024xf32, #tpu.memory_space<vmem>>
      %dma_start3A_605 = arith.constant 0 : i32
      %dma_start3A_606 = tpu.memref_slice %arg7[%select_n3A, %select_n3A_340, %dma_start3A_605] : memref<3x64x1024xf32, #tpu.memory_space<hbm>> -> memref<1x1x1024xf32, #tpu.memory_space<hbm>>
      %dma_start3A_607 = tpu.memref_squeeze %dma_start3A_606 : memref<1x1x1024xf32, #tpu.memory_space<hbm>> -> memref<1024xf32, #tpu.memory_space<hbm>>
      %dma_start3A_608 = arith.constant 0 : i32
      %dma_start3A_609 = tpu.memref_slice %arg7[%select_n3A, %select_n3A_340, %dma_start3A_608] : memref<3x64x1024xf32, #tpu.memory_space<hbm>> -> memref<1x1x1024xf32, #tpu.memory_space<hbm>>
      %dma_start3A_610 = tpu.memref_squeeze %dma_start3A_609 : memref<1x1x1024xf32, #tpu.memory_space<hbm>> -> memref<1024xf32, #tpu.memory_space<hbm>>
      %dma_start3A_611 = arith.constant 0 : i32
      %dma_start3A_612 = tpu.memref_slice %arg10[%run_scoped3A_344, %run_scoped3A_345, %dma_start3A_611] : memref<2x4x1024xf32, #tpu.memory_space<vmem>> -> memref<1x1x1024xf32, #tpu.memory_space<vmem>>
      %dma_start3A_613 = tpu.memref_squeeze %dma_start3A_612 : memref<1x1x1024xf32, #tpu.memory_space<vmem>> -> memref<1024xf32, #tpu.memory_space<vmem>>
      tpu.enqueue_dma source(%dma_start3A_613 : memref<1024xf32, #tpu.memory_space<vmem>>) target(%dma_start3A_610 : memref<1024xf32, #tpu.memory_space<hbm>>) target_semaphore(%run_scoped3A_601 : memref<!tpu.dma_semaphore, #tpu.memory_space<semaphore_mem>>)
      %dma_wait3A_614 = arith.constant 0 : i32
      %dma_wait3A_615 = tpu.memref_slice %arg10[%run_scoped3A_344, %run_scoped3A_345, %dma_wait3A_614] : memref<2x4x1024xf32, #tpu.memory_space<vmem>> -> memref<1x1x1024xf32, #tpu.memory_space<vmem>>
      %dma_wait3A_616 = tpu.memref_squeeze %dma_wait3A_615 : memref<1x1x1024xf32, #tpu.memory_space<vmem>> -> memref<1024xf32, #tpu.memory_space<vmem>>
      %dma_wait3A_617 = arith.constant 0 : i32
      %dma_wait3A_618 = tpu.memref_slice %arg7[%select_n3A, %select_n3A_340, %dma_wait3A_617] : memref<3x64x1024xf32, #tpu.memory_space<hbm>> -> memref<1x1x1024xf32, #tpu.memory_space<hbm>>
      %dma_wait3A_619 = tpu.memref_squeeze %dma_wait3A_618 : memref<1x1x1024xf32, #tpu.memory_space<hbm>> -> memref<1024xf32, #tpu.memory_space<hbm>>
      %dma_wait3A_620 = arith.constant 0 : i32
      %dma_wait3A_621 = tpu.memref_slice %arg7[%select_n3A, %select_n3A_340, %dma_wait3A_620] : memref<3x64x1024xf32, #tpu.memory_space<hbm>> -> memref<1x1x1024xf32, #tpu.memory_space<hbm>>
      %dma_wait3A_622 = tpu.memref_squeeze %dma_wait3A_621 : memref<1x1x1024xf32, #tpu.memory_space<hbm>> -> memref<1024xf32, #tpu.memory_space<hbm>>
      %dma_wait3A_623 = arith.constant 0 : i32
      %dma_wait3A_624 = tpu.memref_slice %arg10[%run_scoped3A_344, %run_scoped3A_345, %dma_wait3A_623] : memref<2x4x1024xf32, #tpu.memory_space<vmem>> -> memref<1x1x1024xf32, #tpu.memory_space<vmem>>
      %dma_wait3A_625 = tpu.memref_squeeze %dma_wait3A_624 : memref<1x1x1024xf32, #tpu.memory_space<vmem>> -> memref<1024xf32, #tpu.memory_space<vmem>>
      tpu.wait_dma2 semaphore(%run_scoped3A_601 : memref<!tpu.dma_semaphore, #tpu.memory_space<semaphore_mem>>) src(%dma_wait3A_625 : memref<1024xf32, #tpu.memory_space<vmem>>) dst(%dma_wait3A_622 : memref<1024xf32, #tpu.memory_space<hbm>>)
      tpu.yield
    }) : () -> ()
    %mul3A_346 = arith.constant 6 : i32
    %mul3A_347 = arith.muli %add3A, %mul3A_346 : i32
    %add3A_348 = arith.constant 1 : i32
    %add3A_349 = arith.addi %mul3A_347, %add3A_348 : i32
    %jit3A_350 = arith.constant 64 : i32
    %div3A_351 = arith.divsi %add3A_349, %jit3A_350 : i32
    %sign3A_352 = arith.constant 0 : i32
    %sign3A_353 = arith.cmpi sgt, %add3A_349, %sign3A_352 : i32
    %sign3A_354 = arith.extui %sign3A_353 : i1 to i32
    %sign3A_355 = arith.constant 0 : i32
    %sign3A_356 = arith.cmpi slt, %add3A_349, %sign3A_355 : i32
    %sign3A_357 = arith.extui %sign3A_356 : i1 to i32
    %sign3A_358 = arith.subi %sign3A_354, %sign3A_357 : i32
    %sign3A_359 = arith.constant 0 : i32
    %sign3A_360 = arith.cmpi sgt, %jit3A_350, %sign3A_359 : i32
    %sign3A_361 = arith.extui %sign3A_360 : i1 to i32
    %sign3A_362 = arith.constant 0 : i32
    %sign3A_363 = arith.cmpi slt, %jit3A_350, %sign3A_362 : i32
    %sign3A_364 = arith.extui %sign3A_363 : i1 to i32
    %sign3A_365 = arith.subi %sign3A_361, %sign3A_364 : i32
    %ne3A_366 = arith.cmpi ne, %sign3A_358, %sign3A_365 : i32
    %rem3A_367 = arith.remsi %add3A_349, %jit3A_350 : i32
    %ne3A_368 = arith.constant 0 : i32
    %ne3A_369 = arith.cmpi ne, %rem3A_367, %ne3A_368 : i32
    %and3A_370 = arith.andi %ne3A_366, %ne3A_369 : i1
    %sub3A_371 = arith.constant 1 : i32
    %sub3A_372 = arith.subi %div3A_351, %sub3A_371 : i32
    %select_n3A_373 = arith.select %and3A_370, %sub3A_372, %div3A_351 : i32
    %jit3A_374 = arith.constant 64 : i32
    %eq3A_375 = arith.constant 0 : i32
    %eq3A_376 = arith.cmpi eq, %jit3A_374, %eq3A_375 : i32
    %jit3A_377 = arith.constant 1 : i32
    %select_n3A_378 = arith.select %eq3A_376, %jit3A_377, %jit3A_374 : i32
    %rem3A_379 = arith.remsi %add3A_349, %select_n3A_378 : i32
    %ne3A_380 = arith.constant 0 : i32
    %ne3A_381 = arith.cmpi ne, %rem3A_379, %ne3A_380 : i32
    %lt3A_382 = arith.constant 0 : i32
    %lt3A_383 = arith.cmpi slt, %rem3A_379, %lt3A_382 : i32
    %lt3A_384 = arith.constant 0 : i32
    %lt3A_385 = arith.cmpi slt, %select_n3A_378, %lt3A_384 : i32
    %ne3A_386 = arith.xori %lt3A_383, %lt3A_385 : i1
    %and3A_387 = arith.andi %ne3A_386, %ne3A_381 : i1
    %add3A_388 = arith.addi %rem3A_379, %select_n3A_378 : i32
    %select_n3A_389 = arith.select %and3A_387, %add3A_388, %rem3A_379 : i32
    "tpu.region"() ({
      %run_scoped3A_601 = tpu.sem_alloc : memref<!tpu.dma_semaphore, #tpu.memory_space<semaphore_mem>>
      %dma_start3A_602 = arith.constant 0 : i32
      %dma_start3A_603 = tpu.memref_slice %arg4[%select_n3A_373, %select_n3A_389, %dma_start3A_602] : memref<3x64x100000xf32, #tpu.memory_space<hbm>> -> memref<1x1x100000xf32, #tpu.memory_space<hbm>>
      %dma_start3A_604 = tpu.memref_squeeze %dma_start3A_603 : memref<1x1x100000xf32, #tpu.memory_space<hbm>> -> memref<100000xf32, #tpu.memory_space<hbm>>
      %dma_start3A_605 = arith.constant 0 : i32
      %dma_start3A_606 = tpu.memref_slice %arg4[%select_n3A_373, %select_n3A_389, %dma_start3A_605] : memref<3x64x100000xf32, #tpu.memory_space<hbm>> -> memref<1x1x100000xf32, #tpu.memory_space<hbm>>
      %dma_start3A_607 = tpu.memref_squeeze %dma_start3A_606 : memref<1x1x100000xf32, #tpu.memory_space<hbm>> -> memref<100000xf32, #tpu.memory_space<hbm>>
      tpu.enqueue_dma source(%dma_start3A_607 : memref<100000xf32, #tpu.memory_space<hbm>>) target(%arg8 : memref<100000xf32, #tpu.memory_space<vmem>>) target_semaphore(%run_scoped3A_601 : memref<!tpu.dma_semaphore, #tpu.memory_space<semaphore_mem>>)
      %dma_wait3A_608 = arith.constant 0 : i32
      %dma_wait3A_609 = tpu.memref_slice %arg4[%select_n3A_373, %select_n3A_389, %dma_wait3A_608] : memref<3x64x100000xf32, #tpu.memory_space<hbm>> -> memref<1x1x100000xf32, #tpu.memory_space<hbm>>
      %dma_wait3A_610 = tpu.memref_squeeze %dma_wait3A_609 : memref<1x1x100000xf32, #tpu.memory_space<hbm>> -> memref<100000xf32, #tpu.memory_space<hbm>>
      %dma_wait3A_611 = arith.constant 0 : i32
      %dma_wait3A_612 = tpu.memref_slice %arg4[%select_n3A_373, %select_n3A_389, %dma_wait3A_611] : memref<3x64x100000xf32, #tpu.memory_space<hbm>> -> memref<1x1x100000xf32, #tpu.memory_space<hbm>>
      %dma_wait3A_613 = tpu.memref_squeeze %dma_wait3A_612 : memref<1x1x100000xf32, #tpu.memory_space<hbm>> -> memref<100000xf32, #tpu.memory_space<hbm>>
      tpu.wait_dma2 semaphore(%run_scoped3A_601 : memref<!tpu.dma_semaphore, #tpu.memory_space<semaphore_mem>>) src(%dma_wait3A_613 : memref<100000xf32, #tpu.memory_space<hbm>>) dst(%arg8 : memref<100000xf32, #tpu.memory_space<vmem>>)
      tpu.yield
    }) : () -> ()
    %run_scoped3A_390 = arith.constant 0 : i32
    %run_scoped3A_391 = arith.constant 0 : i32
    "tpu.region"() ({
      %run_scoped3A_601 = tpu.sem_alloc : memref<!tpu.dma_semaphore, #tpu.memory_space<semaphore_mem>>
      %dma_start3A_602 = arith.constant 0 : i32
      %dma_start3A_603 = tpu.memref_slice %arg9[%run_scoped3A_390, %run_scoped3A_391, %dma_start3A_602] : memref<2x4x1024xi32, #tpu.memory_space<vmem>> -> memref<1x1x1024xi32, #tpu.memory_space<vmem>>
      %dma_start3A_604 = tpu.memref_squeeze %dma_start3A_603 : memref<1x1x1024xi32, #tpu.memory_space<vmem>> -> memref<1024xi32, #tpu.memory_space<vmem>>
      %dma_start3A_605 = arith.constant 0 : i32
      %dma_start3A_606 = tpu.memref_slice %arg5[%select_n3A_373, %dma_start3A_605] : memref<3x1024xi32, #tpu.memory_space<hbm>> -> memref<1x1024xi32, #tpu.memory_space<hbm>>
      %dma_start3A_607 = tpu.memref_squeeze %dma_start3A_606 : memref<1x1024xi32, #tpu.memory_space<hbm>> -> memref<1024xi32, #tpu.memory_space<hbm>>
      %dma_start3A_608 = arith.constant 0 : i32
      %dma_start3A_609 = tpu.memref_slice %arg9[%run_scoped3A_390, %run_scoped3A_391, %dma_start3A_608] : memref<2x4x1024xi32, #tpu.memory_space<vmem>> -> memref<1x1x1024xi32, #tpu.memory_space<vmem>>
      %dma_start3A_610 = tpu.memref_squeeze %dma_start3A_609 : memref<1x1x1024xi32, #tpu.memory_space<vmem>> -> memref<1024xi32, #tpu.memory_space<vmem>>
      %dma_start3A_611 = arith.constant 0 : i32
      %dma_start3A_612 = tpu.memref_slice %arg5[%select_n3A_373, %dma_start3A_611] : memref<3x1024xi32, #tpu.memory_space<hbm>> -> memref<1x1024xi32, #tpu.memory_space<hbm>>
      %dma_start3A_613 = tpu.memref_squeeze %dma_start3A_612 : memref<1x1024xi32, #tpu.memory_space<hbm>> -> memref<1024xi32, #tpu.memory_space<hbm>>
      tpu.enqueue_dma source(%dma_start3A_613 : memref<1024xi32, #tpu.memory_space<hbm>>) target(%dma_start3A_610 : memref<1024xi32, #tpu.memory_space<vmem>>) target_semaphore(%run_scoped3A_601 : memref<!tpu.dma_semaphore, #tpu.memory_space<semaphore_mem>>)
      %dma_wait3A_614 = arith.constant 0 : i32
      %dma_wait3A_615 = tpu.memref_slice %arg9[%run_scoped3A_390, %run_scoped3A_391, %dma_wait3A_614] : memref<2x4x1024xi32, #tpu.memory_space<vmem>> -> memref<1x1x1024xi32, #tpu.memory_space<vmem>>
      %dma_wait3A_616 = tpu.memref_squeeze %dma_wait3A_615 : memref<1x1x1024xi32, #tpu.memory_space<vmem>> -> memref<1024xi32, #tpu.memory_space<vmem>>
      %dma_wait3A_617 = arith.constant 0 : i32
      %dma_wait3A_618 = tpu.memref_slice %arg5[%select_n3A_373, %dma_wait3A_617] : memref<3x1024xi32, #tpu.memory_space<hbm>> -> memref<1x1024xi32, #tpu.memory_space<hbm>>
      %dma_wait3A_619 = tpu.memref_squeeze %dma_wait3A_618 : memref<1x1024xi32, #tpu.memory_space<hbm>> -> memref<1024xi32, #tpu.memory_space<hbm>>
      %dma_wait3A_620 = arith.constant 0 : i32
      %dma_wait3A_621 = tpu.memref_slice %arg9[%run_scoped3A_390, %run_scoped3A_391, %dma_wait3A_620] : memref<2x4x1024xi32, #tpu.memory_space<vmem>> -> memref<1x1x1024xi32, #tpu.memory_space<vmem>>
      %dma_wait3A_622 = tpu.memref_squeeze %dma_wait3A_621 : memref<1x1x1024xi32, #tpu.memory_space<vmem>> -> memref<1024xi32, #tpu.memory_space<vmem>>
      %dma_wait3A_623 = arith.constant 0 : i32
      %dma_wait3A_624 = tpu.memref_slice %arg5[%select_n3A_373, %dma_wait3A_623] : memref<3x1024xi32, #tpu.memory_space<hbm>> -> memref<1x1024xi32, #tpu.memory_space<hbm>>
      %dma_wait3A_625 = tpu.memref_squeeze %dma_wait3A_624 : memref<1x1024xi32, #tpu.memory_space<hbm>> -> memref<1024xi32, #tpu.memory_space<hbm>>
      tpu.wait_dma2 semaphore(%run_scoped3A_601 : memref<!tpu.dma_semaphore, #tpu.memory_space<semaphore_mem>>) src(%dma_wait3A_625 : memref<1024xi32, #tpu.memory_space<hbm>>) dst(%dma_wait3A_622 : memref<1024xi32, #tpu.memory_space<vmem>>)
      tpu.yield
    }) : () -> ()
    %parallel_loop3A_392 = arith.constant 0 : i32
    %parallel_loop3A_393 = arith.constant 1024 : i32
    %parallel_loop3A_394 = arith.constant 16 : i32
    scf.for %parallel_loop3A_601 = %parallel_loop3A_392 to %parallel_loop3A_393 step %parallel_loop3A_394  : i32 {
      %parallel_loop3A_602 = arith.constant 0 : i32
      %parallel_loop3A_603 = arith.constant 0 : i32
      %parallel_loop3A_604 = arith.index_cast %parallel_loop3A_602 : i32 to index
      %parallel_loop3A_605 = arith.index_cast %parallel_loop3A_603 : i32 to index
      %parallel_loop3A_606 = arith.index_cast %parallel_loop3A_601 : i32 to index
      %parallel_loop3A_607 = tpu.vector_load %arg9[%parallel_loop3A_604, %parallel_loop3A_605, %parallel_loop3A_606] {strides = array<i32>} : memref<2x4x1024xi32, #tpu.memory_space<vmem>>, vector<16xi32>,
      %parallel_loop3A_608 = tpu.vector_load_idx %arg8[%parallel_loop3A_607] : memref<100000xf32, #tpu.memory_space<vmem>>[vector<16xi32>], vector<16xf32>,
      %parallel_loop3A_609 = arith.constant 0 : i32
      %parallel_loop3A_610 = arith.constant 0 : i32
      %parallel_loop3A_611 = arith.index_cast %parallel_loop3A_609 : i32 to index
      %parallel_loop3A_612 = arith.index_cast %parallel_loop3A_610 : i32 to index
      %parallel_loop3A_613 = arith.index_cast %parallel_loop3A_601 : i32 to index
      %parallel_loop3A_614 = tpu.vector_load %arg10[%parallel_loop3A_611, %parallel_loop3A_612, %parallel_loop3A_613] {strides = array<i32>} : memref<2x4x1024xf32, #tpu.memory_space<vmem>>, vector<16xf32>,
      tpu.vector_store %arg10[%parallel_loop3A_611, %parallel_loop3A_612, %parallel_loop3A_613], %parallel_loop3A_608 {strides = array<i32>} : memref<2x4x1024xf32, #tpu.memory_space<vmem>>, vector<16xf32>,
    } {sc.loop_unroll_factor = 8 : i64, sc.parallel_access}
    %run_scoped3A_395 = arith.constant 0 : i32
    %run_scoped3A_396 = arith.constant 0 : i32
    "tpu.region"() ({
      %run_scoped3A_601 = tpu.sem_alloc : memref<!tpu.dma_semaphore, #tpu.memory_space<semaphore_mem>>
      %dma_start3A_602 = arith.constant 0 : i32
      %dma_start3A_603 = tpu.memref_slice %arg10[%run_scoped3A_395, %run_scoped3A_396, %dma_start3A_602] : memref<2x4x1024xf32, #tpu.memory_space<vmem>> -> memref<1x1x1024xf32, #tpu.memory_space<vmem>>
      %dma_start3A_604 = tpu.memref_squeeze %dma_start3A_603 : memref<1x1x1024xf32, #tpu.memory_space<vmem>> -> memref<1024xf32, #tpu.memory_space<vmem>>
      %dma_start3A_605 = arith.constant 0 : i32
      %dma_start3A_606 = tpu.memref_slice %arg7[%select_n3A_373, %select_n3A_389, %dma_start3A_605] : memref<3x64x1024xf32, #tpu.memory_space<hbm>> -> memref<1x1x1024xf32, #tpu.memory_space<hbm>>
      %dma_start3A_607 = tpu.memref_squeeze %dma_start3A_606 : memref<1x1x1024xf32, #tpu.memory_space<hbm>> -> memref<1024xf32, #tpu.memory_space<hbm>>
      %dma_start3A_608 = arith.constant 0 : i32
      %dma_start3A_609 = tpu.memref_slice %arg7[%select_n3A_373, %select_n3A_389, %dma_start3A_608] : memref<3x64x1024xf32, #tpu.memory_space<hbm>> -> memref<1x1x1024xf32, #tpu.memory_space<hbm>>
      %dma_start3A_610 = tpu.memref_squeeze %dma_start3A_609 : memref<1x1x1024xf32, #tpu.memory_space<hbm>> -> memref<1024xf32, #tpu.memory_space<hbm>>
      %dma_start3A_611 = arith.constant 0 : i32
      %dma_start3A_612 = tpu.memref_slice %arg10[%run_scoped3A_395, %run_scoped3A_396, %dma_start3A_611] : memref<2x4x1024xf32, #tpu.memory_space<vmem>> -> memref<1x1x1024xf32, #tpu.memory_space<vmem>>
      %dma_start3A_613 = tpu.memref_squeeze %dma_start3A_612 : memref<1x1x1024xf32, #tpu.memory_space<vmem>> -> memref<1024xf32, #tpu.memory_space<vmem>>
      tpu.enqueue_dma source(%dma_start3A_613 : memref<1024xf32, #tpu.memory_space<vmem>>) target(%dma_start3A_610 : memref<1024xf32, #tpu.memory_space<hbm>>) target_semaphore(%run_scoped3A_601 : memref<!tpu.dma_semaphore, #tpu.memory_space<semaphore_mem>>)
      %dma_wait3A_614 = arith.constant 0 : i32
      %dma_wait3A_615 = tpu.memref_slice %arg10[%run_scoped3A_395, %run_scoped3A_396, %dma_wait3A_614] : memref<2x4x1024xf32, #tpu.memory_space<vmem>> -> memref<1x1x1024xf32, #tpu.memory_space<vmem>>
      %dma_wait3A_616 = tpu.memref_squeeze %dma_wait3A_615 : memref<1x1x1024xf32, #tpu.memory_space<vmem>> -> memref<1024xf32, #tpu.memory_space<vmem>>
      %dma_wait3A_617 = arith.constant 0 : i32
      %dma_wait3A_618 = tpu.memref_slice %arg7[%select_n3A_373, %select_n3A_389, %dma_wait3A_617] : memref<3x64x1024xf32, #tpu.memory_space<hbm>> -> memref<1x1x1024xf32, #tpu.memory_space<hbm>>
      %dma_wait3A_619 = tpu.memref_squeeze %dma_wait3A_618 : memref<1x1x1024xf32, #tpu.memory_space<hbm>> -> memref<1024xf32, #tpu.memory_space<hbm>>
      %dma_wait3A_620 = arith.constant 0 : i32
      %dma_wait3A_621 = tpu.memref_slice %arg7[%select_n3A_373, %select_n3A_389, %dma_wait3A_620] : memref<3x64x1024xf32, #tpu.memory_space<hbm>> -> memref<1x1x1024xf32, #tpu.memory_space<hbm>>
      %dma_wait3A_622 = tpu.memref_squeeze %dma_wait3A_621 : memref<1x1x1024xf32, #tpu.memory_space<hbm>> -> memref<1024xf32, #tpu.memory_space<hbm>>
      %dma_wait3A_623 = arith.constant 0 : i32
      %dma_wait3A_624 = tpu.memref_slice %arg10[%run_scoped3A_395, %run_scoped3A_396, %dma_wait3A_623] : memref<2x4x1024xf32, #tpu.memory_space<vmem>> -> memref<1x1x1024xf32, #tpu.memory_space<vmem>>
      %dma_wait3A_625 = tpu.memref_squeeze %dma_wait3A_624 : memref<1x1x1024xf32, #tpu.memory_space<vmem>> -> memref<1024xf32, #tpu.memory_space<vmem>>
      tpu.wait_dma2 semaphore(%run_scoped3A_601 : memref<!tpu.dma_semaphore, #tpu.memory_space<semaphore_mem>>) src(%dma_wait3A_625 : memref<1024xf32, #tpu.memory_space<vmem>>) dst(%dma_wait3A_622 : memref<1024xf32, #tpu.memory_space<hbm>>)
      tpu.yield
    }) : () -> ()
    %mul3A_397 = arith.constant 6 : i32
    %mul3A_398 = arith.muli %add3A, %mul3A_397 : i32
    %add3A_399 = arith.constant 2 : i32
    %add3A_400 = arith.addi %mul3A_398, %add3A_399 : i32
    %jit3A_401 = arith.constant 64 : i32
    %div3A_402 = arith.divsi %add3A_400, %jit3A_401 : i32
    %sign3A_403 = arith.constant 0 : i32
    %sign3A_404 = arith.cmpi sgt, %add3A_400, %sign3A_403 : i32
    %sign3A_405 = arith.extui %sign3A_404 : i1 to i32
    %sign3A_406 = arith.constant 0 : i32
    %sign3A_407 = arith.cmpi slt, %add3A_400, %sign3A_406 : i32
    %sign3A_408 = arith.extui %sign3A_407 : i1 to i32
    %sign3A_409 = arith.subi %sign3A_405, %sign3A_408 : i32
    %sign3A_410 = arith.constant 0 : i32
    %sign3A_411 = arith.cmpi sgt, %jit3A_401, %sign3A_410 : i32
    %sign3A_412 = arith.extui %sign3A_411 : i1 to i32
    %sign3A_413 = arith.constant 0 : i32
    %sign3A_414 = arith.cmpi slt, %jit3A_401, %sign3A_413 : i32
    %sign3A_415 = arith.extui %sign3A_414 : i1 to i32
    %sign3A_416 = arith.subi %sign3A_412, %sign3A_415 : i32
    %ne3A_417 = arith.cmpi ne, %sign3A_409, %sign3A_416 : i32
    %rem3A_418 = arith.remsi %add3A_400, %jit3A_401 : i32
    %ne3A_419 = arith.constant 0 : i32
    %ne3A_420 = arith.cmpi ne, %rem3A_418, %ne3A_419 : i32
    %and3A_421 = arith.andi %ne3A_417, %ne3A_420 : i1
    %sub3A_422 = arith.constant 1 : i32
    %sub3A_423 = arith.subi %div3A_402, %sub3A_422 : i32
    %select_n3A_424 = arith.select %and3A_421, %sub3A_423, %div3A_402 : i32
    %jit3A_425 = arith.constant 64 : i32
    %eq3A_426 = arith.constant 0 : i32
    %eq3A_427 = arith.cmpi eq, %jit3A_425, %eq3A_426 : i32
    %jit3A_428 = arith.constant 1 : i32
    %select_n3A_429 = arith.select %eq3A_427, %jit3A_428, %jit3A_425 : i32
    %rem3A_430 = arith.remsi %add3A_400, %select_n3A_429 : i32
    %ne3A_431 = arith.constant 0 : i32
    %ne3A_432 = arith.cmpi ne, %rem3A_430, %ne3A_431 : i32
    %lt3A_433 = arith.constant 0 : i32
    %lt3A_434 = arith.cmpi slt, %rem3A_430, %lt3A_433 : i32
    %lt3A_435 = arith.constant 0 : i32
    %lt3A_436 = arith.cmpi slt, %select_n3A_429, %lt3A_435 : i32
    %ne3A_437 = arith.xori %lt3A_434, %lt3A_436 : i1
    %and3A_438 = arith.andi %ne3A_437, %ne3A_432 : i1
    %add3A_439 = arith.addi %rem3A_430, %select_n3A_429 : i32
    %select_n3A_440 = arith.select %and3A_438, %add3A_439, %rem3A_430 : i32
    "tpu.region"() ({
      %run_scoped3A_601 = tpu.sem_alloc : memref<!tpu.dma_semaphore, #tpu.memory_space<semaphore_mem>>
      %dma_start3A_602 = arith.constant 0 : i32
      %dma_start3A_603 = tpu.memref_slice %arg4[%select_n3A_424, %select_n3A_440, %dma_start3A_602] : memref<3x64x100000xf32, #tpu.memory_space<hbm>> -> memref<1x1x100000xf32, #tpu.memory_space<hbm>>
      %dma_start3A_604 = tpu.memref_squeeze %dma_start3A_603 : memref<1x1x100000xf32, #tpu.memory_space<hbm>> -> memref<100000xf32, #tpu.memory_space<hbm>>
      %dma_start3A_605 = arith.constant 0 : i32
      %dma_start3A_606 = tpu.memref_slice %arg4[%select_n3A_424, %select_n3A_440, %dma_start3A_605] : memref<3x64x100000xf32, #tpu.memory_space<hbm>> -> memref<1x1x100000xf32, #tpu.memory_space<hbm>>
      %dma_start3A_607 = tpu.memref_squeeze %dma_start3A_606 : memref<1x1x100000xf32, #tpu.memory_space<hbm>> -> memref<100000xf32, #tpu.memory_space<hbm>>
      tpu.enqueue_dma source(%dma_start3A_607 : memref<100000xf32, #tpu.memory_space<hbm>>) target(%arg8 : memref<100000xf32, #tpu.memory_space<vmem>>) target_semaphore(%run_scoped3A_601 : memref<!tpu.dma_semaphore, #tpu.memory_space<semaphore_mem>>)
      %dma_wait3A_608 = arith.constant 0 : i32
      %dma_wait3A_609 = tpu.memref_slice %arg4[%select_n3A_424, %select_n3A_440, %dma_wait3A_608] : memref<3x64x100000xf32, #tpu.memory_space<hbm>> -> memref<1x1x100000xf32, #tpu.memory_space<hbm>>
      %dma_wait3A_610 = tpu.memref_squeeze %dma_wait3A_609 : memref<1x1x100000xf32, #tpu.memory_space<hbm>> -> memref<100000xf32, #tpu.memory_space<hbm>>
      %dma_wait3A_611 = arith.constant 0 : i32
      %dma_wait3A_612 = tpu.memref_slice %arg4[%select_n3A_424, %select_n3A_440, %dma_wait3A_611] : memref<3x64x100000xf32, #tpu.memory_space<hbm>> -> memref<1x1x100000xf32, #tpu.memory_space<hbm>>
      %dma_wait3A_613 = tpu.memref_squeeze %dma_wait3A_612 : memref<1x1x100000xf32, #tpu.memory_space<hbm>> -> memref<100000xf32, #tpu.memory_space<hbm>>
      tpu.wait_dma2 semaphore(%run_scoped3A_601 : memref<!tpu.dma_semaphore, #tpu.memory_space<semaphore_mem>>) src(%dma_wait3A_613 : memref<100000xf32, #tpu.memory_space<hbm>>) dst(%arg8 : memref<100000xf32, #tpu.memory_space<vmem>>)
      tpu.yield
    }) : () -> ()
    %run_scoped3A_441 = arith.constant 0 : i32
    %run_scoped3A_442 = arith.constant 0 : i32
    "tpu.region"() ({
      %run_scoped3A_601 = tpu.sem_alloc : memref<!tpu.dma_semaphore, #tpu.memory_space<semaphore_mem>>
      %dma_start3A_602 = arith.constant 0 : i32
      %dma_start3A_603 = tpu.memref_slice %arg9[%run_scoped3A_441, %run_scoped3A_442, %dma_start3A_602] : memref<2x4x1024xi32, #tpu.memory_space<vmem>> -> memref<1x1x1024xi32, #tpu.memory_space<vmem>>
      %dma_start3A_604 = tpu.memref_squeeze %dma_start3A_603 : memref<1x1x1024xi32, #tpu.memory_space<vmem>> -> memref<1024xi32, #tpu.memory_space<vmem>>
      %dma_start3A_605 = arith.constant 0 : i32
      %dma_start3A_606 = tpu.memref_slice %arg5[%select_n3A_424, %dma_start3A_605] : memref<3x1024xi32, #tpu.memory_space<hbm>> -> memref<1x1024xi32, #tpu.memory_space<hbm>>
      %dma_start3A_607 = tpu.memref_squeeze %dma_start3A_606 : memref<1x1024xi32, #tpu.memory_space<hbm>> -> memref<1024xi32, #tpu.memory_space<hbm>>
      %dma_start3A_608 = arith.constant 0 : i32
      %dma_start3A_609 = tpu.memref_slice %arg9[%run_scoped3A_441, %run_scoped3A_442, %dma_start3A_608] : memref<2x4x1024xi32, #tpu.memory_space<vmem>> -> memref<1x1x1024xi32, #tpu.memory_space<vmem>>
      %dma_start3A_610 = tpu.memref_squeeze %dma_start3A_609 : memref<1x1x1024xi32, #tpu.memory_space<vmem>> -> memref<1024xi32, #tpu.memory_space<vmem>>
      %dma_start3A_611 = arith.constant 0 : i32
      %dma_start3A_612 = tpu.memref_slice %arg5[%select_n3A_424, %dma_start3A_611] : memref<3x1024xi32, #tpu.memory_space<hbm>> -> memref<1x1024xi32, #tpu.memory_space<hbm>>
      %dma_start3A_613 = tpu.memref_squeeze %dma_start3A_612 : memref<1x1024xi32, #tpu.memory_space<hbm>> -> memref<1024xi32, #tpu.memory_space<hbm>>
      tpu.enqueue_dma source(%dma_start3A_613 : memref<1024xi32, #tpu.memory_space<hbm>>) target(%dma_start3A_610 : memref<1024xi32, #tpu.memory_space<vmem>>) target_semaphore(%run_scoped3A_601 : memref<!tpu.dma_semaphore, #tpu.memory_space<semaphore_mem>>)
      %dma_wait3A_614 = arith.constant 0 : i32
      %dma_wait3A_615 = tpu.memref_slice %arg9[%run_scoped3A_441, %run_scoped3A_442, %dma_wait3A_614] : memref<2x4x1024xi32, #tpu.memory_space<vmem>> -> memref<1x1x1024xi32, #tpu.memory_space<vmem>>
      %dma_wait3A_616 = tpu.memref_squeeze %dma_wait3A_615 : memref<1x1x1024xi32, #tpu.memory_space<vmem>> -> memref<1024xi32, #tpu.memory_space<vmem>>
      %dma_wait3A_617 = arith.constant 0 : i32
      %dma_wait3A_618 = tpu.memref_slice %arg5[%select_n3A_424, %dma_wait3A_617] : memref<3x1024xi32, #tpu.memory_space<hbm>> -> memref<1x1024xi32, #tpu.memory_space<hbm>>
      %dma_wait3A_619 = tpu.memref_squeeze %dma_wait3A_618 : memref<1x1024xi32, #tpu.memory_space<hbm>> -> memref<1024xi32, #tpu.memory_space<hbm>>
      %dma_wait3A_620 = arith.constant 0 : i32
      %dma_wait3A_621 = tpu.memref_slice %arg9[%run_scoped3A_441, %run_scoped3A_442, %dma_wait3A_620] : memref<2x4x1024xi32, #tpu.memory_space<vmem>> -> memref<1x1x1024xi32, #tpu.memory_space<vmem>>
      %dma_wait3A_622 = tpu.memref_squeeze %dma_wait3A_621 : memref<1x1x1024xi32, #tpu.memory_space<vmem>> -> memref<1024xi32, #tpu.memory_space<vmem>>
      %dma_wait3A_623 = arith.constant 0 : i32
      %dma_wait3A_624 = tpu.memref_slice %arg5[%select_n3A_424, %dma_wait3A_623] : memref<3x1024xi32, #tpu.memory_space<hbm>> -> memref<1x1024xi32, #tpu.memory_space<hbm>>
      %dma_wait3A_625 = tpu.memref_squeeze %dma_wait3A_624 : memref<1x1024xi32, #tpu.memory_space<hbm>> -> memref<1024xi32, #tpu.memory_space<hbm>>
      tpu.wait_dma2 semaphore(%run_scoped3A_601 : memref<!tpu.dma_semaphore, #tpu.memory_space<semaphore_mem>>) src(%dma_wait3A_625 : memref<1024xi32, #tpu.memory_space<hbm>>) dst(%dma_wait3A_622 : memref<1024xi32, #tpu.memory_space<vmem>>)
      tpu.yield
    }) : () -> ()
    %parallel_loop3A_443 = arith.constant 0 : i32
    %parallel_loop3A_444 = arith.constant 1024 : i32
    %parallel_loop3A_445 = arith.constant 16 : i32
    scf.for %parallel_loop3A_601 = %parallel_loop3A_443 to %parallel_loop3A_444 step %parallel_loop3A_445  : i32 {
      %parallel_loop3A_602 = arith.constant 0 : i32
      %parallel_loop3A_603 = arith.constant 0 : i32
      %parallel_loop3A_604 = arith.index_cast %parallel_loop3A_602 : i32 to index
      %parallel_loop3A_605 = arith.index_cast %parallel_loop3A_603 : i32 to index
      %parallel_loop3A_606 = arith.index_cast %parallel_loop3A_601 : i32 to index
      %parallel_loop3A_607 = tpu.vector_load %arg9[%parallel_loop3A_604, %parallel_loop3A_605, %parallel_loop3A_606] {strides = array<i32>} : memref<2x4x1024xi32, #tpu.memory_space<vmem>>, vector<16xi32>,
      %parallel_loop3A_608 = tpu.vector_load_idx %arg8[%parallel_loop3A_607] : memref<100000xf32, #tpu.memory_space<vmem>>[vector<16xi32>], vector<16xf32>,
      %parallel_loop3A_609 = arith.constant 0 : i32
      %parallel_loop3A_610 = arith.constant 0 : i32
      %parallel_loop3A_611 = arith.index_cast %parallel_loop3A_609 : i32 to index
      %parallel_loop3A_612 = arith.index_cast %parallel_loop3A_610 : i32 to index
      %parallel_loop3A_613 = arith.index_cast %parallel_loop3A_601 : i32 to index
      %parallel_loop3A_614 = tpu.vector_load %arg10[%parallel_loop3A_611, %parallel_loop3A_612, %parallel_loop3A_613] {strides = array<i32>} : memref<2x4x1024xf32, #tpu.memory_space<vmem>>, vector<16xf32>,
      tpu.vector_store %arg10[%parallel_loop3A_611, %parallel_loop3A_612, %parallel_loop3A_613], %parallel_loop3A_608 {strides = array<i32>} : memref<2x4x1024xf32, #tpu.memory_space<vmem>>, vector<16xf32>,
    } {sc.loop_unroll_factor = 8 : i64, sc.parallel_access}
    %run_scoped3A_446 = arith.constant 0 : i32
    %run_scoped3A_447 = arith.constant 0 : i32
    "tpu.region"() ({
      %run_scoped3A_601 = tpu.sem_alloc : memref<!tpu.dma_semaphore, #tpu.memory_space<semaphore_mem>>
      %dma_start3A_602 = arith.constant 0 : i32
      %dma_start3A_603 = tpu.memref_slice %arg10[%run_scoped3A_446, %run_scoped3A_447, %dma_start3A_602] : memref<2x4x1024xf32, #tpu.memory_space<vmem>> -> memref<1x1x1024xf32, #tpu.memory_space<vmem>>
      %dma_start3A_604 = tpu.memref_squeeze %dma_start3A_603 : memref<1x1x1024xf32, #tpu.memory_space<vmem>> -> memref<1024xf32, #tpu.memory_space<vmem>>
      %dma_start3A_605 = arith.constant 0 : i32
      %dma_start3A_606 = tpu.memref_slice %arg7[%select_n3A_424, %select_n3A_440, %dma_start3A_605] : memref<3x64x1024xf32, #tpu.memory_space<hbm>> -> memref<1x1x1024xf32, #tpu.memory_space<hbm>>
      %dma_start3A_607 = tpu.memref_squeeze %dma_start3A_606 : memref<1x1x1024xf32, #tpu.memory_space<hbm>> -> memref<1024xf32, #tpu.memory_space<hbm>>
      %dma_start3A_608 = arith.constant 0 : i32
      %dma_start3A_609 = tpu.memref_slice %arg7[%select_n3A_424, %select_n3A_440, %dma_start3A_608] : memref<3x64x1024xf32, #tpu.memory_space<hbm>> -> memref<1x1x1024xf32, #tpu.memory_space<hbm>>
      %dma_start3A_610 = tpu.memref_squeeze %dma_start3A_609 : memref<1x1x1024xf32, #tpu.memory_space<hbm>> -> memref<1024xf32, #tpu.memory_space<hbm>>
      %dma_start3A_611 = arith.constant 0 : i32
      %dma_start3A_612 = tpu.memref_slice %arg10[%run_scoped3A_446, %run_scoped3A_447, %dma_start3A_611] : memref<2x4x1024xf32, #tpu.memory_space<vmem>> -> memref<1x1x1024xf32, #tpu.memory_space<vmem>>
      %dma_start3A_613 = tpu.memref_squeeze %dma_start3A_612 : memref<1x1x1024xf32, #tpu.memory_space<vmem>> -> memref<1024xf32, #tpu.memory_space<vmem>>
      tpu.enqueue_dma source(%dma_start3A_613 : memref<1024xf32, #tpu.memory_space<vmem>>) target(%dma_start3A_610 : memref<1024xf32, #tpu.memory_space<hbm>>) target_semaphore(%run_scoped3A_601 : memref<!tpu.dma_semaphore, #tpu.memory_space<semaphore_mem>>)
      %dma_wait3A_614 = arith.constant 0 : i32
      %dma_wait3A_615 = tpu.memref_slice %arg10[%run_scoped3A_446, %run_scoped3A_447, %dma_wait3A_614] : memref<2x4x1024xf32, #tpu.memory_space<vmem>> -> memref<1x1x1024xf32, #tpu.memory_space<vmem>>
      %dma_wait3A_616 = tpu.memref_squeeze %dma_wait3A_615 : memref<1x1x1024xf32, #tpu.memory_space<vmem>> -> memref<1024xf32, #tpu.memory_space<vmem>>
      %dma_wait3A_617 = arith.constant 0 : i32
      %dma_wait3A_618 = tpu.memref_slice %arg7[%select_n3A_424, %select_n3A_440, %dma_wait3A_617] : memref<3x64x1024xf32, #tpu.memory_space<hbm>> -> memref<1x1x1024xf32, #tpu.memory_space<hbm>>
      %dma_wait3A_619 = tpu.memref_squeeze %dma_wait3A_618 : memref<1x1x1024xf32, #tpu.memory_space<hbm>> -> memref<1024xf32, #tpu.memory_space<hbm>>
      %dma_wait3A_620 = arith.constant 0 : i32
      %dma_wait3A_621 = tpu.memref_slice %arg7[%select_n3A_424, %select_n3A_440, %dma_wait3A_620] : memref<3x64x1024xf32, #tpu.memory_space<hbm>> -> memref<1x1x1024xf32, #tpu.memory_space<hbm>>
      %dma_wait3A_622 = tpu.memref_squeeze %dma_wait3A_621 : memref<1x1x1024xf32, #tpu.memory_space<hbm>> -> memref<1024xf32, #tpu.memory_space<hbm>>
      %dma_wait3A_623 = arith.constant 0 : i32
      %dma_wait3A_624 = tpu.memref_slice %arg10[%run_scoped3A_446, %run_scoped3A_447, %dma_wait3A_623] : memref<2x4x1024xf32, #tpu.memory_space<vmem>> -> memref<1x1x1024xf32, #tpu.memory_space<vmem>>
      %dma_wait3A_625 = tpu.memref_squeeze %dma_wait3A_624 : memref<1x1x1024xf32, #tpu.memory_space<vmem>> -> memref<1024xf32, #tpu.memory_space<vmem>>
      tpu.wait_dma2 semaphore(%run_scoped3A_601 : memref<!tpu.dma_semaphore, #tpu.memory_space<semaphore_mem>>) src(%dma_wait3A_625 : memref<1024xf32, #tpu.memory_space<vmem>>) dst(%dma_wait3A_622 : memref<1024xf32, #tpu.memory_space<hbm>>)
      tpu.yield
    }) : () -> ()
    %mul3A_448 = arith.constant 6 : i32
    %mul3A_449 = arith.muli %add3A, %mul3A_448 : i32
    %add3A_450 = arith.constant 3 : i32
    %add3A_451 = arith.addi %mul3A_449, %add3A_450 : i32
    %jit3A_452 = arith.constant 64 : i32
    %div3A_453 = arith.divsi %add3A_451, %jit3A_452 : i32
    %sign3A_454 = arith.constant 0 : i32
    %sign3A_455 = arith.cmpi sgt, %add3A_451, %sign3A_454 : i32
    %sign3A_456 = arith.extui %sign3A_455 : i1 to i32
    %sign3A_457 = arith.constant 0 : i32
    %sign3A_458 = arith.cmpi slt, %add3A_451, %sign3A_457 : i32
    %sign3A_459 = arith.extui %sign3A_458 : i1 to i32
    %sign3A_460 = arith.subi %sign3A_456, %sign3A_459 : i32
    %sign3A_461 = arith.constant 0 : i32
    %sign3A_462 = arith.cmpi sgt, %jit3A_452, %sign3A_461 : i32
    %sign3A_463 = arith.extui %sign3A_462 : i1 to i32
    %sign3A_464 = arith.constant 0 : i32
    %sign3A_465 = arith.cmpi slt, %jit3A_452, %sign3A_464 : i32
    %sign3A_466 = arith.extui %sign3A_465 : i1 to i32
    %sign3A_467 = arith.subi %sign3A_463, %sign3A_466 : i32
    %ne3A_468 = arith.cmpi ne, %sign3A_460, %sign3A_467 : i32
    %rem3A_469 = arith.remsi %add3A_451, %jit3A_452 : i32
    %ne3A_470 = arith.constant 0 : i32
    %ne3A_471 = arith.cmpi ne, %rem3A_469, %ne3A_470 : i32
    %and3A_472 = arith.andi %ne3A_468, %ne3A_471 : i1
    %sub3A_473 = arith.constant 1 : i32
    %sub3A_474 = arith.subi %div3A_453, %sub3A_473 : i32
    %select_n3A_475 = arith.select %and3A_472, %sub3A_474, %div3A_453 : i32
    %jit3A_476 = arith.constant 64 : i32
    %eq3A_477 = arith.constant 0 : i32
    %eq3A_478 = arith.cmpi eq, %jit3A_476, %eq3A_477 : i32
    %jit3A_479 = arith.constant 1 : i32
    %select_n3A_480 = arith.select %eq3A_478, %jit3A_479, %jit3A_476 : i32
    %rem3A_481 = arith.remsi %add3A_451, %select_n3A_480 : i32
    %ne3A_482 = arith.constant 0 : i32
    %ne3A_483 = arith.cmpi ne, %rem3A_481, %ne3A_482 : i32
    %lt3A_484 = arith.constant 0 : i32
    %lt3A_485 = arith.cmpi slt, %rem3A_481, %lt3A_484 : i32
    %lt3A_486 = arith.constant 0 : i32
    %lt3A_487 = arith.cmpi slt, %select_n3A_480, %lt3A_486 : i32
    %ne3A_488 = arith.xori %lt3A_485, %lt3A_487 : i1
    %and3A_489 = arith.andi %ne3A_488, %ne3A_483 : i1
    %add3A_490 = arith.addi %rem3A_481, %select_n3A_480 : i32
    %select_n3A_491 = arith.select %and3A_489, %add3A_490, %rem3A_481 : i32
    "tpu.region"() ({
      %run_scoped3A_601 = tpu.sem_alloc : memref<!tpu.dma_semaphore, #tpu.memory_space<semaphore_mem>>
      %dma_start3A_602 = arith.constant 0 : i32
      %dma_start3A_603 = tpu.memref_slice %arg4[%select_n3A_475, %select_n3A_491, %dma_start3A_602] : memref<3x64x100000xf32, #tpu.memory_space<hbm>> -> memref<1x1x100000xf32, #tpu.memory_space<hbm>>
      %dma_start3A_604 = tpu.memref_squeeze %dma_start3A_603 : memref<1x1x100000xf32, #tpu.memory_space<hbm>> -> memref<100000xf32, #tpu.memory_space<hbm>>
      %dma_start3A_605 = arith.constant 0 : i32
      %dma_start3A_606 = tpu.memref_slice %arg4[%select_n3A_475, %select_n3A_491, %dma_start3A_605] : memref<3x64x100000xf32, #tpu.memory_space<hbm>> -> memref<1x1x100000xf32, #tpu.memory_space<hbm>>
      %dma_start3A_607 = tpu.memref_squeeze %dma_start3A_606 : memref<1x1x100000xf32, #tpu.memory_space<hbm>> -> memref<100000xf32, #tpu.memory_space<hbm>>
      tpu.enqueue_dma source(%dma_start3A_607 : memref<100000xf32, #tpu.memory_space<hbm>>) target(%arg8 : memref<100000xf32, #tpu.memory_space<vmem>>) target_semaphore(%run_scoped3A_601 : memref<!tpu.dma_semaphore, #tpu.memory_space<semaphore_mem>>)
      %dma_wait3A_608 = arith.constant 0 : i32
      %dma_wait3A_609 = tpu.memref_slice %arg4[%select_n3A_475, %select_n3A_491, %dma_wait3A_608] : memref<3x64x100000xf32, #tpu.memory_space<hbm>> -> memref<1x1x100000xf32, #tpu.memory_space<hbm>>
      %dma_wait3A_610 = tpu.memref_squeeze %dma_wait3A_609 : memref<1x1x100000xf32, #tpu.memory_space<hbm>> -> memref<100000xf32, #tpu.memory_space<hbm>>
      %dma_wait3A_611 = arith.constant 0 : i32
      %dma_wait3A_612 = tpu.memref_slice %arg4[%select_n3A_475, %select_n3A_491, %dma_wait3A_611] : memref<3x64x100000xf32, #tpu.memory_space<hbm>> -> memref<1x1x100000xf32, #tpu.memory_space<hbm>>
      %dma_wait3A_613 = tpu.memref_squeeze %dma_wait3A_612 : memref<1x1x100000xf32, #tpu.memory_space<hbm>> -> memref<100000xf32, #tpu.memory_space<hbm>>
      tpu.wait_dma2 semaphore(%run_scoped3A_601 : memref<!tpu.dma_semaphore, #tpu.memory_space<semaphore_mem>>) src(%dma_wait3A_613 : memref<100000xf32, #tpu.memory_space<hbm>>) dst(%arg8 : memref<100000xf32, #tpu.memory_space<vmem>>)
      tpu.yield
    }) : () -> ()
    %run_scoped3A_492 = arith.constant 0 : i32
    %run_scoped3A_493 = arith.constant 0 : i32
    "tpu.region"() ({
      %run_scoped3A_601 = tpu.sem_alloc : memref<!tpu.dma_semaphore, #tpu.memory_space<semaphore_mem>>
      %dma_start3A_602 = arith.constant 0 : i32
      %dma_start3A_603 = tpu.memref_slice %arg9[%run_scoped3A_492, %run_scoped3A_493, %dma_start3A_602] : memref<2x4x1024xi32, #tpu.memory_space<vmem>> -> memref<1x1x1024xi32, #tpu.memory_space<vmem>>
      %dma_start3A_604 = tpu.memref_squeeze %dma_start3A_603 : memref<1x1x1024xi32, #tpu.memory_space<vmem>> -> memref<1024xi32, #tpu.memory_space<vmem>>
      %dma_start3A_605 = arith.constant 0 : i32
      %dma_start3A_606 = tpu.memref_slice %arg5[%select_n3A_475, %dma_start3A_605] : memref<3x1024xi32, #tpu.memory_space<hbm>> -> memref<1x1024xi32, #tpu.memory_space<hbm>>
      %dma_start3A_607 = tpu.memref_squeeze %dma_start3A_606 : memref<1x1024xi32, #tpu.memory_space<hbm>> -> memref<1024xi32, #tpu.memory_space<hbm>>
      %dma_start3A_608 = arith.constant 0 : i32
      %dma_start3A_609 = tpu.memref_slice %arg9[%run_scoped3A_492, %run_scoped3A_493, %dma_start3A_608] : memref<2x4x1024xi32, #tpu.memory_space<vmem>> -> memref<1x1x1024xi32, #tpu.memory_space<vmem>>
      %dma_start3A_610 = tpu.memref_squeeze %dma_start3A_609 : memref<1x1x1024xi32, #tpu.memory_space<vmem>> -> memref<1024xi32, #tpu.memory_space<vmem>>
      %dma_start3A_611 = arith.constant 0 : i32
      %dma_start3A_612 = tpu.memref_slice %arg5[%select_n3A_475, %dma_start3A_611] : memref<3x1024xi32, #tpu.memory_space<hbm>> -> memref<1x1024xi32, #tpu.memory_space<hbm>>
      %dma_start3A_613 = tpu.memref_squeeze %dma_start3A_612 : memref<1x1024xi32, #tpu.memory_space<hbm>> -> memref<1024xi32, #tpu.memory_space<hbm>>
      tpu.enqueue_dma source(%dma_start3A_613 : memref<1024xi32, #tpu.memory_space<hbm>>) target(%dma_start3A_610 : memref<1024xi32, #tpu.memory_space<vmem>>) target_semaphore(%run_scoped3A_601 : memref<!tpu.dma_semaphore, #tpu.memory_space<semaphore_mem>>)
      %dma_wait3A_614 = arith.constant 0 : i32
      %dma_wait3A_615 = tpu.memref_slice %arg9[%run_scoped3A_492, %run_scoped3A_493, %dma_wait3A_614] : memref<2x4x1024xi32, #tpu.memory_space<vmem>> -> memref<1x1x1024xi32, #tpu.memory_space<vmem>>
      %dma_wait3A_616 = tpu.memref_squeeze %dma_wait3A_615 : memref<1x1x1024xi32, #tpu.memory_space<vmem>> -> memref<1024xi32, #tpu.memory_space<vmem>>
      %dma_wait3A_617 = arith.constant 0 : i32
      %dma_wait3A_618 = tpu.memref_slice %arg5[%select_n3A_475, %dma_wait3A_617] : memref<3x1024xi32, #tpu.memory_space<hbm>> -> memref<1x1024xi32, #tpu.memory_space<hbm>>
      %dma_wait3A_619 = tpu.memref_squeeze %dma_wait3A_618 : memref<1x1024xi32, #tpu.memory_space<hbm>> -> memref<1024xi32, #tpu.memory_space<hbm>>
      %dma_wait3A_620 = arith.constant 0 : i32
      %dma_wait3A_621 = tpu.memref_slice %arg9[%run_scoped3A_492, %run_scoped3A_493, %dma_wait3A_620] : memref<2x4x1024xi32, #tpu.memory_space<vmem>> -> memref<1x1x1024xi32, #tpu.memory_space<vmem>>
      %dma_wait3A_622 = tpu.memref_squeeze %dma_wait3A_621 : memref<1x1x1024xi32, #tpu.memory_space<vmem>> -> memref<1024xi32, #tpu.memory_space<vmem>>
      %dma_wait3A_623 = arith.constant 0 : i32
      %dma_wait3A_624 = tpu.memref_slice %arg5[%select_n3A_475, %dma_wait3A_623] : memref<3x1024xi32, #tpu.memory_space<hbm>> -> memref<1x1024xi32, #tpu.memory_space<hbm>>
      %dma_wait3A_625 = tpu.memref_squeeze %dma_wait3A_624 : memref<1x1024xi32, #tpu.memory_space<hbm>> -> memref<1024xi32, #tpu.memory_space<hbm>>
      tpu.wait_dma2 semaphore(%run_scoped3A_601 : memref<!tpu.dma_semaphore, #tpu.memory_space<semaphore_mem>>) src(%dma_wait3A_625 : memref<1024xi32, #tpu.memory_space<hbm>>) dst(%dma_wait3A_622 : memref<1024xi32, #tpu.memory_space<vmem>>)
      tpu.yield
    }) : () -> ()
    %parallel_loop3A_494 = arith.constant 0 : i32
    %parallel_loop3A_495 = arith.constant 1024 : i32
    %parallel_loop3A_496 = arith.constant 16 : i32
    scf.for %parallel_loop3A_601 = %parallel_loop3A_494 to %parallel_loop3A_495 step %parallel_loop3A_496  : i32 {
      %parallel_loop3A_602 = arith.constant 0 : i32
      %parallel_loop3A_603 = arith.constant 0 : i32
      %parallel_loop3A_604 = arith.index_cast %parallel_loop3A_602 : i32 to index
      %parallel_loop3A_605 = arith.index_cast %parallel_loop3A_603 : i32 to index
      %parallel_loop3A_606 = arith.index_cast %parallel_loop3A_601 : i32 to index
      %parallel_loop3A_607 = tpu.vector_load %arg9[%parallel_loop3A_604, %parallel_loop3A_605, %parallel_loop3A_606] {strides = array<i32>} : memref<2x4x1024xi32, #tpu.memory_space<vmem>>, vector<16xi32>,
      %parallel_loop3A_608 = tpu.vector_load_idx %arg8[%parallel_loop3A_607] : memref<100000xf32, #tpu.memory_space<vmem>>[vector<16xi32>], vector<16xf32>,
      %parallel_loop3A_609 = arith.constant 0 : i32
      %parallel_loop3A_610 = arith.constant 0 : i32
      %parallel_loop3A_611 = arith.index_cast %parallel_loop3A_609 : i32 to index
      %parallel_loop3A_612 = arith.index_cast %parallel_loop3A_610 : i32 to index
      %parallel_loop3A_613 = arith.index_cast %parallel_loop3A_601 : i32 to index
      %parallel_loop3A_614 = tpu.vector_load %arg10[%parallel_loop3A_611, %parallel_loop3A_612, %parallel_loop3A_613] {strides = array<i32>} : memref<2x4x1024xf32, #tpu.memory_space<vmem>>, vector<16xf32>,
      tpu.vector_store %arg10[%parallel_loop3A_611, %parallel_loop3A_612, %parallel_loop3A_613], %parallel_loop3A_608 {strides = array<i32>} : memref<2x4x1024xf32, #tpu.memory_space<vmem>>, vector<16xf32>,
    } {sc.loop_unroll_factor = 8 : i64, sc.parallel_access}
    %run_scoped3A_497 = arith.constant 0 : i32
    %run_scoped3A_498 = arith.constant 0 : i32
    "tpu.region"() ({
      %run_scoped3A_601 = tpu.sem_alloc : memref<!tpu.dma_semaphore, #tpu.memory_space<semaphore_mem>>
      %dma_start3A_602 = arith.constant 0 : i32
      %dma_start3A_603 = tpu.memref_slice %arg10[%run_scoped3A_497, %run_scoped3A_498, %dma_start3A_602] : memref<2x4x1024xf32, #tpu.memory_space<vmem>> -> memref<1x1x1024xf32, #tpu.memory_space<vmem>>
      %dma_start3A_604 = tpu.memref_squeeze %dma_start3A_603 : memref<1x1x1024xf32, #tpu.memory_space<vmem>> -> memref<1024xf32, #tpu.memory_space<vmem>>
      %dma_start3A_605 = arith.constant 0 : i32
      %dma_start3A_606 = tpu.memref_slice %arg7[%select_n3A_475, %select_n3A_491, %dma_start3A_605] : memref<3x64x1024xf32, #tpu.memory_space<hbm>> -> memref<1x1x1024xf32, #tpu.memory_space<hbm>>
      %dma_start3A_607 = tpu.memref_squeeze %dma_start3A_606 : memref<1x1x1024xf32, #tpu.memory_space<hbm>> -> memref<1024xf32, #tpu.memory_space<hbm>>
      %dma_start3A_608 = arith.constant 0 : i32
      %dma_start3A_609 = tpu.memref_slice %arg7[%select_n3A_475, %select_n3A_491, %dma_start3A_608] : memref<3x64x1024xf32, #tpu.memory_space<hbm>> -> memref<1x1x1024xf32, #tpu.memory_space<hbm>>
      %dma_start3A_610 = tpu.memref_squeeze %dma_start3A_609 : memref<1x1x1024xf32, #tpu.memory_space<hbm>> -> memref<1024xf32, #tpu.memory_space<hbm>>
      %dma_start3A_611 = arith.constant 0 : i32
      %dma_start3A_612 = tpu.memref_slice %arg10[%run_scoped3A_497, %run_scoped3A_498, %dma_start3A_611] : memref<2x4x1024xf32, #tpu.memory_space<vmem>> -> memref<1x1x1024xf32, #tpu.memory_space<vmem>>
      %dma_start3A_613 = tpu.memref_squeeze %dma_start3A_612 : memref<1x1x1024xf32, #tpu.memory_space<vmem>> -> memref<1024xf32, #tpu.memory_space<vmem>>
      tpu.enqueue_dma source(%dma_start3A_613 : memref<1024xf32, #tpu.memory_space<vmem>>) target(%dma_start3A_610 : memref<1024xf32, #tpu.memory_space<hbm>>) target_semaphore(%run_scoped3A_601 : memref<!tpu.dma_semaphore, #tpu.memory_space<semaphore_mem>>)
      %dma_wait3A_614 = arith.constant 0 : i32
      %dma_wait3A_615 = tpu.memref_slice %arg10[%run_scoped3A_497, %run_scoped3A_498, %dma_wait3A_614] : memref<2x4x1024xf32, #tpu.memory_space<vmem>> -> memref<1x1x1024xf32, #tpu.memory_space<vmem>>
      %dma_wait3A_616 = tpu.memref_squeeze %dma_wait3A_615 : memref<1x1x1024xf32, #tpu.memory_space<vmem>> -> memref<1024xf32, #tpu.memory_space<vmem>>
      %dma_wait3A_617 = arith.constant 0 : i32
      %dma_wait3A_618 = tpu.memref_slice %arg7[%select_n3A_475, %select_n3A_491, %dma_wait3A_617] : memref<3x64x1024xf32, #tpu.memory_space<hbm>> -> memref<1x1x1024xf32, #tpu.memory_space<hbm>>
      %dma_wait3A_619 = tpu.memref_squeeze %dma_wait3A_618 : memref<1x1x1024xf32, #tpu.memory_space<hbm>> -> memref<1024xf32, #tpu.memory_space<hbm>>
      %dma_wait3A_620 = arith.constant 0 : i32
      %dma_wait3A_621 = tpu.memref_slice %arg7[%select_n3A_475, %select_n3A_491, %dma_wait3A_620] : memref<3x64x1024xf32, #tpu.memory_space<hbm>> -> memref<1x1x1024xf32, #tpu.memory_space<hbm>>
      %dma_wait3A_622 = tpu.memref_squeeze %dma_wait3A_621 : memref<1x1x1024xf32, #tpu.memory_space<hbm>> -> memref<1024xf32, #tpu.memory_space<hbm>>
      %dma_wait3A_623 = arith.constant 0 : i32
      %dma_wait3A_624 = tpu.memref_slice %arg10[%run_scoped3A_497, %run_scoped3A_498, %dma_wait3A_623] : memref<2x4x1024xf32, #tpu.memory_space<vmem>> -> memref<1x1x1024xf32, #tpu.memory_space<vmem>>
      %dma_wait3A_625 = tpu.memref_squeeze %dma_wait3A_624 : memref<1x1x1024xf32, #tpu.memory_space<vmem>> -> memref<1024xf32, #tpu.memory_space<vmem>>
      tpu.wait_dma2 semaphore(%run_scoped3A_601 : memref<!tpu.dma_semaphore, #tpu.memory_space<semaphore_mem>>) src(%dma_wait3A_625 : memref<1024xf32, #tpu.memory_space<vmem>>) dst(%dma_wait3A_622 : memref<1024xf32, #tpu.memory_space<hbm>>)
      tpu.yield
    }) : () -> ()
    %mul3A_499 = arith.constant 6 : i32
    %mul3A_500 = arith.muli %add3A, %mul3A_499 : i32
    %add3A_501 = arith.constant 4 : i32
    %add3A_502 = arith.addi %mul3A_500, %add3A_501 : i32
    %jit3A_503 = arith.constant 64 : i32
    %div3A_504 = arith.divsi %add3A_502, %jit3A_503 : i32
    %sign3A_505 = arith.constant 0 : i32
    %sign3A_506 = arith.cmpi sgt, %add3A_502, %sign3A_505 : i32
    %sign3A_507 = arith.extui %sign3A_506 : i1 to i32
    %sign3A_508 = arith.constant 0 : i32
    %sign3A_509 = arith.cmpi slt, %add3A_502, %sign3A_508 : i32
    %sign3A_510 = arith.extui %sign3A_509 : i1 to i32
    %sign3A_511 = arith.subi %sign3A_507, %sign3A_510 : i32
    %sign3A_512 = arith.constant 0 : i32
    %sign3A_513 = arith.cmpi sgt, %jit3A_503, %sign3A_512 : i32
    %sign3A_514 = arith.extui %sign3A_513 : i1 to i32
    %sign3A_515 = arith.constant 0 : i32
    %sign3A_516 = arith.cmpi slt, %jit3A_503, %sign3A_515 : i32
    %sign3A_517 = arith.extui %sign3A_516 : i1 to i32
    %sign3A_518 = arith.subi %sign3A_514, %sign3A_517 : i32
    %ne3A_519 = arith.cmpi ne, %sign3A_511, %sign3A_518 : i32
    %rem3A_520 = arith.remsi %add3A_502, %jit3A_503 : i32
    %ne3A_521 = arith.constant 0 : i32
    %ne3A_522 = arith.cmpi ne, %rem3A_520, %ne3A_521 : i32
    %and3A_523 = arith.andi %ne3A_519, %ne3A_522 : i1
    %sub3A_524 = arith.constant 1 : i32
    %sub3A_525 = arith.subi %div3A_504, %sub3A_524 : i32
    %select_n3A_526 = arith.select %and3A_523, %sub3A_525, %div3A_504 : i32
    %jit3A_527 = arith.constant 64 : i32
    %eq3A_528 = arith.constant 0 : i32
    %eq3A_529 = arith.cmpi eq, %jit3A_527, %eq3A_528 : i32
    %jit3A_530 = arith.constant 1 : i32
    %select_n3A_531 = arith.select %eq3A_529, %jit3A_530, %jit3A_527 : i32
    %rem3A_532 = arith.remsi %add3A_502, %select_n3A_531 : i32
    %ne3A_533 = arith.constant 0 : i32
    %ne3A_534 = arith.cmpi ne, %rem3A_532, %ne3A_533 : i32
    %lt3A_535 = arith.constant 0 : i32
    %lt3A_536 = arith.cmpi slt, %rem3A_532, %lt3A_535 : i32
    %lt3A_537 = arith.constant 0 : i32
    %lt3A_538 = arith.cmpi slt, %select_n3A_531, %lt3A_537 : i32
    %ne3A_539 = arith.xori %lt3A_536, %lt3A_538 : i1
    %and3A_540 = arith.andi %ne3A_539, %ne3A_534 : i1
    %add3A_541 = arith.addi %rem3A_532, %select_n3A_531 : i32
    %select_n3A_542 = arith.select %and3A_540, %add3A_541, %rem3A_532 : i32
    "tpu.region"() ({
      %run_scoped3A_601 = tpu.sem_alloc : memref<!tpu.dma_semaphore, #tpu.memory_space<semaphore_mem>>
      %dma_start3A_602 = arith.constant 0 : i32
      %dma_start3A_603 = tpu.memref_slice %arg4[%select_n3A_526, %select_n3A_542, %dma_start3A_602] : memref<3x64x100000xf32, #tpu.memory_space<hbm>> -> memref<1x1x100000xf32, #tpu.memory_space<hbm>>
      %dma_start3A_604 = tpu.memref_squeeze %dma_start3A_603 : memref<1x1x100000xf32, #tpu.memory_space<hbm>> -> memref<100000xf32, #tpu.memory_space<hbm>>
      %dma_start3A_605 = arith.constant 0 : i32
      %dma_start3A_606 = tpu.memref_slice %arg4[%select_n3A_526, %select_n3A_542, %dma_start3A_605] : memref<3x64x100000xf32, #tpu.memory_space<hbm>> -> memref<1x1x100000xf32, #tpu.memory_space<hbm>>
      %dma_start3A_607 = tpu.memref_squeeze %dma_start3A_606 : memref<1x1x100000xf32, #tpu.memory_space<hbm>> -> memref<100000xf32, #tpu.memory_space<hbm>>
      tpu.enqueue_dma source(%dma_start3A_607 : memref<100000xf32, #tpu.memory_space<hbm>>) target(%arg8 : memref<100000xf32, #tpu.memory_space<vmem>>) target_semaphore(%run_scoped3A_601 : memref<!tpu.dma_semaphore, #tpu.memory_space<semaphore_mem>>)
      %dma_wait3A_608 = arith.constant 0 : i32
      %dma_wait3A_609 = tpu.memref_slice %arg4[%select_n3A_526, %select_n3A_542, %dma_wait3A_608] : memref<3x64x100000xf32, #tpu.memory_space<hbm>> -> memref<1x1x100000xf32, #tpu.memory_space<hbm>>
      %dma_wait3A_610 = tpu.memref_squeeze %dma_wait3A_609 : memref<1x1x100000xf32, #tpu.memory_space<hbm>> -> memref<100000xf32, #tpu.memory_space<hbm>>
      %dma_wait3A_611 = arith.constant 0 : i32
      %dma_wait3A_612 = tpu.memref_slice %arg4[%select_n3A_526, %select_n3A_542, %dma_wait3A_611] : memref<3x64x100000xf32, #tpu.memory_space<hbm>> -> memref<1x1x100000xf32, #tpu.memory_space<hbm>>
      %dma_wait3A_613 = tpu.memref_squeeze %dma_wait3A_612 : memref<1x1x100000xf32, #tpu.memory_space<hbm>> -> memref<100000xf32, #tpu.memory_space<hbm>>
      tpu.wait_dma2 semaphore(%run_scoped3A_601 : memref<!tpu.dma_semaphore, #tpu.memory_space<semaphore_mem>>) src(%dma_wait3A_613 : memref<100000xf32, #tpu.memory_space<hbm>>) dst(%arg8 : memref<100000xf32, #tpu.memory_space<vmem>>)
      tpu.yield
    }) : () -> ()
    %run_scoped3A_543 = arith.constant 0 : i32
    %run_scoped3A_544 = arith.constant 0 : i32
    "tpu.region"() ({
      %run_scoped3A_601 = tpu.sem_alloc : memref<!tpu.dma_semaphore, #tpu.memory_space<semaphore_mem>>
      %dma_start3A_602 = arith.constant 0 : i32
      %dma_start3A_603 = tpu.memref_slice %arg9[%run_scoped3A_543, %run_scoped3A_544, %dma_start3A_602] : memref<2x4x1024xi32, #tpu.memory_space<vmem>> -> memref<1x1x1024xi32, #tpu.memory_space<vmem>>
      %dma_start3A_604 = tpu.memref_squeeze %dma_start3A_603 : memref<1x1x1024xi32, #tpu.memory_space<vmem>> -> memref<1024xi32, #tpu.memory_space<vmem>>
      %dma_start3A_605 = arith.constant 0 : i32
      %dma_start3A_606 = tpu.memref_slice %arg5[%select_n3A_526, %dma_start3A_605] : memref<3x1024xi32, #tpu.memory_space<hbm>> -> memref<1x1024xi32, #tpu.memory_space<hbm>>
      %dma_start3A_607 = tpu.memref_squeeze %dma_start3A_606 : memref<1x1024xi32, #tpu.memory_space<hbm>> -> memref<1024xi32, #tpu.memory_space<hbm>>
      %dma_start3A_608 = arith.constant 0 : i32
      %dma_start3A_609 = tpu.memref_slice %arg9[%run_scoped3A_543, %run_scoped3A_544, %dma_start3A_608] : memref<2x4x1024xi32, #tpu.memory_space<vmem>> -> memref<1x1x1024xi32, #tpu.memory_space<vmem>>
      %dma_start3A_610 = tpu.memref_squeeze %dma_start3A_609 : memref<1x1x1024xi32, #tpu.memory_space<vmem>> -> memref<1024xi32, #tpu.memory_space<vmem>>
      %dma_start3A_611 = arith.constant 0 : i32
      %dma_start3A_612 = tpu.memref_slice %arg5[%select_n3A_526, %dma_start3A_611] : memref<3x1024xi32, #tpu.memory_space<hbm>> -> memref<1x1024xi32, #tpu.memory_space<hbm>>
      %dma_start3A_613 = tpu.memref_squeeze %dma_start3A_612 : memref<1x1024xi32, #tpu.memory_space<hbm>> -> memref<1024xi32, #tpu.memory_space<hbm>>
      tpu.enqueue_dma source(%dma_start3A_613 : memref<1024xi32, #tpu.memory_space<hbm>>) target(%dma_start3A_610 : memref<1024xi32, #tpu.memory_space<vmem>>) target_semaphore(%run_scoped3A_601 : memref<!tpu.dma_semaphore, #tpu.memory_space<semaphore_mem>>)
      %dma_wait3A_614 = arith.constant 0 : i32
      %dma_wait3A_615 = tpu.memref_slice %arg9[%run_scoped3A_543, %run_scoped3A_544, %dma_wait3A_614] : memref<2x4x1024xi32, #tpu.memory_space<vmem>> -> memref<1x1x1024xi32, #tpu.memory_space<vmem>>
      %dma_wait3A_616 = tpu.memref_squeeze %dma_wait3A_615 : memref<1x1x1024xi32, #tpu.memory_space<vmem>> -> memref<1024xi32, #tpu.memory_space<vmem>>
      %dma_wait3A_617 = arith.constant 0 : i32
      %dma_wait3A_618 = tpu.memref_slice %arg5[%select_n3A_526, %dma_wait3A_617] : memref<3x1024xi32, #tpu.memory_space<hbm>> -> memref<1x1024xi32, #tpu.memory_space<hbm>>
      %dma_wait3A_619 = tpu.memref_squeeze %dma_wait3A_618 : memref<1x1024xi32, #tpu.memory_space<hbm>> -> memref<1024xi32, #tpu.memory_space<hbm>>
      %dma_wait3A_620 = arith.constant 0 : i32
      %dma_wait3A_621 = tpu.memref_slice %arg9[%run_scoped3A_543, %run_scoped3A_544, %dma_wait3A_620] : memref<2x4x1024xi32, #tpu.memory_space<vmem>> -> memref<1x1x1024xi32, #tpu.memory_space<vmem>>
      %dma_wait3A_622 = tpu.memref_squeeze %dma_wait3A_621 : memref<1x1x1024xi32, #tpu.memory_space<vmem>> -> memref<1024xi32, #tpu.memory_space<vmem>>
      %dma_wait3A_623 = arith.constant 0 : i32
      %dma_wait3A_624 = tpu.memref_slice %arg5[%select_n3A_526, %dma_wait3A_623] : memref<3x1024xi32, #tpu.memory_space<hbm>> -> memref<1x1024xi32, #tpu.memory_space<hbm>>
      %dma_wait3A_625 = tpu.memref_squeeze %dma_wait3A_624 : memref<1x1024xi32, #tpu.memory_space<hbm>> -> memref<1024xi32, #tpu.memory_space<hbm>>
      tpu.wait_dma2 semaphore(%run_scoped3A_601 : memref<!tpu.dma_semaphore, #tpu.memory_space<semaphore_mem>>) src(%dma_wait3A_625 : memref<1024xi32, #tpu.memory_space<hbm>>) dst(%dma_wait3A_622 : memref<1024xi32, #tpu.memory_space<vmem>>)
      tpu.yield
    }) : () -> ()
    %parallel_loop3A_545 = arith.constant 0 : i32
    %parallel_loop3A_546 = arith.constant 1024 : i32
    %parallel_loop3A_547 = arith.constant 16 : i32
    scf.for %parallel_loop3A_601 = %parallel_loop3A_545 to %parallel_loop3A_546 step %parallel_loop3A_547  : i32 {
      %parallel_loop3A_602 = arith.constant 0 : i32
      %parallel_loop3A_603 = arith.constant 0 : i32
      %parallel_loop3A_604 = arith.index_cast %parallel_loop3A_602 : i32 to index
      %parallel_loop3A_605 = arith.index_cast %parallel_loop3A_603 : i32 to index
      %parallel_loop3A_606 = arith.index_cast %parallel_loop3A_601 : i32 to index
      %parallel_loop3A_607 = tpu.vector_load %arg9[%parallel_loop3A_604, %parallel_loop3A_605, %parallel_loop3A_606] {strides = array<i32>} : memref<2x4x1024xi32, #tpu.memory_space<vmem>>, vector<16xi32>,
      %parallel_loop3A_608 = tpu.vector_load_idx %arg8[%parallel_loop3A_607] : memref<100000xf32, #tpu.memory_space<vmem>>[vector<16xi32>], vector<16xf32>,
      %parallel_loop3A_609 = arith.constant 0 : i32
      %parallel_loop3A_610 = arith.constant 0 : i32
      %parallel_loop3A_611 = arith.index_cast %parallel_loop3A_609 : i32 to index
      %parallel_loop3A_612 = arith.index_cast %parallel_loop3A_610 : i32 to index
      %parallel_loop3A_613 = arith.index_cast %parallel_loop3A_601 : i32 to index
      %parallel_loop3A_614 = tpu.vector_load %arg10[%parallel_loop3A_611, %parallel_loop3A_612, %parallel_loop3A_613] {strides = array<i32>} : memref<2x4x1024xf32, #tpu.memory_space<vmem>>, vector<16xf32>,
      tpu.vector_store %arg10[%parallel_loop3A_611, %parallel_loop3A_612, %parallel_loop3A_613], %parallel_loop3A_608 {strides = array<i32>} : memref<2x4x1024xf32, #tpu.memory_space<vmem>>, vector<16xf32>,
    } {sc.loop_unroll_factor = 8 : i64, sc.parallel_access}
    %run_scoped3A_548 = arith.constant 0 : i32
    %run_scoped3A_549 = arith.constant 0 : i32
    "tpu.region"() ({
      %run_scoped3A_601 = tpu.sem_alloc : memref<!tpu.dma_semaphore, #tpu.memory_space<semaphore_mem>>
      %dma_start3A_602 = arith.constant 0 : i32
      %dma_start3A_603 = tpu.memref_slice %arg10[%run_scoped3A_548, %run_scoped3A_549, %dma_start3A_602] : memref<2x4x1024xf32, #tpu.memory_space<vmem>> -> memref<1x1x1024xf32, #tpu.memory_space<vmem>>
      %dma_start3A_604 = tpu.memref_squeeze %dma_start3A_603 : memref<1x1x1024xf32, #tpu.memory_space<vmem>> -> memref<1024xf32, #tpu.memory_space<vmem>>
      %dma_start3A_605 = arith.constant 0 : i32
      %dma_start3A_606 = tpu.memref_slice %arg7[%select_n3A_526, %select_n3A_542, %dma_start3A_605] : memref<3x64x1024xf32, #tpu.memory_space<hbm>> -> memref<1x1x1024xf32, #tpu.memory_space<hbm>>
      %dma_start3A_607 = tpu.memref_squeeze %dma_start3A_606 : memref<1x1x1024xf32, #tpu.memory_space<hbm>> -> memref<1024xf32, #tpu.memory_space<hbm>>
      %dma_start3A_608 = arith.constant 0 : i32
      %dma_start3A_609 = tpu.memref_slice %arg7[%select_n3A_526, %select_n3A_542, %dma_start3A_608] : memref<3x64x1024xf32, #tpu.memory_space<hbm>> -> memref<1x1x1024xf32, #tpu.memory_space<hbm>>
      %dma_start3A_610 = tpu.memref_squeeze %dma_start3A_609 : memref<1x1x1024xf32, #tpu.memory_space<hbm>> -> memref<1024xf32, #tpu.memory_space<hbm>>
      %dma_start3A_611 = arith.constant 0 : i32
      %dma_start3A_612 = tpu.memref_slice %arg10[%run_scoped3A_548, %run_scoped3A_549, %dma_start3A_611] : memref<2x4x1024xf32, #tpu.memory_space<vmem>> -> memref<1x1x1024xf32, #tpu.memory_space<vmem>>
      %dma_start3A_613 = tpu.memref_squeeze %dma_start3A_612 : memref<1x1x1024xf32, #tpu.memory_space<vmem>> -> memref<1024xf32, #tpu.memory_space<vmem>>
      tpu.enqueue_dma source(%dma_start3A_613 : memref<1024xf32, #tpu.memory_space<vmem>>) target(%dma_start3A_610 : memref<1024xf32, #tpu.memory_space<hbm>>) target_semaphore(%run_scoped3A_601 : memref<!tpu.dma_semaphore, #tpu.memory_space<semaphore_mem>>)
      %dma_wait3A_614 = arith.constant 0 : i32
      %dma_wait3A_615 = tpu.memref_slice %arg10[%run_scoped3A_548, %run_scoped3A_549, %dma_wait3A_614] : memref<2x4x1024xf32, #tpu.memory_space<vmem>> -> memref<1x1x1024xf32, #tpu.memory_space<vmem>>
      %dma_wait3A_616 = tpu.memref_squeeze %dma_wait3A_615 : memref<1x1x1024xf32, #tpu.memory_space<vmem>> -> memref<1024xf32, #tpu.memory_space<vmem>>
      %dma_wait3A_617 = arith.constant 0 : i32
      %dma_wait3A_618 = tpu.memref_slice %arg7[%select_n3A_526, %select_n3A_542, %dma_wait3A_617] : memref<3x64x1024xf32, #tpu.memory_space<hbm>> -> memref<1x1x1024xf32, #tpu.memory_space<hbm>>
      %dma_wait3A_619 = tpu.memref_squeeze %dma_wait3A_618 : memref<1x1x1024xf32, #tpu.memory_space<hbm>> -> memref<1024xf32, #tpu.memory_space<hbm>>
      %dma_wait3A_620 = arith.constant 0 : i32
      %dma_wait3A_621 = tpu.memref_slice %arg7[%select_n3A_526, %select_n3A_542, %dma_wait3A_620] : memref<3x64x1024xf32, #tpu.memory_space<hbm>> -> memref<1x1x1024xf32, #tpu.memory_space<hbm>>
      %dma_wait3A_622 = tpu.memref_squeeze %dma_wait3A_621 : memref<1x1x1024xf32, #tpu.memory_space<hbm>> -> memref<1024xf32, #tpu.memory_space<hbm>>
      %dma_wait3A_623 = arith.constant 0 : i32
      %dma_wait3A_624 = tpu.memref_slice %arg10[%run_scoped3A_548, %run_scoped3A_549, %dma_wait3A_623] : memref<2x4x1024xf32, #tpu.memory_space<vmem>> -> memref<1x1x1024xf32, #tpu.memory_space<vmem>>
      %dma_wait3A_625 = tpu.memref_squeeze %dma_wait3A_624 : memref<1x1x1024xf32, #tpu.memory_space<vmem>> -> memref<1024xf32, #tpu.memory_space<vmem>>
      tpu.wait_dma2 semaphore(%run_scoped3A_601 : memref<!tpu.dma_semaphore, #tpu.memory_space<semaphore_mem>>) src(%dma_wait3A_625 : memref<1024xf32, #tpu.memory_space<vmem>>) dst(%dma_wait3A_622 : memref<1024xf32, #tpu.memory_space<hbm>>)
      tpu.yield
    }) : () -> ()
    %mul3A_550 = arith.constant 6 : i32
    %mul3A_551 = arith.muli %add3A, %mul3A_550 : i32
    %add3A_552 = arith.constant 5 : i32
    %add3A_553 = arith.addi %mul3A_551, %add3A_552 : i32
    %jit3A_554 = arith.constant 64 : i32
    %div3A_555 = arith.divsi %add3A_553, %jit3A_554 : i32
    %sign3A_556 = arith.constant 0 : i32
    %sign3A_557 = arith.cmpi sgt, %add3A_553, %sign3A_556 : i32
    %sign3A_558 = arith.extui %sign3A_557 : i1 to i32
    %sign3A_559 = arith.constant 0 : i32
    %sign3A_560 = arith.cmpi slt, %add3A_553, %sign3A_559 : i32
    %sign3A_561 = arith.extui %sign3A_560 : i1 to i32
    %sign3A_562 = arith.subi %sign3A_558, %sign3A_561 : i32
    %sign3A_563 = arith.constant 0 : i32
    %sign3A_564 = arith.cmpi sgt, %jit3A_554, %sign3A_563 : i32
    %sign3A_565 = arith.extui %sign3A_564 : i1 to i32
    %sign3A_566 = arith.constant 0 : i32
    %sign3A_567 = arith.cmpi slt, %jit3A_554, %sign3A_566 : i32
    %sign3A_568 = arith.extui %sign3A_567 : i1 to i32
    %sign3A_569 = arith.subi %sign3A_565, %sign3A_568 : i32
    %ne3A_570 = arith.cmpi ne, %sign3A_562, %sign3A_569 : i32
    %rem3A_571 = arith.remsi %add3A_553, %jit3A_554 : i32
    %ne3A_572 = arith.constant 0 : i32
    %ne3A_573 = arith.cmpi ne, %rem3A_571, %ne3A_572 : i32
    %and3A_574 = arith.andi %ne3A_570, %ne3A_573 : i1
    %sub3A_575 = arith.constant 1 : i32
    %sub3A_576 = arith.subi %div3A_555, %sub3A_575 : i32
    %select_n3A_577 = arith.select %and3A_574, %sub3A_576, %div3A_555 : i32
    %jit3A_578 = arith.constant 64 : i32
    %eq3A_579 = arith.constant 0 : i32
    %eq3A_580 = arith.cmpi eq, %jit3A_578, %eq3A_579 : i32
    %jit3A_581 = arith.constant 1 : i32
    %select_n3A_582 = arith.select %eq3A_580, %jit3A_581, %jit3A_578 : i32
    %rem3A_583 = arith.remsi %add3A_553, %select_n3A_582 : i32
    %ne3A_584 = arith.constant 0 : i32
    %ne3A_585 = arith.cmpi ne, %rem3A_583, %ne3A_584 : i32
    %lt3A_586 = arith.constant 0 : i32
    %lt3A_587 = arith.cmpi slt, %rem3A_583, %lt3A_586 : i32
    %lt3A_588 = arith.constant 0 : i32
    %lt3A_589 = arith.cmpi slt, %select_n3A_582, %lt3A_588 : i32
    %ne3A_590 = arith.xori %lt3A_587, %lt3A_589 : i1
    %and3A_591 = arith.andi %ne3A_590, %ne3A_585 : i1
    %add3A_592 = arith.addi %rem3A_583, %select_n3A_582 : i32
    %select_n3A_593 = arith.select %and3A_591, %add3A_592, %rem3A_583 : i32
    "tpu.region"() ({
      %run_scoped3A_601 = tpu.sem_alloc : memref<!tpu.dma_semaphore, #tpu.memory_space<semaphore_mem>>
      %dma_start3A_602 = arith.constant 0 : i32
      %dma_start3A_603 = tpu.memref_slice %arg4[%select_n3A_577, %select_n3A_593, %dma_start3A_602] : memref<3x64x100000xf32, #tpu.memory_space<hbm>> -> memref<1x1x100000xf32, #tpu.memory_space<hbm>>
      %dma_start3A_604 = tpu.memref_squeeze %dma_start3A_603 : memref<1x1x100000xf32, #tpu.memory_space<hbm>> -> memref<100000xf32, #tpu.memory_space<hbm>>
      %dma_start3A_605 = arith.constant 0 : i32
      %dma_start3A_606 = tpu.memref_slice %arg4[%select_n3A_577, %select_n3A_593, %dma_start3A_605] : memref<3x64x100000xf32, #tpu.memory_space<hbm>> -> memref<1x1x100000xf32, #tpu.memory_space<hbm>>
      %dma_start3A_607 = tpu.memref_squeeze %dma_start3A_606 : memref<1x1x100000xf32, #tpu.memory_space<hbm>> -> memref<100000xf32, #tpu.memory_space<hbm>>
      tpu.enqueue_dma source(%dma_start3A_607 : memref<100000xf32, #tpu.memory_space<hbm>>) target(%arg8 : memref<100000xf32, #tpu.memory_space<vmem>>) target_semaphore(%run_scoped3A_601 : memref<!tpu.dma_semaphore, #tpu.memory_space<semaphore_mem>>)
      %dma_wait3A_608 = arith.constant 0 : i32
      %dma_wait3A_609 = tpu.memref_slice %arg4[%select_n3A_577, %select_n3A_593, %dma_wait3A_608] : memref<3x64x100000xf32, #tpu.memory_space<hbm>> -> memref<1x1x100000xf32, #tpu.memory_space<hbm>>
      %dma_wait3A_610 = tpu.memref_squeeze %dma_wait3A_609 : memref<1x1x100000xf32, #tpu.memory_space<hbm>> -> memref<100000xf32, #tpu.memory_space<hbm>>
      %dma_wait3A_611 = arith.constant 0 : i32
      %dma_wait3A_612 = tpu.memref_slice %arg4[%select_n3A_577, %select_n3A_593, %dma_wait3A_611] : memref<3x64x100000xf32, #tpu.memory_space<hbm>> -> memref<1x1x100000xf32, #tpu.memory_space<hbm>>
      %dma_wait3A_613 = tpu.memref_squeeze %dma_wait3A_612 : memref<1x1x100000xf32, #tpu.memory_space<hbm>> -> memref<100000xf32, #tpu.memory_space<hbm>>
      tpu.wait_dma2 semaphore(%run_scoped3A_601 : memref<!tpu.dma_semaphore, #tpu.memory_space<semaphore_mem>>) src(%dma_wait3A_613 : memref<100000xf32, #tpu.memory_space<hbm>>) dst(%arg8 : memref<100000xf32, #tpu.memory_space<vmem>>)
      tpu.yield
    }) : () -> ()
    %run_scoped3A_594 = arith.constant 0 : i32
    %run_scoped3A_595 = arith.constant 0 : i32
    "tpu.region"() ({
      %run_scoped3A_601 = tpu.sem_alloc : memref<!tpu.dma_semaphore, #tpu.memory_space<semaphore_mem>>
      %dma_start3A_602 = arith.constant 0 : i32
      %dma_start3A_603 = tpu.memref_slice %arg9[%run_scoped3A_594, %run_scoped3A_595, %dma_start3A_602] : memref<2x4x1024xi32, #tpu.memory_space<vmem>> -> memref<1x1x1024xi32, #tpu.memory_space<vmem>>
      %dma_start3A_604 = tpu.memref_squeeze %dma_start3A_603 : memref<1x1x1024xi32, #tpu.memory_space<vmem>> -> memref<1024xi32, #tpu.memory_space<vmem>>
      %dma_start3A_605 = arith.constant 0 : i32
      %dma_start3A_606 = tpu.memref_slice %arg5[%select_n3A_577, %dma_start3A_605] : memref<3x1024xi32, #tpu.memory_space<hbm>> -> memref<1x1024xi32, #tpu.memory_space<hbm>>
      %dma_start3A_607 = tpu.memref_squeeze %dma_start3A_606 : memref<1x1024xi32, #tpu.memory_space<hbm>> -> memref<1024xi32, #tpu.memory_space<hbm>>
      %dma_start3A_608 = arith.constant 0 : i32
      %dma_start3A_609 = tpu.memref_slice %arg9[%run_scoped3A_594, %run_scoped3A_595, %dma_start3A_608] : memref<2x4x1024xi32, #tpu.memory_space<vmem>> -> memref<1x1x1024xi32, #tpu.memory_space<vmem>>
      %dma_start3A_610 = tpu.memref_squeeze %dma_start3A_609 : memref<1x1x1024xi32, #tpu.memory_space<vmem>> -> memref<1024xi32, #tpu.memory_space<vmem>>
      %dma_start3A_611 = arith.constant 0 : i32
      %dma_start3A_612 = tpu.memref_slice %arg5[%select_n3A_577, %dma_start3A_611] : memref<3x1024xi32, #tpu.memory_space<hbm>> -> memref<1x1024xi32, #tpu.memory_space<hbm>>
      %dma_start3A_613 = tpu.memref_squeeze %dma_start3A_612 : memref<1x1024xi32, #tpu.memory_space<hbm>> -> memref<1024xi32, #tpu.memory_space<hbm>>
      tpu.enqueue_dma source(%dma_start3A_613 : memref<1024xi32, #tpu.memory_space<hbm>>) target(%dma_start3A_610 : memref<1024xi32, #tpu.memory_space<vmem>>) target_semaphore(%run_scoped3A_601 : memref<!tpu.dma_semaphore, #tpu.memory_space<semaphore_mem>>)
      %dma_wait3A_614 = arith.constant 0 : i32
      %dma_wait3A_615 = tpu.memref_slice %arg9[%run_scoped3A_594, %run_scoped3A_595, %dma_wait3A_614] : memref<2x4x1024xi32, #tpu.memory_space<vmem>> -> memref<1x1x1024xi32, #tpu.memory_space<vmem>>
      %dma_wait3A_616 = tpu.memref_squeeze %dma_wait3A_615 : memref<1x1x1024xi32, #tpu.memory_space<vmem>> -> memref<1024xi32, #tpu.memory_space<vmem>>
      %dma_wait3A_617 = arith.constant 0 : i32
      %dma_wait3A_618 = tpu.memref_slice %arg5[%select_n3A_577, %dma_wait3A_617] : memref<3x1024xi32, #tpu.memory_space<hbm>> -> memref<1x1024xi32, #tpu.memory_space<hbm>>
      %dma_wait3A_619 = tpu.memref_squeeze %dma_wait3A_618 : memref<1x1024xi32, #tpu.memory_space<hbm>> -> memref<1024xi32, #tpu.memory_space<hbm>>
      %dma_wait3A_620 = arith.constant 0 : i32
      %dma_wait3A_621 = tpu.memref_slice %arg9[%run_scoped3A_594, %run_scoped3A_595, %dma_wait3A_620] : memref<2x4x1024xi32, #tpu.memory_space<vmem>> -> memref<1x1x1024xi32, #tpu.memory_space<vmem>>
      %dma_wait3A_622 = tpu.memref_squeeze %dma_wait3A_621 : memref<1x1x1024xi32, #tpu.memory_space<vmem>> -> memref<1024xi32, #tpu.memory_space<vmem>>
      %dma_wait3A_623 = arith.constant 0 : i32
      %dma_wait3A_624 = tpu.memref_slice %arg5[%select_n3A_577, %dma_wait3A_623] : memref<3x1024xi32, #tpu.memory_space<hbm>> -> memref<1x1024xi32, #tpu.memory_space<hbm>>
      %dma_wait3A_625 = tpu.memref_squeeze %dma_wait3A_624 : memref<1x1024xi32, #tpu.memory_space<hbm>> -> memref<1024xi32, #tpu.memory_space<hbm>>
      tpu.wait_dma2 semaphore(%run_scoped3A_601 : memref<!tpu.dma_semaphore, #tpu.memory_space<semaphore_mem>>) src(%dma_wait3A_625 : memref<1024xi32, #tpu.memory_space<hbm>>) dst(%dma_wait3A_622 : memref<1024xi32, #tpu.memory_space<vmem>>)
      tpu.yield
    }) : () -> ()
    %parallel_loop3A_596 = arith.constant 0 : i32
    %parallel_loop3A_597 = arith.constant 1024 : i32
    %parallel_loop3A_598 = arith.constant 16 : i32
    scf.for %parallel_loop3A_601 = %parallel_loop3A_596 to %parallel_loop3A_597 step %parallel_loop3A_598  : i32 {
      %parallel_loop3A_602 = arith.constant 0 : i32
      %parallel_loop3A_603 = arith.constant 0 : i32
      %parallel_loop3A_604 = arith.index_cast %parallel_loop3A_602 : i32 to index
      %parallel_loop3A_605 = arith.index_cast %parallel_loop3A_603 : i32 to index
      %parallel_loop3A_606 = arith.index_cast %parallel_loop3A_601 : i32 to index
      %parallel_loop3A_607 = tpu.vector_load %arg9[%parallel_loop3A_604, %parallel_loop3A_605, %parallel_loop3A_606] {strides = array<i32>} : memref<2x4x1024xi32, #tpu.memory_space<vmem>>, vector<16xi32>,
      %parallel_loop3A_608 = tpu.vector_load_idx %arg8[%parallel_loop3A_607] : memref<100000xf32, #tpu.memory_space<vmem>>[vector<16xi32>], vector<16xf32>,
      %parallel_loop3A_609 = arith.constant 0 : i32
      %parallel_loop3A_610 = arith.constant 0 : i32
      %parallel_loop3A_611 = arith.index_cast %parallel_loop3A_609 : i32 to index
      %parallel_loop3A_612 = arith.index_cast %parallel_loop3A_610 : i32 to index
      %parallel_loop3A_613 = arith.index_cast %parallel_loop3A_601 : i32 to index
      %parallel_loop3A_614 = tpu.vector_load %arg10[%parallel_loop3A_611, %parallel_loop3A_612, %parallel_loop3A_613] {strides = array<i32>} : memref<2x4x1024xf32, #tpu.memory_space<vmem>>, vector<16xf32>,
      tpu.vector_store %arg10[%parallel_loop3A_611, %parallel_loop3A_612, %parallel_loop3A_613], %parallel_loop3A_608 {strides = array<i32>} : memref<2x4x1024xf32, #tpu.memory_space<vmem>>, vector<16xf32>,
    } {sc.loop_unroll_factor = 8 : i64, sc.parallel_access}
    %run_scoped3A_599 = arith.constant 0 : i32
    %run_scoped3A_600 = arith.constant 0 : i32
    "tpu.region"() ({
      %run_scoped3A_601 = tpu.sem_alloc : memref<!tpu.dma_semaphore, #tpu.memory_space<semaphore_mem>>
      %dma_start3A_602 = arith.constant 0 : i32
      %dma_start3A_603 = tpu.memref_slice %arg10[%run_scoped3A_599, %run_scoped3A_600, %dma_start3A_602] : memref<2x4x1024xf32, #tpu.memory_space<vmem>> -> memref<1x1x1024xf32, #tpu.memory_space<vmem>>
      %dma_start3A_604 = tpu.memref_squeeze %dma_start3A_603 : memref<1x1x1024xf32, #tpu.memory_space<vmem>> -> memref<1024xf32, #tpu.memory_space<vmem>>
      %dma_start3A_605 = arith.constant 0 : i32
      %dma_start3A_606 = tpu.memref_slice %arg7[%select_n3A_577, %select_n3A_593, %dma_start3A_605] : memref<3x64x1024xf32, #tpu.memory_space<hbm>> -> memref<1x1x1024xf32, #tpu.memory_space<hbm>>
      %dma_start3A_607 = tpu.memref_squeeze %dma_start3A_606 : memref<1x1x1024xf32, #tpu.memory_space<hbm>> -> memref<1024xf32, #tpu.memory_space<hbm>>
      %dma_start3A_608 = arith.constant 0 : i32
      %dma_start3A_609 = tpu.memref_slice %arg7[%select_n3A_577, %select_n3A_593, %dma_start3A_608] : memref<3x64x1024xf32, #tpu.memory_space<hbm>> -> memref<1x1x1024xf32, #tpu.memory_space<hbm>>
      %dma_start3A_610 = tpu.memref_squeeze %dma_start3A_609 : memref<1x1x1024xf32, #tpu.memory_space<hbm>> -> memref<1024xf32, #tpu.memory_space<hbm>>
      %dma_start3A_611 = arith.constant 0 : i32
      %dma_start3A_612 = tpu.memref_slice %arg10[%run_scoped3A_599, %run_scoped3A_600, %dma_start3A_611] : memref<2x4x1024xf32, #tpu.memory_space<vmem>> -> memref<1x1x1024xf32, #tpu.memory_space<vmem>>
      %dma_start3A_613 = tpu.memref_squeeze %dma_start3A_612 : memref<1x1x1024xf32, #tpu.memory_space<vmem>> -> memref<1024xf32, #tpu.memory_space<vmem>>
      tpu.enqueue_dma source(%dma_start3A_613 : memref<1024xf32, #tpu.memory_space<vmem>>) target(%dma_start3A_610 : memref<1024xf32, #tpu.memory_space<hbm>>) target_semaphore(%run_scoped3A_601 : memref<!tpu.dma_semaphore, #tpu.memory_space<semaphore_mem>>)
      %dma_wait3A_614 = arith.constant 0 : i32
      %dma_wait3A_615 = tpu.memref_slice %arg10[%run_scoped3A_599, %run_scoped3A_600, %dma_wait3A_614] : memref<2x4x1024xf32, #tpu.memory_space<vmem>> -> memref<1x1x1024xf32, #tpu.memory_space<vmem>>
      %dma_wait3A_616 = tpu.memref_squeeze %dma_wait3A_615 : memref<1x1x1024xf32, #tpu.memory_space<vmem>> -> memref<1024xf32, #tpu.memory_space<vmem>>
      %dma_wait3A_617 = arith.constant 0 : i32
      %dma_wait3A_618 = tpu.memref_slice %arg7[%select_n3A_577, %select_n3A_593, %dma_wait3A_617] : memref<3x64x1024xf32, #tpu.memory_space<hbm>> -> memref<1x1x1024xf32, #tpu.memory_space<hbm>>
      %dma_wait3A_619 = tpu.memref_squeeze %dma_wait3A_618 : memref<1x1x1024xf32, #tpu.memory_space<hbm>> -> memref<1024xf32, #tpu.memory_space<hbm>>
      %dma_wait3A_620 = arith.constant 0 : i32
      %dma_wait3A_621 = tpu.memref_slice %arg7[%select_n3A_577, %select_n3A_593, %dma_wait3A_620] : memref<3x64x1024xf32, #tpu.memory_space<hbm>> -> memref<1x1x1024xf32, #tpu.memory_space<hbm>>
      %dma_wait3A_622 = tpu.memref_squeeze %dma_wait3A_621 : memref<1x1x1024xf32, #tpu.memory_space<hbm>> -> memref<1024xf32, #tpu.memory_space<hbm>>
      %dma_wait3A_623 = arith.constant 0 : i32
      %dma_wait3A_624 = tpu.memref_slice %arg10[%run_scoped3A_599, %run_scoped3A_600, %dma_wait3A_623] : memref<2x4x1024xf32, #tpu.memory_space<vmem>> -> memref<1x1x1024xf32, #tpu.memory_space<vmem>>
      %dma_wait3A_625 = tpu.memref_squeeze %dma_wait3A_624 : memref<1x1x1024xf32, #tpu.memory_space<vmem>> -> memref<1024xf32, #tpu.memory_space<vmem>>
      tpu.wait_dma2 semaphore(%run_scoped3A_601 : memref<!tpu.dma_semaphore, #tpu.memory_space<semaphore_mem>>) src(%dma_wait3A_625 : memref<1024xf32, #tpu.memory_space<vmem>>) dst(%dma_wait3A_622 : memref<1024xf32, #tpu.memory_space<hbm>>)
      tpu.yield
    }) : () -> ()
    return
  }
}

module attributes {stable_mosaic.version = 14 : i64} {
  func.func @obs_body(%arg0: i32, %arg1: memref<4x3x1024xf32, #tpu.memory_space<vmem>>, %arg2: memref<3x64xf32, #tpu.memory_space<vmem>>, %arg3: memref<3x64xf32, #tpu.memory_space<vmem>>, %arg4: memref<4x3x64x1024xf32, #tpu.memory_space<vmem>>) attributes {dimension_semantics = [#tpu.dimension_semantics<arbitrary>], iteration_bounds = array<i64: 50>, scalar_prefetch = 0 : i64, scratch_operands = 0 : i64, tpu.core_type = #tpu.core_type<tc>, window_params = [{transform_indices = @transform_0, window_bounds = array<i64: 4, 3, 1024>}, {pipeline_mode = #tpu.pipeline_mode<synchronous>, transform_indices = @transform_1, window_bounds = array<i64: 3, 64>}, {pipeline_mode = #tpu.pipeline_mode<synchronous>, transform_indices = @transform_2, window_bounds = array<i64: 3, 64>}, {transform_indices = @transform_3, window_bounds = array<i64: 4, 3, 64, 1024>}]} {
    %get3A = arith.constant 0 : index
    %get3A_0 = arith.constant 0 : index
    %get3A_1 = arith.constant 0 : index
    %get3A_2 = vector.load %arg1[%get3A, %get3A_0, %get3A_1] : memref<4x3x1024xf32, #tpu.memory_space<vmem>>, vector<4x3x1024xf32>
    %broadcast_in_dim3A = vector.shape_cast %get3A_2 : vector<4x3x1024xf32> to vector<4x3x1x1024xf32>
    %get3A_3 = arith.constant 0 : index
    %get3A_4 = arith.constant 0 : index
    %get3A_5 = vector.load %arg2[%get3A_3, %get3A_4] : memref<3x64xf32, #tpu.memory_space<vmem>>, vector<3x64xf32>
    %broadcast_in_dim3A_6 = vector.shape_cast %get3A_5 : vector<3x64xf32> to vector<1x3x64x1xf32>
    %mul3A = vector.broadcast %broadcast_in_dim3A : vector<4x3x1x1024xf32> to vector<4x3x64x1024xf32>
    %mul3A_7 = vector.broadcast %broadcast_in_dim3A_6 : vector<1x3x64x1xf32> to vector<4x3x64x1024xf32>
    %mul3A_8 = arith.mulf %mul3A, %mul3A_7 : vector<4x3x64x1024xf32>
    %get3A_9 = arith.constant 0 : index
    %get3A_10 = arith.constant 0 : index
    %get3A_11 = vector.load %arg3[%get3A_9, %get3A_10] : memref<3x64xf32, #tpu.memory_space<vmem>>, vector<3x64xf32>
    %broadcast_in_dim3A_12 = vector.shape_cast %get3A_11 : vector<3x64xf32> to vector<1x3x64x1xf32>
    %add3A = vector.broadcast %broadcast_in_dim3A_12 : vector<1x3x64x1xf32> to vector<4x3x64x1024xf32>
    %add3A_13 = arith.addf %mul3A_8, %add3A : vector<4x3x64x1024xf32>
    %swap3A = arith.constant 0 : index
    %swap3A_14 = arith.constant 0 : index
    %swap3A_15 = arith.constant 0 : index
    %swap3A_16 = arith.constant 0 : index
    %swap3A_17 = vector.load %arg4[%swap3A, %swap3A_14, %swap3A_15, %swap3A_16] : memref<4x3x64x1024xf32, #tpu.memory_space<vmem>>, vector<4x3x64x1024xf32>
    tpu.vector_store %arg4[%swap3A, %swap3A_14, %swap3A_15, %swap3A_16], %add3A_13 {strides = array<i32>} : memref<4x3x64x1024xf32, #tpu.memory_space<vmem>>, vector<4x3x64x1024xf32>,
    return
  }
  func.func @transform_0(%arg0: i32) -> (i32, i32, i32) {
    %c0_i32 = arith.constant 0 : i32
    %c0_i32_0 = arith.constant 0 : i32
    %c0_i32_1 = arith.constant 0 : i32
    return %arg0, %c0_i32, %c0_i32_0 : i32, i32, i32
  }
  func.func @transform_1(%arg0: i32) -> (i32, i32) {
    %c0_i32 = arith.constant 0 : i32
    %c0_i32_0 = arith.constant 0 : i32
    %c0_i32_1 = arith.constant 0 : i32
    return %c0_i32, %c0_i32_0 : i32, i32
  }
  func.func @transform_2(%arg0: i32) -> (i32, i32) {
    %c0_i32 = arith.constant 0 : i32
    %c0_i32_0 = arith.constant 0 : i32
    %c0_i32_1 = arith.constant 0 : i32
    return %c0_i32, %c0_i32_0 : i32, i32
  }
  func.func @transform_3(%arg0: i32) -> (i32, i32, i32, i32) {
    %c0_i32 = arith.constant 0 : i32
    %c0_i32_0 = arith.constant 0 : i32
    %c0_i32_1 = arith.constant 0 : i32
    %c0_i32_2 = arith.constant 0 : i32
    return %arg0, %c0_i32, %c0_i32_0, %c0_i32_1 : i32, i32, i32, i32
  }
}

module attributes {stable_mosaic.version = 14 : i64} {
  func.func @body(%arg0: i32, %arg1: i32, %arg2: memref<4x1x2x1024xf32, #tpu.memory_space<vmem>>, %arg3: memref<1x1x64x1024xf32, #tpu.memory_space<vmem>>, %arg4: memref<1x2x64xf32, #tpu.memory_space<vmem>>, %arg5: memref<1x2x64xf32, #tpu.memory_space<vmem>>, %arg6: memref<4x2x64x1024xf32, #tpu.memory_space<vmem>>) attributes {dimension_semantics = [#tpu.dimension_semantics<arbitrary>, #tpu.dimension_semantics<arbitrary>], iteration_bounds = array<i64: 50, 2>, scalar_prefetch = 0 : i64, scratch_operands = 0 : i64, tpu.core_type = #tpu.core_type<tc>, window_params = [{transform_indices = @transform_0, window_bounds = array<i64: 4, 1, 2, 1024>}, {transform_indices = @transform_1, window_bounds = array<i64: 1, 1, 64, 1024>}, {transform_indices = @transform_2, window_bounds = array<i64: 1, 2, 64>}, {transform_indices = @transform_3, window_bounds = array<i64: 1, 2, 64>}, {transform_indices = @transform_4, window_bounds = array<i64: 4, 2, 64, 1024>}]} {
    %get3A = arith.constant 0 : index
    %get3A_0 = arith.constant 0 : index
    %get3A_1 = arith.constant 0 : index
    %get3A_2 = vector.load %arg4[%get3A, %get3A_0, %get3A_1] : memref<1x2x64xf32, #tpu.memory_space<vmem>>, vector<1x2x64xf32>
    %broadcast_in_dim3A = vector.shape_cast %get3A_2 : vector<1x2x64xf32> to vector<1x2x64x1xf32>
    %get3A_3 = arith.constant 0 : index
    %get3A_4 = arith.constant 0 : index
    %get3A_5 = arith.constant 0 : index
    %get3A_6 = vector.load %arg5[%get3A_3, %get3A_4, %get3A_5] : memref<1x2x64xf32, #tpu.memory_space<vmem>>, vector<1x2x64xf32>
    %broadcast_in_dim3A_7 = vector.shape_cast %get3A_6 : vector<1x2x64xf32> to vector<1x2x64x1xf32>
    %get3A_8 = arith.constant 0 : index
    %get3A_9 = arith.constant 0 : index
    %get3A_10 = arith.constant 0 : index
    %get3A_11 = arith.constant 0 : index
    %get3A_12 = vector.load %arg2[%get3A_8, %get3A_9, %get3A_10, %get3A_11] : memref<4x1x2x1024xf32, #tpu.memory_space<vmem>>, vector<4x1x2x1024xf32>
    %get3A_13 = vector.shape_cast %get3A_12 : vector<4x1x2x1024xf32> to vector<4x2x1024xf32>
    %broadcast_in_dim3A_14 = vector.shape_cast %get3A_13 : vector<4x2x1024xf32> to vector<4x2x1x1024xf32>
    %mul3A = vector.broadcast %broadcast_in_dim3A_14 : vector<4x2x1x1024xf32> to vector<4x2x64x1024xf32>
    %mul3A_15 = vector.broadcast %broadcast_in_dim3A : vector<1x2x64x1xf32> to vector<4x2x64x1024xf32>
    %mul3A_16 = arith.mulf %mul3A, %mul3A_15 : vector<4x2x64x1024xf32>
    %add3A = vector.broadcast %broadcast_in_dim3A_7 : vector<1x2x64x1xf32> to vector<4x2x64x1024xf32>
    %add3A_17 = arith.addf %mul3A_16, %add3A : vector<4x2x64x1024xf32>
    %swap3A = arith.constant 0 : index
    %swap3A_18 = arith.constant 0 : index
    %swap3A_19 = arith.constant 0 : index
    %swap3A_20 = arith.constant 0 : index
    %swap3A_21 = vector.load %arg6[%swap3A, %swap3A_18, %swap3A_19, %swap3A_20] : memref<4x2x64x1024xf32, #tpu.memory_space<vmem>>, vector<4x2x64x1024xf32>
    tpu.vector_store %arg6[%swap3A, %swap3A_18, %swap3A_19, %swap3A_20], %add3A_17 {strides = array<i32>} : memref<4x2x64x1024xf32, #tpu.memory_space<vmem>>, vector<4x2x64x1024xf32>,
    return
  }
  func.func @transform_0(%arg0: i32, %arg1: i32) -> (i32, i32, i32, i32) {
    %c0_i32 = arith.constant 0 : i32
    %c0_i32_0 = arith.constant 0 : i32
    %c0_i32_1 = arith.constant 0 : i32
    return %arg0, %arg1, %c0_i32, %c0_i32_0 : i32, i32, i32, i32
  }
  func.func @transform_1(%arg0: i32, %arg1: i32) -> (i32, i32, i32, i32) {
    %c0_i32 = arith.constant 0 : i32
    %c0_i32_0 = arith.constant 0 : i32
    %c0_i32_1 = arith.constant 0 : i32
    %c0_i32_2 = arith.constant 0 : i32
    %c0_i32_3 = arith.constant 0 : i32
    return %c0_i32, %c0_i32_0, %c0_i32_1, %c0_i32_2 : i32, i32, i32, i32
  }
  func.func @transform_2(%arg0: i32, %arg1: i32) -> (i32, i32, i32) {
    %c0_i32 = arith.constant 0 : i32
    %c0_i32_0 = arith.constant 0 : i32
    %c0_i32_1 = arith.constant 0 : i32
    return %arg1, %c0_i32, %c0_i32_0 : i32, i32, i32
  }
  func.func @transform_3(%arg0: i32, %arg1: i32) -> (i32, i32, i32) {
    %c0_i32 = arith.constant 0 : i32
    %c0_i32_0 = arith.constant 0 : i32
    %c0_i32_1 = arith.constant 0 : i32
    return %arg1, %c0_i32, %c0_i32_0 : i32, i32, i32
  }
  func.func @transform_4(%arg0: i32, %arg1: i32) -> (i32, i32, i32, i32) {
    %c0_i32 = arith.constant 0 : i32
    %c0_i32_0 = arith.constant 0 : i32
    %c0_i32_1 = arith.constant 0 : i32
    return %arg0, %arg1, %c0_i32, %c0_i32_0 : i32, i32, i32, i32
  }
}

</mosaic_0001>

<sc_bundles>
// kernel: kernel.5.cloned.1.call-start
scs
__scs_entry_jumppad:
0x0: {  	(pc) =	sbr.rel $0x88, $3  }
0x1: {  	(tag) =	ssettag $0x0;
	lr =	simm.s32 $0x1  }
0x2: {  	[smem:$0x3F97] =	sst lr;
	_ =	strace $0xD0000000  }
0x3: {  	_ = 	snop  }
0x4: {  	_ = 	snop  }
0x5: {  	_ = 	snop  }
0x6: {  	_ = 	snop  }
0x7: {  	_ = 	snop  }
__scs_overlays_trampoline_lowered:
0x8: {  	[smem:$0x3FA6] =	sst s0  }
0x9: {  	[smem:$0x3FA7] =	sst s1  }
0xa: {  	[smem:$0x3FA8] =	sst s2  }
0xb: {  	[smem:$0x3FA9] =	sst s3  }
0xc: {  	[smem:$0x3FAA] =	sst s4  }
0xd: {  	[smem:$0x3FAB] =	sst s5  }
0xe: {  	[smem:$0x3FAC] =	sst s6  }
0xf: {  	[smem:$0x3FAD] =	sst s7  }
0x10: {  	[smem:$0x3FAE] =	sst s8  }
0x11: {  	[smem:$0x3FAF] =	sst s9;
	s0 =	simm.s32 @!p0 $0x0  }
0x12: {  	s1 =	sld [smem:$0x3F95];
	s0 =	simm.s32 @p0 $0x1  }
0x13: {  	[smem:$0x3FB0] =	sst s0;
	s0 =	simm.s32 @!p1 $0x0  }
0x14: {  	s2 =	sld [smem:$0x3F94];
	s0 =	simm.s32 @p1 $0x1  }
0x15: {  	[smem:$0x3FB1] =	sst s0;
	s0 =	simm.s32 @!p2 $0x0  }
0x16: {  	s3 =	sld [smem:$0x3FDB];
	s0 =	simm.s32 @p2 $0x1  }
0x17: {  	s4 =	simm.s32 $0x1BF5;
	[smem:$0x3FB3] =	sst s0  }
0x18: {  	s0 =	sld [smem:$0x3F96];
	_ =	swait.ge [sflag:s4], $0x0  }
0x19: {  	s7 =	sld [smem:$0x3F97]  }
0x1a: {  	s8 =	sadd.s32 $0xFFFFE003, lr  }
0x1b: {  	s9 =	sadd.s32 $0xFFFFFEF7, lr;
	s5 =	simm.s32 $0xFFFFFFFF;
	p2 =	slt.u32 s8, $0xFFFFF086  }
0x1c: {  	p1 =	slt.u32 s9, $0xF7A;
	s5 =	simm.s32 @!p2 $0x0  }
0x1d: {  	s5 =	simm.s32 @p1 $0x1;
	p0 =	seq.s32 s7, s2  }
0x1e: {  	s7 =	smul.u32 @!p0 $0xF7A, s2;
	p2 =	seq.s32 @!p0 s5, $0x0  }
0x1f: {  	s9 =	smul.u32 $0xF7A, s1;
	s8 =	simm.s32 @!p0 $0x1BF5;
	p2 =	por !p2, p0  }
0x20: {  	[sflag:s8] =	ssyncset.s32 @!p0 $0xFFFFF086;
	s6 =	sadd.s32 @!p0 s3, s7;
	s7 =	simm.s32 @!p0 $0x108  }
0x21: {  	s3 =	sadd.s32 s3, s9;
	s6 =	sadd.s32 @!p0 $0x88, s6;
	s7 =	simm.s32 @p2 $0x1082  }
0x22: {  	[simem:s7], [sflag:s8] =	dma.local @!p0 [hbm:s6], $0xF7A  }
0x23: {  	s9 =	sor.u32 $0xD0000000, s2;
	s6 =	simm.s32 $0x108;
	_ =	swait.ge @!p0 [sflag:s8], $0x0  }
0x24: {  	s3 =	sadd.s32 $0x88, s3;
	s6 =	simm.s32 @!p1 $0x1082;
	[sflag:s4] =	ssyncset.s32 $0xFFFFF086  }
0x25: {  	[simem:s6], [sflag:s4] =	dma.local [hbm:s3], $0xF7A  }
0x26: {  	[smem:$0x3F97] =	sst s1;
	(tag) =	ssettag s2;
	_ =	strace s9  }
0x27: {  	s1 =	sld [smem:$0x3FA7]  }
0x28: {  	s2 =	sld [smem:$0x3FA8]  }
0x29: {  	s4 =	sld [smem:$0x3FAA]  }
0x2a: {  	p0 =	seq.s32 s5, $0x0;
	s5 =	sld [smem:$0x3FAB]  }
0x2b: {  	s6 =	sld [smem:$0x3FAC]  }
0x2c: {  	s7 =	sld [smem:$0x3FAD]  }
0x2d: {  	s3 =	simm.s32 $0x108;
	s8 =	sld [smem:$0x3FAE]  }
0x2e: {  	s3 =	simm.s32 @!p0 $0x1082;
	s9 =	sld [smem:$0x3FAF]  }
0x2f: {  	lr =	sadd.s32 s0, s3;
	s0 =	sld [smem:$0x3FA6]  }
0x30: {  	s3 =	sld [smem:$0x3FA9]  }
0x31: {  	[smem:$0x3FB2] =	sst s10  }
0x32: {  	s10 =	sld [smem:$0x3FB0];
	_ =	sdelay $0x3  }
0x33: {  	p0 =	seq.s32 s10, $0x1;
	s10 =	sld [smem:$0x3FB2];
	_ =	sdelay $0x3  }
0x34: {  	[smem:$0x3FB2] =	sst s10  }
0x35: {  	s10 =	sld [smem:$0x3FB1];
	_ =	sdelay $0x3  }
0x36: {  	p1 =	seq.s32 s10, $0x1;
	s10 =	sld [smem:$0x3FB2];
	_ =	sdelay $0x3  }
0x37: {  	[smem:$0x3FB2] =	sst s10  }
0x38: {  	s10 =	sld [smem:$0x3FB3]  }
0x39: {  	_ = 	snop;
	(pc) =	sbr.ind lr, $3  }
0x3a: {  	_ = 	snop  }
0x3b: {  	_ = 	snop  }
0x3c: {  	p2 =	seq.s32 s10, $0x1;
	s10 =	sld [smem:$0x3FB2]  }
0x3d: {  	_ =	shalt  }
0x3e: {  	_ =	shalt  }
0x3f: {  	_ =	shalt  }
0x40: {  	_ =	shalt  }
0x41: {  	_ =	shalt  }
0x42: {  	_ =	shalt  }
0x43: {  	_ =	shalt  }
0x44: {  	_ =	shalt  }
0x45: {  	_ =	shalt  }
0x46: {  	_ =	shalt  }
0x47: {  	_ =	shalt  }
0x48: {  	_ =	shalt  }
0x49: {  	_ =	shalt  }
0x4a: {  	_ =	shalt  }
0x4b: {  	_ =	shalt  }
0x4c: {  	_ =	shalt  }
0x4d: {  	_ =	shalt  }
0x4e: {  	_ =	shalt  }
0x4f: {  	_ =	shalt  }
0x50: {  	_ =	shalt  }
0x51: {  	_ =	shalt  }
0x52: {  	_ =	shalt  }
0x53: {  	_ =	shalt  }
0x54: {  	_ =	shalt  }
0x55: {  	_ =	shalt  }
0x56: {  	_ =	shalt  }
0x57: {  	_ =	shalt  }
0x58: {  	_ =	shalt  }
0x59: {  	_ =	shalt  }
0x5a: {  	_ =	shalt  }
0x5b: {  	_ =	shalt  }
0x5c: {  	_ =	shalt  }
0x5d: {  	_ =	shalt  }
0x5e: {  	_ =	shalt  }
0x5f: {  	_ =	shalt  }
0x60: {  	_ =	shalt  }
0x61: {  	_ =	shalt  }
0x62: {  	_ =	shalt  }
0x63: {  	_ =	shalt  }
0x64: {  	_ =	shalt  }
0x65: {  	_ =	shalt  }
0x66: {  	_ =	shalt  }
0x67: {  	_ =	shalt  }
0x68: {  	_ =	shalt  }
0x69: {  	_ =	shalt  }
0x6a: {  	_ =	shalt  }
0x6b: {  	_ =	shalt  }
0x6c: {  	_ =	shalt  }
0x6d: {  	_ =	shalt  }
0x6e: {  	_ =	shalt  }
0x6f: {  	_ =	shalt  }
0x70: {  	_ =	shalt  }
0x71: {  	_ =	shalt  }
0x72: {  	_ =	shalt  }
0x73: {  	_ =	shalt  }
0x74: {  	_ =	shalt  }
0x75: {  	_ =	shalt  }
0x76: {  	_ =	shalt  }
0x77: {  	_ =	shalt  }
0x78: {  	_ =	shalt  }
0x79: {  	_ =	shalt  }
0x7a: {  	_ =	shalt  }
0x7b: {  	_ =	shalt  }
0x7c: {  	_ =	shalt  }
0x7d: {  	_ =	shalt  }
0x7e: {  	_ =	shalt  }
0x7f: {  	_ =	shalt  }
0x80: {  	_ =	shalt  }
0x81: {  	_ =	shalt  }
0x82: {  	_ =	shalt  }
0x83: {  	_ =	shalt  }
0x84: {  	_ =	shalt  }
0x85: {  	_ =	shalt  }
0x86: {  	_ =	shalt  }
0x87: {  	_ =	shalt  }
.Lfunc_end0:
.L_simem_size_0:
called_computation_lowered:
.L_overlay_start_0:
0x88: {  	s2 =	sld [smem:$0x3FD9]  }
0x89: {  	s3 =	sld [smem:$0x3FFE];
	_ =	sdelay $0x1  }
0x8a: {  	s1 =	srdreg.scid  }
0x8b: {  	s0 =	sand.u32 $0x1, s1  }
0x8c: {  	s14 =	sshll.u32 s0, $0xA;
	s2 =	sadd.s32 s3, s2  }
0x8d: {  	s2 =	sadd.s32 s2, s14  }
0x8e: {  	[smem:$0x3FBE] =	sst s2  }
0x8f: {  	_ = 	snop  }
0x90: {  	s2 =	sld [smem:$0x3FD0]  }
0x91: {  	s15 =	sld [smem:$0x3FC9]  }
0x92: {  	s4 =	sld [smem:$0x3FC5]  }
0x93: {  	s6 =	simm.s32 $0xA;
	s7 =	simm.s32 $0x10;
	s5 =	sld [smem:$0x3FC4]  }
0x94: {  	[smem:s7], [sflag:s6] =	dma.local [hbm:s2], $0x1  }
0x95: {  	_ =	swait.eq [sflag:s6], $0x1  }
0x96: {  	[sflag:s6] =	ssyncset.done $0x0  }
0x97: {  	s16 =	sld [smem:$0x10];
	[sflag:s6] =	ssyncadd.s32 $0xFFFFFFFF  }
0x98: {  	s17 =	sld [smem:$0x11];
	(tm) =	ssettm $0x1  }
0x99: {  	s18 =	sld [smem:$0x3FFB];
	_ =	sdelay $0x3  }
0x9a: {  	_ =	strace s18  }
0x9b: {  	s7 =	sld [smem:$0x3FFC];
	_ =	sdelay $0x3  }
0x9c: {  	_ =	strace s7  }
0x9d: {  	s7 =	sld [smem:$0x3FFD];
	_ =	sdelay $0x3  }
0x9e: {  	_ =	strace s7  }
0x9f: {  	_ =	strace $0x8FFFFFFF  }
0xa0: {  	s19 =	sld [smem:$0x3FDB];
	_ =	sdelay $0x1  }
0xa1: {  	s8 =	simm.s32 $_scs_section_size  }
0xa2: {  	s9 =	simm.s32 $_size__tile_overlayer_lowered;
	s10 =	simm.s32 $_tile_overlayer_lowered  }
0xa3: {  	s22 =	simm.s32 $0x1BFF;
	s21 =	sshll.u32 s10, $0x1;
	s7 =	sadd.s32 s8, s19  }
0xa4: {  	s11 =	simm.s32 $0x0;
	s20 =	sshll.u32 s9, $0x1;
	s9 =	sadd.s32 s21, s7  }
0xa5: {  	[timem:s11], [sflag:s22] =	dma.local [hbm:s9], s20  }
0xa6: {  	_ =	swait.ge [sflag:s22], s20  }
0xa7: {  	s8 =	ssub.s32 $0x0, s20;
	[sflag:s22] =	ssyncset.done $0x0  }
0xa8: {  	[sflag:s22] =	ssyncadd.s32 s8;
	_ =	sdelay $0x1  }
0xa9: {  	s23 =	simm.s32 $0x1B8B  }
0xaa: {  	_ =	swait.ge [sflag:s23], $0x1  }
0xab: {  	[sflag:s23] =	ssyncset.done $0x0  }
0xac: {  	s25 =	simm.s32 $0x1B8E;
	s24 =	sld [smem:$0x3FFE];
	[sflag:s23] =	ssyncadd.s32 $0xFFFFFFFF  }
0xad: {  	s26 =	simm.s32 $execute0_lowered;
	[smem:$0x3FD2] =	sst s25  }
0xae: {  	s9 =	sshll.u32 s26, $0x1;
	_ =	strace $0x80000046;
	[dreg:$0x1] =	wrdreg $0xFFFFFFFF  }
0xaf: {  	s28 =	simm.s32 $_size_execute0_lowered;
	s7 =	sadd.s32 s7, s9;
	[dreg:$0x0] =	wrdreg $0x0  }
0xb0: {  	s9 =	sshll.u32 s28, $0x1;
	[dreg:$0x2] =	wrdreg s7  }
0xb1: {  	[dreg:$0x3] =	wrdreg s9  }
0xb2: {  	[dreg:$0x4] =	wrdreg $0xC0  }
0xb3: {  	_ =	task [dreg:s11], $0x5FFFF  }
0xb4: {  	[dreg:$0x1] =	wrdreg $0xFFFFFFFF  }
0xb5: {  	[dreg:$0x0] =	wrdreg $0x60  }
0xb6: {  	[dreg:$0x2] =	wrdreg s5  }
0xb7: {  	[dreg:$0x3] =	wrdreg s24  }
0xb8: {  	[dreg:$0x4] =	wrdreg s4  }
0xb9: {  	[dreg:$0x5] =	wrdreg s15  }
0xba: {  	[dreg:$0x6] =	wrdreg s17  }
0xbb: {  	[dreg:$0x7] =	wrdreg s16  }
0xbc: {  	[dreg:$0x8] =	wrdreg $0x1C7000  }
0xbd: {  	[dreg:$0x9] =	wrdreg $0x9  }
0xbe: {  	_ =	task.clear_ibuf [dreg:s11], $0xAFFFF;
	_ =	strace $0x90000046  }
0xbf: {  	s29 =	simm.s32 $0x9;
	_ =	strace $0x80000048  }
0xc0: {  	_ =	swait.ge [sflag:s29], $0x1  }
0xc1: {  	[sflag:s29] =	ssyncadd.s32 $0xFFFFFFFF  }
0xc2: {  	_ =	strace $0x90000048  }
0xc3: {  	_ =	sfence  }
0xc4: {  	s30 =	sld [smem:$0x0];
	_ =	sdelay $0x2  }
0xc5: {  	s31 =	sshll.u32 s1, $0xD;
	s1 =	sshrl.u32 s1, $0x2  }
0xc6: {  	s3 =	sand.u32 $0x4000, s31;
	s1 =	sadd.s32 s1, s30  }
0xc7: {  	s0 =	sor.u32 s3, s0;
	s1 =	sshll.u32 s1, $0x11  }
0xc8: {  	s0 =	sor.u32 s1, s0  }
0xc9: {  	s0 =	sadd.s32 $0x8F2B, s0  }
0xca: {  	[sflag:s0] =	ssyncadd.remote.s32 $0x1  }
0xcb: {  	_ =	sfence.sel $0xFFFF  }
0xcc: {  	[dreg:$0x0] =	wrdreg $0xFFFFFFFF;
	(pc) =	sbr.abs _section_cstart, $3  }
0xcd: {  	[dreg:$0x1] =	wrdreg $0xFFFFFFFF  }
0xce: {  	_ =	task.clear_ibuf [dreg:s11], $0x2FFFF;
	_ =	strace $0x9FFFFFFF  }
0xcf: {  	(tm) =	ssettm $0x7FFFFFFF  }
tec
execute0_lowered:
.L_overlay_start_1:
0x0: {  	(tag) =	ssettag $0x1  }
0x1: {  	s0 =	srdreg.scid;
	s6 =	rddreg [dreg:$0x0]  }
0x2: {  	s2 =	rddreg [dreg:$0x1];
	s31 =	simm.s32 $0x1C300;
	s3 =	sand.u32 $0x1, s0  }
0x3: {  	s0 =	stileid.u32;
	s1 =	smul.u32 $0x6400, s3;
	s4 =	ssub.s32 $0x2, s3  }
0x4: {  	s5 =	sshrl.u32 s0, $0x1;
	s7 =	smul.u32 $0x61C000, s3;
	s14 =	sshll.u32 s0, $0x9  }
0x5: {  	s15 =	sshll.u32 s0, $0x1;
	p0 =	sne.s32 s0, $0x0;
	s8 =	sshrl.u32 s4, $0x1  }
0x6: {  	s9 =	smul.u32 $0xC3800, s5;
	s10 =	sand.u32 $0x200, s14;
	s12 =	sshll.u32 s5, $0xD  }
0x7: {  	s2 =	sadd.s32 s1, s2;
	s1 =	ssub.s32 s4, s8;
	s8 =	sor.u32 s3, s15  }
0x8: {  	s3 =	sshll.u32 s3, $0x10;
	s17 =	sor.u32 $0x80, s10;
	s14 =	sor.u32 $0x100, s10  }
0x9: {  	s9 =	sadd.s32 s7, s9;
	s11 =	sor.u32 $0x40000, s3;
	s13 =	sor.u32 s12, s3  }
0xa: {  	s4 =	sor.u32 s10, s9;
	s16 =	sor.u32 s11, s12;
	s18 =	sor.u32 s17, s9  }
0xb: {  	s3 =	sor.u32 s10, s13;
	s19 =	sor.u32 s17, s11;
	s7 =	sor.u32 s14, s9  }
0xc: {  	s21 =	sor.u32 s14, s11;
	s4 =	sshrl.u32 s4, $0x3;
	s29 =	sor.u32 s10, s16  }
0xd: {  	s30 =	sor.u32 s19, s12;
	s15 =	sshrl.u32 s7, $0x3;
	s7 =	smul.u32 $0x6, s8  }
0xe: {  	s10 =	sor.u32 $0x180, s10;
	s5 =	sor.u32 s21, s12;
	s19 =	smul.u32 $0x300, s8  }
0xf: {  	s4 =	sadd.s32 s6, s4;
	s20 =	sadd.s32 s6, s15;
	[dreg:$0xd] =	wrdreg s5  }
0x10: {  	s9 =	sor.u32 s10, s9;
	s5 =	sor.u32 s14, s13;
	[dreg:$0x8] =	wrdreg s4  }
0x11: {  	s24 =	sor.u32 s10, s11;
	s4 =	sshrl.u32 s18, $0x3;
	[dreg:$0xc] =	wrdreg s20  }
0x12: {  	s22 =	sshrl.u32 s7, $0x6;
	s16 =	sand.u32 $0x38, s7;
	s9 =	sshrl.u32 s9, $0x3  }
0x13: {  	s23 =	sshll.u32 s7, $0x7;
	s12 =	sor.u32 s24, s12;
	s4 =	sadd.s32 s6, s4  }
0x14: {  	s16 =	sshrl.u32 s16, $0x3;
	s6 =	sadd.s32 s6, s9;
	s25 =	sand.u32 $0x300, s23  }
0x15: {  	[dreg:$0xa] =	wrdreg s4;
	s4 =	sor.u32 s17, s13;
	s17 =	smul.u32 $0x61C000, s22  }
0x16: {  	s15 =	sshll.u32 s22, $0x10;
	s18 =	smul.u32 $0xC3800, s16;
	[dreg:$0xe] =	wrdreg s6  }
0x17: {  	s6 =	sor.u32 s10, s13;
	s16 =	sshll.u32 s16, $0xD;
	s13 =	sand.u32 $0x300, s19  }
0x18: {  	[dreg:$0xf] =	wrdreg s12;
	s10 =	sor.u32 s15, s16;
	s13 =	sor.u32 $0x80, s13  }
0x19: {  	s26 =	sadd.s32 s17, s18;
	s18 =	sshrl.u32 s7, $0x3;
	s8 =	sor.u32 s25, s10  }
0x1a: {  	s10 =	sadd.s32 $0x2, s7;
	s11 =	sor.u32 s25, s26;
	s12 =	sand.u32 $0x7, s18  }
0x1b: {  	s21 =	sshrl.u32 s10, $0x6;
	s22 =	sand.u32 $0x38, s10;
	s25 =	sshll.u32 s10, $0x7  }
0x1c: {  	s10 =	sshrl.u32 s10, $0x2;
	s8 =	sshrl.u32 s8, $0x3;
	s20 =	smul.u32 $0xC3800, s12  }
0x1d: {  	s16 =	sshrl.u32 s22, $0x3;
	s23 =	smul.u32 $0x61C000, s21;
	s12 =	sshll.u32 s12, $0xD  }
0x1e: {  	s11 =	sshrl.u32 s11, $0x3;
	s24 =	smul.u32 $0xC3800, s16;
	s9 =	sor.u32 s15, s12  }
0x1f: {  	s12 =	sand.u32 $0x300, s25;
	s15 =	sshll.u32 s21, $0x10;
	s16 =	sshll.u32 s16, $0xD  }
0x20: {  	s14 =	sadd.s32 s17, s20;
	s9 =	sor.u32 s13, s9;
	s15 =	sor.u32 s15, s16  }
0x21: {  	s20 =	sadd.s32 $0x4, s7;
	s14 =	sor.u32 s13, s14;
	s17 =	sadd.s32 s23, s24  }
0x22: {  	s13 =	sadd.s32 $0x3, s7;
	s22 =	sshrl.u32 s20, $0x6;
	s23 =	sand.u32 $0x38, s20  }
0x23: {  	s9 =	sshrl.u32 s9, $0x3;
	s26 =	sshrl.u32 s13, $0x6;
	s21 =	sshrl.u32 s13, $0x3  }
0x24: {  	s17 =	sor.u32 s12, s17;
	s23 =	sshrl.u32 s23, $0x3;
	s24 =	smul.u32 $0x61C000, s22  }
0x25: {  	s12 =	sor.u32 s12, s15;
	s22 =	sshll.u32 s22, $0x10;
	s19 =	smul.u32 $0x61C000, s26  }
0x26: {  	s14 =	sshrl.u32 s14, $0x3;
	s18 =	sand.u32 $0x7, s21;
	s25 =	smul.u32 $0xC3800, s23  }
0x27: {  	s16 =	sshll.u32 s26, $0x10;
	s21 =	smul.u32 $0xC3800, s18;
	s18 =	sshll.u32 s18, $0xD  }
0x28: {  	s17 =	sshrl.u32 s17, $0x3;
	s16 =	sor.u32 s16, s18;
	s18 =	sadd.s32 s24, s25  }
0x29: {  	s24 =	sshll.u32 s23, $0xD;
	s25 =	sshll.u32 s13, $0x7;
	s15 =	sadd.s32 s19, s21  }
0x2a: {  	s19 =	sor.u32 s22, s24;
	s22 =	sadd.s32 $0x5, s7;
	s21 =	sand.u32 $0x380, s25  }
0x2b: {  	s25 =	sshll.u32 s20, $0x7;
	s7 =	sshrl.u32 s7, $0x2;
	s23 =	sshrl.u32 s22, $0x6  }
0x2c: {  	s26 =	sshrl.u32 s22, $0x3;
	s15 =	sor.u32 s21, s15;
	s25 =	sand.u32 $0x300, s25  }
0x2d: {  	s16 =	sor.u32 s21, s16;
	s7 =	sand.u32 $0x30, s7;
	s24 =	sand.u32 $0x7, s26  }
0x2e: {  	s26 =	smul.u32 $0x61C000, s23;
	s18 =	sor.u32 s25, s18;
	s19 =	sor.u32 s25, s19  }
0x2f: {  	s25 =	rddreg [dreg:$0x2];
	s15 =	sshrl.u32 s15, $0x3;
	s23 =	sshll.u32 s23, $0x10  }
0x30: {  	s16 =	sshrl.u32 s16, $0x3;
	s28 =	smul.u32 $0xC3800, s24;
	s11 =	sadd.s32 s25, s11  }
0x31: {  	[dreg:$0x10] =	wrdreg s11;
	s11 =	sadd.s32 s25, s14;
	s14 =	sshll.u32 s22, $0x7  }
0x32: {  	s21 =	sadd.s32 s26, s28;
	[dreg:$0x11] =	wrdreg s11;
	s26 =	sadd.s32 s25, s17  }
0x33: {  	s11 =	sand.u32 $0x380, s14;
	s14 =	sadd.s32 s25, s15;
	s15 =	rddreg [dreg:$0x3]  }
0x34: {  	s17 =	sshrl.u32 s18, $0x3;
	s28 =	simm.s32 $0x4;
	[dreg:$0x12] =	wrdreg s26  }
0x35: {  	[dreg:$0x13] =	wrdreg s14;
	s18 =	sadd.s32 s25, s17;
	s21 =	sor.u32 s11, s21  }
0x36: {  	s26 =	sshll.u32 s24, $0xD;
	s7 =	sadd.s32 s15, s7;
	[dreg:$0x14] =	wrdreg s18  }
0x37: {  	s17 =	sand.u32 $0x30, s10;
	s14 =	sshrl.u32 s21, $0x3;
	[dreg:$0x16] =	wrdreg s7  }
0x38: {  	s18 =	sshrl.u32 s13, $0x2;
	s7 =	sadd.s32 s15, s17;
	s17 =	sshrl.u32 s19, $0x3  }
0x39: {  	s19 =	sadd.s32 $0x1400, s2;
	s14 =	sadd.s32 s25, s14;
	[dreg:$0x17] =	wrdreg s7  }
0x3a: {  	s21 =	sand.u32 $0x30, s18;
	s18 =	simm.s32 $0x0;
	[dreg:$0x15] =	wrdreg s14  }
0x3b: {  	s25 =	sshrl.u32 s22, $0x2;
	s7 =	sadd.s32 s15, s21;
	[smem:$0x7FF] =	sst s18  }
0x3c: {  	s14 =	sor.u32 s23, s26;
	s23 =	sshrl.u32 s20, $0x2;
	[dreg:$0x18] =	wrdreg s7  }
0x3d: {  	s24 =	sand.u32 $0x30, s23;
	s10 =	sor.u32 s11, s14;
	s11 =	rddreg [dreg:$0x5]  }
0x3e: {  	s22 =	sor.u32 $0x1C0000, s5;
	s23 =	rddreg [dreg:$0x4];
	s7 =	sadd.s32 s15, s24  }
0x3f: {  	s5 =	smov.u32 s29;
	s8 =	sadd.s32 s11, s8;
	[dreg:$0x19] =	wrdreg s7  }
0x40: {  	s26 =	sand.u32 $0x30, s25;
	s13 =	sadd.s32 s11, s9;
	[dreg:$0x1b] =	wrdreg s8  }
0x41: {  	s20 =	sor.u32 $0x1C0000, s3;
	s21 =	sor.u32 $0x1C0000, s4;
	[dreg:$0x1c] =	wrdreg s13  }
0x42: {  	s7 =	sadd.s32 s15, s26;
	s15 =	sshrl.u32 s12, $0x3;
	s26 =	rddreg [dreg:$0x6]  }
0x43: {  	s25 =	smax.u32 s1, $0x1;
	[dreg:$0x1a] =	wrdreg s7;
	s8 =	sadd.s32 s11, s15  }
0x44: {  	s7 =	sshrl.u32 s10, $0x3;
	[dreg:$0x1d] =	wrdreg s8;
	s8 =	sadd.s32 s11, s16  }
0x45: {  	s3 =	simm.s32 $0x5;
	s7 =	sadd.s32 s11, s7;
	[dreg:$0x1e] =	wrdreg s8  }
0x46: {  	s4 =	simm.s32 $0x60000;
	s8 =	sadd.s32 s11, s17;
	[smem:$0x7F6] =	sst s7  }
0x47: {  	s1 =	simm.s32 $0x0;
	s14 =	smov.u32 s30;
	[dreg:$0x1f] =	wrdreg s8  }
0x48: {  	s30 =	simm.s32 $0x1;
	_ =	strace $0x80000047;
	[smem:$0x7F7] =	sst s19  }
0x49: {  	s24 =	sor.u32 $0x1C0000, s6;
	s9 =	simm.s32 $0x400;
	[smem:$0x7F8] =	sst s20  }
0x4a: {  	s6 =	simm.s32 $0x1A700;
	s29 =	sadd.s32 $0x200, s26;
	[smem:$0x7F9] =	sst s21  }
0x4b: {  	s15 =	simm.s32 $0x1A900;
	s16 =	simm.s32 $0x1AB00;
	[smem:$0x7FA] =	sst s22  }
0x4c: {  	s11 =	simm.s32 $0x200;
	s17 =	simm.s32 $0x1AD00;
	[smem:$0x7FB] =	sst s24  }
0x4d: {  	s7 =	simm.s32 $0x1C100;
	s8 =	simm.s32 $0x80;
	[smem:$0x7FC] =	sst s25  }
0x4e: {  	[smem:$0x7FD] =	sst s29;
	s19 =	simm.s32 $0x1AF00;
	s20 =	simm.s32 $0x1B100  }
0x4f: {  	s21 =	simm.s32 $0x1B300;
	s22 =	simm.s32 $0x1B500;
	[dreg:$0x9] =	wrdreg s5  }
0x50: {  	s25 =	simm.s32 $0x2;
	s24 =	simm.s32 $0x1C500;
	[dreg:$0xb] =	wrdreg s14  }
.LBB2_1:
0x51: {  	s2 =	sld [smem:$0x7F7];
	_ =	sdelay $0x1  }
0x52: {  	[smem:$0x7F5] =	sst s1;
	s0 =	sshrl.u32 @!p0 s26, $0x3;
	s1 =	simm.s32 @!p0 $0x1C05  }
0x53: {  	[spmem:s0], [sflag:s1] =	dma.local @!p0 [hbm:s2], $0x6400  }
0x54: {  	s0 =	simm.s32 @!p0 $0x5  }
0x55: {  	_ =	swait.ge @!p0 [sflag:s0], $0x6400  }
0x56: {  	[sflag:s0] =	ssyncset.done @!p0 $0x0  }
0x57: {  	[sflag:s0] =	ssyncadd.s32 @!p0 $0xFFFF9C00  }
0x58: {  	[bflag:$0x0] =	sbarrier.arrive $0xFFFF  }
0x59: {  	s10 =	rddreg [dreg:$0x8]  }
0x5a: {  	[tilespmem:s18], [sflag:$0x5] =	stream.strided.gather [hbm4b:s10+s8], $0x18700, s9, s8, $0x38;
	[tilespmem:$0x1F900] =	vst v63  }
0x5b: {  	_ =	swait.ge [sflag:s3], $0x18700  }
0x5c: {  	[sflag:s3] =	ssyncset.done $0x0  }
0x5d: {  	s12 =	simm.s32 $0x18700;
	s13 =	sld [smem:$0x7FD];
	[sflag:s3] =	ssyncadd.s32 $0xFFFE7900  }
0x5e: {  	[tilespmem:s12], [sflag:$0x1] =	stream.strided.gather [spmem:s26], $0x1000, s9, s11, $0x38;
	[tilespmem:$0x1F900] =	vst v63  }
0x5f: {  	s29 =	simm.s32 $0x19700;
	s0 =	simm.s32 $0x0  }
0x60: {  	[tilespmem:s29], [sflag:$0x2] =	stream.strided.gather [spmem:s13], $0x1000, s9, s11, $0x38;
	[tilespmem:$0x1F900] =	vst v63  }
.LBB2_2:
0x61: {  	_ =	swait.ge [sflag:s30], $0x1000  }
0x62: {  	p1 =	seq.s32 s0, $0x0;
	[sflag:s30] =	ssyncset.done $0x0  }
0x63: {  	s1 =	simm.s32 @!p1 $0x3;
	[sflag:s30] =	ssyncadd.s32 $0xFFFFF000  }
0x64: {  	_ =	swait.ge @!p1 [sflag:s1], $0x1000  }
0x65: {  	[sflag:s1] =	ssyncset.done @!p1 $0x0  }
0x66: {  	s2 =	simm.s32 $0x18800;
	[sflag:s1] =	ssyncadd.s32 @!p1 $0xFFFFF000  }
0x67: {  	v0 =	vld [tilespmem:s2+$0xFFFFFF70]  }
0x68: {  	v1 =	vld [tilespmem:s2+$0xFFFFFF10]  }
0x69: {  	v2 =	vld [tilespmem:s2+$0xFFFFFF20]  }
0x6a: {  	v3 =	vld [tilespmem:s2+$0xFFFFFF30]  }
0x6b: {  	v4 =	vld [tilespmem:s2+$0xFFFFFF40]  }
0x6c: {  	v5 =	vld [tilespmem:s2+$0xFFFFFF50]  }
0x6d: {  	v6 =	vld [tilespmem:s2+$0xFFFFFF60]  }
0x6e: {  	s29 =	simm.s32 $0x18A00;
	v7 =	vld [tilespmem:s2+$0xFFFFFF00]  }
0x6f: {  	v9 =	vld [tilespmem:s29+$0xFFFFFF10]  }
0x70: {  	v10 =	vld [tilespmem:s29+$0xFFFFFF20]  }
0x71: {  	v11 =	vld [tilespmem:s29+$0xFFFFFF30]  }
0x72: {  	v12 =	vld [tilespmem:s29+$0xFFFFFF40]  }
0x73: {  	v13 =	vld [tilespmem:s29+$0xFFFFFF50]  }
0x74: {  	v14 =	vld [tilespmem:s29+$0xFFFFFF60]  }
0x75: {  	v15 =	vld [tilespmem:s29+$0xFFFFFF00]  }
0x76: {  	v0 =	vld.idx.msk [tilespmem:v0+s18+$0x0], $0xffff  }
0x77: {  	v1 =	vld.idx.msk [tilespmem:v1+s18+$0x0], $0xffff  }
0x78: {  	v2 =	vld.idx.msk [tilespmem:v2+s18+$0x0], $0xffff  }
0x79: {  	v3 =	vld.idx.msk [tilespmem:v3+s18+$0x0], $0xffff  }
0x7a: {  	v4 =	vld.idx.msk [tilespmem:v4+s18+$0x0], $0xffff  }
0x7b: {  	v5 =	vld.idx.msk [tilespmem:v5+s18+$0x0], $0xffff  }
0x7c: {  	v6 =	vld.idx.msk [tilespmem:v6+s18+$0x0], $0xffff  }
0x7d: {  	v9 =	vld.idx.msk [tilespmem:v9+s18+$0x0], $0xffff  }
0x7e: {  	v10 =	vld.idx.msk [tilespmem:v10+s18+$0x0], $0xffff  }
0x7f: {  	v11 =	vld.idx.msk [tilespmem:v11+s18+$0x0], $0xffff  }
0x80: {  	v12 =	vld.idx.msk [tilespmem:v12+s18+$0x0], $0xffff  }
0x81: {  	v13 =	vld.idx.msk [tilespmem:v13+s18+$0x0], $0xffff  }
0x82: {  	s10 =	simm.s32 $0x1A800;
	v14 =	vld.idx.msk [tilespmem:v14+s18+$0x0], $0xffff  }
0x83: {  	v49 =	vld.idx.msk [tilespmem:v15+s18+$0x0], $0xffff;
	[tilespmem:s10+$0xFFFFFF70] =	vst v0  }
0x84: {  	[tilespmem:s10+$0xFFFFFF10] =	vst v1;
	v1 =	vld.idx.msk [tilespmem:v7+s18+$0x0], $0xffff  }
0x85: {  	[tilespmem:s10+$0xFFFFFF20] =	vst v2;
	v0 =	vld [tilespmem:s2+$0xFFFFFFF0]  }
0x86: {  	[tilespmem:s10+$0xFFFFFF30] =	vst v3;
	v2 =	vld [tilespmem:s2+$0xFFFFFF90]  }
0x87: {  	[tilespmem:s10+$0xFFFFFF40] =	vst v4;
	v3 =	vld [tilespmem:s2+$0xFFFFFFA0]  }
0x88: {  	[tilespmem:s10+$0xFFFFFF50] =	vst v5;
	v4 =	vld [tilespmem:s2+$0xFFFFFFB0]  }
0x89: {  	[tilespmem:s10+$0xFFFFFF60] =	vst v6;
	v6 =	vld [tilespmem:s2+$0xFFFFFFD0]  }
0x8a: {  	s12 =	simm.s32 $0x1AA00;
	v5 =	vld [tilespmem:s2+$0xFFFFFFC0]  }
0x8b: {  	[tilespmem:s12+$0xFFFFFF10] =	vst v9;
	v7 =	vld [tilespmem:s2+$0xFFFFFFE0]  }
0x8c: {  	[tilespmem:s12+$0xFFFFFF20] =	vst v10;
	v50 =	vld [tilespmem:s29+$0xFFFFFF90]  }
0x8d: {  	[tilespmem:s12+$0xFFFFFF30] =	vst v11;
	v51 =	vld [tilespmem:s29+$0xFFFFFFA0]  }
0x8e: {  	[tilespmem:s12+$0xFFFFFF40] =	vst v12;
	v52 =	vld [tilespmem:s29+$0xFFFFFFB0]  }
0x8f: {  	[tilespmem:s12+$0xFFFFFF50] =	vst v13;
	v53 =	vld [tilespmem:s29+$0xFFFFFFC0]  }
0x90: {  	v54 =	vld [tilespmem:s29+$0xFFFFFFD0]  }
0x91: {  	[tilespmem:s12+$0xFFFFFF60] =	vst v14;
	v6 =	vld.idx.msk [tilespmem:v6+s18+$0x0], $0xffff  }
0x92: {  	[tilespmem:s12+$0xFFFFFF00] =	vst v49;
	v55 =	vld [tilespmem:s29+$0xFFFFFFE0]  }
0x93: {  	v9 =	vld [tilespmem:s29+$0xFFFFFF80];
	[tilespmem:s10+$0xFFFFFF00] =	vst v1  }
0x94: {  	v1 =	vld [tilespmem:s2+$0xFFFFFF80]  }
0x95: {  	v0 =	vld.idx.msk [tilespmem:v0+s18+$0x0], $0xffff  }
0x96: {  	v2 =	vld.idx.msk [tilespmem:v2+s18+$0x0], $0xffff;
	[tilespmem:s10+$0xFFFFFFD0] =	vst v6  }
0x97: {  	v6 =	vld [tilespmem:s2+$0x50]  }
0x98: {  	v3 =	vld.idx.msk [tilespmem:v3+s18+$0x0], $0xffff  }
0x99: {  	v4 =	vld.idx.msk [tilespmem:v4+s18+$0x0], $0xffff  }
0x9a: {  	v5 =	vld.idx.msk [tilespmem:v5+s18+$0x0], $0xffff  }
0x9b: {  	v7 =	vld.idx.msk [tilespmem:v7+s18+$0x0], $0xffff  }
0x9c: {  	v10 =	vld.idx.msk [tilespmem:v50+s18+$0x0], $0xffff  }
0x9d: {  	v11 =	vld.idx.msk [tilespmem:v51+s18+$0x0], $0xffff  }
0x9e: {  	v12 =	vld.idx.msk [tilespmem:v52+s18+$0x0], $0xffff  }
0x9f: {  	v6 =	vld.idx.msk [tilespmem:v6+s18+$0x0], $0xffff  }
0xa0: {  	v13 =	vld.idx.msk [tilespmem:v53+s18+$0x0], $0xffff  }
0xa1: {  	v14 =	vld.idx.msk [tilespmem:v54+s18+$0x0], $0xffff  }
0xa2: {  	v15 =	vld.idx.msk [tilespmem:v55+s18+$0x0], $0xffff  }
0xa3: {  	v9 =	vld.idx.msk [tilespmem:v9+s18+$0x0], $0xffff  }
0xa4: {  	v1 =	vld.idx.msk [tilespmem:v1+s18+$0x0], $0xffff;
	[tilespmem:s10+$0x50] =	vst v6  }
0xa5: {  	[tilespmem:s10+$0xFFFFFFF0] =	vst v0;
	v6 =	vld [tilespmem:s2+$0xD0]  }
0xa6: {  	[tilespmem:s10+$0xFFFFFF90] =	vst v2;
	v0 =	vld [tilespmem:s2+$0x70]  }
0xa7: {  	[tilespmem:s10+$0xFFFFFFA0] =	vst v3;
	v2 =	vld [tilespmem:s2+$0x10]  }
0xa8: {  	[tilespmem:s10+$0xFFFFFFB0] =	vst v4;
	v3 =	vld [tilespmem:s2+$0x20]  }
0xa9: {  	[tilespmem:s10+$0xFFFFFFC0] =	vst v5;
	v4 =	vld [tilespmem:s2+$0x30]  }
0xaa: {  	[tilespmem:s10+$0xFFFFFFE0] =	vst v7;
	v5 =	vld [tilespmem:s2+$0x40]  }
0xab: {  	[tilespmem:s12+$0xFFFFFF90] =	vst v10;
	v7 =	vld [tilespmem:s2+$0x60]  }
0xac: {  	v10 =	vld [tilespmem:s29+$0x10]  }
0xad: {  	v8 =	vld.idx.msk [tilespmem:v6+s18+$0x0], $0xffff  }
0xae: {  	[tilespmem:s12+$0xFFFFFFA0] =	vst v11;
	v6 =	vld [tilespmem:s29+$0xFFFFFF70]  }
0xaf: {  	[tilespmem:s12+$0xFFFFFFB0] =	vst v12;
	v11 =	vld [tilespmem:s29+$0x20]  }
0xb0: {  	[tilespmem:s12+$0xFFFFFFC0] =	vst v13;
	v12 =	vld [tilespmem:s29+$0x30]  }
0xb1: {  	[tilespmem:s12+$0xFFFFFFD0] =	vst v14;
	v13 =	vld [tilespmem:s29+$0x40]  }
0xb2: {  	[tilespmem:s12+$0xFFFFFF80] =	vst v9;
	v14 =	vld [tilespmem:s29+$0x50]  }
0xb3: {  	[tilespmem:s12+$0xFFFFFFE0] =	vst v15;
	v9 =	vld [tilespmem:s29+$0x0]  }
0xb4: {  	v15 =	vld [tilespmem:s29+$0x60];
	[tilespmem:s10+$0xFFFFFF80] =	vst v1  }
0xb5: {  	v1 =	vld [tilespmem:s2+$0x0]  }
0xb6: {  	v6 =	vld.idx.msk [tilespmem:v6+s18+$0x0], $0xffff  }
0xb7: {  	v0 =	vld.idx.msk [tilespmem:v0+s18+$0x0], $0xffff  }
0xb8: {  	v2 =	vld.idx.msk [tilespmem:v2+s18+$0x0], $0xffff  }
0xb9: {  	v3 =	vld.idx.msk [tilespmem:v3+s18+$0x0], $0xffff  }
0xba: {  	v4 =	vld.idx.msk [tilespmem:v4+s18+$0x0], $0xffff  }
0xbb: {  	v5 =	vld.idx.msk [tilespmem:v5+s18+$0x0], $0xffff;
	[tilespmem:s12+$0xFFFFFF70] =	vst v6  }
0xbc: {  	v6 =	vld [tilespmem:s29+$0xFFFFFFF0]  }
0xbd: {  	v10 =	vld.idx.msk [tilespmem:v10+s18+$0x0], $0xffff  }
0xbe: {  	v11 =	vld.idx.msk [tilespmem:v11+s18+$0x0], $0xffff  }
0xbf: {  	v12 =	vld.idx.msk [tilespmem:v12+s18+$0x0], $0xffff  }
0xc0: {  	v13 =	vld.idx.msk [tilespmem:v13+s18+$0x0], $0xffff  }
0xc1: {  	v14 =	vld.idx.msk [tilespmem:v14+s18+$0x0], $0xffff  }
0xc2: {  	v9 =	vld.idx.msk [tilespmem:v9+s18+$0x0], $0xffff  }
0xc3: {  	v56 =	vld.idx.msk [tilespmem:v15+s18+$0x0], $0xffff  }
0xc4: {  	v6 =	vld.idx.msk [tilespmem:v6+s18+$0x0], $0xffff  }
0xc5: {  	[tilespmem:s10+$0x70] =	vst v0;
	v1 =	vld.idx.msk [tilespmem:v1+s18+$0x0], $0xffff  }
0xc6: {  	[tilespmem:s10+$0x10] =	vst v2;
	v2 =	vld.idx.msk [tilespmem:v7+s18+$0x0], $0xffff  }
0xc7: {  	[tilespmem:s10+$0x20] =	vst v3;
	v0 =	vld [tilespmem:s2+$0xF0]  }
0xc8: {  	[tilespmem:s10+$0x30] =	vst v4;
	v3 =	vld [tilespmem:s2+$0x90]  }
0xc9: {  	v4 =	vld [tilespmem:s2+$0xA0];
	[tilespmem:s12+$0xFFFFFFF0] =	vst v6  }
0xca: {  	v6 =	vld [tilespmem:s29+$0x70]  }
0xcb: {  	[tilespmem:s10+$0x40] =	vst v5;
	v5 =	vld [tilespmem:s2+$0xB0]  }
0xcc: {  	[tilespmem:s12+$0x10] =	vst v10;
	v7 =	vld [tilespmem:s2+$0xC0]  }
0xcd: {  	[tilespmem:s12+$0x20] =	vst v11;
	v57 =	vld [tilespmem:s29+$0x90]  }
0xce: {  	[tilespmem:s12+$0x30] =	vst v12;
	v58 =	vld [tilespmem:s29+$0xA0]  }
0xcf: {  	[tilespmem:s12+$0x40] =	vst v13;
	v59 =	vld [tilespmem:s29+$0xB0]  }
0xd0: {  	[tilespmem:s12+$0x0] =	vst v9;
	v60 =	vld [tilespmem:s29+$0xC0]  }
0xd1: {  	v62 =	vld [tilespmem:s29+$0x80]  }
0xd2: {  	[tilespmem:s12+$0x50] =	vst v14;
	v6 =	vld.idx.msk [tilespmem:v6+s18+$0x0], $0xffff  }
0xd3: {  	v63 =	vld [tilespmem:s29+$0xD0];
	[tilespmem:s10+$0x0] =	vst v1  }
0xd4: {  	[tilespmem:s10+$0x60] =	vst v2;
	v1 =	vld [tilespmem:s2+$0x80]  }
0xd5: {  	v2 =	vld [tilespmem:s2+$0xE0]  }
0xd6: {  	v0 =	vld.idx.msk [tilespmem:v0+s18+$0x0], $0xffff  }
0xd7: {  	v3 =	vld.idx.msk [tilespmem:v3+s18+$0x0], $0xffff;
	[tilespmem:s12+$0x70] =	vst v6  }
0xd8: {  	v6 =	vld [tilespmem:s29+$0xF0]  }
0xd9: {  	v4 =	vld.idx.msk [tilespmem:v4+s18+$0x0], $0xffff  }
0xda: {  	v5 =	vld.idx.msk [tilespmem:v5+s18+$0x0], $0xffff  }
0xdb: {  	v7 =	vld.idx.msk [tilespmem:v7+s18+$0x0], $0xffff  }
0xdc: {  	[tilespmem:s12+$0x60] =	vst v56;
	v11 =	vld.idx.msk [tilespmem:v57+s18+$0x0], $0xffff  }
0xdd: {  	v1 =	vld.idx.msk [tilespmem:v1+s18+$0x0], $0xffff;
	[tilespmem:s10+$0xF0] =	vst v0  }
0xde: {  	[tilespmem:s10+$0x90] =	vst v3;
	v0 =	vld [tilespmem:s29+$0xE0]  }
0xdf: {  	[tilespmem:s10+$0xA0] =	vst v4;
	v3 =	vld.idx.msk [tilespmem:v59+s18+$0x0], $0xffff  }
0xe0: {  	[tilespmem:s10+$0xB0] =	vst v5;
	v61 =	vld.idx.msk [tilespmem:v6+s18+$0x0], $0xffff  }
0xe1: {  	[tilespmem:s10+$0xC0] =	vst v7;
	v6 =	vld.idx.msk [tilespmem:v58+s18+$0x0], $0xffff  }
0xe2: {  	v4 =	vld.idx.msk [tilespmem:v60+s18+$0x0], $0xffff;
	[tilespmem:s10+$0xD0] =	vst v8  }
0xe3: {  	[tilespmem:s12+$0x90] =	vst v11;
	v5 =	vld.idx.msk [tilespmem:v63+s18+$0x0], $0xffff  }
0xe4: {  	[tilespmem:s10+$0x80] =	vst v1;
	v1 =	vld.idx.msk [tilespmem:v2+s18+$0x0], $0xffff  }
0xe5: {  	s13 =	simm.s32 $0x18C00;
	s2 =	simm.s32 $0x80;
	v2 =	vld.idx.msk [tilespmem:v62+s18+$0x0], $0xffff;
	[tilespmem:s12+$0xF0] =	vst v61  }
.LBB2_3:
0xe6: {  	v7 =	vld [tilespmem:s13+$0xFFFFFF70];
	s2 =	sadd.s32 $0x80, s2;
	[tilespmem:s12+$0xA0] =	vst v6  }
0xe7: {  	v6 =	vld [tilespmem:s13+$0xFFFFFF10];
	p2 =	slt.u32 s2, $0x380;
	[tilespmem:s12+$0xB0] =	vst v3  }
0xe8: {  	v3 =	vld [tilespmem:s13+$0xFFFFFF20];
	[tilespmem:s12+$0xC0] =	vst v4  }
0xe9: {  	v4 =	vld [tilespmem:s13+$0xFFFFFF30];
	[tilespmem:s10+$0xE0] =	vst v1;
	s10 =	smov.u32 s12  }
0xea: {  	v1 =	vld [tilespmem:s13+$0xFFFFFF40];
	[tilespmem:s12+$0x80] =	vst v2  }
0xeb: {  	v2 =	vld [tilespmem:s13+$0xFFFFFF50];
	[tilespmem:s12+$0xD0] =	vst v5  }
0xec: {  	v5 =	vld [tilespmem:s13+$0xFFFFFF60]  }
0xed: {  	v8 =	vld [tilespmem:s13+$0xFFFFFF00]  }
0xee: {  	v7 =	vld.idx.msk [tilespmem:v7+s18+$0x0], $0xffff  }
0xef: {  	v6 =	vld.idx.msk [tilespmem:v6+s18+$0x0], $0xffff  }
0xf0: {  	v3 =	vld.idx.msk [tilespmem:v3+s18+$0x0], $0xffff  }
0xf1: {  	v4 =	vld.idx.msk [tilespmem:v4+s18+$0x0], $0xffff  }
0xf2: {  	v1 =	vld.idx.msk [tilespmem:v1+s18+$0x0], $0xffff  }
0xf3: {  	s12 =	sadd.s32 $0x200, s12;
	v2 =	vld.idx.msk [tilespmem:v2+s18+$0x0], $0xffff  }
0xf4: {  	v5 =	vld.idx.msk [tilespmem:v5+s18+$0x0], $0xffff;
	[tilespmem:s12+$0xFFFFFF70] =	vst v7  }
0xf5: {  	[tilespmem:s12+$0xFFFFFF10] =	vst v6;
	v6 =	vld [tilespmem:s13+$0xFFFFFFF0]  }
0xf6: {  	v7 =	vld.idx.msk [tilespmem:v8+s18+$0x0], $0xffff;
	[tilespmem:s12+$0xFFFFFF20] =	vst v3  }
0xf7: {  	v3 =	vld [tilespmem:s13+$0xFFFFFF90];
	[tilespmem:s12+$0xFFFFFF30] =	vst v4  }
0xf8: {  	v4 =	vld [tilespmem:s13+$0xFFFFFFA0];
	[tilespmem:s12+$0xFFFFFF40] =	vst v1  }
0xf9: {  	v1 =	vld [tilespmem:s13+$0xFFFFFFB0];
	[tilespmem:s12+$0xFFFFFF50] =	vst v2  }
0xfa: {  	v2 =	vld [tilespmem:s13+$0xFFFFFFC0];
	[tilespmem:s12+$0xFFFFFF60] =	vst v5  }
0xfb: {  	v5 =	vld [tilespmem:s13+$0xFFFFFFD0]  }
0xfc: {  	[tilespmem:s12+$0xFFFFFF00] =	vst v7;
	v7 =	vld [tilespmem:s13+$0xFFFFFFE0]  }
0xfd: {  	v6 =	vld.idx.msk [tilespmem:v6+s18+$0x0], $0xffff  }
0xfe: {  	v8 =	vld [tilespmem:s13+$0xFFFFFF80]  }
0xff: {  	v3 =	vld.idx.msk [tilespmem:v3+s18+$0x0], $0xffff  }
0x100: {  	v4 =	vld.idx.msk [tilespmem:v4+s18+$0x0], $0xffff  }
0x101: {  	v1 =	vld.idx.msk [tilespmem:v1+s18+$0x0], $0xffff  }
0x102: {  	v2 =	vld.idx.msk [tilespmem:v2+s18+$0x0], $0xffff  }
0x103: {  	v5 =	vld.idx.msk [tilespmem:v5+s18+$0x0], $0xffff;
	[tilespmem:s12+$0xFFFFFFF0] =	vst v6  }
0x104: {  	v6 =	vld [tilespmem:s13+$0x70]  }
0x105: {  	[tilespmem:s12+$0xFFFFFF90] =	vst v3;
	v3 =	vld.idx.msk [tilespmem:v7+s18+$0x0], $0xffff  }
0x106: {  	v7 =	vld.idx.msk [tilespmem:v8+s18+$0x0], $0xffff;
	[tilespmem:s12+$0xFFFFFFA0] =	vst v4  }
0x107: {  	v4 =	vld [tilespmem:s13+$0x10];
	[tilespmem:s12+$0xFFFFFFB0] =	vst v1  }
0x108: {  	v1 =	vld [tilespmem:s13+$0x20];
	[tilespmem:s12+$0xFFFFFFC0] =	vst v2  }
0x109: {  	v2 =	vld [tilespmem:s13+$0x30];
	[tilespmem:s12+$0xFFFFFFD0] =	vst v5  }
0x10a: {  	v5 =	vld [tilespmem:s13+$0x40]  }
0x10b: {  	v8 =	vld [tilespmem:s13+$0x50];
	[tilespmem:s12+$0xFFFFFFE0] =	vst v3  }
0x10c: {  	[tilespmem:s12+$0xFFFFFF80] =	vst v7;
	v3 =	vld.idx.msk [tilespmem:v6+s18+$0x0], $0xffff  }
0x10d: {  	v6 =	vld [tilespmem:s13+$0x0]  }
0x10e: {  	v7 =	vld [tilespmem:s13+$0x60]  }
0x10f: {  	v4 =	vld.idx.msk [tilespmem:v4+s18+$0x0], $0xffff  }
0x110: {  	v1 =	vld.idx.msk [tilespmem:v1+s18+$0x0], $0xffff  }
0x111: {  	v2 =	vld.idx.msk [tilespmem:v2+s18+$0x0], $0xffff  }
0x112: {  	v5 =	vld.idx.msk [tilespmem:v5+s18+$0x0], $0xffff;
	[tilespmem:s12+$0x70] =	vst v3  }
0x113: {  	v3 =	vld [tilespmem:s13+$0xF0]  }
0x114: {  	v8 =	vld.idx.msk [tilespmem:v8+s18+$0x0], $0xffff  }
0x115: {  	v6 =	vld.idx.msk [tilespmem:v6+s18+$0x0], $0xffff;
	[tilespmem:s12+$0x10] =	vst v4  }
0x116: {  	[tilespmem:s12+$0x20] =	vst v1;
	v1 =	vld.idx.msk [tilespmem:v7+s18+$0x0], $0xffff  }
0x117: {  	v4 =	vld [tilespmem:s13+$0x90];
	[tilespmem:s12+$0x30] =	vst v2  }
0x118: {  	v2 =	vld [tilespmem:s13+$0xA0];
	[tilespmem:s12+$0x40] =	vst v5  }
0x119: {  	v5 =	vld [tilespmem:s13+$0xB0]  }
0x11a: {  	v7 =	vld [tilespmem:s13+$0xC0];
	[tilespmem:s12+$0x50] =	vst v8  }
0x11b: {  	[tilespmem:s12+$0x0] =	vst v6;
	v8 =	vld.idx.msk [tilespmem:v3+s18+$0x0], $0xffff  }
0x11c: {  	v9 =	vld [tilespmem:s13+$0x80];
	[tilespmem:s12+$0x60] =	vst v1  }
0x11d: {  	v10 =	vld [tilespmem:s13+$0xD0]  }
0x11e: {  	v11 =	vld [tilespmem:s13+$0xE0]  }
0x11f: {  	v12 =	vld.idx.msk [tilespmem:v4+s18+$0x0], $0xffff  }
0x120: {  	v6 =	vld.idx.msk [tilespmem:v2+s18+$0x0], $0xffff  }
.Ltmp0:
0x121: {  	v3 =	vld.idx.msk [tilespmem:v5+s18+$0x0], $0xffff;
	[tilespmem:s12+$0xF0] =	vst v8;
	(pc) =	sbr.rel @p2 .LBB2_3-.Ltmp0, $4  }
0x122: {  	v4 =	vld.idx.msk [tilespmem:v7+s18+$0x0], $0xffff  }
0x123: {  	v1 =	vld.idx.msk [tilespmem:v0+s18+$0x0], $0xffff;
	v0 =	vmov v11  }
0x124: {  	v2 =	vld.idx.msk [tilespmem:v9+s18+$0x0], $0xffff  }
0x125: {  	s13 =	sadd.s32 $0x200, s13;
	[tilespmem:s12+$0x90] =	vst v12;
	v5 =	vld.idx.msk [tilespmem:v10+s18+$0x0], $0xffff  }
0x126: {  	_ =	sdelay $0x2  }
0x127: {  	[tilespmem:s12+$0xA0] =	vst v6  }
0x128: {  	[tilespmem:s12+$0xB0] =	vst v3;
	v0 =	vld.idx.msk [tilespmem:v0+s18+$0x0], $0xffff  }
0x129: {  	s2 =	smul.u32 $0x300000, s0;
	[tilespmem:s12+$0xC0] =	vst v4  }
0x12a: {  	[tilespmem:s10+$0xE0] =	vst v1  }
0x12b: {  	s1 =	sor.u32 s2, s5;
	[tilespmem:s12+$0x80] =	vst v2  }
0x12c: {  	s1 =	sshrl.u32 s1, $0x3;
	[tilespmem:s12+$0xD0] =	vst v5  }
0x12d: {  	s1 =	sadd.s32 s23, s1;
	[tilespmem:s12+$0xE0] =	vst v0  }
0x12e: {  	[hbm4b:s1+s8] =	stream.strided.scatter [tilespmem:s6], [sflag:$0x3], $0x200, s4, s8, $0x38;
	[tilespmem:$0x1F900] =	vst v63  }
0x12f: {  	s3 =	sadd.s32 $0x80, s1  }
0x130: {  	[hbm4b:s3+s8] =	stream.strided.scatter [tilespmem:s15], [sflag:$0x3], $0x200, s4, s8, $0x38;
	[tilespmem:$0x1F900] =	vst v63  }
0x131: {  	s29 =	sadd.s32 $0x100, s1  }
0x132: {  	[hbm4b:s29+s8] =	stream.strided.scatter [tilespmem:s16], [sflag:$0x3], $0x200, s4, s8, $0x38;
	[tilespmem:$0x1F900] =	vst v63  }
0x133: {  	s10 =	sadd.s32 $0x180, s1  }
0x134: {  	[hbm4b:s10+s8] =	stream.strided.scatter [tilespmem:s17], [sflag:$0x3], $0x200, s4, s8, $0x38;
	[tilespmem:$0x1F900] =	vst v63  }
0x135: {  	s12 =	sadd.s32 $0x200, s1  }
0x136: {  	[hbm4b:s12+s8] =	stream.strided.scatter [tilespmem:s19], [sflag:$0x3], $0x200, s4, s8, $0x38;
	[tilespmem:$0x1F900] =	vst v63  }
0x137: {  	p2 =	sne.s32 s0, $0x18;
	s13 =	sadd.s32 $0x280, s1  }
0x138: {  	[hbm4b:s13+s8] =	stream.strided.scatter [tilespmem:s20], [sflag:$0x3], $0x200, s4, s8, $0x38;
	[tilespmem:$0x1F900] =	vst v63  }
.Ltmp1:
0x139: {  	_ = 	snop;
	(pc) =	sbr.rel @p2 .LBB2_6-.Ltmp1, $4  }
0x13a: {  	s29 =	sadd.s32 $0x300, s1  }
0x13b: {  	[hbm4b:s29+s8] =	stream.strided.scatter [tilespmem:s21], [sflag:$0x3], $0x200, s4, s8, $0x38;
	[tilespmem:$0x1F900] =	vst v63  }
0x13c: {  	s1 =	sadd.s32 $0x380, s1  }
0x13d: {  	[hbm4b:s1+s8] =	stream.strided.scatter [tilespmem:s22], [sflag:$0x3], $0x200, s4, s8, $0x38;
	[tilespmem:$0x1F900] =	vst v63  }
.Ltmp2:
0x13e: {  	(pc) =	sbr.rel .LBB2_7-.Ltmp2, $4  }
0x13f: {  	_ = 	snop  }
0x140: {  	_ =	swait.ge [sflag:s25], $0x1000  }
0x141: {  	[sflag:s25] =	ssyncset.done $0x0  }
0x142: {  	[sflag:s25] =	ssyncadd.s32 $0xFFFFF000  }
.LBB2_6:
0x143: {  	s1 =	sshll.u32 s0, $0xD  }
0x144: {  	s1 =	sand.u32 $0x3FFFE000, s1  }
0x145: {  	s1 =	sadd.s32 s1, s26  }
.Ltmp3:
0x146: {  	s3 =	simm.s32 $0x18700;
	s1 =	sadd.s32 $0x2000, s1;
	(pc) =	sbr.rel @p1 .LBB2_8-.Ltmp3, $4  }
0x147: {  	[tilespmem:s3], [sflag:$0x1] =	stream.strided.gather [spmem:s1], $0x1000, s9, s11, $0x38;
	[tilespmem:$0x1F900] =	vst v63  }
0x148: {  	_ =	swait.ge [sflag:s25], $0x1000  }
0x149: {  	[sflag:s25] =	ssyncset.done $0x0  }
0x14a: {  	[sflag:s25] =	ssyncadd.s32 $0xFFFFF000  }
.LBB2_7:
0x14b: {  	_ =	swait.ge [sflag:s28], $0x1000  }
0x14c: {  	[sflag:s28] =	ssyncset.done $0x0  }
0x14d: {  	[sflag:s28] =	ssyncadd.s32 $0xFFFFF000  }
.LBB2_8:
0x14e: {  	s12 =	simm.s32 $0x198F0  }
0x14f: {  	v0 =	vld [tilespmem:s12+$0xFFFFFE80]  }
0x150: {  	v1 =	vld [tilespmem:s12+$0xFFFFFE20]  }
0x151: {  	v2 =	vld [tilespmem:s12+$0xFFFFFE30]  }
0x152: {  	v3 =	vld [tilespmem:s12+$0xFFFFFE40]  }
0x153: {  	v4 =	vld [tilespmem:s12+$0xFFFFFE50]  }
0x154: {  	v5 =	vld [tilespmem:s12+$0xFFFFFE60]  }
0x155: {  	v6 =	vld [tilespmem:s12+$0xFFFFFE70]  }
0x156: {  	s13 =	simm.s32 $0x19AF0;
	v7 =	vld [tilespmem:s12+$0xFFFFFE10]  }
0x157: {  	v10 =	vld [tilespmem:s13+$0xFFFFFE30]  }
0x158: {  	v11 =	vld [tilespmem:s13+$0xFFFFFE40]  }
0x159: {  	v12 =	vld [tilespmem:s13+$0xFFFFFE50]  }
0x15a: {  	v13 =	vld [tilespmem:s13+$0xFFFFFE60]  }
0x15b: {  	v14 =	vld [tilespmem:s13+$0xFFFFFE70]  }
0x15c: {  	v0 =	vld.idx.msk [tilespmem:v0+s18+$0x0], $0xffff  }
0x15d: {  	v1 =	vld.idx.msk [tilespmem:v1+s18+$0x0], $0xffff  }
0x15e: {  	v2 =	vld.idx.msk [tilespmem:v2+s18+$0x0], $0xffff  }
0x15f: {  	v3 =	vld.idx.msk [tilespmem:v3+s18+$0x0], $0xffff  }
0x160: {  	v4 =	vld.idx.msk [tilespmem:v4+s18+$0x0], $0xffff  }
0x161: {  	v5 =	vld.idx.msk [tilespmem:v5+s18+$0x0], $0xffff  }
0x162: {  	v6 =	vld.idx.msk [tilespmem:v6+s18+$0x0], $0xffff  }
0x163: {  	v10 =	vld.idx.msk [tilespmem:v10+s18+$0x0], $0xffff  }
0x164: {  	v11 =	vld.idx.msk [tilespmem:v11+s18+$0x0], $0xffff  }
0x165: {  	v12 =	vld.idx.msk [tilespmem:v12+s18+$0x0], $0xffff  }
0x166: {  	s10 =	simm.s32 $0x1B8F0;
	v13 =	vld.idx.msk [tilespmem:v13+s18+$0x0], $0xffff  }
0x167: {  	v14 =	vld.idx.msk [tilespmem:v14+s18+$0x0], $0xffff;
	[tilespmem:s10+$0xFFFFFE80] =	vst v0  }
0x168: {  	[tilespmem:s10+$0xFFFFFE20] =	vst v1;
	v1 =	vld.idx.msk [tilespmem:v7+s18+$0x0], $0xffff  }
0x169: {  	v0 =	vld [tilespmem:s12+$0xFFFFFF00]  }
0x16a: {  	[tilespmem:s10+$0xFFFFFE30] =	vst v2;
	v2 =	vld [tilespmem:s12+$0xFFFFFEA0]  }
0x16b: {  	[tilespmem:s10+$0xFFFFFE40] =	vst v3;
	v3 =	vld [tilespmem:s12+$0xFFFFFEB0]  }
0x16c: {  	[tilespmem:s10+$0xFFFFFE50] =	vst v4;
	v4 =	vld [tilespmem:s12+$0xFFFFFEC0]  }
0x16d: {  	[tilespmem:s10+$0xFFFFFE60] =	vst v5;
	v5 =	vld [tilespmem:s12+$0xFFFFFED0]  }
0x16e: {  	[tilespmem:s10+$0xFFFFFE70] =	vst v6;
	v6 =	vld [tilespmem:s12+$0xFFFFFEE0]  }
0x16f: {  	v7 =	vld [tilespmem:s12+$0xFFFFFEF0];
	[tilespmem:s10+$0xFFFFFE10] =	vst v1  }
0x170: {  	v1 =	vld [tilespmem:s12+$0xFFFFFE90]  }
0x171: {  	v0 =	vld.idx.msk [tilespmem:v0+s18+$0x0], $0xffff  }
0x172: {  	v2 =	vld.idx.msk [tilespmem:v2+s18+$0x0], $0xffff  }
0x173: {  	v3 =	vld.idx.msk [tilespmem:v3+s18+$0x0], $0xffff  }
0x174: {  	v4 =	vld.idx.msk [tilespmem:v4+s18+$0x0], $0xffff  }
0x175: {  	v5 =	vld.idx.msk [tilespmem:v5+s18+$0x0], $0xffff  }
0x176: {  	v6 =	vld.idx.msk [tilespmem:v6+s18+$0x0], $0xffff  }
0x177: {  	v7 =	vld.idx.msk [tilespmem:v7+s18+$0x0], $0xffff  }
0x178: {  	[tilespmem:s10+$0xFFFFFF00] =	vst v0;
	v1 =	vld.idx.msk [tilespmem:v1+s18+$0x0], $0xffff  }
0x179: {  	[tilespmem:s10+$0xFFFFFEA0] =	vst v2;
	v0 =	vld [tilespmem:s12+$0xFFFFFF80]  }
0x17a: {  	[tilespmem:s10+$0xFFFFFEB0] =	vst v3;
	v2 =	vld [tilespmem:s12+$0xFFFFFF20]  }
0x17b: {  	[tilespmem:s10+$0xFFFFFEC0] =	vst v4;
	v3 =	vld [tilespmem:s12+$0xFFFFFF30]  }
0x17c: {  	[tilespmem:s10+$0xFFFFFED0] =	vst v5;
	v4 =	vld [tilespmem:s12+$0xFFFFFF40]  }
0x17d: {  	[tilespmem:s10+$0xFFFFFEE0] =	vst v6;
	v5 =	vld [tilespmem:s12+$0xFFFFFF50]  }
0x17e: {  	v6 =	vld [tilespmem:s12+$0xFFFFFF60];
	[tilespmem:s10+$0xFFFFFE90] =	vst v1  }
0x17f: {  	[tilespmem:s10+$0xFFFFFEF0] =	vst v7;
	v1 =	vld [tilespmem:s12+$0xFFFFFF10]  }
0x180: {  	v7 =	vld [tilespmem:s12+$0xFFFFFF70]  }
0x181: {  	v0 =	vld.idx.msk [tilespmem:v0+s18+$0x0], $0xffff  }
0x182: {  	v2 =	vld.idx.msk [tilespmem:v2+s18+$0x0], $0xffff  }
0x183: {  	v3 =	vld.idx.msk [tilespmem:v3+s18+$0x0], $0xffff  }
0x184: {  	v4 =	vld.idx.msk [tilespmem:v4+s18+$0x0], $0xffff  }
0x185: {  	v5 =	vld.idx.msk [tilespmem:v5+s18+$0x0], $0xffff  }
0x186: {  	v6 =	vld.idx.msk [tilespmem:v6+s18+$0x0], $0xffff  }
0x187: {  	[tilespmem:s10+$0xFFFFFF80] =	vst v0;
	v1 =	vld.idx.msk [tilespmem:v1+s18+$0x0], $0xffff  }
0x188: {  	[tilespmem:s10+$0xFFFFFF20] =	vst v2;
	v2 =	vld.idx.msk [tilespmem:v7+s18+$0x0], $0xffff  }
0x189: {  	[tilespmem:s10+$0xFFFFFF30] =	vst v3;
	v3 =	vld [tilespmem:s12+$0xFFFFFFA0]  }
0x18a: {  	[tilespmem:s10+$0xFFFFFF40] =	vst v4;
	v4 =	vld [tilespmem:s12+$0xFFFFFFB0]  }
0x18b: {  	[tilespmem:s10+$0xFFFFFF50] =	vst v5;
	v5 =	vld [tilespmem:s12+$0xFFFFFFC0]  }
0x18c: {  	v0 =	vld [tilespmem:s12+$0x0];
	[tilespmem:s10+$0xFFFFFF10] =	vst v1  }
0x18d: {  	v1 =	vld [tilespmem:s12+$0xFFFFFF90]  }
0x18e: {  	[tilespmem:s10+$0xFFFFFF60] =	vst v6;
	v7 =	vld [tilespmem:s12+$0xFFFFFFD0]  }
0x18f: {  	v6 =	vld [tilespmem:s12+$0xFFFFFFE0];
	[tilespmem:s10+$0xFFFFFF70] =	vst v2  }
0x190: {  	v8 =	vld [tilespmem:s12+$0xFFFFFFF0]  }
0x191: {  	v2 =	vld.idx.msk [tilespmem:v3+s18+$0x0], $0xffff  }
0x192: {  	v3 =	vld.idx.msk [tilespmem:v4+s18+$0x0], $0xffff  }
0x193: {  	v4 =	vld.idx.msk [tilespmem:v5+s18+$0x0], $0xffff  }
0x194: {  	v5 =	vld [tilespmem:s13+$0xFFFFFE20]  }
0x195: {  	v9 =	vld.idx.msk [tilespmem:v1+s18+$0x0], $0xffff  }
0x196: {  	s12 =	simm.s32 $0x1BAF0;
	v1 =	vld [tilespmem:s13+$0xFFFFFE80]  }
0x197: {  	v15 =	vld [tilespmem:s13+$0xFFFFFE10];
	[tilespmem:s12+$0xFFFFFE30] =	vst v10  }
0x198: {  	[tilespmem:s12+$0xFFFFFE40] =	vst v11;
	v52 =	vld [tilespmem:s13+$0xFFFFFEB0]  }
0x199: {  	[tilespmem:s12+$0xFFFFFE50] =	vst v12;
	v53 =	vld [tilespmem:s13+$0xFFFFFEC0]  }
0x19a: {  	[tilespmem:s12+$0xFFFFFE60] =	vst v13;
	v54 =	vld [tilespmem:s13+$0xFFFFFED0]  }
0x19b: {  	[tilespmem:s12+$0xFFFFFE70] =	vst v14;
	v55 =	vld [tilespmem:s13+$0xFFFFFEE0]  }
0x19c: {  	v56 =	vld [tilespmem:s13+$0xFFFFFEF0]  }
0x19d: {  	v5 =	vld.idx.msk [tilespmem:v5+s18+$0x0], $0xffff  }
0x19e: {  	v1 =	vld.idx.msk [tilespmem:v1+s18+$0x0], $0xffff  }
0x19f: {  	v0 =	vld.idx.msk [tilespmem:v0+s18+$0x0], $0xffff  }
0x1a0: {  	v7 =	vld.idx.msk [tilespmem:v7+s18+$0x0], $0xffff  }
0x1a1: {  	v6 =	vld.idx.msk [tilespmem:v6+s18+$0x0], $0xffff  }
0x1a2: {  	[tilespmem:s12+$0xFFFFFE20] =	vst v5;
	v5 =	vld.idx.msk [tilespmem:v15+s18+$0x0], $0xffff  }
0x1a3: {  	v51 =	vld [tilespmem:s13+$0xFFFFFEA0];
	[tilespmem:s12+$0xFFFFFE80] =	vst v1  }
0x1a4: {  	v1 =	vld [tilespmem:s13+$0xFFFFFF00]  }
0x1a5: {  	[tilespmem:s10+$0xFFFFFFB0] =	vst v3;
	v3 =	vld.idx.msk [tilespmem:v8+s18+$0x0], $0xffff  }
0x1a6: {  	v11 =	vld.idx.msk [tilespmem:v52+s18+$0x0], $0xffff  }
0x1a7: {  	v12 =	vld.idx.msk [tilespmem:v53+s18+$0x0], $0xffff;
	[tilespmem:s12+$0xFFFFFE10] =	vst v5  }
0x1a8: {  	v5 =	vld [tilespmem:s13+$0xFFFFFE90]  }
0x1a9: {  	v13 =	vld.idx.msk [tilespmem:v54+s18+$0x0], $0xffff  }
0x1aa: {  	v14 =	vld.idx.msk [tilespmem:v55+s18+$0x0], $0xffff  }
0x1ab: {  	v10 =	vld.idx.msk [tilespmem:v51+s18+$0x0], $0xffff  }
0x1ac: {  	v1 =	vld.idx.msk [tilespmem:v1+s18+$0x0], $0xffff  }
0x1ad: {  	[tilespmem:s12+$0xFFFFFEB0] =	vst v11;
	v15 =	vld.idx.msk [tilespmem:v56+s18+$0x0], $0xffff  }
0x1ae: {  	[tilespmem:s12+$0xFFFFFEC0] =	vst v12;
	v11 =	vld [tilespmem:s13+$0xFFFFFF30]  }
0x1af: {  	v12 =	vld [tilespmem:s13+$0xFFFFFF40]  }
0x1b0: {  	[tilespmem:s12+$0xFFFFFEA0] =	vst v10;
	v5 =	vld.idx.msk [tilespmem:v5+s18+$0x0], $0xffff  }
0x1b1: {  	v10 =	vld [tilespmem:s13+$0xFFFFFF20];
	[tilespmem:s12+$0xFFFFFF00] =	vst v1  }
0x1b2: {  	[tilespmem:s12+$0xFFFFFED0] =	vst v13;
	v1 =	vld [tilespmem:s13+$0xFFFFFF80]  }
0x1b3: {  	[tilespmem:s12+$0xFFFFFEE0] =	vst v14;
	v13 =	vld [tilespmem:s13+$0xFFFFFF50]  }
0x1b4: {  	v14 =	vld [tilespmem:s13+$0xFFFFFF60];
	[tilespmem:s12+$0xFFFFFEF0] =	vst v15  }
0x1b5: {  	v15 =	vld [tilespmem:s13+$0xFFFFFF70];
	[tilespmem:s12+$0xFFFFFE90] =	vst v5  }
0x1b6: {  	v5 =	vld [tilespmem:s13+$0xFFFFFF10]  }
0x1b7: {  	v11 =	vld.idx.msk [tilespmem:v11+s18+$0x0], $0xffff  }
0x1b8: {  	v12 =	vld.idx.msk [tilespmem:v12+s18+$0x0], $0xffff  }
0x1b9: {  	v10 =	vld.idx.msk [tilespmem:v10+s18+$0x0], $0xffff  }
0x1ba: {  	v1 =	vld.idx.msk [tilespmem:v1+s18+$0x0], $0xffff  }
0x1bb: {  	v13 =	vld.idx.msk [tilespmem:v13+s18+$0x0], $0xffff  }
0x1bc: {  	v14 =	vld.idx.msk [tilespmem:v14+s18+$0x0], $0xffff  }
0x1bd: {  	v57 =	vld.idx.msk [tilespmem:v15+s18+$0x0], $0xffff  }
0x1be: {  	v5 =	vld.idx.msk [tilespmem:v5+s18+$0x0], $0xffff;
	[tilespmem:s12+$0xFFFFFF20] =	vst v10  }
0x1bf: {  	v58 =	vld [tilespmem:s13+$0xFFFFFFA0];
	[tilespmem:s12+$0xFFFFFF80] =	vst v1  }
0x1c0: {  	[tilespmem:s12+$0xFFFFFF30] =	vst v11;
	v1 =	vld [tilespmem:s13+$0x0]  }
0x1c1: {  	[tilespmem:s12+$0xFFFFFF40] =	vst v12;
	v59 =	vld [tilespmem:s13+$0xFFFFFFB0]  }
0x1c2: {  	[tilespmem:s12+$0xFFFFFF50] =	vst v13;
	v60 =	vld [tilespmem:s13+$0xFFFFFFC0]  }
0x1c3: {  	[tilespmem:s12+$0xFFFFFF60] =	vst v14;
	v61 =	vld [tilespmem:s13+$0xFFFFFFD0]  }
0x1c4: {  	v63 =	vld [tilespmem:s13+$0xFFFFFFE0];
	[tilespmem:s12+$0xFFFFFF10] =	vst v5  }
0x1c5: {  	[tilespmem:s12+$0xFFFFFF70] =	vst v57;
	v62 =	vld [tilespmem:s13+$0xFFFFFF90]  }
0x1c6: {  	[tilespmem:s10+$0x0] =	vst v0;
	v0 =	vld [tilespmem:s13+$0xFFFFFFF0]  }
0x1c7: {  	[tilespmem:s10+$0xFFFFFFA0] =	vst v2;
	v11 =	vld.idx.msk [tilespmem:v58+s18+$0x0], $0xffff  }
0x1c8: {  	[tilespmem:s10+$0xFFFFFFC0] =	vst v4;
	v16 =	vld.idx.msk [tilespmem:v1+s18+$0x0], $0xffff  }
0x1c9: {  	[tilespmem:s10+$0xFFFFFFD0] =	vst v7;
	v5 =	vld.idx.msk [tilespmem:v59+s18+$0x0], $0xffff  }
0x1ca: {  	[tilespmem:s10+$0xFFFFFFE0] =	vst v6;
	v1 =	vld.idx.msk [tilespmem:v60+s18+$0x0], $0xffff  }
0x1cb: {  	[tilespmem:s10+$0xFFFFFF90] =	vst v9;
	v2 =	vld.idx.msk [tilespmem:v61+s18+$0x0], $0xffff  }
0x1cc: {  	v6 =	vld.idx.msk [tilespmem:v63+s18+$0x0], $0xffff;
	[tilespmem:s12+$0xFFFFFFA0] =	vst v11  }
0x1cd: {  	s29 =	simm.s32 $0x19CF0;
	s13 =	simm.s32 $0x80;
	v4 =	vld.idx.msk [tilespmem:v62+s18+$0x0], $0xffff;
	[tilespmem:s12+$0x0] =	vst v16  }
.LBB2_9:
0x1ce: {  	v7 =	vld [tilespmem:s29+$0xFFFFFE80];
	s13 =	sadd.s32 $0x80, s13;
	[tilespmem:s12+$0xFFFFFFB0] =	vst v5  }
0x1cf: {  	v5 =	vld [tilespmem:s29+$0xFFFFFE20];
	p1 =	slt.u32 s13, $0x380;
	[tilespmem:s12+$0xFFFFFFC0] =	vst v1  }
0x1d0: {  	v1 =	vld [tilespmem:s29+$0xFFFFFE30];
	[tilespmem:s12+$0xFFFFFFD0] =	vst v2  }
0x1d1: {  	v2 =	vld [tilespmem:s29+$0xFFFFFE40];
	[tilespmem:s10+$0xFFFFFFF0] =	vst v3;
	s10 =	smov.u32 s12  }
0x1d2: {  	v3 =	vld [tilespmem:s29+$0xFFFFFE50];
	[tilespmem:s12+$0xFFFFFF90] =	vst v4  }
0x1d3: {  	v4 =	vld [tilespmem:s29+$0xFFFFFE60];
	[tilespmem:s12+$0xFFFFFFE0] =	vst v6  }
0x1d4: {  	v6 =	vld [tilespmem:s29+$0xFFFFFE70]  }
0x1d5: {  	v8 =	vld [tilespmem:s29+$0xFFFFFE10]  }
0x1d6: {  	v7 =	vld.idx.msk [tilespmem:v7+s18+$0x0], $0xffff  }
0x1d7: {  	v5 =	vld.idx.msk [tilespmem:v5+s18+$0x0], $0xffff  }
0x1d8: {  	v1 =	vld.idx.msk [tilespmem:v1+s18+$0x0], $0xffff  }
0x1d9: {  	v2 =	vld.idx.msk [tilespmem:v2+s18+$0x0], $0xffff  }
0x1da: {  	v3 =	vld.idx.msk [tilespmem:v3+s18+$0x0], $0xffff  }
0x1db: {  	s12 =	sadd.s32 $0x200, s12;
	v4 =	vld.idx.msk [tilespmem:v4+s18+$0x0], $0xffff  }
0x1dc: {  	v6 =	vld.idx.msk [tilespmem:v6+s18+$0x0], $0xffff;
	[tilespmem:s12+$0xFFFFFE80] =	vst v7  }
0x1dd: {  	[tilespmem:s12+$0xFFFFFE20] =	vst v5;
	v5 =	vld [tilespmem:s29+$0xFFFFFF00]  }
0x1de: {  	v7 =	vld.idx.msk [tilespmem:v8+s18+$0x0], $0xffff;
	[tilespmem:s12+$0xFFFFFE30] =	vst v1  }
0x1df: {  	v1 =	vld [tilespmem:s29+$0xFFFFFEA0];
	[tilespmem:s12+$0xFFFFFE40] =	vst v2  }
0x1e0: {  	v2 =	vld [tilespmem:s29+$0xFFFFFEB0];
	[tilespmem:s12+$0xFFFFFE50] =	vst v3  }
0x1e1: {  	v3 =	vld [tilespmem:s29+$0xFFFFFEC0];
	[tilespmem:s12+$0xFFFFFE60] =	vst v4  }
0x1e2: {  	v4 =	vld [tilespmem:s29+$0xFFFFFED0];
	[tilespmem:s12+$0xFFFFFE70] =	vst v6  }
0x1e3: {  	v6 =	vld [tilespmem:s29+$0xFFFFFEE0]  }
0x1e4: {  	[tilespmem:s12+$0xFFFFFE10] =	vst v7;
	v7 =	vld [tilespmem:s29+$0xFFFFFEF0]  }
0x1e5: {  	v5 =	vld.idx.msk [tilespmem:v5+s18+$0x0], $0xffff  }
0x1e6: {  	v8 =	vld [tilespmem:s29+$0xFFFFFE90]  }
0x1e7: {  	v1 =	vld.idx.msk [tilespmem:v1+s18+$0x0], $0xffff  }
0x1e8: {  	v2 =	vld.idx.msk [tilespmem:v2+s18+$0x0], $0xffff  }
0x1e9: {  	v3 =	vld.idx.msk [tilespmem:v3+s18+$0x0], $0xffff  }
0x1ea: {  	v4 =	vld.idx.msk [tilespmem:v4+s18+$0x0], $0xffff  }
0x1eb: {  	v6 =	vld.idx.msk [tilespmem:v6+s18+$0x0], $0xffff;
	[tilespmem:s12+$0xFFFFFF00] =	vst v5  }
0x1ec: {  	v5 =	vld [tilespmem:s29+$0xFFFFFF80]  }
0x1ed: {  	[tilespmem:s12+$0xFFFFFEA0] =	vst v1;
	v1 =	vld.idx.msk [tilespmem:v7+s18+$0x0], $0xffff  }
0x1ee: {  	v7 =	vld.idx.msk [tilespmem:v8+s18+$0x0], $0xffff;
	[tilespmem:s12+$0xFFFFFEB0] =	vst v2  }
0x1ef: {  	v2 =	vld [tilespmem:s29+$0xFFFFFF20];
	[tilespmem:s12+$0xFFFFFEC0] =	vst v3  }
0x1f0: {  	v3 =	vld [tilespmem:s29+$0xFFFFFF30];
	[tilespmem:s12+$0xFFFFFED0] =	vst v4  }
0x1f1: {  	v4 =	vld [tilespmem:s29+$0xFFFFFF40];
	[tilespmem:s12+$0xFFFFFEE0] =	vst v6  }
0x1f2: {  	v6 =	vld [tilespmem:s29+$0xFFFFFF50]  }
0x1f3: {  	v8 =	vld [tilespmem:s29+$0xFFFFFF60];
	[tilespmem:s12+$0xFFFFFEF0] =	vst v1  }
0x1f4: {  	[tilespmem:s12+$0xFFFFFE90] =	vst v7;
	v1 =	vld.idx.msk [tilespmem:v5+s18+$0x0], $0xffff  }
0x1f5: {  	v5 =	vld [tilespmem:s29+$0xFFFFFF10]  }
0x1f6: {  	v7 =	vld [tilespmem:s29+$0xFFFFFF70]  }
0x1f7: {  	v2 =	vld.idx.msk [tilespmem:v2+s18+$0x0], $0xffff  }
0x1f8: {  	v3 =	vld.idx.msk [tilespmem:v3+s18+$0x0], $0xffff  }
0x1f9: {  	v4 =	vld.idx.msk [tilespmem:v4+s18+$0x0], $0xffff  }
0x1fa: {  	v6 =	vld.idx.msk [tilespmem:v6+s18+$0x0], $0xffff;
	[tilespmem:s12+$0xFFFFFF80] =	vst v1  }
0x1fb: {  	v1 =	vld [tilespmem:s29+$0x0]  }
0x1fc: {  	v8 =	vld.idx.msk [tilespmem:v8+s18+$0x0], $0xffff  }
0x1fd: {  	v5 =	vld.idx.msk [tilespmem:v5+s18+$0x0], $0xffff;
	[tilespmem:s12+$0xFFFFFF20] =	vst v2  }
0x1fe: {  	[tilespmem:s12+$0xFFFFFF30] =	vst v3;
	v2 =	vld.idx.msk [tilespmem:v7+s18+$0x0], $0xffff  }
0x1ff: {  	v3 =	vld [tilespmem:s29+$0xFFFFFFA0];
	[tilespmem:s12+$0xFFFFFF40] =	vst v4  }
0x200: {  	v4 =	vld [tilespmem:s29+$0xFFFFFFB0];
	[tilespmem:s12+$0xFFFFFF50] =	vst v6  }
0x201: {  	v6 =	vld [tilespmem:s29+$0xFFFFFFC0]  }
0x202: {  	v7 =	vld [tilespmem:s29+$0xFFFFFFD0];
	[tilespmem:s12+$0xFFFFFF60] =	vst v8  }
0x203: {  	[tilespmem:s12+$0xFFFFFF10] =	vst v5;
	v8 =	vld.idx.msk [tilespmem:v1+s18+$0x0], $0xffff  }
0x204: {  	v9 =	vld [tilespmem:s29+$0xFFFFFF90];
	[tilespmem:s12+$0xFFFFFF70] =	vst v2  }
0x205: {  	v10 =	vld [tilespmem:s29+$0xFFFFFFE0]  }
0x206: {  	v11 =	vld [tilespmem:s29+$0xFFFFFFF0]  }
0x207: {  	v12 =	vld.idx.msk [tilespmem:v3+s18+$0x0], $0xffff  }
0x208: {  	v5 =	vld.idx.msk [tilespmem:v4+s18+$0x0], $0xffff  }
.Ltmp4:
0x209: {  	v1 =	vld.idx.msk [tilespmem:v6+s18+$0x0], $0xffff;
	[tilespmem:s12+$0x0] =	vst v8;
	(pc) =	sbr.rel @p1 .LBB2_9-.Ltmp4, $4  }
0x20a: {  	v2 =	vld.idx.msk [tilespmem:v7+s18+$0x0], $0xffff  }
0x20b: {  	v3 =	vld.idx.msk [tilespmem:v0+s18+$0x0], $0xffff;
	v0 =	vmov v11  }
0x20c: {  	v4 =	vld.idx.msk [tilespmem:v9+s18+$0x0], $0xffff  }
0x20d: {  	s29 =	sadd.s32 $0x200, s29;
	[tilespmem:s12+$0xFFFFFFA0] =	vst v12;
	v6 =	vld.idx.msk [tilespmem:v10+s18+$0x0], $0xffff  }
0x20e: {  	[tilespmem:s12+$0xFFFFFFB0] =	vst v5  }
0x20f: {  	[tilespmem:s12+$0xFFFFFFC0] =	vst v1  }
0x210: {  	[tilespmem:s12+$0xFFFFFFD0] =	vst v2  }
0x211: {  	[tilespmem:s10+$0xFFFFFFF0] =	vst v3  }
0x212: {  	[tilespmem:s12+$0xFFFFFF90] =	vst v4  }
0x213: {  	v0 =	vld.idx.msk [tilespmem:v0+s18+$0x0], $0xffff;
	s1 =	sld [smem:$0x7F8];
	_ =	sdelay $0x2  }
0x214: {  	s1 =	sadd.s32 s1, s2  }
0x215: {  	[tilespmem:s12+$0xFFFFFFE0] =	vst v6;
	s1 =	sshrl.u32 s1, $0x3  }
0x216: {  	s13 =	simm.s32 $0x1B700;
	[tilespmem:s12+$0xFFFFFFF0] =	vst v0;
	s1 =	sadd.s32 s23, s1  }
0x217: {  	[hbm4b:s1+s8] =	stream.strided.scatter [tilespmem:s13], [sflag:$0x4], $0x200, s4, s8, $0x38;
	[tilespmem:$0x1F900] =	vst v63  }
0x218: {  	s3 =	simm.s32 $0x1B900;
	s29 =	sadd.s32 $0x80, s1  }
0x219: {  	[hbm4b:s29+s8] =	stream.strided.scatter [tilespmem:s3], [sflag:$0x4], $0x200, s4, s8, $0x38;
	[tilespmem:$0x1F900] =	vst v63  }
0x21a: {  	s12 =	simm.s32 $0x1BB00;
	s10 =	sadd.s32 $0x100, s1  }
0x21b: {  	[hbm4b:s10+s8] =	stream.strided.scatter [tilespmem:s12], [sflag:$0x4], $0x200, s4, s8, $0x38;
	[tilespmem:$0x1F900] =	vst v63  }
0x21c: {  	s13 =	sadd.s32 $0x180, s1;
	s29 =	simm.s32 $0x1BD00  }
0x21d: {  	[hbm4b:s13+s8] =	stream.strided.scatter [tilespmem:s29], [sflag:$0x4], $0x200, s4, s8, $0x38;
	[tilespmem:$0x1F900] =	vst v63  }
0x21e: {  	s10 =	sadd.s32 $0x200, s1;
	s12 =	simm.s32 $0x1BF00  }
0x21f: {  	[hbm4b:s10+s8] =	stream.strided.scatter [tilespmem:s12], [sflag:$0x4], $0x200, s4, s8, $0x38;
	[tilespmem:$0x1F900] =	vst v63  }
0x220: {  	p1 =	seq.s32 s0, $0x18;
	s13 =	sadd.s32 $0x280, s1  }
0x221: {  	[hbm4b:s13+s8] =	stream.strided.scatter [tilespmem:s7], [sflag:$0x4], $0x200, s4, s8, $0x38;
	[tilespmem:$0x1F900] =	vst v63  }
.Ltmp5:
0x222: {  	_ = 	snop;
	(pc) =	sbr.rel @p1 .LBB2_12-.Ltmp5, $4  }
0x223: {  	s29 =	sadd.s32 $0x300, s1  }
0x224: {  	[hbm4b:s29+s8] =	stream.strided.scatter [tilespmem:s31], [sflag:$0x4], $0x200, s4, s8, $0x38;
	[tilespmem:$0x1F900] =	vst v63  }
0x225: {  	s1 =	sadd.s32 $0x380, s1  }
0x226: {  	[hbm4b:s1+s8] =	stream.strided.scatter [tilespmem:s24], [sflag:$0x4], $0x200, s4, s8, $0x38;
	[tilespmem:$0x1F900] =	vst v63  }
.Ltmp6:
0x227: {  	s1 =	sshll.u32 s0, $0xD;
	(pc) =	sbr.rel .LBB2_2-.Ltmp6, $4  }
0x228: {  	s1 =	sand.u32 $0x3FFFE000, s1  }
0x229: {  	s1 =	sadd.s32 s1, s26  }
0x22a: {  	s2 =	simm.s32 $0x19700;
	s0 =	sadd.s32 $0x1, s0;
	s1 =	sadd.s32 $0x2200, s1  }
0x22b: {  	[tilespmem:s2], [sflag:$0x2] =	stream.strided.gather [spmem:s1], $0x1000, s9, s11, $0x38;
	[tilespmem:$0x1F900] =	vst v63  }
.LBB2_12:
0x22c: {  	s0 =	simm.s32 $0x3  }
0x22d: {  	_ =	swait.ge [sflag:s0], $0x1000  }
0x22e: {  	[sflag:s0] =	ssyncset.done $0x0  }
0x22f: {  	[sflag:s0] =	ssyncadd.s32 $0xFFFFF000  }
0x230: {  	_ =	swait.ge [sflag:s28], $0x1000  }
0x231: {  	s12 =	simm.s32 $0x5;
	[sflag:s28] =	ssyncset.done $0x0  }
0x232: {  	s0 =	simm.s32 $0x0;
	s1 =	rddreg [dreg:$0xa];
	[sflag:s28] =	ssyncadd.s32 $0xFFFFF000  }
0x233: {  	[tilespmem:s0], [sflag:$0x5] =	stream.strided.gather [hbm4b:s1+s8], $0x18700, s9, s8, $0x38;
	[tilespmem:$0x1F900] =	vst v63  }
0x234: {  	_ =	swait.ge [sflag:s12], $0x18700  }
0x235: {  	[sflag:s12] =	ssyncset.done $0x0  }
0x236: {  	s13 =	simm.s32 $0x18700;
	s29 =	sld [smem:$0x7FD];
	[sflag:s12] =	ssyncadd.s32 $0xFFFE7900  }
0x237: {  	[tilespmem:s13], [sflag:$0x1] =	stream.strided.gather [spmem:s26], $0x1000, s9, s11, $0x38;
	[tilespmem:$0x1F900] =	vst v63  }
0x238: {  	s2 =	simm.s32 $0x19700  }
0x239: {  	[tilespmem:s2], [sflag:$0x2] =	stream.strided.gather [spmem:s29], $0x1000, s9, s11, $0x38;
	[tilespmem:$0x1F900] =	vst v63  }
.LBB2_13:
0x23a: {  	_ =	swait.ge [sflag:s30], $0x1000  }
0x23b: {  	p1 =	seq.s32 s0, $0x0;
	[sflag:s30] =	ssyncset.done $0x0  }
0x23c: {  	s1 =	simm.s32 @!p1 $0x3;
	[sflag:s30] =	ssyncadd.s32 $0xFFFFF000  }
0x23d: {  	_ =	swait.ge @!p1 [sflag:s1], $0x1000  }
0x23e: {  	[sflag:s1] =	ssyncset.done @!p1 $0x0  }
0x23f: {  	s2 =	simm.s32 $0x18800;
	[sflag:s1] =	ssyncadd.s32 @!p1 $0xFFFFF000  }
0x240: {  	v0 =	vld [tilespmem:s2+$0xFFFFFF70]  }
0x241: {  	v1 =	vld [tilespmem:s2+$0xFFFFFF10]  }
0x242: {  	v2 =	vld [tilespmem:s2+$0xFFFFFF20]  }
0x243: {  	v3 =	vld [tilespmem:s2+$0xFFFFFF30]  }
0x244: {  	v4 =	vld [tilespmem:s2+$0xFFFFFF40]  }
0x245: {  	v5 =	vld [tilespmem:s2+$0xFFFFFF50]  }
0x246: {  	v6 =	vld [tilespmem:s2+$0xFFFFFF60]  }
0x247: {  	s29 =	simm.s32 $0x18A00;
	v7 =	vld [tilespmem:s2+$0xFFFFFF00]  }
0x248: {  	v9 =	vld [tilespmem:s29+$0xFFFFFF10]  }
0x249: {  	v10 =	vld [tilespmem:s29+$0xFFFFFF20]  }
0x24a: {  	v11 =	vld [tilespmem:s29+$0xFFFFFF30]  }
0x24b: {  	v12 =	vld [tilespmem:s29+$0xFFFFFF40]  }
0x24c: {  	v13 =	vld [tilespmem:s29+$0xFFFFFF50]  }
0x24d: {  	v14 =	vld [tilespmem:s29+$0xFFFFFF60]  }
0x24e: {  	v15 =	vld [tilespmem:s29+$0xFFFFFF00]  }
0x24f: {  	v0 =	vld.idx.msk [tilespmem:v0+s18+$0x0], $0xffff  }
0x250: {  	v1 =	vld.idx.msk [tilespmem:v1+s18+$0x0], $0xffff  }
0x251: {  	v2 =	vld.idx.msk [tilespmem:v2+s18+$0x0], $0xffff  }
0x252: {  	v3 =	vld.idx.msk [tilespmem:v3+s18+$0x0], $0xffff  }
0x253: {  	v4 =	vld.idx.msk [tilespmem:v4+s18+$0x0], $0xffff  }
0x254: {  	v5 =	vld.idx.msk [tilespmem:v5+s18+$0x0], $0xffff  }
0x255: {  	v6 =	vld.idx.msk [tilespmem:v6+s18+$0x0], $0xffff  }
0x256: {  	v9 =	vld.idx.msk [tilespmem:v9+s18+$0x0], $0xffff  }
0x257: {  	v10 =	vld.idx.msk [tilespmem:v10+s18+$0x0], $0xffff  }
0x258: {  	v11 =	vld.idx.msk [tilespmem:v11+s18+$0x0], $0xffff  }
0x259: {  	v12 =	vld.idx.msk [tilespmem:v12+s18+$0x0], $0xffff  }
0x25a: {  	v13 =	vld.idx.msk [tilespmem:v13+s18+$0x0], $0xffff  }
0x25b: {  	s10 =	simm.s32 $0x1A800;
	v14 =	vld.idx.msk [tilespmem:v14+s18+$0x0], $0xffff  }
0x25c: {  	v49 =	vld.idx.msk [tilespmem:v15+s18+$0x0], $0xffff;
	[tilespmem:s10+$0xFFFFFF70] =	vst v0  }
0x25d: {  	[tilespmem:s10+$0xFFFFFF10] =	vst v1;
	v1 =	vld.idx.msk [tilespmem:v7+s18+$0x0], $0xffff  }
0x25e: {  	[tilespmem:s10+$0xFFFFFF20] =	vst v2;
	v0 =	vld [tilespmem:s2+$0xFFFFFFF0]  }
0x25f: {  	[tilespmem:s10+$0xFFFFFF30] =	vst v3;
	v2 =	vld [tilespmem:s2+$0xFFFFFF90]  }
0x260: {  	[tilespmem:s10+$0xFFFFFF40] =	vst v4;
	v3 =	vld [tilespmem:s2+$0xFFFFFFA0]  }
0x261: {  	[tilespmem:s10+$0xFFFFFF50] =	vst v5;
	v4 =	vld [tilespmem:s2+$0xFFFFFFB0]  }
0x262: {  	[tilespmem:s10+$0xFFFFFF60] =	vst v6;
	v6 =	vld [tilespmem:s2+$0xFFFFFFD0]  }
0x263: {  	s12 =	simm.s32 $0x1AA00;
	v5 =	vld [tilespmem:s2+$0xFFFFFFC0]  }
0x264: {  	[tilespmem:s12+$0xFFFFFF10] =	vst v9;
	v7 =	vld [tilespmem:s2+$0xFFFFFFE0]  }
0x265: {  	[tilespmem:s12+$0xFFFFFF20] =	vst v10;
	v50 =	vld [tilespmem:s29+$0xFFFFFF90]  }
0x266: {  	[tilespmem:s12+$0xFFFFFF30] =	vst v11;
	v51 =	vld [tilespmem:s29+$0xFFFFFFA0]  }
0x267: {  	[tilespmem:s12+$0xFFFFFF40] =	vst v12;
	v52 =	vld [tilespmem:s29+$0xFFFFFFB0]  }
0x268: {  	[tilespmem:s12+$0xFFFFFF50] =	vst v13;
	v53 =	vld [tilespmem:s29+$0xFFFFFFC0]  }
0x269: {  	v54 =	vld [tilespmem:s29+$0xFFFFFFD0]  }
0x26a: {  	[tilespmem:s12+$0xFFFFFF60] =	vst v14;
	v6 =	vld.idx.msk [tilespmem:v6+s18+$0x0], $0xffff  }
0x26b: {  	[tilespmem:s12+$0xFFFFFF00] =	vst v49;
	v55 =	vld [tilespmem:s29+$0xFFFFFFE0]  }
0x26c: {  	v9 =	vld [tilespmem:s29+$0xFFFFFF80];
	[tilespmem:s10+$0xFFFFFF00] =	vst v1  }
0x26d: {  	v1 =	vld [tilespmem:s2+$0xFFFFFF80]  }
0x26e: {  	v0 =	vld.idx.msk [tilespmem:v0+s18+$0x0], $0xffff  }
0x26f: {  	v2 =	vld.idx.msk [tilespmem:v2+s18+$0x0], $0xffff;
	[tilespmem:s10+$0xFFFFFFD0] =	vst v6  }
0x270: {  	v6 =	vld [tilespmem:s2+$0x50]  }
0x271: {  	v3 =	vld.idx.msk [tilespmem:v3+s18+$0x0], $0xffff  }
0x272: {  	v4 =	vld.idx.msk [tilespmem:v4+s18+$0x0], $0xffff  }
0x273: {  	v5 =	vld.idx.msk [tilespmem:v5+s18+$0x0], $0xffff  }
0x274: {  	v7 =	vld.idx.msk [tilespmem:v7+s18+$0x0], $0xffff  }
0x275: {  	v10 =	vld.idx.msk [tilespmem:v50+s18+$0x0], $0xffff  }
0x276: {  	v11 =	vld.idx.msk [tilespmem:v51+s18+$0x0], $0xffff  }
0x277: {  	v12 =	vld.idx.msk [tilespmem:v52+s18+$0x0], $0xffff  }
0x278: {  	v6 =	vld.idx.msk [tilespmem:v6+s18+$0x0], $0xffff  }
0x279: {  	v13 =	vld.idx.msk [tilespmem:v53+s18+$0x0], $0xffff  }
0x27a: {  	v14 =	vld.idx.msk [tilespmem:v54+s18+$0x0], $0xffff  }
0x27b: {  	v15 =	vld.idx.msk [tilespmem:v55+s18+$0x0], $0xffff  }
0x27c: {  	v9 =	vld.idx.msk [tilespmem:v9+s18+$0x0], $0xffff  }
0x27d: {  	v1 =	vld.idx.msk [tilespmem:v1+s18+$0x0], $0xffff;
	[tilespmem:s10+$0x50] =	vst v6  }
0x27e: {  	[tilespmem:s10+$0xFFFFFFF0] =	vst v0;
	v6 =	vld [tilespmem:s2+$0xD0]  }
0x27f: {  	[tilespmem:s10+$0xFFFFFF90] =	vst v2;
	v0 =	vld [tilespmem:s2+$0x70]  }
0x280: {  	[tilespmem:s10+$0xFFFFFFA0] =	vst v3;
	v2 =	vld [tilespmem:s2+$0x10]  }
0x281: {  	[tilespmem:s10+$0xFFFFFFB0] =	vst v4;
	v3 =	vld [tilespmem:s2+$0x20]  }
0x282: {  	[tilespmem:s10+$0xFFFFFFC0] =	vst v5;
	v4 =	vld [tilespmem:s2+$0x30]  }
0x283: {  	[tilespmem:s10+$0xFFFFFFE0] =	vst v7;
	v5 =	vld [tilespmem:s2+$0x40]  }
0x284: {  	[tilespmem:s12+$0xFFFFFF90] =	vst v10;
	v7 =	vld [tilespmem:s2+$0x60]  }
0x285: {  	v10 =	vld [tilespmem:s29+$0x10]  }
0x286: {  	v8 =	vld.idx.msk [tilespmem:v6+s18+$0x0], $0xffff  }
0x287: {  	[tilespmem:s12+$0xFFFFFFA0] =	vst v11;
	v6 =	vld [tilespmem:s29+$0xFFFFFF70]  }
0x288: {  	[tilespmem:s12+$0xFFFFFFB0] =	vst v12;
	v11 =	vld [tilespmem:s29+$0x20]  }
0x289: {  	[tilespmem:s12+$0xFFFFFFC0] =	vst v13;
	v12 =	vld [tilespmem:s29+$0x30]  }
0x28a: {  	[tilespmem:s12+$0xFFFFFFD0] =	vst v14;
	v13 =	vld [tilespmem:s29+$0x40]  }
0x28b: {  	[tilespmem:s12+$0xFFFFFF80] =	vst v9;
	v14 =	vld [tilespmem:s29+$0x50]  }
0x28c: {  	[tilespmem:s12+$0xFFFFFFE0] =	vst v15;
	v9 =	vld [tilespmem:s29+$0x0]  }
0x28d: {  	v15 =	vld [tilespmem:s29+$0x60];
	[tilespmem:s10+$0xFFFFFF80] =	vst v1  }
0x28e: {  	v1 =	vld [tilespmem:s2+$0x0]  }
0x28f: {  	v6 =	vld.idx.msk [tilespmem:v6+s18+$0x0], $0xffff  }
0x290: {  	v0 =	vld.idx.msk [tilespmem:v0+s18+$0x0], $0xffff  }
0x291: {  	v2 =	vld.idx.msk [tilespmem:v2+s18+$0x0], $0xffff  }
0x292: {  	v3 =	vld.idx.msk [tilespmem:v3+s18+$0x0], $0xffff  }
0x293: {  	v4 =	vld.idx.msk [tilespmem:v4+s18+$0x0], $0xffff  }
0x294: {  	v5 =	vld.idx.msk [tilespmem:v5+s18+$0x0], $0xffff;
	[tilespmem:s12+$0xFFFFFF70] =	vst v6  }
0x295: {  	v6 =	vld [tilespmem:s29+$0xFFFFFFF0]  }
0x296: {  	v10 =	vld.idx.msk [tilespmem:v10+s18+$0x0], $0xffff  }
0x297: {  	v11 =	vld.idx.msk [tilespmem:v11+s18+$0x0], $0xffff  }
0x298: {  	v12 =	vld.idx.msk [tilespmem:v12+s18+$0x0], $0xffff  }
0x299: {  	v13 =	vld.idx.msk [tilespmem:v13+s18+$0x0], $0xffff  }
0x29a: {  	v14 =	vld.idx.msk [tilespmem:v14+s18+$0x0], $0xffff  }
0x29b: {  	v9 =	vld.idx.msk [tilespmem:v9+s18+$0x0], $0xffff  }
0x29c: {  	v56 =	vld.idx.msk [tilespmem:v15+s18+$0x0], $0xffff  }
0x29d: {  	v6 =	vld.idx.msk [tilespmem:v6+s18+$0x0], $0xffff  }
0x29e: {  	[tilespmem:s10+$0x70] =	vst v0;
	v1 =	vld.idx.msk [tilespmem:v1+s18+$0x0], $0xffff  }
0x29f: {  	[tilespmem:s10+$0x10] =	vst v2;
	v2 =	vld.idx.msk [tilespmem:v7+s18+$0x0], $0xffff  }
0x2a0: {  	[tilespmem:s10+$0x20] =	vst v3;
	v0 =	vld [tilespmem:s2+$0xF0]  }
0x2a1: {  	[tilespmem:s10+$0x30] =	vst v4;
	v3 =	vld [tilespmem:s2+$0x90]  }
0x2a2: {  	v4 =	vld [tilespmem:s2+$0xA0];
	[tilespmem:s12+$0xFFFFFFF0] =	vst v6  }
0x2a3: {  	v6 =	vld [tilespmem:s29+$0x70]  }
0x2a4: {  	[tilespmem:s10+$0x40] =	vst v5;
	v5 =	vld [tilespmem:s2+$0xB0]  }
0x2a5: {  	[tilespmem:s12+$0x10] =	vst v10;
	v7 =	vld [tilespmem:s2+$0xC0]  }
0x2a6: {  	[tilespmem:s12+$0x20] =	vst v11;
	v57 =	vld [tilespmem:s29+$0x90]  }
0x2a7: {  	[tilespmem:s12+$0x30] =	vst v12;
	v58 =	vld [tilespmem:s29+$0xA0]  }
0x2a8: {  	[tilespmem:s12+$0x40] =	vst v13;
	v59 =	vld [tilespmem:s29+$0xB0]  }
0x2a9: {  	[tilespmem:s12+$0x0] =	vst v9;
	v60 =	vld [tilespmem:s29+$0xC0]  }
0x2aa: {  	v62 =	vld [tilespmem:s29+$0x80]  }
0x2ab: {  	[tilespmem:s12+$0x50] =	vst v14;
	v6 =	vld.idx.msk [tilespmem:v6+s18+$0x0], $0xffff  }
0x2ac: {  	v63 =	vld [tilespmem:s29+$0xD0];
	[tilespmem:s10+$0x0] =	vst v1  }
0x2ad: {  	[tilespmem:s10+$0x60] =	vst v2;
	v1 =	vld [tilespmem:s2+$0x80]  }
0x2ae: {  	v2 =	vld [tilespmem:s2+$0xE0]  }
0x2af: {  	v0 =	vld.idx.msk [tilespmem:v0+s18+$0x0], $0xffff  }
0x2b0: {  	v3 =	vld.idx.msk [tilespmem:v3+s18+$0x0], $0xffff;
	[tilespmem:s12+$0x70] =	vst v6  }
0x2b1: {  	v6 =	vld [tilespmem:s29+$0xF0]  }
0x2b2: {  	v4 =	vld.idx.msk [tilespmem:v4+s18+$0x0], $0xffff  }
0x2b3: {  	v5 =	vld.idx.msk [tilespmem:v5+s18+$0x0], $0xffff  }
0x2b4: {  	v7 =	vld.idx.msk [tilespmem:v7+s18+$0x0], $0xffff  }
0x2b5: {  	[tilespmem:s12+$0x60] =	vst v56;
	v11 =	vld.idx.msk [tilespmem:v57+s18+$0x0], $0xffff  }
0x2b6: {  	v1 =	vld.idx.msk [tilespmem:v1+s18+$0x0], $0xffff;
	[tilespmem:s10+$0xF0] =	vst v0  }
0x2b7: {  	[tilespmem:s10+$0x90] =	vst v3;
	v0 =	vld [tilespmem:s29+$0xE0]  }
0x2b8: {  	[tilespmem:s10+$0xA0] =	vst v4;
	v3 =	vld.idx.msk [tilespmem:v59+s18+$0x0], $0xffff  }
0x2b9: {  	[tilespmem:s10+$0xB0] =	vst v5;
	v61 =	vld.idx.msk [tilespmem:v6+s18+$0x0], $0xffff  }
0x2ba: {  	[tilespmem:s10+$0xC0] =	vst v7;
	v6 =	vld.idx.msk [tilespmem:v58+s18+$0x0], $0xffff  }
0x2bb: {  	v4 =	vld.idx.msk [tilespmem:v60+s18+$0x0], $0xffff;
	[tilespmem:s10+$0xD0] =	vst v8  }
0x2bc: {  	[tilespmem:s12+$0x90] =	vst v11;
	v5 =	vld.idx.msk [tilespmem:v63+s18+$0x0], $0xffff  }
0x2bd: {  	[tilespmem:s10+$0x80] =	vst v1;
	v1 =	vld.idx.msk [tilespmem:v2+s18+$0x0], $0xffff  }
0x2be: {  	s13 =	simm.s32 $0x18C00;
	s2 =	simm.s32 $0x80;
	v2 =	vld.idx.msk [tilespmem:v62+s18+$0x0], $0xffff;
	[tilespmem:s12+$0xF0] =	vst v61  }
.LBB2_14:
0x2bf: {  	v7 =	vld [tilespmem:s13+$0xFFFFFF70];
	s2 =	sadd.s32 $0x80, s2;
	[tilespmem:s12+$0xA0] =	vst v6  }
0x2c0: {  	v6 =	vld [tilespmem:s13+$0xFFFFFF10];
	p2 =	slt.u32 s2, $0x380;
	[tilespmem:s12+$0xB0] =	vst v3  }
0x2c1: {  	v3 =	vld [tilespmem:s13+$0xFFFFFF20];
	[tilespmem:s12+$0xC0] =	vst v4  }
0x2c2: {  	v4 =	vld [tilespmem:s13+$0xFFFFFF30];
	[tilespmem:s10+$0xE0] =	vst v1;
	s10 =	smov.u32 s12  }
0x2c3: {  	v1 =	vld [tilespmem:s13+$0xFFFFFF40];
	[tilespmem:s12+$0x80] =	vst v2  }
0x2c4: {  	v2 =	vld [tilespmem:s13+$0xFFFFFF50];
	[tilespmem:s12+$0xD0] =	vst v5  }
0x2c5: {  	v5 =	vld [tilespmem:s13+$0xFFFFFF60]  }
0x2c6: {  	v8 =	vld [tilespmem:s13+$0xFFFFFF00]  }
0x2c7: {  	v7 =	vld.idx.msk [tilespmem:v7+s18+$0x0], $0xffff  }
0x2c8: {  	v6 =	vld.idx.msk [tilespmem:v6+s18+$0x0], $0xffff  }
0x2c9: {  	v3 =	vld.idx.msk [tilespmem:v3+s18+$0x0], $0xffff  }
0x2ca: {  	v4 =	vld.idx.msk [tilespmem:v4+s18+$0x0], $0xffff  }
0x2cb: {  	v1 =	vld.idx.msk [tilespmem:v1+s18+$0x0], $0xffff  }
0x2cc: {  	s12 =	sadd.s32 $0x200, s12;
	v2 =	vld.idx.msk [tilespmem:v2+s18+$0x0], $0xffff  }
0x2cd: {  	v5 =	vld.idx.msk [tilespmem:v5+s18+$0x0], $0xffff;
	[tilespmem:s12+$0xFFFFFF70] =	vst v7  }
0x2ce: {  	[tilespmem:s12+$0xFFFFFF10] =	vst v6;
	v6 =	vld [tilespmem:s13+$0xFFFFFFF0]  }
0x2cf: {  	v7 =	vld.idx.msk [tilespmem:v8+s18+$0x0], $0xffff;
	[tilespmem:s12+$0xFFFFFF20] =	vst v3  }
0x2d0: {  	v3 =	vld [tilespmem:s13+$0xFFFFFF90];
	[tilespmem:s12+$0xFFFFFF30] =	vst v4  }
0x2d1: {  	v4 =	vld [tilespmem:s13+$0xFFFFFFA0];
	[tilespmem:s12+$0xFFFFFF40] =	vst v1  }
0x2d2: {  	v1 =	vld [tilespmem:s13+$0xFFFFFFB0];
	[tilespmem:s12+$0xFFFFFF50] =	vst v2  }
0x2d3: {  	v2 =	vld [tilespmem:s13+$0xFFFFFFC0];
	[tilespmem:s12+$0xFFFFFF60] =	vst v5  }
0x2d4: {  	v5 =	vld [tilespmem:s13+$0xFFFFFFD0]  }
0x2d5: {  	[tilespmem:s12+$0xFFFFFF00] =	vst v7;
	v7 =	vld [tilespmem:s13+$0xFFFFFFE0]  }
0x2d6: {  	v6 =	vld.idx.msk [tilespmem:v6+s18+$0x0], $0xffff  }
0x2d7: {  	v8 =	vld [tilespmem:s13+$0xFFFFFF80]  }
0x2d8: {  	v3 =	vld.idx.msk [tilespmem:v3+s18+$0x0], $0xffff  }
0x2d9: {  	v4 =	vld.idx.msk [tilespmem:v4+s18+$0x0], $0xffff  }
0x2da: {  	v1 =	vld.idx.msk [tilespmem:v1+s18+$0x0], $0xffff  }
0x2db: {  	v2 =	vld.idx.msk [tilespmem:v2+s18+$0x0], $0xffff  }
0x2dc: {  	v5 =	vld.idx.msk [tilespmem:v5+s18+$0x0], $0xffff;
	[tilespmem:s12+$0xFFFFFFF0] =	vst v6  }
0x2dd: {  	v6 =	vld [tilespmem:s13+$0x70]  }
0x2de: {  	[tilespmem:s12+$0xFFFFFF90] =	vst v3;
	v3 =	vld.idx.msk [tilespmem:v7+s18+$0x0], $0xffff  }
0x2df: {  	v7 =	vld.idx.msk [tilespmem:v8+s18+$0x0], $0xffff;
	[tilespmem:s12+$0xFFFFFFA0] =	vst v4  }
0x2e0: {  	v4 =	vld [tilespmem:s13+$0x10];
	[tilespmem:s12+$0xFFFFFFB0] =	vst v1  }
0x2e1: {  	v1 =	vld [tilespmem:s13+$0x20];
	[tilespmem:s12+$0xFFFFFFC0] =	vst v2  }
0x2e2: {  	v2 =	vld [tilespmem:s13+$0x30];
	[tilespmem:s12+$0xFFFFFFD0] =	vst v5  }
0x2e3: {  	v5 =	vld [tilespmem:s13+$0x40]  }
0x2e4: {  	v8 =	vld [tilespmem:s13+$0x50];
	[tilespmem:s12+$0xFFFFFFE0] =	vst v3  }
0x2e5: {  	[tilespmem:s12+$0xFFFFFF80] =	vst v7;
	v3 =	vld.idx.msk [tilespmem:v6+s18+$0x0], $0xffff  }
0x2e6: {  	v6 =	vld [tilespmem:s13+$0x0]  }
0x2e7: {  	v7 =	vld [tilespmem:s13+$0x60]  }
0x2e8: {  	v4 =	vld.idx.msk [tilespmem:v4+s18+$0x0], $0xffff  }
0x2e9: {  	v1 =	vld.idx.msk [tilespmem:v1+s18+$0x0], $0xffff  }
0x2ea: {  	v2 =	vld.idx.msk [tilespmem:v2+s18+$0x0], $0xffff  }
0x2eb: {  	v5 =	vld.idx.msk [tilespmem:v5+s18+$0x0], $0xffff;
	[tilespmem:s12+$0x70] =	vst v3  }
0x2ec: {  	v3 =	vld [tilespmem:s13+$0xF0]  }
0x2ed: {  	v8 =	vld.idx.msk [tilespmem:v8+s18+$0x0], $0xffff  }
0x2ee: {  	v6 =	vld.idx.msk [tilespmem:v6+s18+$0x0], $0xffff;
	[tilespmem:s12+$0x10] =	vst v4  }
0x2ef: {  	[tilespmem:s12+$0x20] =	vst v1;
	v1 =	vld.idx.msk [tilespmem:v7+s18+$0x0], $0xffff  }
0x2f0: {  	v4 =	vld [tilespmem:s13+$0x90];
	[tilespmem:s12+$0x30] =	vst v2  }
0x2f1: {  	v2 =	vld [tilespmem:s13+$0xA0];
	[tilespmem:s12+$0x40] =	vst v5  }
0x2f2: {  	v5 =	vld [tilespmem:s13+$0xB0]  }
0x2f3: {  	v7 =	vld [tilespmem:s13+$0xC0];
	[tilespmem:s12+$0x50] =	vst v8  }
0x2f4: {  	[tilespmem:s12+$0x0] =	vst v6;
	v8 =	vld.idx.msk [tilespmem:v3+s18+$0x0], $0xffff  }
0x2f5: {  	v9 =	vld [tilespmem:s13+$0x80];
	[tilespmem:s12+$0x60] =	vst v1  }
0x2f6: {  	v10 =	vld [tilespmem:s13+$0xD0]  }
0x2f7: {  	v11 =	vld [tilespmem:s13+$0xE0]  }
0x2f8: {  	v12 =	vld.idx.msk [tilespmem:v4+s18+$0x0], $0xffff  }
0x2f9: {  	v6 =	vld.idx.msk [tilespmem:v2+s18+$0x0], $0xffff  }
.Ltmp7:
0x2fa: {  	v3 =	vld.idx.msk [tilespmem:v5+s18+$0x0], $0xffff;
	[tilespmem:s12+$0xF0] =	vst v8;
	(pc) =	sbr.rel @p2 .LBB2_14-.Ltmp7, $4  }
0x2fb: {  	v4 =	vld.idx.msk [tilespmem:v7+s18+$0x0], $0xffff  }
0x2fc: {  	v1 =	vld.idx.msk [tilespmem:v0+s18+$0x0], $0xffff;
	v0 =	vmov v11  }
0x2fd: {  	v2 =	vld.idx.msk [tilespmem:v9+s18+$0x0], $0xffff  }
0x2fe: {  	s13 =	sadd.s32 $0x200, s13;
	[tilespmem:s12+$0x90] =	vst v12;
	v5 =	vld.idx.msk [tilespmem:v10+s18+$0x0], $0xffff  }
0x2ff: {  	_ =	sdelay $0x2  }
0x300: {  	[tilespmem:s12+$0xA0] =	vst v6  }
0x301: {  	[tilespmem:s12+$0xB0] =	vst v3;
	v0 =	vld.idx.msk [tilespmem:v0+s18+$0x0], $0xffff  }
0x302: {  	s2 =	smul.u32 $0x300000, s0;
	[tilespmem:s12+$0xC0] =	vst v4  }
0x303: {  	[tilespmem:s10+$0xE0] =	vst v1  }
0x304: {  	s1 =	sor.u32 s2, s14;
	[tilespmem:s12+$0x80] =	vst v2  }
0x305: {  	s1 =	sshrl.u32 s1, $0x3;
	[tilespmem:s12+$0xD0] =	vst v5  }
0x306: {  	s1 =	sadd.s32 s23, s1;
	[tilespmem:s12+$0xE0] =	vst v0  }
0x307: {  	[hbm4b:s1+s8] =	stream.strided.scatter [tilespmem:s6], [sflag:$0x3], $0x200, s4, s8, $0x38;
	[tilespmem:$0x1F900] =	vst v63  }
0x308: {  	s3 =	sadd.s32 $0x80, s1  }
0x309: {  	[hbm4b:s3+s8] =	stream.strided.scatter [tilespmem:s15], [sflag:$0x3], $0x200, s4, s8, $0x38;
	[tilespmem:$0x1F900] =	vst v63  }
0x30a: {  	s5 =	sadd.s32 $0x100, s1  }
0x30b: {  	[hbm4b:s5+s8] =	stream.strided.scatter [tilespmem:s16], [sflag:$0x3], $0x200, s4, s8, $0x38;
	[tilespmem:$0x1F900] =	vst v63  }
0x30c: {  	s10 =	sadd.s32 $0x180, s1  }
0x30d: {  	[hbm4b:s10+s8] =	stream.strided.scatter [tilespmem:s17], [sflag:$0x3], $0x200, s4, s8, $0x38;
	[tilespmem:$0x1F900] =	vst v63  }
0x30e: {  	s12 =	sadd.s32 $0x200, s1  }
0x30f: {  	[hbm4b:s12+s8] =	stream.strided.scatter [tilespmem:s19], [sflag:$0x3], $0x200, s4, s8, $0x38;
	[tilespmem:$0x1F900] =	vst v63  }
0x310: {  	p2 =	sne.s32 s0, $0x18;
	s13 =	sadd.s32 $0x280, s1  }
0x311: {  	[hbm4b:s13+s8] =	stream.strided.scatter [tilespmem:s20], [sflag:$0x3], $0x200, s4, s8, $0x38;
	[tilespmem:$0x1F900] =	vst v63  }
.Ltmp8:
0x312: {  	_ = 	snop;
	(pc) =	sbr.rel @p2 .LBB2_17-.Ltmp8, $4  }
0x313: {  	s29 =	sadd.s32 $0x300, s1  }
0x314: {  	[hbm4b:s29+s8] =	stream.strided.scatter [tilespmem:s21], [sflag:$0x3], $0x200, s4, s8, $0x38;
	[tilespmem:$0x1F900] =	vst v63  }
0x315: {  	s1 =	sadd.s32 $0x380, s1  }
0x316: {  	[hbm4b:s1+s8] =	stream.strided.scatter [tilespmem:s22], [sflag:$0x3], $0x200, s4, s8, $0x38;
	[tilespmem:$0x1F900] =	vst v63  }
.Ltmp9:
0x317: {  	(pc) =	sbr.rel .LBB2_18-.Ltmp9, $4  }
0x318: {  	_ = 	snop  }
0x319: {  	_ =	swait.ge [sflag:s25], $0x1000  }
0x31a: {  	[sflag:s25] =	ssyncset.done $0x0  }
0x31b: {  	[sflag:s25] =	ssyncadd.s32 $0xFFFFF000  }
.LBB2_17:
0x31c: {  	s1 =	sshll.u32 s0, $0xD  }
0x31d: {  	s1 =	sand.u32 $0x3FFFE000, s1  }
0x31e: {  	s1 =	sadd.s32 s1, s26  }
.Ltmp10:
0x31f: {  	s3 =	simm.s32 $0x18700;
	s1 =	sadd.s32 $0x2000, s1;
	(pc) =	sbr.rel @p1 .LBB2_19-.Ltmp10, $4  }
0x320: {  	[tilespmem:s3], [sflag:$0x1] =	stream.strided.gather [spmem:s1], $0x1000, s9, s11, $0x38;
	[tilespmem:$0x1F900] =	vst v63  }
0x321: {  	_ =	swait.ge [sflag:s25], $0x1000  }
0x322: {  	[sflag:s25] =	ssyncset.done $0x0  }
0x323: {  	[sflag:s25] =	ssyncadd.s32 $0xFFFFF000  }
.LBB2_18:
0x324: {  	_ =	swait.ge [sflag:s28], $0x1000  }
0x325: {  	[sflag:s28] =	ssyncset.done $0x0  }
0x326: {  	[sflag:s28] =	ssyncadd.s32 $0xFFFFF000  }
.LBB2_19:
0x327: {  	s12 =	simm.s32 $0x198F0  }
0x328: {  	v0 =	vld [tilespmem:s12+$0xFFFFFE80]  }
0x329: {  	v1 =	vld [tilespmem:s12+$0xFFFFFE20]  }
0x32a: {  	v2 =	vld [tilespmem:s12+$0xFFFFFE30]  }
0x32b: {  	v3 =	vld [tilespmem:s12+$0xFFFFFE40]  }
0x32c: {  	v4 =	vld [tilespmem:s12+$0xFFFFFE50]  }
0x32d: {  	v5 =	vld [tilespmem:s12+$0xFFFFFE60]  }
0x32e: {  	v6 =	vld [tilespmem:s12+$0xFFFFFE70]  }
0x32f: {  	s13 =	simm.s32 $0x19AF0;
	v7 =	vld [tilespmem:s12+$0xFFFFFE10]  }
0x330: {  	v10 =	vld [tilespmem:s13+$0xFFFFFE30]  }
0x331: {  	v11 =	vld [tilespmem:s13+$0xFFFFFE40]  }
0x332: {  	v12 =	vld [tilespmem:s13+$0xFFFFFE50]  }
0x333: {  	v13 =	vld [tilespmem:s13+$0xFFFFFE60]  }
0x334: {  	v14 =	vld [tilespmem:s13+$0xFFFFFE70]  }
0x335: {  	v0 =	vld.idx.msk [tilespmem:v0+s18+$0x0], $0xffff  }
0x336: {  	v1 =	vld.idx.msk [tilespmem:v1+s18+$0x0], $0xffff  }
0x337: {  	v2 =	vld.idx.msk [tilespmem:v2+s18+$0x0], $0xffff  }
0x338: {  	v3 =	vld.idx.msk [tilespmem:v3+s18+$0x0], $0xffff  }
0x339: {  	v4 =	vld.idx.msk [tilespmem:v4+s18+$0x0], $0xffff  }
0x33a: {  	v5 =	vld.idx.msk [tilespmem:v5+s18+$0x0], $0xffff  }
0x33b: {  	v6 =	vld.idx.msk [tilespmem:v6+s18+$0x0], $0xffff  }
0x33c: {  	v10 =	vld.idx.msk [tilespmem:v10+s18+$0x0], $0xffff  }
0x33d: {  	v11 =	vld.idx.msk [tilespmem:v11+s18+$0x0], $0xffff  }
0x33e: {  	v12 =	vld.idx.msk [tilespmem:v12+s18+$0x0], $0xffff  }
0x33f: {  	s10 =	simm.s32 $0x1B8F0;
	v13 =	vld.idx.msk [tilespmem:v13+s18+$0x0], $0xffff  }
0x340: {  	v14 =	vld.idx.msk [tilespmem:v14+s18+$0x0], $0xffff;
	[tilespmem:s10+$0xFFFFFE80] =	vst v0  }
0x341: {  	[tilespmem:s10+$0xFFFFFE20] =	vst v1;
	v1 =	vld.idx.msk [tilespmem:v7+s18+$0x0], $0xffff  }
0x342: {  	v0 =	vld [tilespmem:s12+$0xFFFFFF00]  }
0x343: {  	[tilespmem:s10+$0xFFFFFE30] =	vst v2;
	v2 =	vld [tilespmem:s12+$0xFFFFFEA0]  }
0x344: {  	[tilespmem:s10+$0xFFFFFE40] =	vst v3;
	v3 =	vld [tilespmem:s12+$0xFFFFFEB0]  }
0x345: {  	[tilespmem:s10+$0xFFFFFE50] =	vst v4;
	v4 =	vld [tilespmem:s12+$0xFFFFFEC0]  }
0x346: {  	[tilespmem:s10+$0xFFFFFE60] =	vst v5;
	v5 =	vld [tilespmem:s12+$0xFFFFFED0]  }
0x347: {  	[tilespmem:s10+$0xFFFFFE70] =	vst v6;
	v6 =	vld [tilespmem:s12+$0xFFFFFEE0]  }
0x348: {  	v7 =	vld [tilespmem:s12+$0xFFFFFEF0];
	[tilespmem:s10+$0xFFFFFE10] =	vst v1  }
0x349: {  	v1 =	vld [tilespmem:s12+$0xFFFFFE90]  }
0x34a: {  	v0 =	vld.idx.msk [tilespmem:v0+s18+$0x0], $0xffff  }
0x34b: {  	v2 =	vld.idx.msk [tilespmem:v2+s18+$0x0], $0xffff  }
0x34c: {  	v3 =	vld.idx.msk [tilespmem:v3+s18+$0x0], $0xffff  }
0x34d: {  	v4 =	vld.idx.msk [tilespmem:v4+s18+$0x0], $0xffff  }
0x34e: {  	v5 =	vld.idx.msk [tilespmem:v5+s18+$0x0], $0xffff  }
0x34f: {  	v6 =	vld.idx.msk [tilespmem:v6+s18+$0x0], $0xffff  }
0x350: {  	v7 =	vld.idx.msk [tilespmem:v7+s18+$0x0], $0xffff  }
0x351: {  	[tilespmem:s10+$0xFFFFFF00] =	vst v0;
	v1 =	vld.idx.msk [tilespmem:v1+s18+$0x0], $0xffff  }
0x352: {  	[tilespmem:s10+$0xFFFFFEA0] =	vst v2;
	v0 =	vld [tilespmem:s12+$0xFFFFFF80]  }
0x353: {  	[tilespmem:s10+$0xFFFFFEB0] =	vst v3;
	v2 =	vld [tilespmem:s12+$0xFFFFFF20]  }
0x354: {  	[tilespmem:s10+$0xFFFFFEC0] =	vst v4;
	v3 =	vld [tilespmem:s12+$0xFFFFFF30]  }
0x355: {  	[tilespmem:s10+$0xFFFFFED0] =	vst v5;
	v4 =	vld [tilespmem:s12+$0xFFFFFF40]  }
0x356: {  	[tilespmem:s10+$0xFFFFFEE0] =	vst v6;
	v5 =	vld [tilespmem:s12+$0xFFFFFF50]  }
0x357: {  	v6 =	vld [tilespmem:s12+$0xFFFFFF60];
	[tilespmem:s10+$0xFFFFFE90] =	vst v1  }
0x358: {  	[tilespmem:s10+$0xFFFFFEF0] =	vst v7;
	v1 =	vld [tilespmem:s12+$0xFFFFFF10]  }
0x359: {  	v7 =	vld [tilespmem:s12+$0xFFFFFF70]  }
0x35a: {  	v0 =	vld.idx.msk [tilespmem:v0+s18+$0x0], $0xffff  }
0x35b: {  	v2 =	vld.idx.msk [tilespmem:v2+s18+$0x0], $0xffff  }
0x35c: {  	v3 =	vld.idx.msk [tilespmem:v3+s18+$0x0], $0xffff  }
0x35d: {  	v4 =	vld.idx.msk [tilespmem:v4+s18+$0x0], $0xffff  }
0x35e: {  	v5 =	vld.idx.msk [tilespmem:v5+s18+$0x0], $0xffff  }
0x35f: {  	v6 =	vld.idx.msk [tilespmem:v6+s18+$0x0], $0xffff  }
0x360: {  	[tilespmem:s10+$0xFFFFFF80] =	vst v0;
	v1 =	vld.idx.msk [tilespmem:v1+s18+$0x0], $0xffff  }
0x361: {  	[tilespmem:s10+$0xFFFFFF20] =	vst v2;
	v2 =	vld.idx.msk [tilespmem:v7+s18+$0x0], $0xffff  }
0x362: {  	[tilespmem:s10+$0xFFFFFF30] =	vst v3;
	v3 =	vld [tilespmem:s12+$0xFFFFFFA0]  }
0x363: {  	[tilespmem:s10+$0xFFFFFF40] =	vst v4;
	v4 =	vld [tilespmem:s12+$0xFFFFFFB0]  }
0x364: {  	[tilespmem:s10+$0xFFFFFF50] =	vst v5;
	v5 =	vld [tilespmem:s12+$0xFFFFFFC0]  }
0x365: {  	v0 =	vld [tilespmem:s12+$0x0];
	[tilespmem:s10+$0xFFFFFF10] =	vst v1  }
0x366: {  	v1 =	vld [tilespmem:s12+$0xFFFFFF90]  }
0x367: {  	[tilespmem:s10+$0xFFFFFF60] =	vst v6;
	v7 =	vld [tilespmem:s12+$0xFFFFFFD0]  }
0x368: {  	v6 =	vld [tilespmem:s12+$0xFFFFFFE0];
	[tilespmem:s10+$0xFFFFFF70] =	vst v2  }
0x369: {  	v8 =	vld [tilespmem:s12+$0xFFFFFFF0]  }
0x36a: {  	v2 =	vld.idx.msk [tilespmem:v3+s18+$0x0], $0xffff  }
0x36b: {  	v3 =	vld.idx.msk [tilespmem:v4+s18+$0x0], $0xffff  }
0x36c: {  	v4 =	vld.idx.msk [tilespmem:v5+s18+$0x0], $0xffff  }
0x36d: {  	v5 =	vld [tilespmem:s13+$0xFFFFFE20]  }
0x36e: {  	v9 =	vld.idx.msk [tilespmem:v1+s18+$0x0], $0xffff  }
0x36f: {  	s12 =	simm.s32 $0x1BAF0;
	v1 =	vld [tilespmem:s13+$0xFFFFFE80]  }
0x370: {  	v15 =	vld [tilespmem:s13+$0xFFFFFE10];
	[tilespmem:s12+$0xFFFFFE30] =	vst v10  }
0x371: {  	[tilespmem:s12+$0xFFFFFE40] =	vst v11;
	v52 =	vld [tilespmem:s13+$0xFFFFFEB0]  }
0x372: {  	[tilespmem:s12+$0xFFFFFE50] =	vst v12;
	v53 =	vld [tilespmem:s13+$0xFFFFFEC0]  }
0x373: {  	[tilespmem:s12+$0xFFFFFE60] =	vst v13;
	v54 =	vld [tilespmem:s13+$0xFFFFFED0]  }
0x374: {  	[tilespmem:s12+$0xFFFFFE70] =	vst v14;
	v55 =	vld [tilespmem:s13+$0xFFFFFEE0]  }
0x375: {  	v56 =	vld [tilespmem:s13+$0xFFFFFEF0]  }
0x376: {  	v5 =	vld.idx.msk [tilespmem:v5+s18+$0x0], $0xffff  }
0x377: {  	v1 =	vld.idx.msk [tilespmem:v1+s18+$0x0], $0xffff  }
0x378: {  	v0 =	vld.idx.msk [tilespmem:v0+s18+$0x0], $0xffff  }
0x379: {  	v7 =	vld.idx.msk [tilespmem:v7+s18+$0x0], $0xffff  }
0x37a: {  	v6 =	vld.idx.msk [tilespmem:v6+s18+$0x0], $0xffff  }
0x37b: {  	[tilespmem:s12+$0xFFFFFE20] =	vst v5;
	v5 =	vld.idx.msk [tilespmem:v15+s18+$0x0], $0xffff  }
0x37c: {  	v51 =	vld [tilespmem:s13+$0xFFFFFEA0];
	[tilespmem:s12+$0xFFFFFE80] =	vst v1  }
0x37d: {  	v1 =	vld [tilespmem:s13+$0xFFFFFF00]  }
0x37e: {  	[tilespmem:s10+$0xFFFFFFB0] =	vst v3;
	v3 =	vld.idx.msk [tilespmem:v8+s18+$0x0], $0xffff  }
0x37f: {  	v11 =	vld.idx.msk [tilespmem:v52+s18+$0x0], $0xffff  }
0x380: {  	v12 =	vld.idx.msk [tilespmem:v53+s18+$0x0], $0xffff;
	[tilespmem:s12+$0xFFFFFE10] =	vst v5  }
0x381: {  	v5 =	vld [tilespmem:s13+$0xFFFFFE90]  }
0x382: {  	v13 =	vld.idx.msk [tilespmem:v54+s18+$0x0], $0xffff  }
0x383: {  	v14 =	vld.idx.msk [tilespmem:v55+s18+$0x0], $0xffff  }
0x384: {  	v10 =	vld.idx.msk [tilespmem:v51+s18+$0x0], $0xffff  }
0x385: {  	v1 =	vld.idx.msk [tilespmem:v1+s18+$0x0], $0xffff  }
0x386: {  	[tilespmem:s12+$0xFFFFFEB0] =	vst v11;
	v15 =	vld.idx.msk [tilespmem:v56+s18+$0x0], $0xffff  }
0x387: {  	[tilespmem:s12+$0xFFFFFEC0] =	vst v12;
	v11 =	vld [tilespmem:s13+$0xFFFFFF30]  }
0x388: {  	v12 =	vld [tilespmem:s13+$0xFFFFFF40]  }
0x389: {  	[tilespmem:s12+$0xFFFFFEA0] =	vst v10;
	v5 =	vld.idx.msk [tilespmem:v5+s18+$0x0], $0xffff  }
0x38a: {  	v10 =	vld [tilespmem:s13+$0xFFFFFF20];
	[tilespmem:s12+$0xFFFFFF00] =	vst v1  }
0x38b: {  	[tilespmem:s12+$0xFFFFFED0] =	vst v13;
	v1 =	vld [tilespmem:s13+$0xFFFFFF80]  }
0x38c: {  	[tilespmem:s12+$0xFFFFFEE0] =	vst v14;
	v13 =	vld [tilespmem:s13+$0xFFFFFF50]  }
0x38d: {  	v14 =	vld [tilespmem:s13+$0xFFFFFF60];
	[tilespmem:s12+$0xFFFFFEF0] =	vst v15  }
0x38e: {  	v15 =	vld [tilespmem:s13+$0xFFFFFF70];
	[tilespmem:s12+$0xFFFFFE90] =	vst v5  }
0x38f: {  	v5 =	vld [tilespmem:s13+$0xFFFFFF10]  }
0x390: {  	v11 =	vld.idx.msk [tilespmem:v11+s18+$0x0], $0xffff  }
0x391: {  	v12 =	vld.idx.msk [tilespmem:v12+s18+$0x0], $0xffff  }
0x392: {  	v10 =	vld.idx.msk [tilespmem:v10+s18+$0x0], $0xffff  }
0x393: {  	v1 =	vld.idx.msk [tilespmem:v1+s18+$0x0], $0xffff  }
0x394: {  	v13 =	vld.idx.msk [tilespmem:v13+s18+$0x0], $0xffff  }
0x395: {  	v14 =	vld.idx.msk [tilespmem:v14+s18+$0x0], $0xffff  }
0x396: {  	v57 =	vld.idx.msk [tilespmem:v15+s18+$0x0], $0xffff  }
0x397: {  	v5 =	vld.idx.msk [tilespmem:v5+s18+$0x0], $0xffff;
	[tilespmem:s12+$0xFFFFFF20] =	vst v10  }
0x398: {  	v58 =	vld [tilespmem:s13+$0xFFFFFFA0];
	[tilespmem:s12+$0xFFFFFF80] =	vst v1  }
0x399: {  	[tilespmem:s12+$0xFFFFFF30] =	vst v11;
	v1 =	vld [tilespmem:s13+$0x0]  }
0x39a: {  	[tilespmem:s12+$0xFFFFFF40] =	vst v12;
	v59 =	vld [tilespmem:s13+$0xFFFFFFB0]  }
0x39b: {  	[tilespmem:s12+$0xFFFFFF50] =	vst v13;
	v60 =	vld [tilespmem:s13+$0xFFFFFFC0]  }
0x39c: {  	[tilespmem:s12+$0xFFFFFF60] =	vst v14;
	v61 =	vld [tilespmem:s13+$0xFFFFFFD0]  }
0x39d: {  	v63 =	vld [tilespmem:s13+$0xFFFFFFE0];
	[tilespmem:s12+$0xFFFFFF10] =	vst v5  }
0x39e: {  	[tilespmem:s12+$0xFFFFFF70] =	vst v57;
	v62 =	vld [tilespmem:s13+$0xFFFFFF90]  }
0x39f: {  	[tilespmem:s10+$0x0] =	vst v0;
	v0 =	vld [tilespmem:s13+$0xFFFFFFF0]  }
0x3a0: {  	[tilespmem:s10+$0xFFFFFFA0] =	vst v2;
	v11 =	vld.idx.msk [tilespmem:v58+s18+$0x0], $0xffff  }
0x3a1: {  	[tilespmem:s10+$0xFFFFFFC0] =	vst v4;
	v16 =	vld.idx.msk [tilespmem:v1+s18+$0x0], $0xffff  }
0x3a2: {  	[tilespmem:s10+$0xFFFFFFD0] =	vst v7;
	v5 =	vld.idx.msk [tilespmem:v59+s18+$0x0], $0xffff  }
0x3a3: {  	[tilespmem:s10+$0xFFFFFFE0] =	vst v6;
	v1 =	vld.idx.msk [tilespmem:v60+s18+$0x0], $0xffff  }
0x3a4: {  	[tilespmem:s10+$0xFFFFFF90] =	vst v9;
	v2 =	vld.idx.msk [tilespmem:v61+s18+$0x0], $0xffff  }
0x3a5: {  	v6 =	vld.idx.msk [tilespmem:v63+s18+$0x0], $0xffff;
	[tilespmem:s12+$0xFFFFFFA0] =	vst v11  }
0x3a6: {  	s29 =	simm.s32 $0x19CF0;
	s13 =	simm.s32 $0x80;
	v4 =	vld.idx.msk [tilespmem:v62+s18+$0x0], $0xffff;
	[tilespmem:s12+$0x0] =	vst v16  }
.LBB2_20:
0x3a7: {  	v7 =	vld [tilespmem:s29+$0xFFFFFE80];
	s13 =	sadd.s32 $0x80, s13;
	[tilespmem:s12+$0xFFFFFFB0] =	vst v5  }
0x3a8: {  	v5 =	vld [tilespmem:s29+$0xFFFFFE20];
	p1 =	slt.u32 s13, $0x380;
	[tilespmem:s12+$0xFFFFFFC0] =	vst v1  }
0x3a9: {  	v1 =	vld [tilespmem:s29+$0xFFFFFE30];
	[tilespmem:s12+$0xFFFFFFD0] =	vst v2  }
0x3aa: {  	v2 =	vld [tilespmem:s29+$0xFFFFFE40];
	[tilespmem:s10+$0xFFFFFFF0] =	vst v3;
	s10 =	smov.u32 s12  }
0x3ab: {  	v3 =	vld [tilespmem:s29+$0xFFFFFE50];
	[tilespmem:s12+$0xFFFFFF90] =	vst v4  }
0x3ac: {  	v4 =	vld [tilespmem:s29+$0xFFFFFE60];
	[tilespmem:s12+$0xFFFFFFE0] =	vst v6  }
0x3ad: {  	v6 =	vld [tilespmem:s29+$0xFFFFFE70]  }
0x3ae: {  	v8 =	vld [tilespmem:s29+$0xFFFFFE10]  }
0x3af: {  	v7 =	vld.idx.msk [tilespmem:v7+s18+$0x0], $0xffff  }
0x3b0: {  	v5 =	vld.idx.msk [tilespmem:v5+s18+$0x0], $0xffff  }
0x3b1: {  	v1 =	vld.idx.msk [tilespmem:v1+s18+$0x0], $0xffff  }
0x3b2: {  	v2 =	vld.idx.msk [tilespmem:v2+s18+$0x0], $0xffff  }
0x3b3: {  	v3 =	vld.idx.msk [tilespmem:v3+s18+$0x0], $0xffff  }
0x3b4: {  	s12 =	sadd.s32 $0x200, s12;
	v4 =	vld.idx.msk [tilespmem:v4+s18+$0x0], $0xffff  }
0x3b5: {  	v6 =	vld.idx.msk [tilespmem:v6+s18+$0x0], $0xffff;
	[tilespmem:s12+$0xFFFFFE80] =	vst v7  }
0x3b6: {  	[tilespmem:s12+$0xFFFFFE20] =	vst v5;
	v5 =	vld [tilespmem:s29+$0xFFFFFF00]  }
0x3b7: {  	v7 =	vld.idx.msk [tilespmem:v8+s18+$0x0], $0xffff;
	[tilespmem:s12+$0xFFFFFE30] =	vst v1  }
0x3b8: {  	v1 =	vld [tilespmem:s29+$0xFFFFFEA0];
	[tilespmem:s12+$0xFFFFFE40] =	vst v2  }
0x3b9: {  	v2 =	vld [tilespmem:s29+$0xFFFFFEB0];
	[tilespmem:s12+$0xFFFFFE50] =	vst v3  }
0x3ba: {  	v3 =	vld [tilespmem:s29+$0xFFFFFEC0];
	[tilespmem:s12+$0xFFFFFE60] =	vst v4  }
0x3bb: {  	v4 =	vld [tilespmem:s29+$0xFFFFFED0];
	[tilespmem:s12+$0xFFFFFE70] =	vst v6  }
0x3bc: {  	v6 =	vld [tilespmem:s29+$0xFFFFFEE0]  }
0x3bd: {  	[tilespmem:s12+$0xFFFFFE10] =	vst v7;
	v7 =	vld [tilespmem:s29+$0xFFFFFEF0]  }
0x3be: {  	v5 =	vld.idx.msk [tilespmem:v5+s18+$0x0], $0xffff  }
0x3bf: {  	v8 =	vld [tilespmem:s29+$0xFFFFFE90]  }
0x3c0: {  	v1 =	vld.idx.msk [tilespmem:v1+s18+$0x0], $0xffff  }
0x3c1: {  	v2 =	vld.idx.msk [tilespmem:v2+s18+$0x0], $0xffff  }
0x3c2: {  	v3 =	vld.idx.msk [tilespmem:v3+s18+$0x0], $0xffff  }
0x3c3: {  	v4 =	vld.idx.msk [tilespmem:v4+s18+$0x0], $0xffff  }
0x3c4: {  	v6 =	vld.idx.msk [tilespmem:v6+s18+$0x0], $0xffff;
	[tilespmem:s12+$0xFFFFFF00] =	vst v5  }
0x3c5: {  	v5 =	vld [tilespmem:s29+$0xFFFFFF80]  }
0x3c6: {  	[tilespmem:s12+$0xFFFFFEA0] =	vst v1;
	v1 =	vld.idx.msk [tilespmem:v7+s18+$0x0], $0xffff  }
0x3c7: {  	v7 =	vld.idx.msk [tilespmem:v8+s18+$0x0], $0xffff;
	[tilespmem:s12+$0xFFFFFEB0] =	vst v2  }
0x3c8: {  	v2 =	vld [tilespmem:s29+$0xFFFFFF20];
	[tilespmem:s12+$0xFFFFFEC0] =	vst v3  }
0x3c9: {  	v3 =	vld [tilespmem:s29+$0xFFFFFF30];
	[tilespmem:s12+$0xFFFFFED0] =	vst v4  }
0x3ca: {  	v4 =	vld [tilespmem:s29+$0xFFFFFF40];
	[tilespmem:s12+$0xFFFFFEE0] =	vst v6  }
0x3cb: {  	v6 =	vld [tilespmem:s29+$0xFFFFFF50]  }
0x3cc: {  	v8 =	vld [tilespmem:s29+$0xFFFFFF60];
	[tilespmem:s12+$0xFFFFFEF0] =	vst v1  }
0x3cd: {  	[tilespmem:s12+$0xFFFFFE90] =	vst v7;
	v1 =	vld.idx.msk [tilespmem:v5+s18+$0x0], $0xffff  }
0x3ce: {  	v5 =	vld [tilespmem:s29+$0xFFFFFF10]  }
0x3cf: {  	v7 =	vld [tilespmem:s29+$0xFFFFFF70]  }
0x3d0: {  	v2 =	vld.idx.msk [tilespmem:v2+s18+$0x0], $0xffff  }
0x3d1: {  	v3 =	vld.idx.msk [tilespmem:v3+s18+$0x0], $0xffff  }
0x3d2: {  	v4 =	vld.idx.msk [tilespmem:v4+s18+$0x0], $0xffff  }
0x3d3: {  	v6 =	vld.idx.msk [tilespmem:v6+s18+$0x0], $0xffff;
	[tilespmem:s12+$0xFFFFFF80] =	vst v1  }
0x3d4: {  	v1 =	vld [tilespmem:s29+$0x0]  }
0x3d5: {  	v8 =	vld.idx.msk [tilespmem:v8+s18+$0x0], $0xffff  }
0x3d6: {  	v5 =	vld.idx.msk [tilespmem:v5+s18+$0x0], $0xffff;
	[tilespmem:s12+$0xFFFFFF20] =	vst v2  }
0x3d7: {  	[tilespmem:s12+$0xFFFFFF30] =	vst v3;
	v2 =	vld.idx.msk [tilespmem:v7+s18+$0x0], $0xffff  }
0x3d8: {  	v3 =	vld [tilespmem:s29+$0xFFFFFFA0];
	[tilespmem:s12+$0xFFFFFF40] =	vst v4  }
0x3d9: {  	v4 =	vld [tilespmem:s29+$0xFFFFFFB0];
	[tilespmem:s12+$0xFFFFFF50] =	vst v6  }
0x3da: {  	v6 =	vld [tilespmem:s29+$0xFFFFFFC0]  }
0x3db: {  	v7 =	vld [tilespmem:s29+$0xFFFFFFD0];
	[tilespmem:s12+$0xFFFFFF60] =	vst v8  }
0x3dc: {  	[tilespmem:s12+$0xFFFFFF10] =	vst v5;
	v8 =	vld.idx.msk [tilespmem:v1+s18+$0x0], $0xffff  }
0x3dd: {  	v9 =	vld [tilespmem:s29+$0xFFFFFF90];
	[tilespmem:s12+$0xFFFFFF70] =	vst v2  }
0x3de: {  	v10 =	vld [tilespmem:s29+$0xFFFFFFE0]  }
0x3df: {  	v11 =	vld [tilespmem:s29+$0xFFFFFFF0]  }
0x3e0: {  	v12 =	vld.idx.msk [tilespmem:v3+s18+$0x0], $0xffff  }
0x3e1: {  	v5 =	vld.idx.msk [tilespmem:v4+s18+$0x0], $0xffff  }
.Ltmp11:
0x3e2: {  	v1 =	vld.idx.msk [tilespmem:v6+s18+$0x0], $0xffff;
	[tilespmem:s12+$0x0] =	vst v8;
	(pc) =	sbr.rel @p1 .LBB2_20-.Ltmp11, $4  }
0x3e3: {  	v2 =	vld.idx.msk [tilespmem:v7+s18+$0x0], $0xffff  }
0x3e4: {  	v3 =	vld.idx.msk [tilespmem:v0+s18+$0x0], $0xffff;
	v0 =	vmov v11  }
0x3e5: {  	v4 =	vld.idx.msk [tilespmem:v9+s18+$0x0], $0xffff  }
0x3e6: {  	s29 =	sadd.s32 $0x200, s29;
	[tilespmem:s12+$0xFFFFFFA0] =	vst v12;
	v6 =	vld.idx.msk [tilespmem:v10+s18+$0x0], $0xffff  }
0x3e7: {  	[tilespmem:s12+$0xFFFFFFB0] =	vst v5  }
0x3e8: {  	[tilespmem:s12+$0xFFFFFFC0] =	vst v1  }
0x3e9: {  	[tilespmem:s12+$0xFFFFFFD0] =	vst v2  }
0x3ea: {  	[tilespmem:s10+$0xFFFFFFF0] =	vst v3  }
0x3eb: {  	[tilespmem:s12+$0xFFFFFF90] =	vst v4  }
0x3ec: {  	v0 =	vld.idx.msk [tilespmem:v0+s18+$0x0], $0xffff;
	s1 =	sld [smem:$0x7F9];
	_ =	sdelay $0x2  }
0x3ed: {  	s1 =	sadd.s32 s1, s2  }
0x3ee: {  	[tilespmem:s12+$0xFFFFFFE0] =	vst v6;
	s1 =	sshrl.u32 s1, $0x3  }
0x3ef: {  	s10 =	simm.s32 $0x1B700;
	[tilespmem:s12+$0xFFFFFFF0] =	vst v0;
	s1 =	sadd.s32 s23, s1  }
0x3f0: {  	[hbm4b:s1+s8] =	stream.strided.scatter [tilespmem:s10], [sflag:$0x4], $0x200, s4, s8, $0x38;
	[tilespmem:$0x1F900] =	vst v63  }
0x3f1: {  	s3 =	simm.s32 $0x1B900;
	s12 =	sadd.s32 $0x80, s1  }
0x3f2: {  	[hbm4b:s12+s8] =	stream.strided.scatter [tilespmem:s3], [sflag:$0x4], $0x200, s4, s8, $0x38;
	[tilespmem:$0x1F900] =	vst v63  }
0x3f3: {  	s29 =	simm.s32 $0x1BB00;
	s13 =	sadd.s32 $0x100, s1  }
0x3f4: {  	[hbm4b:s13+s8] =	stream.strided.scatter [tilespmem:s29], [sflag:$0x4], $0x200, s4, s8, $0x38;
	[tilespmem:$0x1F900] =	vst v63  }
0x3f5: {  	s5 =	simm.s32 $0x1BD00;
	s3 =	sadd.s32 $0x180, s1  }
0x3f6: {  	[hbm4b:s3+s8] =	stream.strided.scatter [tilespmem:s5], [sflag:$0x4], $0x200, s4, s8, $0x38;
	[tilespmem:$0x1F900] =	vst v63  }
0x3f7: {  	s10 =	sadd.s32 $0x200, s1;
	s12 =	simm.s32 $0x1BF00  }
0x3f8: {  	[hbm4b:s10+s8] =	stream.strided.scatter [tilespmem:s12], [sflag:$0x4], $0x200, s4, s8, $0x38;
	[tilespmem:$0x1F900] =	vst v63  }
0x3f9: {  	p1 =	seq.s32 s0, $0x18;
	s13 =	sadd.s32 $0x280, s1  }
0x3fa: {  	[hbm4b:s13+s8] =	stream.strided.scatter [tilespmem:s7], [sflag:$0x4], $0x200, s4, s8, $0x38;
	[tilespmem:$0x1F900] =	vst v63  }
.Ltmp12:
0x3fb: {  	_ = 	snop;
	(pc) =	sbr.rel @p1 .LBB2_23-.Ltmp12, $4  }
0x3fc: {  	s29 =	sadd.s32 $0x300, s1  }
0x3fd: {  	[hbm4b:s29+s8] =	stream.strided.scatter [tilespmem:s31], [sflag:$0x4], $0x200, s4, s8, $0x38;
	[tilespmem:$0x1F900] =	vst v63  }
0x3fe: {  	s1 =	sadd.s32 $0x380, s1  }
0x3ff: {  	[hbm4b:s1+s8] =	stream.strided.scatter [tilespmem:s24], [sflag:$0x4], $0x200, s4, s8, $0x38;
	[tilespmem:$0x1F900] =	vst v63  }
.Ltmp13:
0x400: {  	s1 =	sshll.u32 s0, $0xD;
	(pc) =	sbr.rel .LBB2_13-.Ltmp13, $4  }
0x401: {  	s1 =	sand.u32 $0x3FFFE000, s1  }
0x402: {  	s1 =	sadd.s32 s1, s26  }
0x403: {  	s2 =	simm.s32 $0x19700;
	s0 =	sadd.s32 $0x1, s0;
	s1 =	sadd.s32 $0x2200, s1  }
0x404: {  	[tilespmem:s2], [sflag:$0x2] =	stream.strided.gather [spmem:s1], $0x1000, s9, s11, $0x38;
	[tilespmem:$0x1F900] =	vst v63  }
.LBB2_23:
0x405: {  	s0 =	simm.s32 $0x3  }
0x406: {  	_ =	swait.ge [sflag:s0], $0x1000  }
0x407: {  	[sflag:s0] =	ssyncset.done $0x0  }
0x408: {  	[sflag:s0] =	ssyncadd.s32 $0xFFFFF000  }
0x409: {  	_ =	swait.ge [sflag:s28], $0x1000  }
0x40a: {  	s13 =	simm.s32 $0x5;
	[sflag:s28] =	ssyncset.done $0x0  }
0x40b: {  	s0 =	simm.s32 $0x0;
	s1 =	rddreg [dreg:$0xc];
	[sflag:s28] =	ssyncadd.s32 $0xFFFFF000  }
0x40c: {  	[tilespmem:s0], [sflag:$0x5] =	stream.strided.gather [hbm4b:s1+s8], $0x18700, s9, s8, $0x38;
	[tilespmem:$0x1F900] =	vst v63  }
0x40d: {  	_ =	swait.ge [sflag:s13], $0x18700  }
0x40e: {  	[sflag:s13] =	ssyncset.done $0x0  }
0x40f: {  	s14 =	simm.s32 $0x18700;
	s29 =	sld [smem:$0x7FD];
	[sflag:s13] =	ssyncadd.s32 $0xFFFE7900  }
0x410: {  	[tilespmem:s14], [sflag:$0x1] =	stream.strided.gather [spmem:s26], $0x1000, s9, s11, $0x38;
	[tilespmem:$0x1F900] =	vst v63  }
0x411: {  	s2 =	simm.s32 $0x19700  }
0x412: {  	[tilespmem:s2], [sflag:$0x2] =	stream.strided.gather [spmem:s29], $0x1000, s9, s11, $0x38;
	[tilespmem:$0x1F900] =	vst v63  }
.LBB2_24:
0x413: {  	_ =	swait.ge [sflag:s30], $0x1000  }
0x414: {  	p1 =	seq.s32 s0, $0x0;
	[sflag:s30] =	ssyncset.done $0x0  }
0x415: {  	s1 =	simm.s32 @!p1 $0x3;
	[sflag:s30] =	ssyncadd.s32 $0xFFFFF000  }
0x416: {  	_ =	swait.ge @!p1 [sflag:s1], $0x1000  }
0x417: {  	[sflag:s1] =	ssyncset.done @!p1 $0x0  }
0x418: {  	s2 =	simm.s32 $0x18800;
	[sflag:s1] =	ssyncadd.s32 @!p1 $0xFFFFF000  }
0x419: {  	v0 =	vld [tilespmem:s2+$0xFFFFFF70]  }
0x41a: {  	v1 =	vld [tilespmem:s2+$0xFFFFFF10]  }
0x41b: {  	v2 =	vld [tilespmem:s2+$0xFFFFFF20]  }
0x41c: {  	v3 =	vld [tilespmem:s2+$0xFFFFFF30]  }
0x41d: {  	v4 =	vld [tilespmem:s2+$0xFFFFFF40]  }
0x41e: {  	v5 =	vld [tilespmem:s2+$0xFFFFFF50]  }
0x41f: {  	v6 =	vld [tilespmem:s2+$0xFFFFFF60]  }
0x420: {  	s29 =	simm.s32 $0x18A00;
	v7 =	vld [tilespmem:s2+$0xFFFFFF00]  }
0x421: {  	v9 =	vld [tilespmem:s29+$0xFFFFFF10]  }
0x422: {  	v10 =	vld [tilespmem:s29+$0xFFFFFF20]  }
0x423: {  	v11 =	vld [tilespmem:s29+$0xFFFFFF30]  }
0x424: {  	v12 =	vld [tilespmem:s29+$0xFFFFFF40]  }
0x425: {  	v13 =	vld [tilespmem:s29+$0xFFFFFF50]  }
0x426: {  	v14 =	vld [tilespmem:s29+$0xFFFFFF60]  }
0x427: {  	v15 =	vld [tilespmem:s29+$0xFFFFFF00]  }
0x428: {  	v0 =	vld.idx.msk [tilespmem:v0+s18+$0x0], $0xffff  }
0x429: {  	v1 =	vld.idx.msk [tilespmem:v1+s18+$0x0], $0xffff  }
0x42a: {  	v2 =	vld.idx.msk [tilespmem:v2+s18+$0x0], $0xffff  }
0x42b: {  	v3 =	vld.idx.msk [tilespmem:v3+s18+$0x0], $0xffff  }
0x42c: {  	v4 =	vld.idx.msk [tilespmem:v4+s18+$0x0], $0xffff  }
0x42d: {  	v5 =	vld.idx.msk [tilespmem:v5+s18+$0x0], $0xffff  }
0x42e: {  	v6 =	vld.idx.msk [tilespmem:v6+s18+$0x0], $0xffff  }
0x42f: {  	v9 =	vld.idx.msk [tilespmem:v9+s18+$0x0], $0xffff  }
0x430: {  	v10 =	vld.idx.msk [tilespmem:v10+s18+$0x0], $0xffff  }
0x431: {  	v11 =	vld.idx.msk [tilespmem:v11+s18+$0x0], $0xffff  }
0x432: {  	v12 =	vld.idx.msk [tilespmem:v12+s18+$0x0], $0xffff  }
0x433: {  	v13 =	vld.idx.msk [tilespmem:v13+s18+$0x0], $0xffff  }
0x434: {  	s10 =	simm.s32 $0x1A800;
	v14 =	vld.idx.msk [tilespmem:v14+s18+$0x0], $0xffff  }
0x435: {  	v49 =	vld.idx.msk [tilespmem:v15+s18+$0x0], $0xffff;
	[tilespmem:s10+$0xFFFFFF70] =	vst v0  }
0x436: {  	[tilespmem:s10+$0xFFFFFF10] =	vst v1;
	v1 =	vld.idx.msk [tilespmem:v7+s18+$0x0], $0xffff  }
0x437: {  	[tilespmem:s10+$0xFFFFFF20] =	vst v2;
	v0 =	vld [tilespmem:s2+$0xFFFFFFF0]  }
0x438: {  	[tilespmem:s10+$0xFFFFFF30] =	vst v3;
	v2 =	vld [tilespmem:s2+$0xFFFFFF90]  }
0x439: {  	[tilespmem:s10+$0xFFFFFF40] =	vst v4;
	v3 =	vld [tilespmem:s2+$0xFFFFFFA0]  }
0x43a: {  	[tilespmem:s10+$0xFFFFFF50] =	vst v5;
	v4 =	vld [tilespmem:s2+$0xFFFFFFB0]  }
0x43b: {  	[tilespmem:s10+$0xFFFFFF60] =	vst v6;
	v6 =	vld [tilespmem:s2+$0xFFFFFFD0]  }
0x43c: {  	s12 =	simm.s32 $0x1AA00;
	v5 =	vld [tilespmem:s2+$0xFFFFFFC0]  }
0x43d: {  	[tilespmem:s12+$0xFFFFFF10] =	vst v9;
	v7 =	vld [tilespmem:s2+$0xFFFFFFE0]  }
0x43e: {  	[tilespmem:s12+$0xFFFFFF20] =	vst v10;
	v50 =	vld [tilespmem:s29+$0xFFFFFF90]  }
0x43f: {  	[tilespmem:s12+$0xFFFFFF30] =	vst v11;
	v51 =	vld [tilespmem:s29+$0xFFFFFFA0]  }
0x440: {  	[tilespmem:s12+$0xFFFFFF40] =	vst v12;
	v52 =	vld [tilespmem:s29+$0xFFFFFFB0]  }
0x441: {  	[tilespmem:s12+$0xFFFFFF50] =	vst v13;
	v53 =	vld [tilespmem:s29+$0xFFFFFFC0]  }
0x442: {  	v54 =	vld [tilespmem:s29+$0xFFFFFFD0]  }
0x443: {  	[tilespmem:s12+$0xFFFFFF60] =	vst v14;
	v6 =	vld.idx.msk [tilespmem:v6+s18+$0x0], $0xffff  }
0x444: {  	[tilespmem:s12+$0xFFFFFF00] =	vst v49;
	v55 =	vld [tilespmem:s29+$0xFFFFFFE0]  }
0x445: {  	v9 =	vld [tilespmem:s29+$0xFFFFFF80];
	[tilespmem:s10+$0xFFFFFF00] =	vst v1  }
0x446: {  	v1 =	vld [tilespmem:s2+$0xFFFFFF80]  }
0x447: {  	v0 =	vld.idx.msk [tilespmem:v0+s18+$0x0], $0xffff  }
0x448: {  	v2 =	vld.idx.msk [tilespmem:v2+s18+$0x0], $0xffff;
	[tilespmem:s10+$0xFFFFFFD0] =	vst v6  }
0x449: {  	v6 =	vld [tilespmem:s2+$0x50]  }
0x44a: {  	v3 =	vld.idx.msk [tilespmem:v3+s18+$0x0], $0xffff  }
0x44b: {  	v4 =	vld.idx.msk [tilespmem:v4+s18+$0x0], $0xffff  }
0x44c: {  	v5 =	vld.idx.msk [tilespmem:v5+s18+$0x0], $0xffff  }
0x44d: {  	v7 =	vld.idx.msk [tilespmem:v7+s18+$0x0], $0xffff  }
0x44e: {  	v10 =	vld.idx.msk [tilespmem:v50+s18+$0x0], $0xffff  }
0x44f: {  	v11 =	vld.idx.msk [tilespmem:v51+s18+$0x0], $0xffff  }
0x450: {  	v12 =	vld.idx.msk [tilespmem:v52+s18+$0x0], $0xffff  }
0x451: {  	v6 =	vld.idx.msk [tilespmem:v6+s18+$0x0], $0xffff  }
0x452: {  	v13 =	vld.idx.msk [tilespmem:v53+s18+$0x0], $0xffff  }
0x453: {  	v14 =	vld.idx.msk [tilespmem:v54+s18+$0x0], $0xffff  }
0x454: {  	v15 =	vld.idx.msk [tilespmem:v55+s18+$0x0], $0xffff  }
0x455: {  	v9 =	vld.idx.msk [tilespmem:v9+s18+$0x0], $0xffff  }
0x456: {  	v1 =	vld.idx.msk [tilespmem:v1+s18+$0x0], $0xffff;
	[tilespmem:s10+$0x50] =	vst v6  }
0x457: {  	[tilespmem:s10+$0xFFFFFFF0] =	vst v0;
	v6 =	vld [tilespmem:s2+$0xD0]  }
0x458: {  	[tilespmem:s10+$0xFFFFFF90] =	vst v2;
	v0 =	vld [tilespmem:s2+$0x70]  }
0x459: {  	[tilespmem:s10+$0xFFFFFFA0] =	vst v3;
	v2 =	vld [tilespmem:s2+$0x10]  }
0x45a: {  	[tilespmem:s10+$0xFFFFFFB0] =	vst v4;
	v3 =	vld [tilespmem:s2+$0x20]  }
0x45b: {  	[tilespmem:s10+$0xFFFFFFC0] =	vst v5;
	v4 =	vld [tilespmem:s2+$0x30]  }
0x45c: {  	[tilespmem:s10+$0xFFFFFFE0] =	vst v7;
	v5 =	vld [tilespmem:s2+$0x40]  }
0x45d: {  	[tilespmem:s12+$0xFFFFFF90] =	vst v10;
	v7 =	vld [tilespmem:s2+$0x60]  }
0x45e: {  	v10 =	vld [tilespmem:s29+$0x10]  }
0x45f: {  	v8 =	vld.idx.msk [tilespmem:v6+s18+$0x0], $0xffff  }
0x460: {  	[tilespmem:s12+$0xFFFFFFA0] =	vst v11;
	v6 =	vld [tilespmem:s29+$0xFFFFFF70]  }
0x461: {  	[tilespmem:s12+$0xFFFFFFB0] =	vst v12;
	v11 =	vld [tilespmem:s29+$0x20]  }
0x462: {  	[tilespmem:s12+$0xFFFFFFC0] =	vst v13;
	v12 =	vld [tilespmem:s29+$0x30]  }
0x463: {  	[tilespmem:s12+$0xFFFFFFD0] =	vst v14;
	v13 =	vld [tilespmem:s29+$0x40]  }
0x464: {  	[tilespmem:s12+$0xFFFFFF80] =	vst v9;
	v14 =	vld [tilespmem:s29+$0x50]  }
0x465: {  	[tilespmem:s12+$0xFFFFFFE0] =	vst v15;
	v9 =	vld [tilespmem:s29+$0x0]  }
0x466: {  	v15 =	vld [tilespmem:s29+$0x60];
	[tilespmem:s10+$0xFFFFFF80] =	vst v1  }
0x467: {  	v1 =	vld [tilespmem:s2+$0x0]  }
0x468: {  	v6 =	vld.idx.msk [tilespmem:v6+s18+$0x0], $0xffff  }
0x469: {  	v0 =	vld.idx.msk [tilespmem:v0+s18+$0x0], $0xffff  }
0x46a: {  	v2 =	vld.idx.msk [tilespmem:v2+s18+$0x0], $0xffff  }
0x46b: {  	v3 =	vld.idx.msk [tilespmem:v3+s18+$0x0], $0xffff  }
0x46c: {  	v4 =	vld.idx.msk [tilespmem:v4+s18+$0x0], $0xffff  }
0x46d: {  	v5 =	vld.idx.msk [tilespmem:v5+s18+$0x0], $0xffff;
	[tilespmem:s12+$0xFFFFFF70] =	vst v6  }
0x46e: {  	v6 =	vld [tilespmem:s29+$0xFFFFFFF0]  }
0x46f: {  	v10 =	vld.idx.msk [tilespmem:v10+s18+$0x0], $0xffff  }
0x470: {  	v11 =	vld.idx.msk [tilespmem:v11+s18+$0x0], $0xffff  }
0x471: {  	v12 =	vld.idx.msk [tilespmem:v12+s18+$0x0], $0xffff  }
0x472: {  	v13 =	vld.idx.msk [tilespmem:v13+s18+$0x0], $0xffff  }
0x473: {  	v14 =	vld.idx.msk [tilespmem:v14+s18+$0x0], $0xffff  }
0x474: {  	v9 =	vld.idx.msk [tilespmem:v9+s18+$0x0], $0xffff  }
0x475: {  	v56 =	vld.idx.msk [tilespmem:v15+s18+$0x0], $0xffff  }
0x476: {  	v6 =	vld.idx.msk [tilespmem:v6+s18+$0x0], $0xffff  }
0x477: {  	[tilespmem:s10+$0x70] =	vst v0;
	v1 =	vld.idx.msk [tilespmem:v1+s18+$0x0], $0xffff  }
0x478: {  	[tilespmem:s10+$0x10] =	vst v2;
	v2 =	vld.idx.msk [tilespmem:v7+s18+$0x0], $0xffff  }
0x479: {  	[tilespmem:s10+$0x20] =	vst v3;
	v0 =	vld [tilespmem:s2+$0xF0]  }
0x47a: {  	[tilespmem:s10+$0x30] =	vst v4;
	v3 =	vld [tilespmem:s2+$0x90]  }
0x47b: {  	v4 =	vld [tilespmem:s2+$0xA0];
	[tilespmem:s12+$0xFFFFFFF0] =	vst v6  }
0x47c: {  	v6 =	vld [tilespmem:s29+$0x70]  }
0x47d: {  	[tilespmem:s10+$0x40] =	vst v5;
	v5 =	vld [tilespmem:s2+$0xB0]  }
0x47e: {  	[tilespmem:s12+$0x10] =	vst v10;
	v7 =	vld [tilespmem:s2+$0xC0]  }
0x47f: {  	[tilespmem:s12+$0x20] =	vst v11;
	v57 =	vld [tilespmem:s29+$0x90]  }
0x480: {  	[tilespmem:s12+$0x30] =	vst v12;
	v58 =	vld [tilespmem:s29+$0xA0]  }
0x481: {  	[tilespmem:s12+$0x40] =	vst v13;
	v59 =	vld [tilespmem:s29+$0xB0]  }
0x482: {  	[tilespmem:s12+$0x0] =	vst v9;
	v60 =	vld [tilespmem:s29+$0xC0]  }
0x483: {  	v62 =	vld [tilespmem:s29+$0x80]  }
0x484: {  	[tilespmem:s12+$0x50] =	vst v14;
	v6 =	vld.idx.msk [tilespmem:v6+s18+$0x0], $0xffff  }
0x485: {  	v63 =	vld [tilespmem:s29+$0xD0];
	[tilespmem:s10+$0x0] =	vst v1  }
0x486: {  	[tilespmem:s10+$0x60] =	vst v2;
	v1 =	vld [tilespmem:s2+$0x80]  }
0x487: {  	v2 =	vld [tilespmem:s2+$0xE0]  }
0x488: {  	v0 =	vld.idx.msk [tilespmem:v0+s18+$0x0], $0xffff  }
0x489: {  	v3 =	vld.idx.msk [tilespmem:v3+s18+$0x0], $0xffff;
	[tilespmem:s12+$0x70] =	vst v6  }
0x48a: {  	v6 =	vld [tilespmem:s29+$0xF0]  }
0x48b: {  	v4 =	vld.idx.msk [tilespmem:v4+s18+$0x0], $0xffff  }
0x48c: {  	v5 =	vld.idx.msk [tilespmem:v5+s18+$0x0], $0xffff  }
0x48d: {  	v7 =	vld.idx.msk [tilespmem:v7+s18+$0x0], $0xffff  }
0x48e: {  	[tilespmem:s12+$0x60] =	vst v56;
	v11 =	vld.idx.msk [tilespmem:v57+s18+$0x0], $0xffff  }
0x48f: {  	v1 =	vld.idx.msk [tilespmem:v1+s18+$0x0], $0xffff;
	[tilespmem:s10+$0xF0] =	vst v0  }
0x490: {  	[tilespmem:s10+$0x90] =	vst v3;
	v0 =	vld [tilespmem:s29+$0xE0]  }
0x491: {  	[tilespmem:s10+$0xA0] =	vst v4;
	v3 =	vld.idx.msk [tilespmem:v59+s18+$0x0], $0xffff  }
0x492: {  	[tilespmem:s10+$0xB0] =	vst v5;
	v61 =	vld.idx.msk [tilespmem:v6+s18+$0x0], $0xffff  }
0x493: {  	[tilespmem:s10+$0xC0] =	vst v7;
	v6 =	vld.idx.msk [tilespmem:v58+s18+$0x0], $0xffff  }
0x494: {  	v4 =	vld.idx.msk [tilespmem:v60+s18+$0x0], $0xffff;
	[tilespmem:s10+$0xD0] =	vst v8  }
0x495: {  	[tilespmem:s12+$0x90] =	vst v11;
	v5 =	vld.idx.msk [tilespmem:v63+s18+$0x0], $0xffff  }
0x496: {  	[tilespmem:s10+$0x80] =	vst v1;
	v1 =	vld.idx.msk [tilespmem:v2+s18+$0x0], $0xffff  }
0x497: {  	s13 =	simm.s32 $0x18C00;
	s2 =	simm.s32 $0x80;
	v2 =	vld.idx.msk [tilespmem:v62+s18+$0x0], $0xffff;
	[tilespmem:s12+$0xF0] =	vst v61  }
.LBB2_25:
0x498: {  	v7 =	vld [tilespmem:s13+$0xFFFFFF70];
	s2 =	sadd.s32 $0x80, s2;
	[tilespmem:s12+$0xA0] =	vst v6  }
0x499: {  	v6 =	vld [tilespmem:s13+$0xFFFFFF10];
	p2 =	slt.u32 s2, $0x380;
	[tilespmem:s12+$0xB0] =	vst v3  }
0x49a: {  	v3 =	vld [tilespmem:s13+$0xFFFFFF20];
	[tilespmem:s12+$0xC0] =	vst v4  }
0x49b: {  	v4 =	vld [tilespmem:s13+$0xFFFFFF30];
	[tilespmem:s10+$0xE0] =	vst v1;
	s10 =	smov.u32 s12  }
0x49c: {  	v1 =	vld [tilespmem:s13+$0xFFFFFF40];
	[tilespmem:s12+$0x80] =	vst v2  }
0x49d: {  	v2 =	vld [tilespmem:s13+$0xFFFFFF50];
	[tilespmem:s12+$0xD0] =	vst v5  }
0x49e: {  	v5 =	vld [tilespmem:s13+$0xFFFFFF60]  }
0x49f: {  	v8 =	vld [tilespmem:s13+$0xFFFFFF00]  }
0x4a0: {  	v7 =	vld.idx.msk [tilespmem:v7+s18+$0x0], $0xffff  }
0x4a1: {  	v6 =	vld.idx.msk [tilespmem:v6+s18+$0x0], $0xffff  }
0x4a2: {  	v3 =	vld.idx.msk [tilespmem:v3+s18+$0x0], $0xffff  }
0x4a3: {  	v4 =	vld.idx.msk [tilespmem:v4+s18+$0x0], $0xffff  }
0x4a4: {  	v1 =	vld.idx.msk [tilespmem:v1+s18+$0x0], $0xffff  }
0x4a5: {  	s12 =	sadd.s32 $0x200, s12;
	v2 =	vld.idx.msk [tilespmem:v2+s18+$0x0], $0xffff  }
0x4a6: {  	v5 =	vld.idx.msk [tilespmem:v5+s18+$0x0], $0xffff;
	[tilespmem:s12+$0xFFFFFF70] =	vst v7  }
0x4a7: {  	[tilespmem:s12+$0xFFFFFF10] =	vst v6;
	v6 =	vld [tilespmem:s13+$0xFFFFFFF0]  }
0x4a8: {  	v7 =	vld.idx.msk [tilespmem:v8+s18+$0x0], $0xffff;
	[tilespmem:s12+$0xFFFFFF20] =	vst v3  }
0x4a9: {  	v3 =	vld [tilespmem:s13+$0xFFFFFF90];
	[tilespmem:s12+$0xFFFFFF30] =	vst v4  }
0x4aa: {  	v4 =	vld [tilespmem:s13+$0xFFFFFFA0];
	[tilespmem:s12+$0xFFFFFF40] =	vst v1  }
0x4ab: {  	v1 =	vld [tilespmem:s13+$0xFFFFFFB0];
	[tilespmem:s12+$0xFFFFFF50] =	vst v2  }
0x4ac: {  	v2 =	vld [tilespmem:s13+$0xFFFFFFC0];
	[tilespmem:s12+$0xFFFFFF60] =	vst v5  }
0x4ad: {  	v5 =	vld [tilespmem:s13+$0xFFFFFFD0]  }
0x4ae: {  	[tilespmem:s12+$0xFFFFFF00] =	vst v7;
	v7 =	vld [tilespmem:s13+$0xFFFFFFE0]  }
0x4af: {  	v6 =	vld.idx.msk [tilespmem:v6+s18+$0x0], $0xffff  }
0x4b0: {  	v8 =	vld [tilespmem:s13+$0xFFFFFF80]  }
0x4b1: {  	v3 =	vld.idx.msk [tilespmem:v3+s18+$0x0], $0xffff  }
0x4b2: {  	v4 =	vld.idx.msk [tilespmem:v4+s18+$0x0], $0xffff  }
0x4b3: {  	v1 =	vld.idx.msk [tilespmem:v1+s18+$0x0], $0xffff  }
0x4b4: {  	v2 =	vld.idx.msk [tilespmem:v2+s18+$0x0], $0xffff  }
0x4b5: {  	v5 =	vld.idx.msk [tilespmem:v5+s18+$0x0], $0xffff;
	[tilespmem:s12+$0xFFFFFFF0] =	vst v6  }
0x4b6: {  	v6 =	vld [tilespmem:s13+$0x70]  }
0x4b7: {  	[tilespmem:s12+$0xFFFFFF90] =	vst v3;
	v3 =	vld.idx.msk [tilespmem:v7+s18+$0x0], $0xffff  }
0x4b8: {  	v7 =	vld.idx.msk [tilespmem:v8+s18+$0x0], $0xffff;
	[tilespmem:s12+$0xFFFFFFA0] =	vst v4  }
0x4b9: {  	v4 =	vld [tilespmem:s13+$0x10];
	[tilespmem:s12+$0xFFFFFFB0] =	vst v1  }
0x4ba: {  	v1 =	vld [tilespmem:s13+$0x20];
	[tilespmem:s12+$0xFFFFFFC0] =	vst v2  }
0x4bb: {  	v2 =	vld [tilespmem:s13+$0x30];
	[tilespmem:s12+$0xFFFFFFD0] =	vst v5  }
0x4bc: {  	v5 =	vld [tilespmem:s13+$0x40]  }
0x4bd: {  	v8 =	vld [tilespmem:s13+$0x50];
	[tilespmem:s12+$0xFFFFFFE0] =	vst v3  }
0x4be: {  	[tilespmem:s12+$0xFFFFFF80] =	vst v7;
	v3 =	vld.idx.msk [tilespmem:v6+s18+$0x0], $0xffff  }
0x4bf: {  	v6 =	vld [tilespmem:s13+$0x0]  }
0x4c0: {  	v7 =	vld [tilespmem:s13+$0x60]  }
0x4c1: {  	v4 =	vld.idx.msk [tilespmem:v4+s18+$0x0], $0xffff  }
0x4c2: {  	v1 =	vld.idx.msk [tilespmem:v1+s18+$0x0], $0xffff  }
0x4c3: {  	v2 =	vld.idx.msk [tilespmem:v2+s18+$0x0], $0xffff  }
0x4c4: {  	v5 =	vld.idx.msk [tilespmem:v5+s18+$0x0], $0xffff;
	[tilespmem:s12+$0x70] =	vst v3  }
0x4c5: {  	v3 =	vld [tilespmem:s13+$0xF0]  }
0x4c6: {  	v8 =	vld.idx.msk [tilespmem:v8+s18+$0x0], $0xffff  }
0x4c7: {  	v6 =	vld.idx.msk [tilespmem:v6+s18+$0x0], $0xffff;
	[tilespmem:s12+$0x10] =	vst v4  }
0x4c8: {  	[tilespmem:s12+$0x20] =	vst v1;
	v1 =	vld.idx.msk [tilespmem:v7+s18+$0x0], $0xffff  }
0x4c9: {  	v4 =	vld [tilespmem:s13+$0x90];
	[tilespmem:s12+$0x30] =	vst v2  }
0x4ca: {  	v2 =	vld [tilespmem:s13+$0xA0];
	[tilespmem:s12+$0x40] =	vst v5  }
0x4cb: {  	v5 =	vld [tilespmem:s13+$0xB0]  }
0x4cc: {  	v7 =	vld [tilespmem:s13+$0xC0];
	[tilespmem:s12+$0x50] =	vst v8  }
0x4cd: {  	[tilespmem:s12+$0x0] =	vst v6;
	v8 =	vld.idx.msk [tilespmem:v3+s18+$0x0], $0xffff  }
0x4ce: {  	v9 =	vld [tilespmem:s13+$0x80];
	[tilespmem:s12+$0x60] =	vst v1  }
0x4cf: {  	v10 =	vld [tilespmem:s13+$0xD0]  }
0x4d0: {  	v11 =	vld [tilespmem:s13+$0xE0]  }
0x4d1: {  	v12 =	vld.idx.msk [tilespmem:v4+s18+$0x0], $0xffff  }
0x4d2: {  	v6 =	vld.idx.msk [tilespmem:v2+s18+$0x0], $0xffff  }
.Ltmp14:
0x4d3: {  	v3 =	vld.idx.msk [tilespmem:v5+s18+$0x0], $0xffff;
	[tilespmem:s12+$0xF0] =	vst v8;
	(pc) =	sbr.rel @p2 .LBB2_25-.Ltmp14, $4  }
0x4d4: {  	v4 =	vld.idx.msk [tilespmem:v7+s18+$0x0], $0xffff  }
0x4d5: {  	v1 =	vld.idx.msk [tilespmem:v0+s18+$0x0], $0xffff;
	v0 =	vmov v11  }
0x4d6: {  	v2 =	vld.idx.msk [tilespmem:v9+s18+$0x0], $0xffff  }
0x4d7: {  	s13 =	sadd.s32 $0x200, s13;
	[tilespmem:s12+$0x90] =	vst v12;
	v5 =	vld.idx.msk [tilespmem:v10+s18+$0x0], $0xffff  }
0x4d8: {  	_ = 	snop  }
0x4d9: {  	[tilespmem:s12+$0xA0] =	vst v6  }
0x4da: {  	[tilespmem:s12+$0xB0] =	vst v3  }
0x4db: {  	[tilespmem:s12+$0xC0] =	vst v4  }
0x4dc: {  	v0 =	vld.idx.msk [tilespmem:v0+s18+$0x0], $0xffff;
	[tilespmem:s10+$0xE0] =	vst v1  }
0x4dd: {  	s2 =	smul.u32 $0x300000, s0;
	[tilespmem:s12+$0x80] =	vst v2  }
0x4de: {  	s1 =	rddreg [dreg:$0xd]  }
0x4df: {  	s1 =	sor.u32 s2, s1  }
0x4e0: {  	[tilespmem:s12+$0xD0] =	vst v5;
	s1 =	sshrl.u32 s1, $0x3  }
0x4e1: {  	[tilespmem:s12+$0xE0] =	vst v0;
	s1 =	sadd.s32 s23, s1  }
0x4e2: {  	[hbm4b:s1+s8] =	stream.strided.scatter [tilespmem:s6], [sflag:$0x3], $0x200, s4, s8, $0x38;
	[tilespmem:$0x1F900] =	vst v63  }
0x4e3: {  	s3 =	sadd.s32 $0x80, s1  }
0x4e4: {  	[hbm4b:s3+s8] =	stream.strided.scatter [tilespmem:s15], [sflag:$0x3], $0x200, s4, s8, $0x38;
	[tilespmem:$0x1F900] =	vst v63  }
0x4e5: {  	s10 =	sadd.s32 $0x100, s1  }
0x4e6: {  	[hbm4b:s10+s8] =	stream.strided.scatter [tilespmem:s16], [sflag:$0x3], $0x200, s4, s8, $0x38;
	[tilespmem:$0x1F900] =	vst v63  }
0x4e7: {  	s12 =	sadd.s32 $0x180, s1  }
0x4e8: {  	[hbm4b:s12+s8] =	stream.strided.scatter [tilespmem:s17], [sflag:$0x3], $0x200, s4, s8, $0x38;
	[tilespmem:$0x1F900] =	vst v63  }
0x4e9: {  	s13 =	sadd.s32 $0x200, s1  }
0x4ea: {  	[hbm4b:s13+s8] =	stream.strided.scatter [tilespmem:s19], [sflag:$0x3], $0x200, s4, s8, $0x38;
	[tilespmem:$0x1F900] =	vst v63  }
0x4eb: {  	p2 =	sne.s32 s0, $0x18;
	s14 =	sadd.s32 $0x280, s1  }
0x4ec: {  	[hbm4b:s14+s8] =	stream.strided.scatter [tilespmem:s20], [sflag:$0x3], $0x200, s4, s8, $0x38;
	[tilespmem:$0x1F900] =	vst v63  }
.Ltmp15:
0x4ed: {  	_ = 	snop;
	(pc) =	sbr.rel @p2 .LBB2_28-.Ltmp15, $4  }
0x4ee: {  	s29 =	sadd.s32 $0x300, s1  }
0x4ef: {  	[hbm4b:s29+s8] =	stream.strided.scatter [tilespmem:s21], [sflag:$0x3], $0x200, s4, s8, $0x38;
	[tilespmem:$0x1F900] =	vst v63  }
0x4f0: {  	s1 =	sadd.s32 $0x380, s1  }
0x4f1: {  	[hbm4b:s1+s8] =	stream.strided.scatter [tilespmem:s22], [sflag:$0x3], $0x200, s4, s8, $0x38;
	[tilespmem:$0x1F900] =	vst v63  }
.Ltmp16:
0x4f2: {  	(pc) =	sbr.rel .LBB2_29-.Ltmp16, $4  }
0x4f3: {  	_ = 	snop  }
0x4f4: {  	_ =	swait.ge [sflag:s25], $0x1000  }
0x4f5: {  	[sflag:s25] =	ssyncset.done $0x0  }
0x4f6: {  	[sflag:s25] =	ssyncadd.s32 $0xFFFFF000  }
.LBB2_28:
0x4f7: {  	s1 =	sshll.u32 s0, $0xD  }
0x4f8: {  	s1 =	sand.u32 $0x3FFFE000, s1  }
0x4f9: {  	s1 =	sadd.s32 s1, s26  }
.Ltmp17:
0x4fa: {  	s3 =	simm.s32 $0x18700;
	s1 =	sadd.s32 $0x2000, s1;
	(pc) =	sbr.rel @p1 .LBB2_30-.Ltmp17, $4  }
0x4fb: {  	[tilespmem:s3], [sflag:$0x1] =	stream.strided.gather [spmem:s1], $0x1000, s9, s11, $0x38;
	[tilespmem:$0x1F900] =	vst v63  }
0x4fc: {  	_ =	swait.ge [sflag:s25], $0x1000  }
0x4fd: {  	[sflag:s25] =	ssyncset.done $0x0  }
0x4fe: {  	[sflag:s25] =	ssyncadd.s32 $0xFFFFF000  }
.LBB2_29:
0x4ff: {  	_ =	swait.ge [sflag:s28], $0x1000  }
0x500: {  	[sflag:s28] =	ssyncset.done $0x0  }
0x501: {  	[sflag:s28] =	ssyncadd.s32 $0xFFFFF000  }
.LBB2_30:
0x502: {  	s12 =	simm.s32 $0x198F0  }
0x503: {  	v0 =	vld [tilespmem:s12+$0xFFFFFE80]  }
0x504: {  	v1 =	vld [tilespmem:s12+$0xFFFFFE20]  }
0x505: {  	v2 =	vld [tilespmem:s12+$0xFFFFFE30]  }
0x506: {  	v3 =	vld [tilespmem:s12+$0xFFFFFE40]  }
0x507: {  	v4 =	vld [tilespmem:s12+$0xFFFFFE50]  }
0x508: {  	v5 =	vld [tilespmem:s12+$0xFFFFFE60]  }
0x509: {  	v6 =	vld [tilespmem:s12+$0xFFFFFE70]  }
0x50a: {  	s13 =	simm.s32 $0x19AF0;
	v7 =	vld [tilespmem:s12+$0xFFFFFE10]  }
0x50b: {  	v10 =	vld [tilespmem:s13+$0xFFFFFE30]  }
0x50c: {  	v11 =	vld [tilespmem:s13+$0xFFFFFE40]  }
0x50d: {  	v12 =	vld [tilespmem:s13+$0xFFFFFE50]  }
0x50e: {  	v13 =	vld [tilespmem:s13+$0xFFFFFE60]  }
0x50f: {  	v14 =	vld [tilespmem:s13+$0xFFFFFE70]  }
0x510: {  	v0 =	vld.idx.msk [tilespmem:v0+s18+$0x0], $0xffff  }
0x511: {  	v1 =	vld.idx.msk [tilespmem:v1+s18+$0x0], $0xffff  }
0x512: {  	v2 =	vld.idx.msk [tilespmem:v2+s18+$0x0], $0xffff  }
0x513: {  	v3 =	vld.idx.msk [tilespmem:v3+s18+$0x0], $0xffff  }
0x514: {  	v4 =	vld.idx.msk [tilespmem:v4+s18+$0x0], $0xffff  }
0x515: {  	v5 =	vld.idx.msk [tilespmem:v5+s18+$0x0], $0xffff  }
0x516: {  	v6 =	vld.idx.msk [tilespmem:v6+s18+$0x0], $0xffff  }
0x517: {  	v10 =	vld.idx.msk [tilespmem:v10+s18+$0x0], $0xffff  }
0x518: {  	v11 =	vld.idx.msk [tilespmem:v11+s18+$0x0], $0xffff  }
0x519: {  	v12 =	vld.idx.msk [tilespmem:v12+s18+$0x0], $0xffff  }
0x51a: {  	s10 =	simm.s32 $0x1B8F0;
	v13 =	vld.idx.msk [tilespmem:v13+s18+$0x0], $0xffff  }
0x51b: {  	v14 =	vld.idx.msk [tilespmem:v14+s18+$0x0], $0xffff;
	[tilespmem:s10+$0xFFFFFE80] =	vst v0  }
0x51c: {  	[tilespmem:s10+$0xFFFFFE20] =	vst v1;
	v1 =	vld.idx.msk [tilespmem:v7+s18+$0x0], $0xffff  }
0x51d: {  	v0 =	vld [tilespmem:s12+$0xFFFFFF00]  }
0x51e: {  	[tilespmem:s10+$0xFFFFFE30] =	vst v2;
	v2 =	vld [tilespmem:s12+$0xFFFFFEA0]  }
0x51f: {  	[tilespmem:s10+$0xFFFFFE40] =	vst v3;
	v3 =	vld [tilespmem:s12+$0xFFFFFEB0]  }
0x520: {  	[tilespmem:s10+$0xFFFFFE50] =	vst v4;
	v4 =	vld [tilespmem:s12+$0xFFFFFEC0]  }
0x521: {  	[tilespmem:s10+$0xFFFFFE60] =	vst v5;
	v5 =	vld [tilespmem:s12+$0xFFFFFED0]  }
0x522: {  	[tilespmem:s10+$0xFFFFFE70] =	vst v6;
	v6 =	vld [tilespmem:s12+$0xFFFFFEE0]  }
0x523: {  	v7 =	vld [tilespmem:s12+$0xFFFFFEF0];
	[tilespmem:s10+$0xFFFFFE10] =	vst v1  }
0x524: {  	v1 =	vld [tilespmem:s12+$0xFFFFFE90]  }
0x525: {  	v0 =	vld.idx.msk [tilespmem:v0+s18+$0x0], $0xffff  }
0x526: {  	v2 =	vld.idx.msk [tilespmem:v2+s18+$0x0], $0xffff  }
0x527: {  	v3 =	vld.idx.msk [tilespmem:v3+s18+$0x0], $0xffff  }
0x528: {  	v4 =	vld.idx.msk [tilespmem:v4+s18+$0x0], $0xffff  }
0x529: {  	v5 =	vld.idx.msk [tilespmem:v5+s18+$0x0], $0xffff  }
0x52a: {  	v6 =	vld.idx.msk [tilespmem:v6+s18+$0x0], $0xffff  }
0x52b: {  	v7 =	vld.idx.msk [tilespmem:v7+s18+$0x0], $0xffff  }
0x52c: {  	[tilespmem:s10+$0xFFFFFF00] =	vst v0;
	v1 =	vld.idx.msk [tilespmem:v1+s18+$0x0], $0xffff  }
0x52d: {  	[tilespmem:s10+$0xFFFFFEA0] =	vst v2;
	v0 =	vld [tilespmem:s12+$0xFFFFFF80]  }
0x52e: {  	[tilespmem:s10+$0xFFFFFEB0] =	vst v3;
	v2 =	vld [tilespmem:s12+$0xFFFFFF20]  }
0x52f: {  	[tilespmem:s10+$0xFFFFFEC0] =	vst v4;
	v3 =	vld [tilespmem:s12+$0xFFFFFF30]  }
0x530: {  	[tilespmem:s10+$0xFFFFFED0] =	vst v5;
	v4 =	vld [tilespmem:s12+$0xFFFFFF40]  }
0x531: {  	[tilespmem:s10+$0xFFFFFEE0] =	vst v6;
	v5 =	vld [tilespmem:s12+$0xFFFFFF50]  }
0x532: {  	v6 =	vld [tilespmem:s12+$0xFFFFFF60];
	[tilespmem:s10+$0xFFFFFE90] =	vst v1  }
0x533: {  	[tilespmem:s10+$0xFFFFFEF0] =	vst v7;
	v1 =	vld [tilespmem:s12+$0xFFFFFF10]  }
0x534: {  	v7 =	vld [tilespmem:s12+$0xFFFFFF70]  }
0x535: {  	v0 =	vld.idx.msk [tilespmem:v0+s18+$0x0], $0xffff  }
0x536: {  	v2 =	vld.idx.msk [tilespmem:v2+s18+$0x0], $0xffff  }
0x537: {  	v3 =	vld.idx.msk [tilespmem:v3+s18+$0x0], $0xffff  }
0x538: {  	v4 =	vld.idx.msk [tilespmem:v4+s18+$0x0], $0xffff  }
0x539: {  	v5 =	vld.idx.msk [tilespmem:v5+s18+$0x0], $0xffff  }
0x53a: {  	v6 =	vld.idx.msk [tilespmem:v6+s18+$0x0], $0xffff  }
0x53b: {  	[tilespmem:s10+$0xFFFFFF80] =	vst v0;
	v1 =	vld.idx.msk [tilespmem:v1+s18+$0x0], $0xffff  }
0x53c: {  	[tilespmem:s10+$0xFFFFFF20] =	vst v2;
	v2 =	vld.idx.msk [tilespmem:v7+s18+$0x0], $0xffff  }
0x53d: {  	[tilespmem:s10+$0xFFFFFF30] =	vst v3;
	v3 =	vld [tilespmem:s12+$0xFFFFFFA0]  }
0x53e: {  	[tilespmem:s10+$0xFFFFFF40] =	vst v4;
	v4 =	vld [tilespmem:s12+$0xFFFFFFB0]  }
0x53f: {  	[tilespmem:s10+$0xFFFFFF50] =	vst v5;
	v5 =	vld [tilespmem:s12+$0xFFFFFFC0]  }
0x540: {  	v0 =	vld [tilespmem:s12+$0x0];
	[tilespmem:s10+$0xFFFFFF10] =	vst v1  }
0x541: {  	v1 =	vld [tilespmem:s12+$0xFFFFFF90]  }
0x542: {  	[tilespmem:s10+$0xFFFFFF60] =	vst v6;
	v7 =	vld [tilespmem:s12+$0xFFFFFFD0]  }
0x543: {  	v6 =	vld [tilespmem:s12+$0xFFFFFFE0];
	[tilespmem:s10+$0xFFFFFF70] =	vst v2  }
0x544: {  	v8 =	vld [tilespmem:s12+$0xFFFFFFF0]  }
0x545: {  	v2 =	vld.idx.msk [tilespmem:v3+s18+$0x0], $0xffff  }
0x546: {  	v3 =	vld.idx.msk [tilespmem:v4+s18+$0x0], $0xffff  }
0x547: {  	v4 =	vld.idx.msk [tilespmem:v5+s18+$0x0], $0xffff  }
0x548: {  	v5 =	vld [tilespmem:s13+$0xFFFFFE20]  }
0x549: {  	v9 =	vld.idx.msk [tilespmem:v1+s18+$0x0], $0xffff  }
0x54a: {  	s12 =	simm.s32 $0x1BAF0;
	v1 =	vld [tilespmem:s13+$0xFFFFFE80]  }
0x54b: {  	v15 =	vld [tilespmem:s13+$0xFFFFFE10];
	[tilespmem:s12+$0xFFFFFE30] =	vst v10  }
0x54c: {  	[tilespmem:s12+$0xFFFFFE40] =	vst v11;
	v52 =	vld [tilespmem:s13+$0xFFFFFEB0]  }
0x54d: {  	[tilespmem:s12+$0xFFFFFE50] =	vst v12;
	v53 =	vld [tilespmem:s13+$0xFFFFFEC0]  }
0x54e: {  	[tilespmem:s12+$0xFFFFFE60] =	vst v13;
	v54 =	vld [tilespmem:s13+$0xFFFFFED0]  }
0x54f: {  	[tilespmem:s12+$0xFFFFFE70] =	vst v14;
	v55 =	vld [tilespmem:s13+$0xFFFFFEE0]  }
0x550: {  	v56 =	vld [tilespmem:s13+$0xFFFFFEF0]  }
0x551: {  	v5 =	vld.idx.msk [tilespmem:v5+s18+$0x0], $0xffff  }
0x552: {  	v1 =	vld.idx.msk [tilespmem:v1+s18+$0x0], $0xffff  }
0x553: {  	v0 =	vld.idx.msk [tilespmem:v0+s18+$0x0], $0xffff  }
0x554: {  	v7 =	vld.idx.msk [tilespmem:v7+s18+$0x0], $0xffff  }
0x555: {  	v6 =	vld.idx.msk [tilespmem:v6+s18+$0x0], $0xffff  }
0x556: {  	[tilespmem:s12+$0xFFFFFE20] =	vst v5;
	v5 =	vld.idx.msk [tilespmem:v15+s18+$0x0], $0xffff  }
0x557: {  	v51 =	vld [tilespmem:s13+$0xFFFFFEA0];
	[tilespmem:s12+$0xFFFFFE80] =	vst v1  }
0x558: {  	v1 =	vld [tilespmem:s13+$0xFFFFFF00]  }
0x559: {  	[tilespmem:s10+$0xFFFFFFB0] =	vst v3;
	v3 =	vld.idx.msk [tilespmem:v8+s18+$0x0], $0xffff  }
0x55a: {  	v11 =	vld.idx.msk [tilespmem:v52+s18+$0x0], $0xffff  }
0x55b: {  	v12 =	vld.idx.msk [tilespmem:v53+s18+$0x0], $0xffff;
	[tilespmem:s12+$0xFFFFFE10] =	vst v5  }
0x55c: {  	v5 =	vld [tilespmem:s13+$0xFFFFFE90]  }
0x55d: {  	v13 =	vld.idx.msk [tilespmem:v54+s18+$0x0], $0xffff  }
0x55e: {  	v14 =	vld.idx.msk [tilespmem:v55+s18+$0x0], $0xffff  }
0x55f: {  	v10 =	vld.idx.msk [tilespmem:v51+s18+$0x0], $0xffff  }
0x560: {  	v1 =	vld.idx.msk [tilespmem:v1+s18+$0x0], $0xffff  }
0x561: {  	[tilespmem:s12+$0xFFFFFEB0] =	vst v11;
	v15 =	vld.idx.msk [tilespmem:v56+s18+$0x0], $0xffff  }
0x562: {  	[tilespmem:s12+$0xFFFFFEC0] =	vst v12;
	v11 =	vld [tilespmem:s13+$0xFFFFFF30]  }
0x563: {  	v12 =	vld [tilespmem:s13+$0xFFFFFF40]  }
0x564: {  	[tilespmem:s12+$0xFFFFFEA0] =	vst v10;
	v5 =	vld.idx.msk [tilespmem:v5+s18+$0x0], $0xffff  }
0x565: {  	v10 =	vld [tilespmem:s13+$0xFFFFFF20];
	[tilespmem:s12+$0xFFFFFF00] =	vst v1  }
0x566: {  	[tilespmem:s12+$0xFFFFFED0] =	vst v13;
	v1 =	vld [tilespmem:s13+$0xFFFFFF80]  }
0x567: {  	[tilespmem:s12+$0xFFFFFEE0] =	vst v14;
	v13 =	vld [tilespmem:s13+$0xFFFFFF50]  }
0x568: {  	v14 =	vld [tilespmem:s13+$0xFFFFFF60];
	[tilespmem:s12+$0xFFFFFEF0] =	vst v15  }
0x569: {  	v15 =	vld [tilespmem:s13+$0xFFFFFF70];
	[tilespmem:s12+$0xFFFFFE90] =	vst v5  }
0x56a: {  	v5 =	vld [tilespmem:s13+$0xFFFFFF10]  }
0x56b: {  	v11 =	vld.idx.msk [tilespmem:v11+s18+$0x0], $0xffff  }
0x56c: {  	v12 =	vld.idx.msk [tilespmem:v12+s18+$0x0], $0xffff  }
0x56d: {  	v10 =	vld.idx.msk [tilespmem:v10+s18+$0x0], $0xffff  }
0x56e: {  	v1 =	vld.idx.msk [tilespmem:v1+s18+$0x0], $0xffff  }
0x56f: {  	v13 =	vld.idx.msk [tilespmem:v13+s18+$0x0], $0xffff  }
0x570: {  	v14 =	vld.idx.msk [tilespmem:v14+s18+$0x0], $0xffff  }
0x571: {  	v57 =	vld.idx.msk [tilespmem:v15+s18+$0x0], $0xffff  }
0x572: {  	v5 =	vld.idx.msk [tilespmem:v5+s18+$0x0], $0xffff;
	[tilespmem:s12+$0xFFFFFF20] =	vst v10  }
0x573: {  	v58 =	vld [tilespmem:s13+$0xFFFFFFA0];
	[tilespmem:s12+$0xFFFFFF80] =	vst v1  }
0x574: {  	[tilespmem:s12+$0xFFFFFF30] =	vst v11;
	v1 =	vld [tilespmem:s13+$0x0]  }
0x575: {  	[tilespmem:s12+$0xFFFFFF40] =	vst v12;
	v59 =	vld [tilespmem:s13+$0xFFFFFFB0]  }
0x576: {  	[tilespmem:s12+$0xFFFFFF50] =	vst v13;
	v60 =	vld [tilespmem:s13+$0xFFFFFFC0]  }
0x577: {  	[tilespmem:s12+$0xFFFFFF60] =	vst v14;
	v61 =	vld [tilespmem:s13+$0xFFFFFFD0]  }
0x578: {  	v63 =	vld [tilespmem:s13+$0xFFFFFFE0];
	[tilespmem:s12+$0xFFFFFF10] =	vst v5  }
0x579: {  	[tilespmem:s12+$0xFFFFFF70] =	vst v57;
	v62 =	vld [tilespmem:s13+$0xFFFFFF90]  }
0x57a: {  	[tilespmem:s10+$0x0] =	vst v0;
	v0 =	vld [tilespmem:s13+$0xFFFFFFF0]  }
0x57b: {  	[tilespmem:s10+$0xFFFFFFA0] =	vst v2;
	v11 =	vld.idx.msk [tilespmem:v58+s18+$0x0], $0xffff  }
0x57c: {  	[tilespmem:s10+$0xFFFFFFC0] =	vst v4;
	v16 =	vld.idx.msk [tilespmem:v1+s18+$0x0], $0xffff  }
0x57d: {  	[tilespmem:s10+$0xFFFFFFD0] =	vst v7;
	v5 =	vld.idx.msk [tilespmem:v59+s18+$0x0], $0xffff  }
0x57e: {  	[tilespmem:s10+$0xFFFFFFE0] =	vst v6;
	v1 =	vld.idx.msk [tilespmem:v60+s18+$0x0], $0xffff  }
0x57f: {  	[tilespmem:s10+$0xFFFFFF90] =	vst v9;
	v2 =	vld.idx.msk [tilespmem:v61+s18+$0x0], $0xffff  }
0x580: {  	v6 =	vld.idx.msk [tilespmem:v63+s18+$0x0], $0xffff;
	[tilespmem:s12+$0xFFFFFFA0] =	vst v11  }
0x581: {  	s29 =	simm.s32 $0x19CF0;
	s13 =	simm.s32 $0x80;
	v4 =	vld.idx.msk [tilespmem:v62+s18+$0x0], $0xffff;
	[tilespmem:s12+$0x0] =	vst v16  }
.LBB2_31:
0x582: {  	v7 =	vld [tilespmem:s29+$0xFFFFFE80];
	s13 =	sadd.s32 $0x80, s13;
	[tilespmem:s12+$0xFFFFFFB0] =	vst v5  }
0x583: {  	v5 =	vld [tilespmem:s29+$0xFFFFFE20];
	p1 =	slt.u32 s13, $0x380;
	[tilespmem:s12+$0xFFFFFFC0] =	vst v1  }
0x584: {  	v1 =	vld [tilespmem:s29+$0xFFFFFE30];
	[tilespmem:s12+$0xFFFFFFD0] =	vst v2  }
0x585: {  	v2 =	vld [tilespmem:s29+$0xFFFFFE40];
	[tilespmem:s10+$0xFFFFFFF0] =	vst v3;
	s10 =	smov.u32 s12  }
0x586: {  	v3 =	vld [tilespmem:s29+$0xFFFFFE50];
	[tilespmem:s12+$0xFFFFFF90] =	vst v4  }
0x587: {  	v4 =	vld [tilespmem:s29+$0xFFFFFE60];
	[tilespmem:s12+$0xFFFFFFE0] =	vst v6  }
0x588: {  	v6 =	vld [tilespmem:s29+$0xFFFFFE70]  }
0x589: {  	v8 =	vld [tilespmem:s29+$0xFFFFFE10]  }
0x58a: {  	v7 =	vld.idx.msk [tilespmem:v7+s18+$0x0], $0xffff  }
0x58b: {  	v5 =	vld.idx.msk [tilespmem:v5+s18+$0x0], $0xffff  }
0x58c: {  	v1 =	vld.idx.msk [tilespmem:v1+s18+$0x0], $0xffff  }
0x58d: {  	v2 =	vld.idx.msk [tilespmem:v2+s18+$0x0], $0xffff  }
0x58e: {  	v3 =	vld.idx.msk [tilespmem:v3+s18+$0x0], $0xffff  }
0x58f: {  	s12 =	sadd.s32 $0x200, s12;
	v4 =	vld.idx.msk [tilespmem:v4+s18+$0x0], $0xffff  }
0x590: {  	v6 =	vld.idx.msk [tilespmem:v6+s18+$0x0], $0xffff;
	[tilespmem:s12+$0xFFFFFE80] =	vst v7  }
0x591: {  	[tilespmem:s12+$0xFFFFFE20] =	vst v5;
	v5 =	vld [tilespmem:s29+$0xFFFFFF00]  }
0x592: {  	v7 =	vld.idx.msk [tilespmem:v8+s18+$0x0], $0xffff;
	[tilespmem:s12+$0xFFFFFE30] =	vst v1  }
0x593: {  	v1 =	vld [tilespmem:s29+$0xFFFFFEA0];
	[tilespmem:s12+$0xFFFFFE40] =	vst v2  }
0x594: {  	v2 =	vld [tilespmem:s29+$0xFFFFFEB0];
	[tilespmem:s12+$0xFFFFFE50] =	vst v3  }
0x595: {  	v3 =	vld [tilespmem:s29+$0xFFFFFEC0];
	[tilespmem:s12+$0xFFFFFE60] =	vst v4  }
0x596: {  	v4 =	vld [tilespmem:s29+$0xFFFFFED0];
	[tilespmem:s12+$0xFFFFFE70] =	vst v6  }
0x597: {  	v6 =	vld [tilespmem:s29+$0xFFFFFEE0]  }
0x598: {  	[tilespmem:s12+$0xFFFFFE10] =	vst v7;
	v7 =	vld [tilespmem:s29+$0xFFFFFEF0]  }
0x599: {  	v5 =	vld.idx.msk [tilespmem:v5+s18+$0x0], $0xffff  }
0x59a: {  	v8 =	vld [tilespmem:s29+$0xFFFFFE90]  }
0x59b: {  	v1 =	vld.idx.msk [tilespmem:v1+s18+$0x0], $0xffff  }
0x59c: {  	v2 =	vld.idx.msk [tilespmem:v2+s18+$0x0], $0xffff  }
0x59d: {  	v3 =	vld.idx.msk [tilespmem:v3+s18+$0x0], $0xffff  }
0x59e: {  	v4 =	vld.idx.msk [tilespmem:v4+s18+$0x0], $0xffff  }
0x59f: {  	v6 =	vld.idx.msk [tilespmem:v6+s18+$0x0], $0xffff;
	[tilespmem:s12+$0xFFFFFF00] =	vst v5  }
0x5a0: {  	v5 =	vld [tilespmem:s29+$0xFFFFFF80]  }
0x5a1: {  	[tilespmem:s12+$0xFFFFFEA0] =	vst v1;
	v1 =	vld.idx.msk [tilespmem:v7+s18+$0x0], $0xffff  }
0x5a2: {  	v7 =	vld.idx.msk [tilespmem:v8+s18+$0x0], $0xffff;
	[tilespmem:s12+$0xFFFFFEB0] =	vst v2  }
0x5a3: {  	v2 =	vld [tilespmem:s29+$0xFFFFFF20];
	[tilespmem:s12+$0xFFFFFEC0] =	vst v3  }
0x5a4: {  	v3 =	vld [tilespmem:s29+$0xFFFFFF30];
	[tilespmem:s12+$0xFFFFFED0] =	vst v4  }
0x5a5: {  	v4 =	vld [tilespmem:s29+$0xFFFFFF40];
	[tilespmem:s12+$0xFFFFFEE0] =	vst v6  }
0x5a6: {  	v6 =	vld [tilespmem:s29+$0xFFFFFF50]  }
0x5a7: {  	v8 =	vld [tilespmem:s29+$0xFFFFFF60];
	[tilespmem:s12+$0xFFFFFEF0] =	vst v1  }
0x5a8: {  	[tilespmem:s12+$0xFFFFFE90] =	vst v7;
	v1 =	vld.idx.msk [tilespmem:v5+s18+$0x0], $0xffff  }
0x5a9: {  	v5 =	vld [tilespmem:s29+$0xFFFFFF10]  }
0x5aa: {  	v7 =	vld [tilespmem:s29+$0xFFFFFF70]  }
0x5ab: {  	v2 =	vld.idx.msk [tilespmem:v2+s18+$0x0], $0xffff  }
0x5ac: {  	v3 =	vld.idx.msk [tilespmem:v3+s18+$0x0], $0xffff  }
0x5ad: {  	v4 =	vld.idx.msk [tilespmem:v4+s18+$0x0], $0xffff  }
0x5ae: {  	v6 =	vld.idx.msk [tilespmem:v6+s18+$0x0], $0xffff;
	[tilespmem:s12+$0xFFFFFF80] =	vst v1  }
0x5af: {  	v1 =	vld [tilespmem:s29+$0x0]  }
0x5b0: {  	v8 =	vld.idx.msk [tilespmem:v8+s18+$0x0], $0xffff  }
0x5b1: {  	v5 =	vld.idx.msk [tilespmem:v5+s18+$0x0], $0xffff;
	[tilespmem:s12+$0xFFFFFF20] =	vst v2  }
0x5b2: {  	[tilespmem:s12+$0xFFFFFF30] =	vst v3;
	v2 =	vld.idx.msk [tilespmem:v7+s18+$0x0], $0xffff  }
0x5b3: {  	v3 =	vld [tilespmem:s29+$0xFFFFFFA0];
	[tilespmem:s12+$0xFFFFFF40] =	vst v4  }
0x5b4: {  	v4 =	vld [tilespmem:s29+$0xFFFFFFB0];
	[tilespmem:s12+$0xFFFFFF50] =	vst v6  }
0x5b5: {  	v6 =	vld [tilespmem:s29+$0xFFFFFFC0]  }
0x5b6: {  	v7 =	vld [tilespmem:s29+$0xFFFFFFD0];
	[tilespmem:s12+$0xFFFFFF60] =	vst v8  }
0x5b7: {  	[tilespmem:s12+$0xFFFFFF10] =	vst v5;
	v8 =	vld.idx.msk [tilespmem:v1+s18+$0x0], $0xffff  }
0x5b8: {  	v9 =	vld [tilespmem:s29+$0xFFFFFF90];
	[tilespmem:s12+$0xFFFFFF70] =	vst v2  }
0x5b9: {  	v10 =	vld [tilespmem:s29+$0xFFFFFFE0]  }
0x5ba: {  	v11 =	vld [tilespmem:s29+$0xFFFFFFF0]  }
0x5bb: {  	v12 =	vld.idx.msk [tilespmem:v3+s18+$0x0], $0xffff  }
0x5bc: {  	v5 =	vld.idx.msk [tilespmem:v4+s18+$0x0], $0xffff  }
.Ltmp18:
0x5bd: {  	v1 =	vld.idx.msk [tilespmem:v6+s18+$0x0], $0xffff;
	[tilespmem:s12+$0x0] =	vst v8;
	(pc) =	sbr.rel @p1 .LBB2_31-.Ltmp18, $4  }
0x5be: {  	v2 =	vld.idx.msk [tilespmem:v7+s18+$0x0], $0xffff  }
0x5bf: {  	v3 =	vld.idx.msk [tilespmem:v0+s18+$0x0], $0xffff;
	v0 =	vmov v11  }
0x5c0: {  	v4 =	vld.idx.msk [tilespmem:v9+s18+$0x0], $0xffff  }
0x5c1: {  	s29 =	sadd.s32 $0x200, s29;
	[tilespmem:s12+$0xFFFFFFA0] =	vst v12;
	v6 =	vld.idx.msk [tilespmem:v10+s18+$0x0], $0xffff  }
0x5c2: {  	[tilespmem:s12+$0xFFFFFFB0] =	vst v5  }
0x5c3: {  	[tilespmem:s12+$0xFFFFFFC0] =	vst v1  }
0x5c4: {  	[tilespmem:s12+$0xFFFFFFD0] =	vst v2  }
0x5c5: {  	[tilespmem:s10+$0xFFFFFFF0] =	vst v3  }
0x5c6: {  	[tilespmem:s12+$0xFFFFFF90] =	vst v4  }
0x5c7: {  	v0 =	vld.idx.msk [tilespmem:v0+s18+$0x0], $0xffff;
	s1 =	sld [smem:$0x7FA];
	_ =	sdelay $0x2  }
0x5c8: {  	s1 =	sadd.s32 s1, s2  }
0x5c9: {  	[tilespmem:s12+$0xFFFFFFE0] =	vst v6;
	s1 =	sshrl.u32 s1, $0x3  }
0x5ca: {  	[tilespmem:s12+$0xFFFFFFF0] =	vst v0;
	s12 =	simm.s32 $0x1B700;
	s1 =	sadd.s32 s23, s1  }
0x5cb: {  	[hbm4b:s1+s8] =	stream.strided.scatter [tilespmem:s12], [sflag:$0x4], $0x200, s4, s8, $0x38;
	[tilespmem:$0x1F900] =	vst v63  }
0x5cc: {  	s3 =	simm.s32 $0x1B900;
	s13 =	sadd.s32 $0x80, s1  }
0x5cd: {  	[hbm4b:s13+s8] =	stream.strided.scatter [tilespmem:s3], [sflag:$0x4], $0x200, s4, s8, $0x38;
	[tilespmem:$0x1F900] =	vst v63  }
0x5ce: {  	s29 =	simm.s32 $0x1BB00;
	s14 =	sadd.s32 $0x100, s1  }
0x5cf: {  	[hbm4b:s14+s8] =	stream.strided.scatter [tilespmem:s29], [sflag:$0x4], $0x200, s4, s8, $0x38;
	[tilespmem:$0x1F900] =	vst v63  }
0x5d0: {  	s10 =	simm.s32 $0x1BD00;
	s5 =	sadd.s32 $0x180, s1  }
0x5d1: {  	[hbm4b:s5+s8] =	stream.strided.scatter [tilespmem:s10], [sflag:$0x4], $0x200, s4, s8, $0x38;
	[tilespmem:$0x1F900] =	vst v63  }
0x5d2: {  	s12 =	sadd.s32 $0x200, s1;
	s13 =	simm.s32 $0x1BF00  }
0x5d3: {  	[hbm4b:s12+s8] =	stream.strided.scatter [tilespmem:s13], [sflag:$0x4], $0x200, s4, s8, $0x38;
	[tilespmem:$0x1F900] =	vst v63  }
0x5d4: {  	p1 =	seq.s32 s0, $0x18;
	s14 =	sadd.s32 $0x280, s1  }
0x5d5: {  	[hbm4b:s14+s8] =	stream.strided.scatter [tilespmem:s7], [sflag:$0x4], $0x200, s4, s8, $0x38;
	[tilespmem:$0x1F900] =	vst v63  }
.Ltmp19:
0x5d6: {  	_ = 	snop;
	(pc) =	sbr.rel @p1 .LBB2_34-.Ltmp19, $4  }
0x5d7: {  	s29 =	sadd.s32 $0x300, s1  }
0x5d8: {  	[hbm4b:s29+s8] =	stream.strided.scatter [tilespmem:s31], [sflag:$0x4], $0x200, s4, s8, $0x38;
	[tilespmem:$0x1F900] =	vst v63  }
0x5d9: {  	s1 =	sadd.s32 $0x380, s1  }
0x5da: {  	[hbm4b:s1+s8] =	stream.strided.scatter [tilespmem:s24], [sflag:$0x4], $0x200, s4, s8, $0x38;
	[tilespmem:$0x1F900] =	vst v63  }
.Ltmp20:
0x5db: {  	s1 =	sshll.u32 s0, $0xD;
	(pc) =	sbr.rel .LBB2_24-.Ltmp20, $4  }
0x5dc: {  	s1 =	sand.u32 $0x3FFFE000, s1  }
0x5dd: {  	s1 =	sadd.s32 s1, s26  }
0x5de: {  	s2 =	simm.s32 $0x19700;
	s0 =	sadd.s32 $0x1, s0;
	s1 =	sadd.s32 $0x2200, s1  }
0x5df: {  	[tilespmem:s2], [sflag:$0x2] =	stream.strided.gather [spmem:s1], $0x1000, s9, s11, $0x38;
	[tilespmem:$0x1F900] =	vst v63  }
.LBB2_34:
0x5e0: {  	s0 =	simm.s32 $0x3  }
0x5e1: {  	_ =	swait.ge [sflag:s0], $0x1000  }
0x5e2: {  	[sflag:s0] =	ssyncset.done $0x0  }
0x5e3: {  	[sflag:s0] =	ssyncadd.s32 $0xFFFFF000  }
0x5e4: {  	_ =	swait.ge [sflag:s28], $0x1000  }
0x5e5: {  	s13 =	simm.s32 $0x5;
	[sflag:s28] =	ssyncset.done $0x0  }
0x5e6: {  	s0 =	simm.s32 $0x0;
	s1 =	rddreg [dreg:$0xe];
	[sflag:s28] =	ssyncadd.s32 $0xFFFFF000  }
0x5e7: {  	[tilespmem:s0], [sflag:$0x5] =	stream.strided.gather [hbm4b:s1+s8], $0x18700, s9, s8, $0x38;
	[tilespmem:$0x1F900] =	vst v63  }
0x5e8: {  	_ =	swait.ge [sflag:s13], $0x18700  }
0x5e9: {  	[sflag:s13] =	ssyncset.done $0x0  }
0x5ea: {  	s14 =	simm.s32 $0x18700;
	s29 =	sld [smem:$0x7FD];
	[sflag:s13] =	ssyncadd.s32 $0xFFFE7900  }
0x5eb: {  	[tilespmem:s14], [sflag:$0x1] =	stream.strided.gather [spmem:s26], $0x1000, s9, s11, $0x38;
	[tilespmem:$0x1F900] =	vst v63  }
0x5ec: {  	s2 =	simm.s32 $0x19700  }
0x5ed: {  	[tilespmem:s2], [sflag:$0x2] =	stream.strided.gather [spmem:s29], $0x1000, s9, s11, $0x38;
	[tilespmem:$0x1F900] =	vst v63  }
.LBB2_35:
0x5ee: {  	_ =	swait.ge [sflag:s30], $0x1000  }
0x5ef: {  	p1 =	seq.s32 s0, $0x0;
	[sflag:s30] =	ssyncset.done $0x0  }
0x5f0: {  	s1 =	simm.s32 @!p1 $0x3;
	[sflag:s30] =	ssyncadd.s32 $0xFFFFF000  }
0x5f1: {  	_ =	swait.ge @!p1 [sflag:s1], $0x1000  }
0x5f2: {  	[sflag:s1] =	ssyncset.done @!p1 $0x0  }
0x5f3: {  	s2 =	simm.s32 $0x18800;
	[sflag:s1] =	ssyncadd.s32 @!p1 $0xFFFFF000  }
0x5f4: {  	v0 =	vld [tilespmem:s2+$0xFFFFFF70]  }
0x5f5: {  	v1 =	vld [tilespmem:s2+$0xFFFFFF10]  }
0x5f6: {  	v2 =	vld [tilespmem:s2+$0xFFFFFF20]  }
0x5f7: {  	v3 =	vld [tilespmem:s2+$0xFFFFFF30]  }
0x5f8: {  	v4 =	vld [tilespmem:s2+$0xFFFFFF40]  }
0x5f9: {  	v5 =	vld [tilespmem:s2+$0xFFFFFF50]  }
0x5fa: {  	v6 =	vld [tilespmem:s2+$0xFFFFFF60]  }
0x5fb: {  	s29 =	simm.s32 $0x18A00;
	v7 =	vld [tilespmem:s2+$0xFFFFFF00]  }
0x5fc: {  	v9 =	vld [tilespmem:s29+$0xFFFFFF10]  }
0x5fd: {  	v10 =	vld [tilespmem:s29+$0xFFFFFF20]  }
0x5fe: {  	v11 =	vld [tilespmem:s29+$0xFFFFFF30]  }
0x5ff: {  	v12 =	vld [tilespmem:s29+$0xFFFFFF40]  }
0x600: {  	v13 =	vld [tilespmem:s29+$0xFFFFFF50]  }
0x601: {  	v14 =	vld [tilespmem:s29+$0xFFFFFF60]  }
0x602: {  	v15 =	vld [tilespmem:s29+$0xFFFFFF00]  }
0x603: {  	v0 =	vld.idx.msk [tilespmem:v0+s18+$0x0], $0xffff  }
0x604: {  	v1 =	vld.idx.msk [tilespmem:v1+s18+$0x0], $0xffff  }
0x605: {  	v2 =	vld.idx.msk [tilespmem:v2+s18+$0x0], $0xffff  }
0x606: {  	v3 =	vld.idx.msk [tilespmem:v3+s18+$0x0], $0xffff  }
0x607: {  	v4 =	vld.idx.msk [tilespmem:v4+s18+$0x0], $0xffff  }
0x608: {  	v5 =	vld.idx.msk [tilespmem:v5+s18+$0x0], $0xffff  }
0x609: {  	v6 =	vld.idx.msk [tilespmem:v6+s18+$0x0], $0xffff  }
0x60a: {  	v9 =	vld.idx.msk [tilespmem:v9+s18+$0x0], $0xffff  }
0x60b: {  	v10 =	vld.idx.msk [tilespmem:v10+s18+$0x0], $0xffff  }
0x60c: {  	v11 =	vld.idx.msk [tilespmem:v11+s18+$0x0], $0xffff  }
0x60d: {  	v12 =	vld.idx.msk [tilespmem:v12+s18+$0x0], $0xffff  }
0x60e: {  	v13 =	vld.idx.msk [tilespmem:v13+s18+$0x0], $0xffff  }
0x60f: {  	s10 =	simm.s32 $0x1A800;
	v14 =	vld.idx.msk [tilespmem:v14+s18+$0x0], $0xffff  }
0x610: {  	v49 =	vld.idx.msk [tilespmem:v15+s18+$0x0], $0xffff;
	[tilespmem:s10+$0xFFFFFF70] =	vst v0  }
0x611: {  	[tilespmem:s10+$0xFFFFFF10] =	vst v1;
	v1 =	vld.idx.msk [tilespmem:v7+s18+$0x0], $0xffff  }
0x612: {  	[tilespmem:s10+$0xFFFFFF20] =	vst v2;
	v0 =	vld [tilespmem:s2+$0xFFFFFFF0]  }
0x613: {  	[tilespmem:s10+$0xFFFFFF30] =	vst v3;
	v2 =	vld [tilespmem:s2+$0xFFFFFF90]  }
0x614: {  	[tilespmem:s10+$0xFFFFFF40] =	vst v4;
	v3 =	vld [tilespmem:s2+$0xFFFFFFA0]  }
0x615: {  	[tilespmem:s10+$0xFFFFFF50] =	vst v5;
	v4 =	vld [tilespmem:s2+$0xFFFFFFB0]  }
0x616: {  	[tilespmem:s10+$0xFFFFFF60] =	vst v6;
	v6 =	vld [tilespmem:s2+$0xFFFFFFD0]  }
0x617: {  	s12 =	simm.s32 $0x1AA00;
	v5 =	vld [tilespmem:s2+$0xFFFFFFC0]  }
0x618: {  	[tilespmem:s12+$0xFFFFFF10] =	vst v9;
	v7 =	vld [tilespmem:s2+$0xFFFFFFE0]  }
0x619: {  	[tilespmem:s12+$0xFFFFFF20] =	vst v10;
	v50 =	vld [tilespmem:s29+$0xFFFFFF90]  }
0x61a: {  	[tilespmem:s12+$0xFFFFFF30] =	vst v11;
	v51 =	vld [tilespmem:s29+$0xFFFFFFA0]  }
0x61b: {  	[tilespmem:s12+$0xFFFFFF40] =	vst v12;
	v52 =	vld [tilespmem:s29+$0xFFFFFFB0]  }
0x61c: {  	[tilespmem:s12+$0xFFFFFF50] =	vst v13;
	v53 =	vld [tilespmem:s29+$0xFFFFFFC0]  }
0x61d: {  	v54 =	vld [tilespmem:s29+$0xFFFFFFD0]  }
0x61e: {  	[tilespmem:s12+$0xFFFFFF60] =	vst v14;
	v6 =	vld.idx.msk [tilespmem:v6+s18+$0x0], $0xffff  }
0x61f: {  	[tilespmem:s12+$0xFFFFFF00] =	vst v49;
	v55 =	vld [tilespmem:s29+$0xFFFFFFE0]  }
0x620: {  	v9 =	vld [tilespmem:s29+$0xFFFFFF80];
	[tilespmem:s10+$0xFFFFFF00] =	vst v1  }
0x621: {  	v1 =	vld [tilespmem:s2+$0xFFFFFF80]  }
0x622: {  	v0 =	vld.idx.msk [tilespmem:v0+s18+$0x0], $0xffff  }
0x623: {  	v2 =	vld.idx.msk [tilespmem:v2+s18+$0x0], $0xffff;
	[tilespmem:s10+$0xFFFFFFD0] =	vst v6  }
0x624: {  	v6 =	vld [tilespmem:s2+$0x50]  }
0x625: {  	v3 =	vld.idx.msk [tilespmem:v3+s18+$0x0], $0xffff  }
0x626: {  	v4 =	vld.idx.msk [tilespmem:v4+s18+$0x0], $0xffff  }
0x627: {  	v5 =	vld.idx.msk [tilespmem:v5+s18+$0x0], $0xffff  }
0x628: {  	v7 =	vld.idx.msk [tilespmem:v7+s18+$0x0], $0xffff  }
0x629: {  	v10 =	vld.idx.msk [tilespmem:v50+s18+$0x0], $0xffff  }
0x62a: {  	v11 =	vld.idx.msk [tilespmem:v51+s18+$0x0], $0xffff  }
0x62b: {  	v12 =	vld.idx.msk [tilespmem:v52+s18+$0x0], $0xffff  }
0x62c: {  	v6 =	vld.idx.msk [tilespmem:v6+s18+$0x0], $0xffff  }
0x62d: {  	v13 =	vld.idx.msk [tilespmem:v53+s18+$0x0], $0xffff  }
0x62e: {  	v14 =	vld.idx.msk [tilespmem:v54+s18+$0x0], $0xffff  }
0x62f: {  	v15 =	vld.idx.msk [tilespmem:v55+s18+$0x0], $0xffff  }
0x630: {  	v9 =	vld.idx.msk [tilespmem:v9+s18+$0x0], $0xffff  }
0x631: {  	v1 =	vld.idx.msk [tilespmem:v1+s18+$0x0], $0xffff;
	[tilespmem:s10+$0x50] =	vst v6  }
0x632: {  	[tilespmem:s10+$0xFFFFFFF0] =	vst v0;
	v6 =	vld [tilespmem:s2+$0xD0]  }
0x633: {  	[tilespmem:s10+$0xFFFFFF90] =	vst v2;
	v0 =	vld [tilespmem:s2+$0x70]  }
0x634: {  	[tilespmem:s10+$0xFFFFFFA0] =	vst v3;
	v2 =	vld [tilespmem:s2+$0x10]  }
0x635: {  	[tilespmem:s10+$0xFFFFFFB0] =	vst v4;
	v3 =	vld [tilespmem:s2+$0x20]  }
0x636: {  	[tilespmem:s10+$0xFFFFFFC0] =	vst v5;
	v4 =	vld [tilespmem:s2+$0x30]  }
0x637: {  	[tilespmem:s10+$0xFFFFFFE0] =	vst v7;
	v5 =	vld [tilespmem:s2+$0x40]  }
0x638: {  	[tilespmem:s12+$0xFFFFFF90] =	vst v10;
	v7 =	vld [tilespmem:s2+$0x60]  }
0x639: {  	v10 =	vld [tilespmem:s29+$0x10]  }
0x63a: {  	v8 =	vld.idx.msk [tilespmem:v6+s18+$0x0], $0xffff  }
0x63b: {  	[tilespmem:s12+$0xFFFFFFA0] =	vst v11;
	v6 =	vld [tilespmem:s29+$0xFFFFFF70]  }
0x63c: {  	[tilespmem:s12+$0xFFFFFFB0] =	vst v12;
	v11 =	vld [tilespmem:s29+$0x20]  }
0x63d: {  	[tilespmem:s12+$0xFFFFFFC0] =	vst v13;
	v12 =	vld [tilespmem:s29+$0x30]  }
0x63e: {  	[tilespmem:s12+$0xFFFFFFD0] =	vst v14;
	v13 =	vld [tilespmem:s29+$0x40]  }
0x63f: {  	[tilespmem:s12+$0xFFFFFF80] =	vst v9;
	v14 =	vld [tilespmem:s29+$0x50]  }
0x640: {  	[tilespmem:s12+$0xFFFFFFE0] =	vst v15;
	v9 =	vld [tilespmem:s29+$0x0]  }
0x641: {  	v15 =	vld [tilespmem:s29+$0x60];
	[tilespmem:s10+$0xFFFFFF80] =	vst v1  }
0x642: {  	v1 =	vld [tilespmem:s2+$0x0]  }
0x643: {  	v6 =	vld.idx.msk [tilespmem:v6+s18+$0x0], $0xffff  }
0x644: {  	v0 =	vld.idx.msk [tilespmem:v0+s18+$0x0], $0xffff  }
0x645: {  	v2 =	vld.idx.msk [tilespmem:v2+s18+$0x0], $0xffff  }
0x646: {  	v3 =	vld.idx.msk [tilespmem:v3+s18+$0x0], $0xffff  }
0x647: {  	v4 =	vld.idx.msk [tilespmem:v4+s18+$0x0], $0xffff  }
0x648: {  	v5 =	vld.idx.msk [tilespmem:v5+s18+$0x0], $0xffff;
	[tilespmem:s12+$0xFFFFFF70] =	vst v6  }
0x649: {  	v6 =	vld [tilespmem:s29+$0xFFFFFFF0]  }
0x64a: {  	v10 =	vld.idx.msk [tilespmem:v10+s18+$0x0], $0xffff  }
0x64b: {  	v11 =	vld.idx.msk [tilespmem:v11+s18+$0x0], $0xffff  }
0x64c: {  	v12 =	vld.idx.msk [tilespmem:v12+s18+$0x0], $0xffff  }
0x64d: {  	v13 =	vld.idx.msk [tilespmem:v13+s18+$0x0], $0xffff  }
0x64e: {  	v14 =	vld.idx.msk [tilespmem:v14+s18+$0x0], $0xffff  }
0x64f: {  	v9 =	vld.idx.msk [tilespmem:v9+s18+$0x0], $0xffff  }
0x650: {  	v56 =	vld.idx.msk [tilespmem:v15+s18+$0x0], $0xffff  }
0x651: {  	v6 =	vld.idx.msk [tilespmem:v6+s18+$0x0], $0xffff  }
0x652: {  	[tilespmem:s10+$0x70] =	vst v0;
	v1 =	vld.idx.msk [tilespmem:v1+s18+$0x0], $0xffff  }
0x653: {  	[tilespmem:s10+$0x10] =	vst v2;
	v2 =	vld.idx.msk [tilespmem:v7+s18+$0x0], $0xffff  }
0x654: {  	[tilespmem:s10+$0x20] =	vst v3;
	v0 =	vld [tilespmem:s2+$0xF0]  }
0x655: {  	[tilespmem:s10+$0x30] =	vst v4;
	v3 =	vld [tilespmem:s2+$0x90]  }
0x656: {  	v4 =	vld [tilespmem:s2+$0xA0];
	[tilespmem:s12+$0xFFFFFFF0] =	vst v6  }
0x657: {  	v6 =	vld [tilespmem:s29+$0x70]  }
0x658: {  	[tilespmem:s10+$0x40] =	vst v5;
	v5 =	vld [tilespmem:s2+$0xB0]  }
0x659: {  	[tilespmem:s12+$0x10] =	vst v10;
	v7 =	vld [tilespmem:s2+$0xC0]  }
0x65a: {  	[tilespmem:s12+$0x20] =	vst v11;
	v57 =	vld [tilespmem:s29+$0x90]  }
0x65b: {  	[tilespmem:s12+$0x30] =	vst v12;
	v58 =	vld [tilespmem:s29+$0xA0]  }
0x65c: {  	[tilespmem:s12+$0x40] =	vst v13;
	v59 =	vld [tilespmem:s29+$0xB0]  }
0x65d: {  	[tilespmem:s12+$0x0] =	vst v9;
	v60 =	vld [tilespmem:s29+$0xC0]  }
0x65e: {  	v62 =	vld [tilespmem:s29+$0x80]  }
0x65f: {  	[tilespmem:s12+$0x50] =	vst v14;
	v6 =	vld.idx.msk [tilespmem:v6+s18+$0x0], $0xffff  }
0x660: {  	v63 =	vld [tilespmem:s29+$0xD0];
	[tilespmem:s10+$0x0] =	vst v1  }
0x661: {  	[tilespmem:s10+$0x60] =	vst v2;
	v1 =	vld [tilespmem:s2+$0x80]  }
0x662: {  	v2 =	vld [tilespmem:s2+$0xE0]  }
0x663: {  	v0 =	vld.idx.msk [tilespmem:v0+s18+$0x0], $0xffff  }
0x664: {  	v3 =	vld.idx.msk [tilespmem:v3+s18+$0x0], $0xffff;
	[tilespmem:s12+$0x70] =	vst v6  }
0x665: {  	v6 =	vld [tilespmem:s29+$0xF0]  }
0x666: {  	v4 =	vld.idx.msk [tilespmem:v4+s18+$0x0], $0xffff  }
0x667: {  	v5 =	vld.idx.msk [tilespmem:v5+s18+$0x0], $0xffff  }
0x668: {  	v7 =	vld.idx.msk [tilespmem:v7+s18+$0x0], $0xffff  }
0x669: {  	[tilespmem:s12+$0x60] =	vst v56;
	v11 =	vld.idx.msk [tilespmem:v57+s18+$0x0], $0xffff  }
0x66a: {  	v1 =	vld.idx.msk [tilespmem:v1+s18+$0x0], $0xffff;
	[tilespmem:s10+$0xF0] =	vst v0  }
0x66b: {  	[tilespmem:s10+$0x90] =	vst v3;
	v0 =	vld [tilespmem:s29+$0xE0]  }
0x66c: {  	[tilespmem:s10+$0xA0] =	vst v4;
	v3 =	vld.idx.msk [tilespmem:v59+s18+$0x0], $0xffff  }
0x66d: {  	[tilespmem:s10+$0xB0] =	vst v5;
	v61 =	vld.idx.msk [tilespmem:v6+s18+$0x0], $0xffff  }
0x66e: {  	[tilespmem:s10+$0xC0] =	vst v7;
	v6 =	vld.idx.msk [tilespmem:v58+s18+$0x0], $0xffff  }
0x66f: {  	v4 =	vld.idx.msk [tilespmem:v60+s18+$0x0], $0xffff;
	[tilespmem:s10+$0xD0] =	vst v8  }
0x670: {  	[tilespmem:s12+$0x90] =	vst v11;
	v5 =	vld.idx.msk [tilespmem:v63+s18+$0x0], $0xffff  }
0x671: {  	[tilespmem:s10+$0x80] =	vst v1;
	v1 =	vld.idx.msk [tilespmem:v2+s18+$0x0], $0xffff  }
0x672: {  	s13 =	simm.s32 $0x18C00;
	s2 =	simm.s32 $0x80;
	v2 =	vld.idx.msk [tilespmem:v62+s18+$0x0], $0xffff;
	[tilespmem:s12+$0xF0] =	vst v61  }
.LBB2_36:
0x673: {  	v7 =	vld [tilespmem:s13+$0xFFFFFF70];
	s2 =	sadd.s32 $0x80, s2;
	[tilespmem:s12+$0xA0] =	vst v6  }
0x674: {  	v6 =	vld [tilespmem:s13+$0xFFFFFF10];
	p2 =	slt.u32 s2, $0x380;
	[tilespmem:s12+$0xB0] =	vst v3  }
0x675: {  	v3 =	vld [tilespmem:s13+$0xFFFFFF20];
	[tilespmem:s12+$0xC0] =	vst v4  }
0x676: {  	v4 =	vld [tilespmem:s13+$0xFFFFFF30];
	[tilespmem:s10+$0xE0] =	vst v1;
	s10 =	smov.u32 s12  }
0x677: {  	v1 =	vld [tilespmem:s13+$0xFFFFFF40];
	[tilespmem:s12+$0x80] =	vst v2  }
0x678: {  	v2 =	vld [tilespmem:s13+$0xFFFFFF50];
	[tilespmem:s12+$0xD0] =	vst v5  }
0x679: {  	v5 =	vld [tilespmem:s13+$0xFFFFFF60]  }
0x67a: {  	v8 =	vld [tilespmem:s13+$0xFFFFFF00]  }
0x67b: {  	v7 =	vld.idx.msk [tilespmem:v7+s18+$0x0], $0xffff  }
0x67c: {  	v6 =	vld.idx.msk [tilespmem:v6+s18+$0x0], $0xffff  }
0x67d: {  	v3 =	vld.idx.msk [tilespmem:v3+s18+$0x0], $0xffff  }
0x67e: {  	v4 =	vld.idx.msk [tilespmem:v4+s18+$0x0], $0xffff  }
0x67f: {  	v1 =	vld.idx.msk [tilespmem:v1+s18+$0x0], $0xffff  }
0x680: {  	s12 =	sadd.s32 $0x200, s12;
	v2 =	vld.idx.msk [tilespmem:v2+s18+$0x0], $0xffff  }
0x681: {  	v5 =	vld.idx.msk [tilespmem:v5+s18+$0x0], $0xffff;
	[tilespmem:s12+$0xFFFFFF70] =	vst v7  }
0x682: {  	[tilespmem:s12+$0xFFFFFF10] =	vst v6;
	v6 =	vld [tilespmem:s13+$0xFFFFFFF0]  }
0x683: {  	v7 =	vld.idx.msk [tilespmem:v8+s18+$0x0], $0xffff;
	[tilespmem:s12+$0xFFFFFF20] =	vst v3  }
0x684: {  	v3 =	vld [tilespmem:s13+$0xFFFFFF90];
	[tilespmem:s12+$0xFFFFFF30] =	vst v4  }
0x685: {  	v4 =	vld [tilespmem:s13+$0xFFFFFFA0];
	[tilespmem:s12+$0xFFFFFF40] =	vst v1  }
0x686: {  	v1 =	vld [tilespmem:s13+$0xFFFFFFB0];
	[tilespmem:s12+$0xFFFFFF50] =	vst v2  }
0x687: {  	v2 =	vld [tilespmem:s13+$0xFFFFFFC0];
	[tilespmem:s12+$0xFFFFFF60] =	vst v5  }
0x688: {  	v5 =	vld [tilespmem:s13+$0xFFFFFFD0]  }
0x689: {  	[tilespmem:s12+$0xFFFFFF00] =	vst v7;
	v7 =	vld [tilespmem:s13+$0xFFFFFFE0]  }
0x68a: {  	v6 =	vld.idx.msk [tilespmem:v6+s18+$0x0], $0xffff  }
0x68b: {  	v8 =	vld [tilespmem:s13+$0xFFFFFF80]  }
0x68c: {  	v3 =	vld.idx.msk [tilespmem:v3+s18+$0x0], $0xffff  }
0x68d: {  	v4 =	vld.idx.msk [tilespmem:v4+s18+$0x0], $0xffff  }
0x68e: {  	v1 =	vld.idx.msk [tilespmem:v1+s18+$0x0], $0xffff  }
0x68f: {  	v2 =	vld.idx.msk [tilespmem:v2+s18+$0x0], $0xffff  }
0x690: {  	v5 =	vld.idx.msk [tilespmem:v5+s18+$0x0], $0xffff;
	[tilespmem:s12+$0xFFFFFFF0] =	vst v6  }
0x691: {  	v6 =	vld [tilespmem:s13+$0x70]  }
0x692: {  	[tilespmem:s12+$0xFFFFFF90] =	vst v3;
	v3 =	vld.idx.msk [tilespmem:v7+s18+$0x0], $0xffff  }
0x693: {  	v7 =	vld.idx.msk [tilespmem:v8+s18+$0x0], $0xffff;
	[tilespmem:s12+$0xFFFFFFA0] =	vst v4  }
0x694: {  	v4 =	vld [tilespmem:s13+$0x10];
	[tilespmem:s12+$0xFFFFFFB0] =	vst v1  }
0x695: {  	v1 =	vld [tilespmem:s13+$0x20];
	[tilespmem:s12+$0xFFFFFFC0] =	vst v2  }
0x696: {  	v2 =	vld [tilespmem:s13+$0x30];
	[tilespmem:s12+$0xFFFFFFD0] =	vst v5  }
0x697: {  	v5 =	vld [tilespmem:s13+$0x40]  }
0x698: {  	v8 =	vld [tilespmem:s13+$0x50];
	[tilespmem:s12+$0xFFFFFFE0] =	vst v3  }
0x699: {  	[tilespmem:s12+$0xFFFFFF80] =	vst v7;
	v3 =	vld.idx.msk [tilespmem:v6+s18+$0x0], $0xffff  }
0x69a: {  	v6 =	vld [tilespmem:s13+$0x0]  }
0x69b: {  	v7 =	vld [tilespmem:s13+$0x60]  }
0x69c: {  	v4 =	vld.idx.msk [tilespmem:v4+s18+$0x0], $0xffff  }
0x69d: {  	v1 =	vld.idx.msk [tilespmem:v1+s18+$0x0], $0xffff  }
0x69e: {  	v2 =	vld.idx.msk [tilespmem:v2+s18+$0x0], $0xffff  }
0x69f: {  	v5 =	vld.idx.msk [tilespmem:v5+s18+$0x0], $0xffff;
	[tilespmem:s12+$0x70] =	vst v3  }
0x6a0: {  	v3 =	vld [tilespmem:s13+$0xF0]  }
0x6a1: {  	v8 =	vld.idx.msk [tilespmem:v8+s18+$0x0], $0xffff  }
0x6a2: {  	v6 =	vld.idx.msk [tilespmem:v6+s18+$0x0], $0xffff;
	[tilespmem:s12+$0x10] =	vst v4  }
0x6a3: {  	[tilespmem:s12+$0x20] =	vst v1;
	v1 =	vld.idx.msk [tilespmem:v7+s18+$0x0], $0xffff  }
0x6a4: {  	v4 =	vld [tilespmem:s13+$0x90];
	[tilespmem:s12+$0x30] =	vst v2  }
0x6a5: {  	v2 =	vld [tilespmem:s13+$0xA0];
	[tilespmem:s12+$0x40] =	vst v5  }
0x6a6: {  	v5 =	vld [tilespmem:s13+$0xB0]  }
0x6a7: {  	v7 =	vld [tilespmem:s13+$0xC0];
	[tilespmem:s12+$0x50] =	vst v8  }
0x6a8: {  	[tilespmem:s12+$0x0] =	vst v6;
	v8 =	vld.idx.msk [tilespmem:v3+s18+$0x0], $0xffff  }
0x6a9: {  	v9 =	vld [tilespmem:s13+$0x80];
	[tilespmem:s12+$0x60] =	vst v1  }
0x6aa: {  	v10 =	vld [tilespmem:s13+$0xD0]  }
0x6ab: {  	v11 =	vld [tilespmem:s13+$0xE0]  }
0x6ac: {  	v12 =	vld.idx.msk [tilespmem:v4+s18+$0x0], $0xffff  }
0x6ad: {  	v6 =	vld.idx.msk [tilespmem:v2+s18+$0x0], $0xffff  }
.Ltmp21:
0x6ae: {  	v3 =	vld.idx.msk [tilespmem:v5+s18+$0x0], $0xffff;
	[tilespmem:s12+$0xF0] =	vst v8;
	(pc) =	sbr.rel @p2 .LBB2_36-.Ltmp21, $4  }
0x6af: {  	v4 =	vld.idx.msk [tilespmem:v7+s18+$0x0], $0xffff  }
0x6b0: {  	v1 =	vld.idx.msk [tilespmem:v0+s18+$0x0], $0xffff;
	v0 =	vmov v11  }
0x6b1: {  	v2 =	vld.idx.msk [tilespmem:v9+s18+$0x0], $0xffff  }
0x6b2: {  	s13 =	sadd.s32 $0x200, s13;
	[tilespmem:s12+$0x90] =	vst v12;
	v5 =	vld.idx.msk [tilespmem:v10+s18+$0x0], $0xffff  }
0x6b3: {  	_ = 	snop  }
0x6b4: {  	[tilespmem:s12+$0xA0] =	vst v6  }
0x6b5: {  	[tilespmem:s12+$0xB0] =	vst v3  }
0x6b6: {  	[tilespmem:s12+$0xC0] =	vst v4  }
0x6b7: {  	v0 =	vld.idx.msk [tilespmem:v0+s18+$0x0], $0xffff;
	[tilespmem:s10+$0xE0] =	vst v1  }
0x6b8: {  	s2 =	smul.u32 $0x300000, s0;
	[tilespmem:s12+$0x80] =	vst v2  }
0x6b9: {  	s1 =	rddreg [dreg:$0xf]  }
0x6ba: {  	s1 =	sor.u32 s2, s1  }
0x6bb: {  	[tilespmem:s12+$0xD0] =	vst v5;
	s1 =	sshrl.u32 s1, $0x3  }
0x6bc: {  	[tilespmem:s12+$0xE0] =	vst v0;
	s1 =	sadd.s32 s23, s1  }
0x6bd: {  	[hbm4b:s1+s8] =	stream.strided.scatter [tilespmem:s6], [sflag:$0x3], $0x200, s4, s8, $0x38;
	[tilespmem:$0x1F900] =	vst v63  }
0x6be: {  	s3 =	sadd.s32 $0x80, s1  }
0x6bf: {  	[hbm4b:s3+s8] =	stream.strided.scatter [tilespmem:s15], [sflag:$0x3], $0x200, s4, s8, $0x38;
	[tilespmem:$0x1F900] =	vst v63  }
0x6c0: {  	s10 =	sadd.s32 $0x100, s1  }
0x6c1: {  	[hbm4b:s10+s8] =	stream.strided.scatter [tilespmem:s16], [sflag:$0x3], $0x200, s4, s8, $0x38;
	[tilespmem:$0x1F900] =	vst v63  }
0x6c2: {  	s12 =	sadd.s32 $0x180, s1  }
0x6c3: {  	[hbm4b:s12+s8] =	stream.strided.scatter [tilespmem:s17], [sflag:$0x3], $0x200, s4, s8, $0x38;
	[tilespmem:$0x1F900] =	vst v63  }
0x6c4: {  	s13 =	sadd.s32 $0x200, s1  }
0x6c5: {  	[hbm4b:s13+s8] =	stream.strided.scatter [tilespmem:s19], [sflag:$0x3], $0x200, s4, s8, $0x38;
	[tilespmem:$0x1F900] =	vst v63  }
0x6c6: {  	p2 =	sne.s32 s0, $0x18;
	s14 =	sadd.s32 $0x280, s1  }
0x6c7: {  	[hbm4b:s14+s8] =	stream.strided.scatter [tilespmem:s20], [sflag:$0x3], $0x200, s4, s8, $0x38;
	[tilespmem:$0x1F900] =	vst v63  }
.Ltmp22:
0x6c8: {  	_ = 	snop;
	(pc) =	sbr.rel @p2 .LBB2_39-.Ltmp22, $4  }
0x6c9: {  	s29 =	sadd.s32 $0x300, s1  }
0x6ca: {  	[hbm4b:s29+s8] =	stream.strided.scatter [tilespmem:s21], [sflag:$0x3], $0x200, s4, s8, $0x38;
	[tilespmem:$0x1F900] =	vst v63  }
0x6cb: {  	s1 =	sadd.s32 $0x380, s1  }
0x6cc: {  	[hbm4b:s1+s8] =	stream.strided.scatter [tilespmem:s22], [sflag:$0x3], $0x200, s4, s8, $0x38;
	[tilespmem:$0x1F900] =	vst v63  }
.Ltmp23:
0x6cd: {  	(pc) =	sbr.rel .LBB2_40-.Ltmp23, $4  }
0x6ce: {  	_ = 	snop  }
0x6cf: {  	_ =	swait.ge [sflag:s25], $0x1000  }
0x6d0: {  	[sflag:s25] =	ssyncset.done $0x0  }
0x6d1: {  	[sflag:s25] =	ssyncadd.s32 $0xFFFFF000  }
.LBB2_39:
0x6d2: {  	s1 =	sshll.u32 s0, $0xD  }
0x6d3: {  	s1 =	sand.u32 $0x3FFFE000, s1  }
0x6d4: {  	s1 =	sadd.s32 s1, s26  }
.Ltmp24:
0x6d5: {  	s3 =	simm.s32 $0x18700;
	s1 =	sadd.s32 $0x2000, s1;
	(pc) =	sbr.rel @p1 .LBB2_41-.Ltmp24, $4  }
0x6d6: {  	[tilespmem:s3], [sflag:$0x1] =	stream.strided.gather [spmem:s1], $0x1000, s9, s11, $0x38;
	[tilespmem:$0x1F900] =	vst v63  }
0x6d7: {  	_ =	swait.ge [sflag:s25], $0x1000  }
0x6d8: {  	[sflag:s25] =	ssyncset.done $0x0  }
0x6d9: {  	[sflag:s25] =	ssyncadd.s32 $0xFFFFF000  }
.LBB2_40:
0x6da: {  	_ =	swait.ge [sflag:s28], $0x1000  }
0x6db: {  	[sflag:s28] =	ssyncset.done $0x0  }
0x6dc: {  	[sflag:s28] =	ssyncadd.s32 $0xFFFFF000  }
.LBB2_41:
0x6dd: {  	s12 =	simm.s32 $0x198F0  }
0x6de: {  	v0 =	vld [tilespmem:s12+$0xFFFFFE80]  }
0x6df: {  	v1 =	vld [tilespmem:s12+$0xFFFFFE20]  }
0x6e0: {  	v2 =	vld [tilespmem:s12+$0xFFFFFE30]  }
0x6e1: {  	v3 =	vld [tilespmem:s12+$0xFFFFFE40]  }
0x6e2: {  	v4 =	vld [tilespmem:s12+$0xFFFFFE50]  }
0x6e3: {  	v5 =	vld [tilespmem:s12+$0xFFFFFE60]  }
0x6e4: {  	v6 =	vld [tilespmem:s12+$0xFFFFFE70]  }
0x6e5: {  	s13 =	simm.s32 $0x19AF0;
	v7 =	vld [tilespmem:s12+$0xFFFFFE10]  }
0x6e6: {  	v10 =	vld [tilespmem:s13+$0xFFFFFE30]  }
0x6e7: {  	v11 =	vld [tilespmem:s13+$0xFFFFFE40]  }
0x6e8: {  	v12 =	vld [tilespmem:s13+$0xFFFFFE50]  }
0x6e9: {  	v13 =	vld [tilespmem:s13+$0xFFFFFE60]  }
0x6ea: {  	v14 =	vld [tilespmem:s13+$0xFFFFFE70]  }
0x6eb: {  	v0 =	vld.idx.msk [tilespmem:v0+s18+$0x0], $0xffff  }
0x6ec: {  	v1 =	vld.idx.msk [tilespmem:v1+s18+$0x0], $0xffff  }
0x6ed: {  	v2 =	vld.idx.msk [tilespmem:v2+s18+$0x0], $0xffff  }
0x6ee: {  	v3 =	vld.idx.msk [tilespmem:v3+s18+$0x0], $0xffff  }
0x6ef: {  	v4 =	vld.idx.msk [tilespmem:v4+s18+$0x0], $0xffff  }
0x6f0: {  	v5 =	vld.idx.msk [tilespmem:v5+s18+$0x0], $0xffff  }
0x6f1: {  	v6 =	vld.idx.msk [tilespmem:v6+s18+$0x0], $0xffff  }
0x6f2: {  	v10 =	vld.idx.msk [tilespmem:v10+s18+$0x0], $0xffff  }
0x6f3: {  	v11 =	vld.idx.msk [tilespmem:v11+s18+$0x0], $0xffff  }
0x6f4: {  	v12 =	vld.idx.msk [tilespmem:v12+s18+$0x0], $0xffff  }
0x6f5: {  	s10 =	simm.s32 $0x1B8F0;
	v13 =	vld.idx.msk [tilespmem:v13+s18+$0x0], $0xffff  }
0x6f6: {  	v14 =	vld.idx.msk [tilespmem:v14+s18+$0x0], $0xffff;
	[tilespmem:s10+$0xFFFFFE80] =	vst v0  }
0x6f7: {  	[tilespmem:s10+$0xFFFFFE20] =	vst v1;
	v1 =	vld.idx.msk [tilespmem:v7+s18+$0x0], $0xffff  }
0x6f8: {  	v0 =	vld [tilespmem:s12+$0xFFFFFF00]  }
0x6f9: {  	[tilespmem:s10+$0xFFFFFE30] =	vst v2;
	v2 =	vld [tilespmem:s12+$0xFFFFFEA0]  }
0x6fa: {  	[tilespmem:s10+$0xFFFFFE40] =	vst v3;
	v3 =	vld [tilespmem:s12+$0xFFFFFEB0]  }
0x6fb: {  	[tilespmem:s10+$0xFFFFFE50] =	vst v4;
	v4 =	vld [tilespmem:s12+$0xFFFFFEC0]  }
0x6fc: {  	[tilespmem:s10+$0xFFFFFE60] =	vst v5;
	v5 =	vld [tilespmem:s12+$0xFFFFFED0]  }
0x6fd: {  	[tilespmem:s10+$0xFFFFFE70] =	vst v6;
	v6 =	vld [tilespmem:s12+$0xFFFFFEE0]  }
0x6fe: {  	v7 =	vld [tilespmem:s12+$0xFFFFFEF0];
	[tilespmem:s10+$0xFFFFFE10] =	vst v1  }
0x6ff: {  	v1 =	vld [tilespmem:s12+$0xFFFFFE90]  }
0x700: {  	v0 =	vld.idx.msk [tilespmem:v0+s18+$0x0], $0xffff  }
0x701: {  	v2 =	vld.idx.msk [tilespmem:v2+s18+$0x0], $0xffff  }
0x702: {  	v3 =	vld.idx.msk [tilespmem:v3+s18+$0x0], $0xffff  }
0x703: {  	v4 =	vld.idx.msk [tilespmem:v4+s18+$0x0], $0xffff  }
0x704: {  	v5 =	vld.idx.msk [tilespmem:v5+s18+$0x0], $0xffff  }
0x705: {  	v6 =	vld.idx.msk [tilespmem:v6+s18+$0x0], $0xffff  }
0x706: {  	v7 =	vld.idx.msk [tilespmem:v7+s18+$0x0], $0xffff  }
0x707: {  	[tilespmem:s10+$0xFFFFFF00] =	vst v0;
	v1 =	vld.idx.msk [tilespmem:v1+s18+$0x0], $0xffff  }
0x708: {  	[tilespmem:s10+$0xFFFFFEA0] =	vst v2;
	v0 =	vld [tilespmem:s12+$0xFFFFFF80]  }
0x709: {  	[tilespmem:s10+$0xFFFFFEB0] =	vst v3;
	v2 =	vld [tilespmem:s12+$0xFFFFFF20]  }
0x70a: {  	[tilespmem:s10+$0xFFFFFEC0] =	vst v4;
	v3 =	vld [tilespmem:s12+$0xFFFFFF30]  }
0x70b: {  	[tilespmem:s10+$0xFFFFFED0] =	vst v5;
	v4 =	vld [tilespmem:s12+$0xFFFFFF40]  }
0x70c: {  	[tilespmem:s10+$0xFFFFFEE0] =	vst v6;
	v5 =	vld [tilespmem:s12+$0xFFFFFF50]  }
0x70d: {  	v6 =	vld [tilespmem:s12+$0xFFFFFF60];
	[tilespmem:s10+$0xFFFFFE90] =	vst v1  }
0x70e: {  	[tilespmem:s10+$0xFFFFFEF0] =	vst v7;
	v1 =	vld [tilespmem:s12+$0xFFFFFF10]  }
0x70f: {  	v7 =	vld [tilespmem:s12+$0xFFFFFF70]  }
0x710: {  	v0 =	vld.idx.msk [tilespmem:v0+s18+$0x0], $0xffff  }
0x711: {  	v2 =	vld.idx.msk [tilespmem:v2+s18+$0x0], $0xffff  }
0x712: {  	v3 =	vld.idx.msk [tilespmem:v3+s18+$0x0], $0xffff  }
0x713: {  	v4 =	vld.idx.msk [tilespmem:v4+s18+$0x0], $0xffff  }
0x714: {  	v5 =	vld.idx.msk [tilespmem:v5+s18+$0x0], $0xffff  }
0x715: {  	v6 =	vld.idx.msk [tilespmem:v6+s18+$0x0], $0xffff  }
0x716: {  	[tilespmem:s10+$0xFFFFFF80] =	vst v0;
	v1 =	vld.idx.msk [tilespmem:v1+s18+$0x0], $0xffff  }
0x717: {  	[tilespmem:s10+$0xFFFFFF20] =	vst v2;
	v2 =	vld.idx.msk [tilespmem:v7+s18+$0x0], $0xffff  }
0x718: {  	[tilespmem:s10+$0xFFFFFF30] =	vst v3;
	v3 =	vld [tilespmem:s12+$0xFFFFFFA0]  }
0x719: {  	[tilespmem:s10+$0xFFFFFF40] =	vst v4;
	v4 =	vld [tilespmem:s12+$0xFFFFFFB0]  }
0x71a: {  	[tilespmem:s10+$0xFFFFFF50] =	vst v5;
	v5 =	vld [tilespmem:s12+$0xFFFFFFC0]  }
0x71b: {  	v0 =	vld [tilespmem:s12+$0x0];
	[tilespmem:s10+$0xFFFFFF10] =	vst v1  }
0x71c: {  	v1 =	vld [tilespmem:s12+$0xFFFFFF90]  }
0x71d: {  	[tilespmem:s10+$0xFFFFFF60] =	vst v6;
	v7 =	vld [tilespmem:s12+$0xFFFFFFD0]  }
0x71e: {  	v6 =	vld [tilespmem:s12+$0xFFFFFFE0];
	[tilespmem:s10+$0xFFFFFF70] =	vst v2  }
0x71f: {  	v8 =	vld [tilespmem:s12+$0xFFFFFFF0]  }
0x720: {  	v2 =	vld.idx.msk [tilespmem:v3+s18+$0x0], $0xffff  }
0x721: {  	v3 =	vld.idx.msk [tilespmem:v4+s18+$0x0], $0xffff  }
0x722: {  	v4 =	vld.idx.msk [tilespmem:v5+s18+$0x0], $0xffff  }
0x723: {  	v5 =	vld [tilespmem:s13+$0xFFFFFE20]  }
0x724: {  	v9 =	vld.idx.msk [tilespmem:v1+s18+$0x0], $0xffff  }
0x725: {  	s12 =	simm.s32 $0x1BAF0;
	v1 =	vld [tilespmem:s13+$0xFFFFFE80]  }
0x726: {  	v15 =	vld [tilespmem:s13+$0xFFFFFE10];
	[tilespmem:s12+$0xFFFFFE30] =	vst v10  }
0x727: {  	[tilespmem:s12+$0xFFFFFE40] =	vst v11;
	v52 =	vld [tilespmem:s13+$0xFFFFFEB0]  }
0x728: {  	[tilespmem:s12+$0xFFFFFE50] =	vst v12;
	v53 =	vld [tilespmem:s13+$0xFFFFFEC0]  }
0x729: {  	[tilespmem:s12+$0xFFFFFE60] =	vst v13;
	v54 =	vld [tilespmem:s13+$0xFFFFFED0]  }
0x72a: {  	[tilespmem:s12+$0xFFFFFE70] =	vst v14;
	v55 =	vld [tilespmem:s13+$0xFFFFFEE0]  }
0x72b: {  	v56 =	vld [tilespmem:s13+$0xFFFFFEF0]  }
0x72c: {  	v5 =	vld.idx.msk [tilespmem:v5+s18+$0x0], $0xffff  }
0x72d: {  	v1 =	vld.idx.msk [tilespmem:v1+s18+$0x0], $0xffff  }
0x72e: {  	v0 =	vld.idx.msk [tilespmem:v0+s18+$0x0], $0xffff  }
0x72f: {  	v7 =	vld.idx.msk [tilespmem:v7+s18+$0x0], $0xffff  }
0x730: {  	v6 =	vld.idx.msk [tilespmem:v6+s18+$0x0], $0xffff  }
0x731: {  	[tilespmem:s12+$0xFFFFFE20] =	vst v5;
	v5 =	vld.idx.msk [tilespmem:v15+s18+$0x0], $0xffff  }
0x732: {  	v51 =	vld [tilespmem:s13+$0xFFFFFEA0];
	[tilespmem:s12+$0xFFFFFE80] =	vst v1  }
0x733: {  	v1 =	vld [tilespmem:s13+$0xFFFFFF00]  }
0x734: {  	[tilespmem:s10+$0xFFFFFFB0] =	vst v3;
	v3 =	vld.idx.msk [tilespmem:v8+s18+$0x0], $0xffff  }
0x735: {  	v11 =	vld.idx.msk [tilespmem:v52+s18+$0x0], $0xffff  }
0x736: {  	v12 =	vld.idx.msk [tilespmem:v53+s18+$0x0], $0xffff;
	[tilespmem:s12+$0xFFFFFE10] =	vst v5  }
0x737: {  	v5 =	vld [tilespmem:s13+$0xFFFFFE90]  }
0x738: {  	v13 =	vld.idx.msk [tilespmem:v54+s18+$0x0], $0xffff  }
0x739: {  	v14 =	vld.idx.msk [tilespmem:v55+s18+$0x0], $0xffff  }
0x73a: {  	v10 =	vld.idx.msk [tilespmem:v51+s18+$0x0], $0xffff  }
0x73b: {  	v1 =	vld.idx.msk [tilespmem:v1+s18+$0x0], $0xffff  }
0x73c: {  	[tilespmem:s12+$0xFFFFFEB0] =	vst v11;
	v15 =	vld.idx.msk [tilespmem:v56+s18+$0x0], $0xffff  }
0x73d: {  	[tilespmem:s12+$0xFFFFFEC0] =	vst v12;
	v11 =	vld [tilespmem:s13+$0xFFFFFF30]  }
0x73e: {  	v12 =	vld [tilespmem:s13+$0xFFFFFF40]  }
0x73f: {  	[tilespmem:s12+$0xFFFFFEA0] =	vst v10;
	v5 =	vld.idx.msk [tilespmem:v5+s18+$0x0], $0xffff  }
0x740: {  	v10 =	vld [tilespmem:s13+$0xFFFFFF20];
	[tilespmem:s12+$0xFFFFFF00] =	vst v1  }
0x741: {  	[tilespmem:s12+$0xFFFFFED0] =	vst v13;
	v1 =	vld [tilespmem:s13+$0xFFFFFF80]  }
0x742: {  	[tilespmem:s12+$0xFFFFFEE0] =	vst v14;
	v13 =	vld [tilespmem:s13+$0xFFFFFF50]  }
0x743: {  	v14 =	vld [tilespmem:s13+$0xFFFFFF60];
	[tilespmem:s12+$0xFFFFFEF0] =	vst v15  }
0x744: {  	v15 =	vld [tilespmem:s13+$0xFFFFFF70];
	[tilespmem:s12+$0xFFFFFE90] =	vst v5  }
0x745: {  	v5 =	vld [tilespmem:s13+$0xFFFFFF10]  }
0x746: {  	v11 =	vld.idx.msk [tilespmem:v11+s18+$0x0], $0xffff  }
0x747: {  	v12 =	vld.idx.msk [tilespmem:v12+s18+$0x0], $0xffff  }
0x748: {  	v10 =	vld.idx.msk [tilespmem:v10+s18+$0x0], $0xffff  }
0x749: {  	v1 =	vld.idx.msk [tilespmem:v1+s18+$0x0], $0xffff  }
0x74a: {  	v13 =	vld.idx.msk [tilespmem:v13+s18+$0x0], $0xffff  }
0x74b: {  	v14 =	vld.idx.msk [tilespmem:v14+s18+$0x0], $0xffff  }
0x74c: {  	v57 =	vld.idx.msk [tilespmem:v15+s18+$0x0], $0xffff  }
0x74d: {  	v5 =	vld.idx.msk [tilespmem:v5+s18+$0x0], $0xffff;
	[tilespmem:s12+$0xFFFFFF20] =	vst v10  }
0x74e: {  	v58 =	vld [tilespmem:s13+$0xFFFFFFA0];
	[tilespmem:s12+$0xFFFFFF80] =	vst v1  }
0x74f: {  	[tilespmem:s12+$0xFFFFFF30] =	vst v11;
	v1 =	vld [tilespmem:s13+$0x0]  }
0x750: {  	[tilespmem:s12+$0xFFFFFF40] =	vst v12;
	v59 =	vld [tilespmem:s13+$0xFFFFFFB0]  }
0x751: {  	[tilespmem:s12+$0xFFFFFF50] =	vst v13;
	v60 =	vld [tilespmem:s13+$0xFFFFFFC0]  }
0x752: {  	[tilespmem:s12+$0xFFFFFF60] =	vst v14;
	v61 =	vld [tilespmem:s13+$0xFFFFFFD0]  }
0x753: {  	v63 =	vld [tilespmem:s13+$0xFFFFFFE0];
	[tilespmem:s12+$0xFFFFFF10] =	vst v5  }
0x754: {  	[tilespmem:s12+$0xFFFFFF70] =	vst v57;
	v62 =	vld [tilespmem:s13+$0xFFFFFF90]  }
0x755: {  	[tilespmem:s10+$0x0] =	vst v0;
	v0 =	vld [tilespmem:s13+$0xFFFFFFF0]  }
0x756: {  	[tilespmem:s10+$0xFFFFFFA0] =	vst v2;
	v11 =	vld.idx.msk [tilespmem:v58+s18+$0x0], $0xffff  }
0x757: {  	[tilespmem:s10+$0xFFFFFFC0] =	vst v4;
	v16 =	vld.idx.msk [tilespmem:v1+s18+$0x0], $0xffff  }
0x758: {  	[tilespmem:s10+$0xFFFFFFD0] =	vst v7;
	v5 =	vld.idx.msk [tilespmem:v59+s18+$0x0], $0xffff  }
0x759: {  	[tilespmem:s10+$0xFFFFFFE0] =	vst v6;
	v1 =	vld.idx.msk [tilespmem:v60+s18+$0x0], $0xffff  }
0x75a: {  	[tilespmem:s10+$0xFFFFFF90] =	vst v9;
	v2 =	vld.idx.msk [tilespmem:v61+s18+$0x0], $0xffff  }
0x75b: {  	v6 =	vld.idx.msk [tilespmem:v63+s18+$0x0], $0xffff;
	[tilespmem:s12+$0xFFFFFFA0] =	vst v11  }
0x75c: {  	s29 =	simm.s32 $0x19CF0;
	s13 =	simm.s32 $0x80;
	v4 =	vld.idx.msk [tilespmem:v62+s18+$0x0], $0xffff;
	[tilespmem:s12+$0x0] =	vst v16  }
.LBB2_42:
0x75d: {  	v7 =	vld [tilespmem:s29+$0xFFFFFE80];
	s13 =	sadd.s32 $0x80, s13;
	[tilespmem:s12+$0xFFFFFFB0] =	vst v5  }
0x75e: {  	v5 =	vld [tilespmem:s29+$0xFFFFFE20];
	p1 =	slt.u32 s13, $0x380;
	[tilespmem:s12+$0xFFFFFFC0] =	vst v1  }
0x75f: {  	v1 =	vld [tilespmem:s29+$0xFFFFFE30];
	[tilespmem:s12+$0xFFFFFFD0] =	vst v2  }
0x760: {  	v2 =	vld [tilespmem:s29+$0xFFFFFE40];
	[tilespmem:s10+$0xFFFFFFF0] =	vst v3;
	s10 =	smov.u32 s12  }
0x761: {  	v3 =	vld [tilespmem:s29+$0xFFFFFE50];
	[tilespmem:s12+$0xFFFFFF90] =	vst v4  }
0x762: {  	v4 =	vld [tilespmem:s29+$0xFFFFFE60];
	[tilespmem:s12+$0xFFFFFFE0] =	vst v6  }
0x763: {  	v6 =	vld [tilespmem:s29+$0xFFFFFE70]  }
0x764: {  	v8 =	vld [tilespmem:s29+$0xFFFFFE10]  }
0x765: {  	v7 =	vld.idx.msk [tilespmem:v7+s18+$0x0], $0xffff  }
0x766: {  	v5 =	vld.idx.msk [tilespmem:v5+s18+$0x0], $0xffff  }
0x767: {  	v1 =	vld.idx.msk [tilespmem:v1+s18+$0x0], $0xffff  }
0x768: {  	v2 =	vld.idx.msk [tilespmem:v2+s18+$0x0], $0xffff  }
0x769: {  	v3 =	vld.idx.msk [tilespmem:v3+s18+$0x0], $0xffff  }
0x76a: {  	s12 =	sadd.s32 $0x200, s12;
	v4 =	vld.idx.msk [tilespmem:v4+s18+$0x0], $0xffff  }
0x76b: {  	v6 =	vld.idx.msk [tilespmem:v6+s18+$0x0], $0xffff;
	[tilespmem:s12+$0xFFFFFE80] =	vst v7  }
0x76c: {  	[tilespmem:s12+$0xFFFFFE20] =	vst v5;
	v5 =	vld [tilespmem:s29+$0xFFFFFF00]  }
0x76d: {  	v7 =	vld.idx.msk [tilespmem:v8+s18+$0x0], $0xffff;
	[tilespmem:s12+$0xFFFFFE30] =	vst v1  }
0x76e: {  	v1 =	vld [tilespmem:s29+$0xFFFFFEA0];
	[tilespmem:s12+$0xFFFFFE40] =	vst v2  }
0x76f: {  	v2 =	vld [tilespmem:s29+$0xFFFFFEB0];
	[tilespmem:s12+$0xFFFFFE50] =	vst v3  }
0x770: {  	v3 =	vld [tilespmem:s29+$0xFFFFFEC0];
	[tilespmem:s12+$0xFFFFFE60] =	vst v4  }
0x771: {  	v4 =	vld [tilespmem:s29+$0xFFFFFED0];
	[tilespmem:s12+$0xFFFFFE70] =	vst v6  }
0x772: {  	v6 =	vld [tilespmem:s29+$0xFFFFFEE0]  }
0x773: {  	[tilespmem:s12+$0xFFFFFE10] =	vst v7;
	v7 =	vld [tilespmem:s29+$0xFFFFFEF0]  }
0x774: {  	v5 =	vld.idx.msk [tilespmem:v5+s18+$0x0], $0xffff  }
0x775: {  	v8 =	vld [tilespmem:s29+$0xFFFFFE90]  }
0x776: {  	v1 =	vld.idx.msk [tilespmem:v1+s18+$0x0], $0xffff  }
0x777: {  	v2 =	vld.idx.msk [tilespmem:v2+s18+$0x0], $0xffff  }
0x778: {  	v3 =	vld.idx.msk [tilespmem:v3+s18+$0x0], $0xffff  }
0x779: {  	v4 =	vld.idx.msk [tilespmem:v4+s18+$0x0], $0xffff  }
0x77a: {  	v6 =	vld.idx.msk [tilespmem:v6+s18+$0x0], $0xffff;
	[tilespmem:s12+$0xFFFFFF00] =	vst v5  }
0x77b: {  	v5 =	vld [tilespmem:s29+$0xFFFFFF80]  }
0x77c: {  	[tilespmem:s12+$0xFFFFFEA0] =	vst v1;
	v1 =	vld.idx.msk [tilespmem:v7+s18+$0x0], $0xffff  }
0x77d: {  	v7 =	vld.idx.msk [tilespmem:v8+s18+$0x0], $0xffff;
	[tilespmem:s12+$0xFFFFFEB0] =	vst v2  }
0x77e: {  	v2 =	vld [tilespmem:s29+$0xFFFFFF20];
	[tilespmem:s12+$0xFFFFFEC0] =	vst v3  }
0x77f: {  	v3 =	vld [tilespmem:s29+$0xFFFFFF30];
	[tilespmem:s12+$0xFFFFFED0] =	vst v4  }
0x780: {  	v4 =	vld [tilespmem:s29+$0xFFFFFF40];
	[tilespmem:s12+$0xFFFFFEE0] =	vst v6  }
0x781: {  	v6 =	vld [tilespmem:s29+$0xFFFFFF50]  }
0x782: {  	v8 =	vld [tilespmem:s29+$0xFFFFFF60];
	[tilespmem:s12+$0xFFFFFEF0] =	vst v1  }
0x783: {  	[tilespmem:s12+$0xFFFFFE90] =	vst v7;
	v1 =	vld.idx.msk [tilespmem:v5+s18+$0x0], $0xffff  }
0x784: {  	v5 =	vld [tilespmem:s29+$0xFFFFFF10]  }
0x785: {  	v7 =	vld [tilespmem:s29+$0xFFFFFF70]  }
0x786: {  	v2 =	vld.idx.msk [tilespmem:v2+s18+$0x0], $0xffff  }
0x787: {  	v3 =	vld.idx.msk [tilespmem:v3+s18+$0x0], $0xffff  }
0x788: {  	v4 =	vld.idx.msk [tilespmem:v4+s18+$0x0], $0xffff  }
0x789: {  	v6 =	vld.idx.msk [tilespmem:v6+s18+$0x0], $0xffff;
	[tilespmem:s12+$0xFFFFFF80] =	vst v1  }
0x78a: {  	v1 =	vld [tilespmem:s29+$0x0]  }
0x78b: {  	v8 =	vld.idx.msk [tilespmem:v8+s18+$0x0], $0xffff  }
0x78c: {  	v5 =	vld.idx.msk [tilespmem:v5+s18+$0x0], $0xffff;
	[tilespmem:s12+$0xFFFFFF20] =	vst v2  }
0x78d: {  	[tilespmem:s12+$0xFFFFFF30] =	vst v3;
	v2 =	vld.idx.msk [tilespmem:v7+s18+$0x0], $0xffff  }
0x78e: {  	v3 =	vld [tilespmem:s29+$0xFFFFFFA0];
	[tilespmem:s12+$0xFFFFFF40] =	vst v4  }
0x78f: {  	v4 =	vld [tilespmem:s29+$0xFFFFFFB0];
	[tilespmem:s12+$0xFFFFFF50] =	vst v6  }
0x790: {  	v6 =	vld [tilespmem:s29+$0xFFFFFFC0]  }
0x791: {  	v7 =	vld [tilespmem:s29+$0xFFFFFFD0];
	[tilespmem:s12+$0xFFFFFF60] =	vst v8  }
0x792: {  	[tilespmem:s12+$0xFFFFFF10] =	vst v5;
	v8 =	vld.idx.msk [tilespmem:v1+s18+$0x0], $0xffff  }
0x793: {  	v9 =	vld [tilespmem:s29+$0xFFFFFF90];
	[tilespmem:s12+$0xFFFFFF70] =	vst v2  }
0x794: {  	v10 =	vld [tilespmem:s29+$0xFFFFFFE0]  }
0x795: {  	v11 =	vld [tilespmem:s29+$0xFFFFFFF0]  }
0x796: {  	v12 =	vld.idx.msk [tilespmem:v3+s18+$0x0], $0xffff  }
0x797: {  	v5 =	vld.idx.msk [tilespmem:v4+s18+$0x0], $0xffff  }
.Ltmp25:
0x798: {  	v1 =	vld.idx.msk [tilespmem:v6+s18+$0x0], $0xffff;
	[tilespmem:s12+$0x0] =	vst v8;
	(pc) =	sbr.rel @p1 .LBB2_42-.Ltmp25, $4  }
0x799: {  	v2 =	vld.idx.msk [tilespmem:v7+s18+$0x0], $0xffff  }
0x79a: {  	v3 =	vld.idx.msk [tilespmem:v0+s18+$0x0], $0xffff;
	v0 =	vmov v11  }
0x79b: {  	v4 =	vld.idx.msk [tilespmem:v9+s18+$0x0], $0xffff  }
0x79c: {  	s29 =	sadd.s32 $0x200, s29;
	[tilespmem:s12+$0xFFFFFFA0] =	vst v12;
	v6 =	vld.idx.msk [tilespmem:v10+s18+$0x0], $0xffff  }
0x79d: {  	[tilespmem:s12+$0xFFFFFFB0] =	vst v5  }
0x79e: {  	[tilespmem:s12+$0xFFFFFFC0] =	vst v1  }
0x79f: {  	[tilespmem:s12+$0xFFFFFFD0] =	vst v2  }
0x7a0: {  	[tilespmem:s10+$0xFFFFFFF0] =	vst v3  }
0x7a1: {  	[tilespmem:s12+$0xFFFFFF90] =	vst v4  }
0x7a2: {  	v0 =	vld.idx.msk [tilespmem:v0+s18+$0x0], $0xffff;
	s1 =	sld [smem:$0x7FB];
	_ =	sdelay $0x2  }
0x7a3: {  	s1 =	sadd.s32 s1, s2  }
0x7a4: {  	[tilespmem:s12+$0xFFFFFFE0] =	vst v6;
	s1 =	sshrl.u32 s1, $0x3  }
0x7a5: {  	[tilespmem:s12+$0xFFFFFFF0] =	vst v0;
	s12 =	simm.s32 $0x1B700;
	s1 =	sadd.s32 s23, s1  }
0x7a6: {  	[hbm4b:s1+s8] =	stream.strided.scatter [tilespmem:s12], [sflag:$0x4], $0x200, s4, s8, $0x38;
	[tilespmem:$0x1F900] =	vst v63  }
0x7a7: {  	s3 =	simm.s32 $0x1B900;
	s13 =	sadd.s32 $0x80, s1  }
0x7a8: {  	[hbm4b:s13+s8] =	stream.strided.scatter [tilespmem:s3], [sflag:$0x4], $0x200, s4, s8, $0x38;
	[tilespmem:$0x1F900] =	vst v63  }
0x7a9: {  	s29 =	simm.s32 $0x1BB00;
	s14 =	sadd.s32 $0x100, s1  }
0x7aa: {  	[hbm4b:s14+s8] =	stream.strided.scatter [tilespmem:s29], [sflag:$0x4], $0x200, s4, s8, $0x38;
	[tilespmem:$0x1F900] =	vst v63  }
0x7ab: {  	s10 =	simm.s32 $0x1BD00;
	s5 =	sadd.s32 $0x180, s1  }
0x7ac: {  	[hbm4b:s5+s8] =	stream.strided.scatter [tilespmem:s10], [sflag:$0x4], $0x200, s4, s8, $0x38;
	[tilespmem:$0x1F900] =	vst v63  }
0x7ad: {  	s12 =	sadd.s32 $0x200, s1;
	s13 =	simm.s32 $0x1BF00  }
0x7ae: {  	[hbm4b:s12+s8] =	stream.strided.scatter [tilespmem:s13], [sflag:$0x4], $0x200, s4, s8, $0x38;
	[tilespmem:$0x1F900] =	vst v63  }
0x7af: {  	p1 =	seq.s32 s0, $0x18;
	s14 =	sadd.s32 $0x280, s1  }
0x7b0: {  	[hbm4b:s14+s8] =	stream.strided.scatter [tilespmem:s7], [sflag:$0x4], $0x200, s4, s8, $0x38;
	[tilespmem:$0x1F900] =	vst v63  }
.Ltmp26:
0x7b1: {  	_ = 	snop;
	(pc) =	sbr.rel @p1 .LBB2_45-.Ltmp26, $4  }
0x7b2: {  	s29 =	sadd.s32 $0x300, s1  }
0x7b3: {  	[hbm4b:s29+s8] =	stream.strided.scatter [tilespmem:s31], [sflag:$0x4], $0x200, s4, s8, $0x38;
	[tilespmem:$0x1F900] =	vst v63  }
0x7b4: {  	s1 =	sadd.s32 $0x380, s1  }
0x7b5: {  	[hbm4b:s1+s8] =	stream.strided.scatter [tilespmem:s24], [sflag:$0x4], $0x200, s4, s8, $0x38;
	[tilespmem:$0x1F900] =	vst v63  }
.Ltmp27:
0x7b6: {  	s1 =	sshll.u32 s0, $0xD;
	(pc) =	sbr.rel .LBB2_35-.Ltmp27, $4  }
0x7b7: {  	s1 =	sand.u32 $0x3FFFE000, s1  }
0x7b8: {  	s1 =	sadd.s32 s1, s26  }
0x7b9: {  	s2 =	simm.s32 $0x19700;
	s0 =	sadd.s32 $0x1, s0;
	s1 =	sadd.s32 $0x2200, s1  }
0x7ba: {  	[tilespmem:s2], [sflag:$0x2] =	stream.strided.gather [spmem:s1], $0x1000, s9, s11, $0x38;
	[tilespmem:$0x1F900] =	vst v63  }
.LBB2_45:
0x7bb: {  	s0 =	simm.s32 $0x3  }
0x7bc: {  	_ =	swait.ge [sflag:s0], $0x1000  }
0x7bd: {  	[sflag:s0] =	ssyncset.done $0x0  }
0x7be: {  	[sflag:s0] =	ssyncadd.s32 $0xFFFFF000  }
0x7bf: {  	_ =	swait.ge [sflag:s28], $0x1000  }
0x7c0: {  	[sflag:s28] =	ssyncset.done $0x0  }
0x7c1: {  	s3 =	simm.s32 $0x5;
	s5 =	rddreg [dreg:$0x10];
	[sflag:s28] =	ssyncadd.s32 $0xFFFFF000  }
0x7c2: {  	[tilespmem:s18], [sflag:$0x5] =	stream.strided.gather [hbm4b:s5+s8], $0x18700, s9, s8, $0x38;
	[tilespmem:$0x1F900] =	vst v63  }
0x7c3: {  	_ =	swait.ge [sflag:s3], $0x18700  }
0x7c4: {  	[sflag:s3] =	ssyncset.done $0x0  }
0x7c5: {  	s10 =	simm.s32 $0x18700;
	s1 =	rddreg [dreg:$0x16];
	[sflag:s3] =	ssyncadd.s32 $0xFFFE7900  }
0x7c6: {  	[tilespmem:s10], [sflag:$0x5] =	stream.linear.gather [hbm4b:s1+s18], $0x80, $0x38;
	[tilespmem:$0x1F900] =	vst v63  }
0x7c7: {  	s2 =	simm.s32 $0x18900;
	s0 =	sadd.s32 $0x40, s1  }
0x7c8: {  	[tilespmem:s2], [sflag:$0x5] =	stream.linear.gather [hbm4b:s0+s18], $0x80, $0x38;
	[tilespmem:$0x1F900] =	vst v63  }
0x7c9: {  	s5 =	simm.s32 $0x18B00;
	s2 =	sadd.s32 $0x80, s1  }
0x7ca: {  	[tilespmem:s5], [sflag:$0x5] =	stream.linear.gather [hbm4b:s2+s18], $0x80, $0x38;
	[tilespmem:$0x1F900] =	vst v63  }
0x7cb: {  	s12 =	simm.s32 $0x18D00;
	s10 =	sadd.s32 $0xC0, s1  }
0x7cc: {  	[tilespmem:s12], [sflag:$0x5] =	stream.linear.gather [hbm4b:s10+s18], $0x80, $0x38;
	[tilespmem:$0x1F900] =	vst v63  }
0x7cd: {  	s13 =	simm.s32 $0x18F00;
	s12 =	sadd.s32 $0x100, s1  }
0x7ce: {  	[tilespmem:s13], [sflag:$0x5] =	stream.linear.gather [hbm4b:s12+s18], $0x80, $0x38;
	[tilespmem:$0x1F900] =	vst v63  }
0x7cf: {  	s14 =	simm.s32 $0x19100;
	s13 =	sadd.s32 $0x140, s1  }
0x7d0: {  	[tilespmem:s14], [sflag:$0x5] =	stream.linear.gather [hbm4b:s13+s18], $0x80, $0x38;
	[tilespmem:$0x1F900] =	vst v63  }
0x7d1: {  	s29 =	sadd.s32 $0x180, s1;
	s14 =	simm.s32 $0x19300  }
0x7d2: {  	[tilespmem:s14], [sflag:$0x5] =	stream.linear.gather [hbm4b:s29+s18], $0x80, $0x38;
	[tilespmem:$0x1F900] =	vst v63  }
0x7d3: {  	s5 =	simm.s32 $0x19500;
	s14 =	sadd.s32 $0x1C0, s1  }
0x7d4: {  	[tilespmem:s5], [sflag:$0x5] =	stream.linear.gather [hbm4b:s14+s18], $0x80, $0x38;
	[tilespmem:$0x1F900] =	vst v63  }
0x7d5: {  	_ =	swait.ge [sflag:s3], $0x400  }
0x7d6: {  	[sflag:s3] =	ssyncset.done $0x0  }
0x7d7: {  	s5 =	simm.s32 $0x18740;
	[sflag:s3] =	ssyncadd.s32 $0xFFFFFC00  }
0x7d8: {  	v0 =	vld [tilespmem:s5+$0x30]  }
0x7d9: {  	v1 =	vld [tilespmem:s5+$0xFFFFFFD0]  }
0x7da: {  	v2 =	vld [tilespmem:s5+$0xFFFFFFE0]  }
0x7db: {  	v3 =	vld [tilespmem:s5+$0xFFFFFFF0]  }
0x7dc: {  	v4 =	vld [tilespmem:s5+$0x0]  }
0x7dd: {  	v6 =	vld [tilespmem:s5+$0x10]  }
0x7de: {  	v7 =	vld [tilespmem:s5+$0x20]  }
0x7df: {  	v8 =	vld [tilespmem:s5+$0xFFFFFFC0]  }
0x7e0: {  	v9 =	vld.idx.msk [tilespmem:v0+s18+$0x0], $0xffff  }
0x7e1: {  	v10 =	vld.idx.msk [tilespmem:v1+s18+$0x0], $0xffff  }
0x7e2: {  	v5 =	vld.idx.msk [tilespmem:v2+s18+$0x0], $0xffff  }
0x7e3: {  	v3 =	vld.idx.msk [tilespmem:v3+s18+$0x0], $0xffff  }
0x7e4: {  	v0 =	vld.idx.msk [tilespmem:v4+s18+$0x0], $0xffff  }
0x7e5: {  	s1 =	simm.s32 $0x1A740;
	v1 =	vld.idx.msk [tilespmem:v6+s18+$0x0], $0xffff  }
0x7e6: {  	v2 =	vld.idx.msk [tilespmem:v7+s18+$0x0], $0xffff;
	[tilespmem:s1+$0x30] =	vst v9  }
0x7e7: {  	s3 =	simm.s32 $0x0;
	s5 =	simm.s32 $0x18940;
	v4 =	vld.idx.msk [tilespmem:v8+s18+$0x0], $0xffff;
	[tilespmem:s1+$0xFFFFFFD0] =	vst v10  }
.LBB2_46:
0x7e8: {  	v6 =	vld [tilespmem:s5+$0x30];
	s3 =	sadd.s32 $0x80, s3;
	[tilespmem:s1+$0xFFFFFFE0] =	vst v5  }
0x7e9: {  	v5 =	vld [tilespmem:s5+$0xFFFFFFD0];
	p1 =	slt.u32 s3, $0x380;
	[tilespmem:s1+$0xFFFFFFF0] =	vst v3  }
0x7ea: {  	v3 =	vld [tilespmem:s5+$0xFFFFFFE0];
	[tilespmem:s1+$0x0] =	vst v0  }
0x7eb: {  	v0 =	vld [tilespmem:s5+$0xFFFFFFF0];
	[tilespmem:s1+$0x10] =	vst v1  }
0x7ec: {  	v1 =	vld [tilespmem:s5+$0x0];
	[tilespmem:s1+$0x20] =	vst v2  }
0x7ed: {  	v2 =	vld [tilespmem:s5+$0x10];
	[tilespmem:s1+$0xFFFFFFC0] =	vst v4  }
0x7ee: {  	v4 =	vld [tilespmem:s5+$0x20]  }
0x7ef: {  	v7 =	vld [tilespmem:s5+$0xFFFFFFC0]  }
0x7f0: {  	v6 =	vld.idx.msk [tilespmem:v6+s18+$0x0], $0xffff  }
0x7f1: {  	v8 =	vld.idx.msk [tilespmem:v5+s18+$0x0], $0xffff  }
0x7f2: {  	v5 =	vld.idx.msk [tilespmem:v3+s18+$0x0], $0xffff  }
.Ltmp28:
0x7f3: {  	v3 =	vld.idx.msk [tilespmem:v0+s18+$0x0], $0xffff;
	(pc) =	sbr.rel @p1 .LBB2_46-.Ltmp28, $4  }
0x7f4: {  	v0 =	vld.idx.msk [tilespmem:v1+s18+$0x0], $0xffff  }
0x7f5: {  	s1 =	sadd.s32 $0x200, s1;
	v1 =	vld.idx.msk [tilespmem:v2+s18+$0x0], $0xffff  }
0x7f6: {  	v2 =	vld.idx.msk [tilespmem:v4+s18+$0x0], $0xffff;
	[tilespmem:s1+$0x30] =	vst v6  }
0x7f7: {  	s5 =	sadd.s32 $0x200, s5;
	v4 =	vld.idx.msk [tilespmem:v7+s18+$0x0], $0xffff;
	[tilespmem:s1+$0xFFFFFFD0] =	vst v8  }
0x7f8: {  	[tilespmem:s1+$0xFFFFFFE0] =	vst v5  }
0x7f9: {  	[tilespmem:s1+$0xFFFFFFF0] =	vst v3  }
0x7fa: {  	[tilespmem:s1+$0x0] =	vst v0  }
0x7fb: {  	[tilespmem:s1+$0x10] =	vst v1  }
0x7fc: {  	[tilespmem:s1+$0x20] =	vst v2  }
0x7fd: {  	[tilespmem:s1+$0xFFFFFFC0] =	vst v4  }
0x7fe: {  	s3 =	rddreg [dreg:$0x1b]  }
0x7ff: {  	[hbm4b:s3+s18] =	stream.linear.scatter [tilespmem:s6], [sflag:$0x5], $0x80, $0x38;
	[tilespmem:$0x1F900] =	vst v63  }
0x800: {  	s5 =	sadd.s32 $0x80, s3  }
0x801: {  	[hbm4b:s5+s18] =	stream.linear.scatter [tilespmem:s15], [sflag:$0x5], $0x80, $0x38;
	[tilespmem:$0x1F900] =	vst v63  }
0x802: {  	s5 =	sadd.s32 $0x100, s3  }
0x803: {  	[hbm4b:s5+s18] =	stream.linear.scatter [tilespmem:s16], [sflag:$0x5], $0x80, $0x38;
	[tilespmem:$0x1F900] =	vst v63  }
0x804: {  	s5 =	sadd.s32 $0x180, s3  }
0x805: {  	[hbm4b:s5+s18] =	stream.linear.scatter [tilespmem:s17], [sflag:$0x5], $0x80, $0x38;
	[tilespmem:$0x1F900] =	vst v63  }
0x806: {  	s5 =	sadd.s32 $0x200, s3  }
0x807: {  	[hbm4b:s5+s18] =	stream.linear.scatter [tilespmem:s19], [sflag:$0x5], $0x80, $0x38;
	[tilespmem:$0x1F900] =	vst v63  }
0x808: {  	s5 =	sadd.s32 $0x280, s3  }
0x809: {  	[hbm4b:s5+s18] =	stream.linear.scatter [tilespmem:s20], [sflag:$0x5], $0x80, $0x38;
	[tilespmem:$0x1F900] =	vst v63  }
0x80a: {  	s5 =	sadd.s32 $0x300, s3  }
0x80b: {  	[hbm4b:s5+s18] =	stream.linear.scatter [tilespmem:s21], [sflag:$0x5], $0x80, $0x38;
	[tilespmem:$0x1F900] =	vst v63  }
0x80c: {  	s3 =	sadd.s32 $0x380, s3  }
0x80d: {  	[hbm4b:s3+s18] =	stream.linear.scatter [tilespmem:s22], [sflag:$0x5], $0x80, $0x38;
	[tilespmem:$0x1F900] =	vst v63  }
0x80e: {  	s3 =	simm.s32 $0x5  }
0x80f: {  	_ =	swait.ge [sflag:s3], $0x400  }
0x810: {  	[sflag:s3] =	ssyncset.done $0x0  }
0x811: {  	s5 =	rddreg [dreg:$0x11];
	[sflag:s3] =	ssyncadd.s32 $0xFFFFFC00  }
0x812: {  	[tilespmem:s18], [sflag:$0x5] =	stream.strided.gather [hbm4b:s5+s8], $0x18700, s9, s8, $0x38;
	[tilespmem:$0x1F900] =	vst v63  }
0x813: {  	_ =	swait.ge [sflag:s3], $0x18700  }
0x814: {  	[sflag:s3] =	ssyncset.done $0x0  }
0x815: {  	s5 =	simm.s32 $0x18700;
	[sflag:s3] =	ssyncadd.s32 $0xFFFE7900;
	s3 =	rddreg [dreg:$0x16]  }
0x816: {  	[tilespmem:s5], [sflag:$0x5] =	stream.linear.gather [hbm4b:s3+s18], $0x80, $0x38;
	[tilespmem:$0x1F900] =	vst v63  }
0x817: {  	s5 =	simm.s32 $0x18900  }
0x818: {  	[tilespmem:s5], [sflag:$0x5] =	stream.linear.gather [hbm4b:s0+s18], $0x80, $0x38;
	[tilespmem:$0x1F900] =	vst v63  }
0x819: {  	s1 =	simm.s32 $0x18B00  }
0x81a: {  	[tilespmem:s1], [sflag:$0x5] =	stream.linear.gather [hbm4b:s2+s18], $0x80, $0x38;
	[tilespmem:$0x1F900] =	vst v63  }
0x81b: {  	s3 =	simm.s32 $0x18D00  }
0x81c: {  	[tilespmem:s3], [sflag:$0x5] =	stream.linear.gather [hbm4b:s10+s18], $0x80, $0x38;
	[tilespmem:$0x1F900] =	vst v63  }
0x81d: {  	s5 =	simm.s32 $0x18F00  }
0x81e: {  	[tilespmem:s5], [sflag:$0x5] =	stream.linear.gather [hbm4b:s12+s18], $0x80, $0x38;
	[tilespmem:$0x1F900] =	vst v63  }
0x81f: {  	s10 =	simm.s32 $0x19100  }
0x820: {  	[tilespmem:s10], [sflag:$0x5] =	stream.linear.gather [hbm4b:s13+s18], $0x80, $0x38;
	[tilespmem:$0x1F900] =	vst v63  }
0x821: {  	s12 =	simm.s32 $0x19300  }
0x822: {  	[tilespmem:s12], [sflag:$0x5] =	stream.linear.gather [hbm4b:s29+s18], $0x80, $0x38;
	[tilespmem:$0x1F900] =	vst v63  }
0x823: {  	s3 =	simm.s32 $0x5;
	s13 =	simm.s32 $0x19500  }
0x824: {  	[tilespmem:s13], [sflag:$0x5] =	stream.linear.gather [hbm4b:s14+s18], $0x80, $0x38;
	[tilespmem:$0x1F900] =	vst v63  }
0x825: {  	_ =	swait.ge [sflag:s3], $0x400  }
0x826: {  	[sflag:s3] =	ssyncset.done $0x0  }
0x827: {  	s29 =	simm.s32 $0x18740;
	[sflag:s3] =	ssyncadd.s32 $0xFFFFFC00  }
0x828: {  	v0 =	vld [tilespmem:s29+$0x30]  }
0x829: {  	v1 =	vld [tilespmem:s29+$0xFFFFFFD0]  }
0x82a: {  	v2 =	vld [tilespmem:s29+$0xFFFFFFE0]  }
0x82b: {  	v3 =	vld [tilespmem:s29+$0xFFFFFFF0]  }
0x82c: {  	v4 =	vld [tilespmem:s29+$0x0]  }
0x82d: {  	v6 =	vld [tilespmem:s29+$0x10]  }
0x82e: {  	v7 =	vld [tilespmem:s29+$0x20]  }
0x82f: {  	v8 =	vld [tilespmem:s29+$0xFFFFFFC0]  }
0x830: {  	v9 =	vld.idx.msk [tilespmem:v0+s18+$0x0], $0xffff  }
0x831: {  	v10 =	vld.idx.msk [tilespmem:v1+s18+$0x0], $0xffff  }
0x832: {  	v5 =	vld.idx.msk [tilespmem:v2+s18+$0x0], $0xffff  }
0x833: {  	v3 =	vld.idx.msk [tilespmem:v3+s18+$0x0], $0xffff  }
0x834: {  	v0 =	vld.idx.msk [tilespmem:v4+s18+$0x0], $0xffff  }
0x835: {  	s0 =	simm.s32 $0x1A740;
	v1 =	vld.idx.msk [tilespmem:v6+s18+$0x0], $0xffff  }
0x836: {  	v2 =	vld.idx.msk [tilespmem:v7+s18+$0x0], $0xffff;
	[tilespmem:s0+$0x30] =	vst v9  }
0x837: {  	s1 =	simm.s32 $0x0;
	s2 =	simm.s32 $0x18940;
	v4 =	vld.idx.msk [tilespmem:v8+s18+$0x0], $0xffff;
	[tilespmem:s0+$0xFFFFFFD0] =	vst v10  }
.LBB2_48:
0x838: {  	v6 =	vld [tilespmem:s2+$0x30];
	s1 =	sadd.s32 $0x80, s1;
	[tilespmem:s0+$0xFFFFFFE0] =	vst v5  }
0x839: {  	v5 =	vld [tilespmem:s2+$0xFFFFFFD0];
	p1 =	slt.u32 s1, $0x380;
	[tilespmem:s0+$0xFFFFFFF0] =	vst v3  }
0x83a: {  	v3 =	vld [tilespmem:s2+$0xFFFFFFE0];
	[tilespmem:s0+$0x0] =	vst v0  }
0x83b: {  	v0 =	vld [tilespmem:s2+$0xFFFFFFF0];
	[tilespmem:s0+$0x10] =	vst v1  }
0x83c: {  	v1 =	vld [tilespmem:s2+$0x0];
	[tilespmem:s0+$0x20] =	vst v2  }
0x83d: {  	v2 =	vld [tilespmem:s2+$0x10];
	[tilespmem:s0+$0xFFFFFFC0] =	vst v4  }
0x83e: {  	v4 =	vld [tilespmem:s2+$0x20]  }
0x83f: {  	v7 =	vld [tilespmem:s2+$0xFFFFFFC0]  }
0x840: {  	v6 =	vld.idx.msk [tilespmem:v6+s18+$0x0], $0xffff  }
0x841: {  	v8 =	vld.idx.msk [tilespmem:v5+s18+$0x0], $0xffff  }
0x842: {  	v5 =	vld.idx.msk [tilespmem:v3+s18+$0x0], $0xffff  }
.Ltmp29:
0x843: {  	v3 =	vld.idx.msk [tilespmem:v0+s18+$0x0], $0xffff;
	(pc) =	sbr.rel @p1 .LBB2_48-.Ltmp29, $4  }
0x844: {  	v0 =	vld.idx.msk [tilespmem:v1+s18+$0x0], $0xffff  }
0x845: {  	s0 =	sadd.s32 $0x200, s0;
	v1 =	vld.idx.msk [tilespmem:v2+s18+$0x0], $0xffff  }
0x846: {  	v2 =	vld.idx.msk [tilespmem:v4+s18+$0x0], $0xffff;
	[tilespmem:s0+$0x30] =	vst v6  }
0x847: {  	s2 =	sadd.s32 $0x200, s2;
	v4 =	vld.idx.msk [tilespmem:v7+s18+$0x0], $0xffff;
	[tilespmem:s0+$0xFFFFFFD0] =	vst v8  }
0x848: {  	[tilespmem:s0+$0xFFFFFFE0] =	vst v5  }
0x849: {  	[tilespmem:s0+$0xFFFFFFF0] =	vst v3  }
0x84a: {  	[tilespmem:s0+$0x0] =	vst v0  }
0x84b: {  	[tilespmem:s0+$0x10] =	vst v1  }
0x84c: {  	[tilespmem:s0+$0x20] =	vst v2  }
0x84d: {  	[tilespmem:s0+$0xFFFFFFC0] =	vst v4  }
0x84e: {  	s1 =	rddreg [dreg:$0x1c]  }
0x84f: {  	[hbm4b:s1+s18] =	stream.linear.scatter [tilespmem:s6], [sflag:$0x5], $0x80, $0x38;
	[tilespmem:$0x1F900] =	vst v63  }
0x850: {  	s5 =	sadd.s32 $0x80, s1  }
0x851: {  	[hbm4b:s5+s18] =	stream.linear.scatter [tilespmem:s15], [sflag:$0x5], $0x80, $0x38;
	[tilespmem:$0x1F900] =	vst v63  }
0x852: {  	s10 =	sadd.s32 $0x100, s1  }
0x853: {  	[hbm4b:s10+s18] =	stream.linear.scatter [tilespmem:s16], [sflag:$0x5], $0x80, $0x38;
	[tilespmem:$0x1F900] =	vst v63  }
0x854: {  	s12 =	sadd.s32 $0x180, s1  }
0x855: {  	[hbm4b:s12+s18] =	stream.linear.scatter [tilespmem:s17], [sflag:$0x5], $0x80, $0x38;
	[tilespmem:$0x1F900] =	vst v63  }
0x856: {  	s13 =	sadd.s32 $0x200, s1  }
0x857: {  	[hbm4b:s13+s18] =	stream.linear.scatter [tilespmem:s19], [sflag:$0x5], $0x80, $0x38;
	[tilespmem:$0x1F900] =	vst v63  }
0x858: {  	s14 =	sadd.s32 $0x280, s1  }
0x859: {  	[hbm4b:s14+s18] =	stream.linear.scatter [tilespmem:s20], [sflag:$0x5], $0x80, $0x38;
	[tilespmem:$0x1F900] =	vst v63  }
0x85a: {  	s29 =	sadd.s32 $0x300, s1  }
0x85b: {  	[hbm4b:s29+s18] =	stream.linear.scatter [tilespmem:s21], [sflag:$0x5], $0x80, $0x38;
	[tilespmem:$0x1F900] =	vst v63  }
0x85c: {  	s2 =	sadd.s32 $0x380, s1  }
0x85d: {  	[hbm4b:s2+s18] =	stream.linear.scatter [tilespmem:s22], [sflag:$0x5], $0x80, $0x38;
	[tilespmem:$0x1F900] =	vst v63  }
0x85e: {  	_ =	swait.ge [sflag:s3], $0x400  }
0x85f: {  	[sflag:s3] =	ssyncset.done $0x0  }
0x860: {  	s5 =	rddreg [dreg:$0x12];
	[sflag:s3] =	ssyncadd.s32 $0xFFFFFC00  }
0x861: {  	[tilespmem:s18], [sflag:$0x5] =	stream.strided.gather [hbm4b:s5+s8], $0x18700, s9, s8, $0x38;
	[tilespmem:$0x1F900] =	vst v63  }
0x862: {  	_ =	swait.ge [sflag:s3], $0x18700  }
0x863: {  	[sflag:s3] =	ssyncset.done $0x0  }
0x864: {  	s10 =	simm.s32 $0x18700;
	s1 =	rddreg [dreg:$0x17];
	[sflag:s3] =	ssyncadd.s32 $0xFFFE7900  }
0x865: {  	[tilespmem:s10], [sflag:$0x5] =	stream.linear.gather [hbm4b:s1+s18], $0x80, $0x38;
	[tilespmem:$0x1F900] =	vst v63  }
0x866: {  	s12 =	sadd.s32 $0x40, s1;
	s10 =	simm.s32 $0x18900  }
0x867: {  	[tilespmem:s10], [sflag:$0x5] =	stream.linear.gather [hbm4b:s12+s18], $0x80, $0x38;
	[tilespmem:$0x1F900] =	vst v63  }
0x868: {  	s13 =	sadd.s32 $0x80, s1;
	s12 =	simm.s32 $0x18B00  }
0x869: {  	[tilespmem:s12], [sflag:$0x5] =	stream.linear.gather [hbm4b:s13+s18], $0x80, $0x38;
	[tilespmem:$0x1F900] =	vst v63  }
0x86a: {  	s14 =	sadd.s32 $0xC0, s1;
	s13 =	simm.s32 $0x18D00  }
0x86b: {  	[tilespmem:s13], [sflag:$0x5] =	stream.linear.gather [hbm4b:s14+s18], $0x80, $0x38;
	[tilespmem:$0x1F900] =	vst v63  }
0x86c: {  	s2 =	simm.s32 $0x18F00;
	s29 =	sadd.s32 $0x100, s1  }
0x86d: {  	[tilespmem:s2], [sflag:$0x5] =	stream.linear.gather [hbm4b:s29+s18], $0x80, $0x38;
	[tilespmem:$0x1F900] =	vst v63  }
0x86e: {  	s5 =	simm.s32 $0x19100;
	s2 =	sadd.s32 $0x140, s1  }
0x86f: {  	[tilespmem:s5], [sflag:$0x5] =	stream.linear.gather [hbm4b:s2+s18], $0x80, $0x38;
	[tilespmem:$0x1F900] =	vst v63  }
0x870: {  	s14 =	sadd.s32 $0x180, s1;
	s29 =	simm.s32 $0x19300  }
0x871: {  	[tilespmem:s29], [sflag:$0x5] =	stream.linear.gather [hbm4b:s14+s18], $0x80, $0x38;
	[tilespmem:$0x1F900] =	vst v63  }
0x872: {  	s5 =	sadd.s32 $0x1C0, s1;
	s14 =	simm.s32 $0x19500  }
0x873: {  	[tilespmem:s14], [sflag:$0x5] =	stream.linear.gather [hbm4b:s5+s18], $0x80, $0x38;
	[tilespmem:$0x1F900] =	vst v63  }
0x874: {  	_ =	swait.ge [sflag:s3], $0x400  }
0x875: {  	[sflag:s3] =	ssyncset.done $0x0  }
0x876: {  	s29 =	simm.s32 $0x18740;
	[sflag:s3] =	ssyncadd.s32 $0xFFFFFC00  }
0x877: {  	v0 =	vld [tilespmem:s29+$0x30]  }
0x878: {  	v1 =	vld [tilespmem:s29+$0xFFFFFFD0]  }
0x879: {  	v2 =	vld [tilespmem:s29+$0xFFFFFFE0]  }
0x87a: {  	v3 =	vld [tilespmem:s29+$0xFFFFFFF0]  }
0x87b: {  	v4 =	vld [tilespmem:s29+$0x0]  }
0x87c: {  	v6 =	vld [tilespmem:s29+$0x10]  }
0x87d: {  	v7 =	vld [tilespmem:s29+$0x20]  }
0x87e: {  	v8 =	vld [tilespmem:s29+$0xFFFFFFC0]  }
0x87f: {  	v9 =	vld.idx.msk [tilespmem:v0+s18+$0x0], $0xffff  }
0x880: {  	v10 =	vld.idx.msk [tilespmem:v1+s18+$0x0], $0xffff;
	_ =	sdelay $0x1  }
0x881: {  	v5 =	vld.idx.msk [tilespmem:v2+s18+$0x0], $0xffff  }
0x882: {  	s0 =	simm.s32 $0x1A740;
	v3 =	vld.idx.msk [tilespmem:v3+s18+$0x0], $0xffff  }
0x883: {  	v0 =	vld.idx.msk [tilespmem:v4+s18+$0x0], $0xffff;
	[tilespmem:s0+$0x30] =	vst v9  }
0x884: {  	v1 =	vld.idx.msk [tilespmem:v6+s18+$0x0], $0xffff;
	[tilespmem:s0+$0xFFFFFFD0] =	vst v10  }
0x885: {  	v2 =	vld.idx.msk [tilespmem:v7+s18+$0x0], $0xffff;
	s5 =	rddreg [dreg:$0x9]  }
0x886: {  	s1 =	simm.s32 $0x0;
	s2 =	simm.s32 $0x18940;
	v4 =	vld.idx.msk [tilespmem:v8+s18+$0x0], $0xffff;
	s14 =	rddreg [dreg:$0xb]  }
.LBB2_50:
0x887: {  	v6 =	vld [tilespmem:s2+$0x30];
	s1 =	sadd.s32 $0x80, s1;
	[tilespmem:s0+$0xFFFFFFE0] =	vst v5  }
0x888: {  	v5 =	vld [tilespmem:s2+$0xFFFFFFD0];
	p1 =	slt.u32 s1, $0x380;
	[tilespmem:s0+$0xFFFFFFF0] =	vst v3  }
0x889: {  	v3 =	vld [tilespmem:s2+$0xFFFFFFE0];
	[tilespmem:s0+$0x0] =	vst v0  }
0x88a: {  	v0 =	vld [tilespmem:s2+$0xFFFFFFF0];
	[tilespmem:s0+$0x10] =	vst v1  }
0x88b: {  	v1 =	vld [tilespmem:s2+$0x0];
	[tilespmem:s0+$0x20] =	vst v2  }
0x88c: {  	v2 =	vld [tilespmem:s2+$0x10];
	[tilespmem:s0+$0xFFFFFFC0] =	vst v4  }
0x88d: {  	v4 =	vld [tilespmem:s2+$0x20]  }
0x88e: {  	v7 =	vld [tilespmem:s2+$0xFFFFFFC0]  }
0x88f: {  	v6 =	vld.idx.msk [tilespmem:v6+s18+$0x0], $0xffff  }
0x890: {  	v8 =	vld.idx.msk [tilespmem:v5+s18+$0x0], $0xffff  }
0x891: {  	v5 =	vld.idx.msk [tilespmem:v3+s18+$0x0], $0xffff  }
.Ltmp30:
0x892: {  	v3 =	vld.idx.msk [tilespmem:v0+s18+$0x0], $0xffff;
	(pc) =	sbr.rel @p1 .LBB2_50-.Ltmp30, $4  }
0x893: {  	v0 =	vld.idx.msk [tilespmem:v1+s18+$0x0], $0xffff  }
0x894: {  	s0 =	sadd.s32 $0x200, s0;
	v1 =	vld.idx.msk [tilespmem:v2+s18+$0x0], $0xffff  }
0x895: {  	v2 =	vld.idx.msk [tilespmem:v4+s18+$0x0], $0xffff;
	[tilespmem:s0+$0x30] =	vst v6  }
0x896: {  	s2 =	sadd.s32 $0x200, s2;
	v4 =	vld.idx.msk [tilespmem:v7+s18+$0x0], $0xffff;
	[tilespmem:s0+$0xFFFFFFD0] =	vst v8  }
0x897: {  	[tilespmem:s0+$0xFFFFFFE0] =	vst v5  }
0x898: {  	[tilespmem:s0+$0xFFFFFFF0] =	vst v3  }
0x899: {  	[tilespmem:s0+$0x0] =	vst v0  }
0x89a: {  	[tilespmem:s0+$0x10] =	vst v1  }
0x89b: {  	[tilespmem:s0+$0x20] =	vst v2  }
0x89c: {  	[tilespmem:s0+$0xFFFFFFC0] =	vst v4  }
0x89d: {  	s1 =	rddreg [dreg:$0x1d]  }
0x89e: {  	[hbm4b:s1+s18] =	stream.linear.scatter [tilespmem:s6], [sflag:$0x5], $0x80, $0x38;
	[tilespmem:$0x1F900] =	vst v63  }
0x89f: {  	s2 =	sadd.s32 $0x80, s1  }
0x8a0: {  	[hbm4b:s2+s18] =	stream.linear.scatter [tilespmem:s15], [sflag:$0x5], $0x80, $0x38;
	[tilespmem:$0x1F900] =	vst v63  }
0x8a1: {  	s29 =	sadd.s32 $0x100, s1  }
0x8a2: {  	[hbm4b:s29+s18] =	stream.linear.scatter [tilespmem:s16], [sflag:$0x5], $0x80, $0x38;
	[tilespmem:$0x1F900] =	vst v63  }
0x8a3: {  	s2 =	sadd.s32 $0x180, s1  }
0x8a4: {  	[hbm4b:s2+s18] =	stream.linear.scatter [tilespmem:s17], [sflag:$0x5], $0x80, $0x38;
	[tilespmem:$0x1F900] =	vst v63  }
0x8a5: {  	s29 =	sadd.s32 $0x200, s1  }
0x8a6: {  	[hbm4b:s29+s18] =	stream.linear.scatter [tilespmem:s19], [sflag:$0x5], $0x80, $0x38;
	[tilespmem:$0x1F900] =	vst v63  }
0x8a7: {  	s2 =	sadd.s32 $0x280, s1  }
0x8a8: {  	[hbm4b:s2+s18] =	stream.linear.scatter [tilespmem:s20], [sflag:$0x5], $0x80, $0x38;
	[tilespmem:$0x1F900] =	vst v63  }
0x8a9: {  	s29 =	sadd.s32 $0x300, s1  }
0x8aa: {  	[hbm4b:s29+s18] =	stream.linear.scatter [tilespmem:s21], [sflag:$0x5], $0x80, $0x38;
	[tilespmem:$0x1F900] =	vst v63  }
0x8ab: {  	s1 =	sadd.s32 $0x380, s1  }
0x8ac: {  	[hbm4b:s1+s18] =	stream.linear.scatter [tilespmem:s22], [sflag:$0x5], $0x80, $0x38;
	[tilespmem:$0x1F900] =	vst v63  }
0x8ad: {  	_ =	swait.ge [sflag:s3], $0x400  }
0x8ae: {  	[sflag:s3] =	ssyncset.done $0x0  }
0x8af: {  	s2 =	rddreg [dreg:$0x13];
	[sflag:s3] =	ssyncadd.s32 $0xFFFFFC00  }
0x8b0: {  	[tilespmem:s18], [sflag:$0x5] =	stream.strided.gather [hbm4b:s2+s8], $0x18700, s9, s8, $0x38;
	[tilespmem:$0x1F900] =	vst v63  }
0x8b1: {  	_ =	swait.ge [sflag:s3], $0x18700  }
0x8b2: {  	[sflag:s3] =	ssyncset.done $0x0  }
0x8b3: {  	s29 =	simm.s32 $0x18700;
	s1 =	rddreg [dreg:$0x18];
	[sflag:s3] =	ssyncadd.s32 $0xFFFE7900  }
0x8b4: {  	[tilespmem:s29], [sflag:$0x5] =	stream.linear.gather [hbm4b:s1+s18], $0x80, $0x38;
	[tilespmem:$0x1F900] =	vst v63  }
0x8b5: {  	s2 =	sadd.s32 $0x40, s1  }
0x8b6: {  	[tilespmem:s10], [sflag:$0x5] =	stream.linear.gather [hbm4b:s2+s18], $0x80, $0x38;
	[tilespmem:$0x1F900] =	vst v63  }
0x8b7: {  	s29 =	sadd.s32 $0x80, s1  }
0x8b8: {  	[tilespmem:s12], [sflag:$0x5] =	stream.linear.gather [hbm4b:s29+s18], $0x80, $0x38;
	[tilespmem:$0x1F900] =	vst v63  }
0x8b9: {  	s2 =	sadd.s32 $0xC0, s1  }
0x8ba: {  	[tilespmem:s13], [sflag:$0x5] =	stream.linear.gather [hbm4b:s2+s18], $0x80, $0x38;
	[tilespmem:$0x1F900] =	vst v63  }
0x8bb: {  	s29 =	sadd.s32 $0x100, s1;
	s2 =	simm.s32 $0x18F00  }
0x8bc: {  	[tilespmem:s2], [sflag:$0x5] =	stream.linear.gather [hbm4b:s29+s18], $0x80, $0x38;
	[tilespmem:$0x1F900] =	vst v63  }
0x8bd: {  	s2 =	sadd.s32 $0x140, s1;
	s29 =	simm.s32 $0x19100  }
0x8be: {  	[tilespmem:s29], [sflag:$0x5] =	stream.linear.gather [hbm4b:s2+s18], $0x80, $0x38;
	[tilespmem:$0x1F900] =	vst v63  }
0x8bf: {  	s2 =	sadd.s32 $0x180, s1;
	s29 =	simm.s32 $0x19300  }
0x8c0: {  	[tilespmem:s29], [sflag:$0x5] =	stream.linear.gather [hbm4b:s2+s18], $0x80, $0x38;
	[tilespmem:$0x1F900] =	vst v63  }
0x8c1: {  	s1 =	sadd.s32 $0x1C0, s1;
	s2 =	simm.s32 $0x19500  }
0x8c2: {  	[tilespmem:s2], [sflag:$0x5] =	stream.linear.gather [hbm4b:s1+s18], $0x80, $0x38;
	[tilespmem:$0x1F900] =	vst v63  }
0x8c3: {  	_ =	swait.ge [sflag:s3], $0x400  }
0x8c4: {  	[sflag:s3] =	ssyncset.done $0x0  }
0x8c5: {  	s29 =	simm.s32 $0x18740;
	[sflag:s3] =	ssyncadd.s32 $0xFFFFFC00  }
0x8c6: {  	v0 =	vld [tilespmem:s29+$0x30]  }
0x8c7: {  	v1 =	vld [tilespmem:s29+$0xFFFFFFD0]  }
0x8c8: {  	v2 =	vld [tilespmem:s29+$0xFFFFFFE0]  }
0x8c9: {  	v3 =	vld [tilespmem:s29+$0xFFFFFFF0]  }
0x8ca: {  	v4 =	vld [tilespmem:s29+$0x0]  }
0x8cb: {  	v6 =	vld [tilespmem:s29+$0x10]  }
0x8cc: {  	v7 =	vld [tilespmem:s29+$0x20]  }
0x8cd: {  	v8 =	vld [tilespmem:s29+$0xFFFFFFC0]  }
0x8ce: {  	v9 =	vld.idx.msk [tilespmem:v0+s18+$0x0], $0xffff  }
0x8cf: {  	v10 =	vld.idx.msk [tilespmem:v1+s18+$0x0], $0xffff  }
0x8d0: {  	v5 =	vld.idx.msk [tilespmem:v2+s18+$0x0], $0xffff  }
0x8d1: {  	v3 =	vld.idx.msk [tilespmem:v3+s18+$0x0], $0xffff  }
0x8d2: {  	v0 =	vld.idx.msk [tilespmem:v4+s18+$0x0], $0xffff  }
0x8d3: {  	s0 =	simm.s32 $0x1A740;
	v1 =	vld.idx.msk [tilespmem:v6+s18+$0x0], $0xffff  }
0x8d4: {  	v2 =	vld.idx.msk [tilespmem:v7+s18+$0x0], $0xffff;
	[tilespmem:s0+$0x30] =	vst v9  }
0x8d5: {  	s1 =	simm.s32 $0x0;
	s2 =	simm.s32 $0x18940;
	v4 =	vld.idx.msk [tilespmem:v8+s18+$0x0], $0xffff;
	[tilespmem:s0+$0xFFFFFFD0] =	vst v10  }
.LBB2_52:
0x8d6: {  	v6 =	vld [tilespmem:s2+$0x30];
	s1 =	sadd.s32 $0x80, s1;
	[tilespmem:s0+$0xFFFFFFE0] =	vst v5  }
0x8d7: {  	v5 =	vld [tilespmem:s2+$0xFFFFFFD0];
	p1 =	slt.u32 s1, $0x380;
	[tilespmem:s0+$0xFFFFFFF0] =	vst v3  }
0x8d8: {  	v3 =	vld [tilespmem:s2+$0xFFFFFFE0];
	[tilespmem:s0+$0x0] =	vst v0  }
0x8d9: {  	v0 =	vld [tilespmem:s2+$0xFFFFFFF0];
	[tilespmem:s0+$0x10] =	vst v1  }
0x8da: {  	v1 =	vld [tilespmem:s2+$0x0];
	[tilespmem:s0+$0x20] =	vst v2  }
0x8db: {  	v2 =	vld [tilespmem:s2+$0x10];
	[tilespmem:s0+$0xFFFFFFC0] =	vst v4  }
0x8dc: {  	v4 =	vld [tilespmem:s2+$0x20]  }
0x8dd: {  	v7 =	vld [tilespmem:s2+$0xFFFFFFC0]  }
0x8de: {  	v6 =	vld.idx.msk [tilespmem:v6+s18+$0x0], $0xffff  }
0x8df: {  	v8 =	vld.idx.msk [tilespmem:v5+s18+$0x0], $0xffff  }
0x8e0: {  	v5 =	vld.idx.msk [tilespmem:v3+s18+$0x0], $0xffff  }
.Ltmp31:
0x8e1: {  	v3 =	vld.idx.msk [tilespmem:v0+s18+$0x0], $0xffff;
	(pc) =	sbr.rel @p1 .LBB2_52-.Ltmp31, $4  }
0x8e2: {  	v0 =	vld.idx.msk [tilespmem:v1+s18+$0x0], $0xffff  }
0x8e3: {  	s0 =	sadd.s32 $0x200, s0;
	v1 =	vld.idx.msk [tilespmem:v2+s18+$0x0], $0xffff  }
0x8e4: {  	v2 =	vld.idx.msk [tilespmem:v4+s18+$0x0], $0xffff;
	[tilespmem:s0+$0x30] =	vst v6  }
0x8e5: {  	s2 =	sadd.s32 $0x200, s2;
	v4 =	vld.idx.msk [tilespmem:v7+s18+$0x0], $0xffff;
	[tilespmem:s0+$0xFFFFFFD0] =	vst v8  }
0x8e6: {  	[tilespmem:s0+$0xFFFFFFE0] =	vst v5  }
0x8e7: {  	[tilespmem:s0+$0xFFFFFFF0] =	vst v3  }
0x8e8: {  	[tilespmem:s0+$0x0] =	vst v0  }
0x8e9: {  	[tilespmem:s0+$0x10] =	vst v1  }
0x8ea: {  	[tilespmem:s0+$0x20] =	vst v2  }
0x8eb: {  	[tilespmem:s0+$0xFFFFFFC0] =	vst v4  }
0x8ec: {  	s1 =	rddreg [dreg:$0x1e]  }
0x8ed: {  	[hbm4b:s1+s18] =	stream.linear.scatter [tilespmem:s6], [sflag:$0x5], $0x80, $0x38;
	[tilespmem:$0x1F900] =	vst v63  }
0x8ee: {  	s2 =	sadd.s32 $0x80, s1  }
0x8ef: {  	[hbm4b:s2+s18] =	stream.linear.scatter [tilespmem:s15], [sflag:$0x5], $0x80, $0x38;
	[tilespmem:$0x1F900] =	vst v63  }
0x8f0: {  	s29 =	sadd.s32 $0x100, s1  }
0x8f1: {  	[hbm4b:s29+s18] =	stream.linear.scatter [tilespmem:s16], [sflag:$0x5], $0x80, $0x38;
	[tilespmem:$0x1F900] =	vst v63  }
0x8f2: {  	s2 =	sadd.s32 $0x180, s1  }
0x8f3: {  	[hbm4b:s2+s18] =	stream.linear.scatter [tilespmem:s17], [sflag:$0x5], $0x80, $0x38;
	[tilespmem:$0x1F900] =	vst v63  }
0x8f4: {  	s29 =	sadd.s32 $0x200, s1  }
0x8f5: {  	[hbm4b:s29+s18] =	stream.linear.scatter [tilespmem:s19], [sflag:$0x5], $0x80, $0x38;
	[tilespmem:$0x1F900] =	vst v63  }
0x8f6: {  	s2 =	sadd.s32 $0x280, s1  }
0x8f7: {  	[hbm4b:s2+s18] =	stream.linear.scatter [tilespmem:s20], [sflag:$0x5], $0x80, $0x38;
	[tilespmem:$0x1F900] =	vst v63  }
0x8f8: {  	s29 =	sadd.s32 $0x300, s1  }
0x8f9: {  	[hbm4b:s29+s18] =	stream.linear.scatter [tilespmem:s21], [sflag:$0x5], $0x80, $0x38;
	[tilespmem:$0x1F900] =	vst v63  }
0x8fa: {  	s1 =	sadd.s32 $0x380, s1  }
0x8fb: {  	[hbm4b:s1+s18] =	stream.linear.scatter [tilespmem:s22], [sflag:$0x5], $0x80, $0x38;
	[tilespmem:$0x1F900] =	vst v63  }
0x8fc: {  	_ =	swait.ge [sflag:s3], $0x400  }
0x8fd: {  	[sflag:s3] =	ssyncset.done $0x0  }
0x8fe: {  	s2 =	rddreg [dreg:$0x14];
	[sflag:s3] =	ssyncadd.s32 $0xFFFFFC00  }
0x8ff: {  	[tilespmem:s18], [sflag:$0x5] =	stream.strided.gather [hbm4b:s2+s8], $0x18700, s9, s8, $0x38;
	[tilespmem:$0x1F900] =	vst v63  }
0x900: {  	_ =	swait.ge [sflag:s3], $0x18700  }
0x901: {  	[sflag:s3] =	ssyncset.done $0x0  }
0x902: {  	s29 =	simm.s32 $0x18700;
	s1 =	rddreg [dreg:$0x19];
	[sflag:s3] =	ssyncadd.s32 $0xFFFE7900  }
0x903: {  	[tilespmem:s29], [sflag:$0x5] =	stream.linear.gather [hbm4b:s1+s18], $0x80, $0x38;
	[tilespmem:$0x1F900] =	vst v63  }
0x904: {  	s2 =	sadd.s32 $0x40, s1  }
0x905: {  	[tilespmem:s10], [sflag:$0x5] =	stream.linear.gather [hbm4b:s2+s18], $0x80, $0x38;
	[tilespmem:$0x1F900] =	vst v63  }
0x906: {  	s29 =	sadd.s32 $0x80, s1  }
0x907: {  	[tilespmem:s12], [sflag:$0x5] =	stream.linear.gather [hbm4b:s29+s18], $0x80, $0x38;
	[tilespmem:$0x1F900] =	vst v63  }
0x908: {  	s2 =	sadd.s32 $0xC0, s1  }
0x909: {  	[tilespmem:s13], [sflag:$0x5] =	stream.linear.gather [hbm4b:s2+s18], $0x80, $0x38;
	[tilespmem:$0x1F900] =	vst v63  }
0x90a: {  	s29 =	sadd.s32 $0x100, s1;
	s2 =	simm.s32 $0x18F00  }
0x90b: {  	[tilespmem:s2], [sflag:$0x5] =	stream.linear.gather [hbm4b:s29+s18], $0x80, $0x38;
	[tilespmem:$0x1F900] =	vst v63  }
0x90c: {  	s2 =	sadd.s32 $0x140, s1;
	s29 =	simm.s32 $0x19100  }
0x90d: {  	[tilespmem:s29], [sflag:$0x5] =	stream.linear.gather [hbm4b:s2+s18], $0x80, $0x38;
	[tilespmem:$0x1F900] =	vst v63  }
0x90e: {  	s2 =	sadd.s32 $0x180, s1;
	s29 =	simm.s32 $0x19300  }
0x90f: {  	[tilespmem:s29], [sflag:$0x5] =	stream.linear.gather [hbm4b:s2+s18], $0x80, $0x38;
	[tilespmem:$0x1F900] =	vst v63  }
0x910: {  	s1 =	sadd.s32 $0x1C0, s1;
	s2 =	simm.s32 $0x19500  }
0x911: {  	[tilespmem:s2], [sflag:$0x5] =	stream.linear.gather [hbm4b:s1+s18], $0x80, $0x38;
	[tilespmem:$0x1F900] =	vst v63  }
0x912: {  	_ =	swait.ge [sflag:s3], $0x400  }
0x913: {  	[sflag:s3] =	ssyncset.done $0x0  }
0x914: {  	s29 =	simm.s32 $0x18740;
	[sflag:s3] =	ssyncadd.s32 $0xFFFFFC00  }
0x915: {  	v0 =	vld [tilespmem:s29+$0x30]  }
0x916: {  	v1 =	vld [tilespmem:s29+$0xFFFFFFD0]  }
0x917: {  	v2 =	vld [tilespmem:s29+$0xFFFFFFE0]  }
0x918: {  	v3 =	vld [tilespmem:s29+$0xFFFFFFF0]  }
0x919: {  	v4 =	vld [tilespmem:s29+$0x0]  }
0x91a: {  	v6 =	vld [tilespmem:s29+$0x10]  }
0x91b: {  	v7 =	vld [tilespmem:s29+$0x20]  }
0x91c: {  	v8 =	vld [tilespmem:s29+$0xFFFFFFC0]  }
0x91d: {  	v9 =	vld.idx.msk [tilespmem:v0+s18+$0x0], $0xffff  }
0x91e: {  	v10 =	vld.idx.msk [tilespmem:v1+s18+$0x0], $0xffff  }
0x91f: {  	v5 =	vld.idx.msk [tilespmem:v2+s18+$0x0], $0xffff  }
0x920: {  	v3 =	vld.idx.msk [tilespmem:v3+s18+$0x0], $0xffff  }
0x921: {  	v0 =	vld.idx.msk [tilespmem:v4+s18+$0x0], $0xffff  }
0x922: {  	s0 =	simm.s32 $0x1A740;
	v1 =	vld.idx.msk [tilespmem:v6+s18+$0x0], $0xffff  }
0x923: {  	v2 =	vld.idx.msk [tilespmem:v7+s18+$0x0], $0xffff;
	[tilespmem:s0+$0x30] =	vst v9  }
0x924: {  	s1 =	simm.s32 $0x0;
	s2 =	simm.s32 $0x18940;
	v4 =	vld.idx.msk [tilespmem:v8+s18+$0x0], $0xffff;
	[tilespmem:s0+$0xFFFFFFD0] =	vst v10  }
.LBB2_54:
0x925: {  	v6 =	vld [tilespmem:s2+$0x30];
	s1 =	sadd.s32 $0x80, s1;
	[tilespmem:s0+$0xFFFFFFE0] =	vst v5  }
0x926: {  	v5 =	vld [tilespmem:s2+$0xFFFFFFD0];
	p1 =	slt.u32 s1, $0x380;
	[tilespmem:s0+$0xFFFFFFF0] =	vst v3  }
0x927: {  	v3 =	vld [tilespmem:s2+$0xFFFFFFE0];
	[tilespmem:s0+$0x0] =	vst v0  }
0x928: {  	v0 =	vld [tilespmem:s2+$0xFFFFFFF0];
	[tilespmem:s0+$0x10] =	vst v1  }
0x929: {  	v1 =	vld [tilespmem:s2+$0x0];
	[tilespmem:s0+$0x20] =	vst v2  }
0x92a: {  	v2 =	vld [tilespmem:s2+$0x10];
	[tilespmem:s0+$0xFFFFFFC0] =	vst v4  }
0x92b: {  	v4 =	vld [tilespmem:s2+$0x20]  }
0x92c: {  	v7 =	vld [tilespmem:s2+$0xFFFFFFC0]  }
0x92d: {  	v6 =	vld.idx.msk [tilespmem:v6+s18+$0x0], $0xffff  }
0x92e: {  	v8 =	vld.idx.msk [tilespmem:v5+s18+$0x0], $0xffff  }
0x92f: {  	v5 =	vld.idx.msk [tilespmem:v3+s18+$0x0], $0xffff  }
.Ltmp32:
0x930: {  	v3 =	vld.idx.msk [tilespmem:v0+s18+$0x0], $0xffff;
	(pc) =	sbr.rel @p1 .LBB2_54-.Ltmp32, $4  }
0x931: {  	v0 =	vld.idx.msk [tilespmem:v1+s18+$0x0], $0xffff  }
0x932: {  	s0 =	sadd.s32 $0x200, s0;
	v1 =	vld.idx.msk [tilespmem:v2+s18+$0x0], $0xffff  }
0x933: {  	v2 =	vld.idx.msk [tilespmem:v4+s18+$0x0], $0xffff;
	[tilespmem:s0+$0x30] =	vst v6  }
0x934: {  	s2 =	sadd.s32 $0x200, s2;
	v4 =	vld.idx.msk [tilespmem:v7+s18+$0x0], $0xffff;
	[tilespmem:s0+$0xFFFFFFD0] =	vst v8  }
0x935: {  	[tilespmem:s0+$0xFFFFFFE0] =	vst v5  }
0x936: {  	[tilespmem:s0+$0xFFFFFFF0] =	vst v3  }
0x937: {  	[tilespmem:s0+$0x0] =	vst v0  }
0x938: {  	[tilespmem:s0+$0x10] =	vst v1  }
0x939: {  	[tilespmem:s0+$0x20] =	vst v2  }
0x93a: {  	[tilespmem:s0+$0xFFFFFFC0] =	vst v4  }
0x93b: {  	s1 =	rddreg [dreg:$0x1f]  }
0x93c: {  	[hbm4b:s1+s18] =	stream.linear.scatter [tilespmem:s6], [sflag:$0x5], $0x80, $0x38;
	[tilespmem:$0x1F900] =	vst v63  }
0x93d: {  	s29 =	sadd.s32 $0x80, s1  }
0x93e: {  	[hbm4b:s29+s18] =	stream.linear.scatter [tilespmem:s15], [sflag:$0x5], $0x80, $0x38;
	[tilespmem:$0x1F900] =	vst v63  }
0x93f: {  	s2 =	sadd.s32 $0x100, s1  }
0x940: {  	[hbm4b:s2+s18] =	stream.linear.scatter [tilespmem:s16], [sflag:$0x5], $0x80, $0x38;
	[tilespmem:$0x1F900] =	vst v63  }
0x941: {  	s29 =	sadd.s32 $0x180, s1  }
0x942: {  	[hbm4b:s29+s18] =	stream.linear.scatter [tilespmem:s17], [sflag:$0x5], $0x80, $0x38;
	[tilespmem:$0x1F900] =	vst v63  }
0x943: {  	s2 =	sadd.s32 $0x200, s1  }
0x944: {  	[hbm4b:s2+s18] =	stream.linear.scatter [tilespmem:s19], [sflag:$0x5], $0x80, $0x38;
	[tilespmem:$0x1F900] =	vst v63  }
0x945: {  	s29 =	sadd.s32 $0x280, s1  }
0x946: {  	[hbm4b:s29+s18] =	stream.linear.scatter [tilespmem:s20], [sflag:$0x5], $0x80, $0x38;
	[tilespmem:$0x1F900] =	vst v63  }
0x947: {  	s2 =	sadd.s32 $0x300, s1  }
0x948: {  	[hbm4b:s2+s18] =	stream.linear.scatter [tilespmem:s21], [sflag:$0x5], $0x80, $0x38;
	[tilespmem:$0x1F900] =	vst v63  }
0x949: {  	s29 =	sadd.s32 $0x380, s1  }
0x94a: {  	[hbm4b:s29+s18] =	stream.linear.scatter [tilespmem:s22], [sflag:$0x5], $0x80, $0x38;
	[tilespmem:$0x1F900] =	vst v63  }
0x94b: {  	_ =	swait.ge [sflag:s3], $0x400  }
0x94c: {  	[sflag:s3] =	ssyncset.done $0x0  }
0x94d: {  	s1 =	rddreg [dreg:$0x15];
	[sflag:s3] =	ssyncadd.s32 $0xFFFFFC00  }
0x94e: {  	[tilespmem:s18], [sflag:$0x5] =	stream.strided.gather [hbm4b:s1+s8], $0x18700, s9, s8, $0x38;
	[tilespmem:$0x1F900] =	vst v63  }
0x94f: {  	_ =	swait.ge [sflag:s3], $0x18700  }
0x950: {  	[sflag:s3] =	ssyncset.done $0x0  }
0x951: {  	s2 =	simm.s32 $0x18700;
	s1 =	rddreg [dreg:$0x1a];
	[sflag:s3] =	ssyncadd.s32 $0xFFFE7900  }
0x952: {  	[tilespmem:s2], [sflag:$0x5] =	stream.linear.gather [hbm4b:s1+s18], $0x80, $0x38;
	[tilespmem:$0x1F900] =	vst v63  }
0x953: {  	s29 =	sadd.s32 $0x40, s1  }
0x954: {  	[tilespmem:s10], [sflag:$0x5] =	stream.linear.gather [hbm4b:s29+s18], $0x80, $0x38;
	[tilespmem:$0x1F900] =	vst v63  }
0x955: {  	s2 =	sadd.s32 $0x80, s1  }
0x956: {  	[tilespmem:s12], [sflag:$0x5] =	stream.linear.gather [hbm4b:s2+s18], $0x80, $0x38;
	[tilespmem:$0x1F900] =	vst v63  }
0x957: {  	s10 =	sadd.s32 $0xC0, s1  }
0x958: {  	[tilespmem:s13], [sflag:$0x5] =	stream.linear.gather [hbm4b:s10+s18], $0x80, $0x38;
	[tilespmem:$0x1F900] =	vst v63  }
0x959: {  	s12 =	sadd.s32 $0x100, s1;
	s2 =	simm.s32 $0x18F00  }
0x95a: {  	[tilespmem:s2], [sflag:$0x5] =	stream.linear.gather [hbm4b:s12+s18], $0x80, $0x38;
	[tilespmem:$0x1F900] =	vst v63  }
0x95b: {  	s29 =	simm.s32 $0x19100;
	s13 =	sadd.s32 $0x140, s1  }
0x95c: {  	[tilespmem:s29], [sflag:$0x5] =	stream.linear.gather [hbm4b:s13+s18], $0x80, $0x38;
	[tilespmem:$0x1F900] =	vst v63  }
0x95d: {  	s10 =	simm.s32 $0x19300;
	s2 =	sadd.s32 $0x180, s1  }
0x95e: {  	[tilespmem:s10], [sflag:$0x5] =	stream.linear.gather [hbm4b:s2+s18], $0x80, $0x38;
	[tilespmem:$0x1F900] =	vst v63  }
0x95f: {  	s12 =	sadd.s32 $0x1C0, s1;
	s13 =	simm.s32 $0x19500  }
0x960: {  	[tilespmem:s13], [sflag:$0x5] =	stream.linear.gather [hbm4b:s12+s18], $0x80, $0x38;
	[tilespmem:$0x1F900] =	vst v63  }
0x961: {  	_ =	swait.ge [sflag:s3], $0x400  }
0x962: {  	[sflag:s3] =	ssyncset.done $0x0  }
0x963: {  	s29 =	simm.s32 $0x18740;
	[sflag:s3] =	ssyncadd.s32 $0xFFFFFC00  }
0x964: {  	v0 =	vld [tilespmem:s29+$0x30]  }
0x965: {  	v1 =	vld [tilespmem:s29+$0xFFFFFFD0]  }
0x966: {  	v2 =	vld [tilespmem:s29+$0xFFFFFFE0]  }
0x967: {  	v3 =	vld [tilespmem:s29+$0xFFFFFFF0]  }
0x968: {  	v4 =	vld [tilespmem:s29+$0x0]  }
0x969: {  	v6 =	vld [tilespmem:s29+$0x10]  }
0x96a: {  	v7 =	vld [tilespmem:s29+$0x20]  }
0x96b: {  	v8 =	vld [tilespmem:s29+$0xFFFFFFC0]  }
0x96c: {  	v9 =	vld.idx.msk [tilespmem:v0+s18+$0x0], $0xffff  }
0x96d: {  	v10 =	vld.idx.msk [tilespmem:v1+s18+$0x0], $0xffff  }
0x96e: {  	v5 =	vld.idx.msk [tilespmem:v2+s18+$0x0], $0xffff  }
0x96f: {  	v3 =	vld.idx.msk [tilespmem:v3+s18+$0x0], $0xffff  }
0x970: {  	v0 =	vld.idx.msk [tilespmem:v4+s18+$0x0], $0xffff  }
0x971: {  	s0 =	simm.s32 $0x1A740;
	v1 =	vld.idx.msk [tilespmem:v6+s18+$0x0], $0xffff  }
0x972: {  	v2 =	vld.idx.msk [tilespmem:v7+s18+$0x0], $0xffff;
	[tilespmem:s0+$0x30] =	vst v9  }
0x973: {  	s1 =	simm.s32 $0x0;
	s2 =	simm.s32 $0x18940;
	v4 =	vld.idx.msk [tilespmem:v8+s18+$0x0], $0xffff;
	[tilespmem:s0+$0xFFFFFFD0] =	vst v10  }
.LBB2_56:
0x974: {  	v6 =	vld [tilespmem:s2+$0x30];
	s1 =	sadd.s32 $0x80, s1;
	[tilespmem:s0+$0xFFFFFFE0] =	vst v5  }
0x975: {  	v5 =	vld [tilespmem:s2+$0xFFFFFFD0];
	p1 =	slt.u32 s1, $0x380;
	[tilespmem:s0+$0xFFFFFFF0] =	vst v3  }
0x976: {  	v3 =	vld [tilespmem:s2+$0xFFFFFFE0];
	[tilespmem:s0+$0x0] =	vst v0  }
0x977: {  	v0 =	vld [tilespmem:s2+$0xFFFFFFF0];
	[tilespmem:s0+$0x10] =	vst v1  }
0x978: {  	v1 =	vld [tilespmem:s2+$0x0];
	[tilespmem:s0+$0x20] =	vst v2  }
0x979: {  	v2 =	vld [tilespmem:s2+$0x10];
	[tilespmem:s0+$0xFFFFFFC0] =	vst v4  }
0x97a: {  	v4 =	vld [tilespmem:s2+$0x20]  }
0x97b: {  	v7 =	vld [tilespmem:s2+$0xFFFFFFC0]  }
0x97c: {  	v6 =	vld.idx.msk [tilespmem:v6+s18+$0x0], $0xffff  }
0x97d: {  	v8 =	vld.idx.msk [tilespmem:v5+s18+$0x0], $0xffff  }
0x97e: {  	v5 =	vld.idx.msk [tilespmem:v3+s18+$0x0], $0xffff  }
.Ltmp33:
0x97f: {  	v3 =	vld.idx.msk [tilespmem:v0+s18+$0x0], $0xffff;
	(pc) =	sbr.rel @p1 .LBB2_56-.Ltmp33, $4  }
0x980: {  	v0 =	vld.idx.msk [tilespmem:v1+s18+$0x0], $0xffff  }
0x981: {  	s0 =	sadd.s32 $0x200, s0;
	v1 =	vld.idx.msk [tilespmem:v2+s18+$0x0], $0xffff  }
0x982: {  	v2 =	vld.idx.msk [tilespmem:v4+s18+$0x0], $0xffff;
	[tilespmem:s0+$0x30] =	vst v6  }
0x983: {  	s2 =	sadd.s32 $0x200, s2;
	v4 =	vld.idx.msk [tilespmem:v7+s18+$0x0], $0xffff;
	[tilespmem:s0+$0xFFFFFFD0] =	vst v8  }
0x984: {  	[tilespmem:s0+$0xFFFFFFE0] =	vst v5  }
0x985: {  	[tilespmem:s0+$0xFFFFFFF0] =	vst v3  }
0x986: {  	[tilespmem:s0+$0x0] =	vst v0  }
0x987: {  	[tilespmem:s0+$0x10] =	vst v1  }
0x988: {  	[tilespmem:s0+$0x20] =	vst v2  }
0x989: {  	[tilespmem:s0+$0xFFFFFFC0] =	vst v4  }
0x98a: {  	s1 =	sld [smem:$0x7F6];
	_ =	sdelay $0x2  }
0x98b: {  	[hbm4b:s1+s18] =	stream.linear.scatter [tilespmem:s6], [sflag:$0x5], $0x80, $0x38;
	[tilespmem:$0x1F900] =	vst v63  }
0x98c: {  	s10 =	sadd.s32 $0x80, s1  }
0x98d: {  	[hbm4b:s10+s18] =	stream.linear.scatter [tilespmem:s15], [sflag:$0x5], $0x80, $0x38;
	[tilespmem:$0x1F900] =	vst v63  }
0x98e: {  	s12 =	sadd.s32 $0x100, s1  }
0x98f: {  	[hbm4b:s12+s18] =	stream.linear.scatter [tilespmem:s16], [sflag:$0x5], $0x80, $0x38;
	[tilespmem:$0x1F900] =	vst v63  }
0x990: {  	s13 =	sadd.s32 $0x180, s1  }
0x991: {  	[hbm4b:s13+s18] =	stream.linear.scatter [tilespmem:s17], [sflag:$0x5], $0x80, $0x38;
	[tilespmem:$0x1F900] =	vst v63  }
0x992: {  	s29 =	sadd.s32 $0x200, s1  }
0x993: {  	[hbm4b:s29+s18] =	stream.linear.scatter [tilespmem:s19], [sflag:$0x5], $0x80, $0x38;
	[tilespmem:$0x1F900] =	vst v63  }
0x994: {  	s2 =	sadd.s32 $0x280, s1  }
0x995: {  	[hbm4b:s2+s18] =	stream.linear.scatter [tilespmem:s20], [sflag:$0x5], $0x80, $0x38;
	[tilespmem:$0x1F900] =	vst v63  }
0x996: {  	s10 =	sadd.s32 $0x300, s1  }
0x997: {  	[hbm4b:s10+s18] =	stream.linear.scatter [tilespmem:s21], [sflag:$0x5], $0x80, $0x38;
	[tilespmem:$0x1F900] =	vst v63  }
0x998: {  	s12 =	sadd.s32 $0x380, s1  }
0x999: {  	[hbm4b:s12+s18] =	stream.linear.scatter [tilespmem:s22], [sflag:$0x5], $0x80, $0x38;
	[tilespmem:$0x1F900] =	vst v63  }
0x99a: {  	_ =	swait.ge [sflag:s3], $0x400  }
0x99b: {  	s13 =	sld [smem:$0x7F5]  }
0x99c: {  	s29 =	sld [smem:$0x7FC];
	_ =	sdelay $0x1  }
0x99d: {  	s1 =	sadd.s32 $0x1, s13  }
0x99e: {  	p1 =	sne.s32 s1, s29  }
.Ltmp34:
0x99f: {  	_ = 	snop;
	(pc) =	sbr.rel @p1 .LBB2_1-.Ltmp34, $3  }
0x9a0: {  	_ =	sdelay $0x1  }
0x9a1: {  	[sflag:s3] =	ssyncset.done $0x0  }
0x9a2: {  	[sflag:s3] =	ssyncadd.s32 $0xFFFFFC00  }
0x9a3: {  	_ =	sfence.sel $0x180000  }
0x9a4: {  	[bflag:$0x0] =	sbarrier.arrive $0xFFFF  }
0x9a5: {  	_ =	strace $0x90000047  }
0x9a6: {  	[bflag:$0x2] =	sbarrier.arrive $0xFFFF  }
0x9a7: {  	s0 =	rddreg [dreg:$0x7]  }
0x9a8: {  	s0 =	sadd.s32 @!p0 $0x100000, s0  }
0x9a9: {  	[sflag:s0] =	ssyncadd.tile.s32 @!p0 $0x1;
	_ =	shalt  }
.Lfunc_end2:
_tile_overlayer_lowered:
.L_overlay_start_2:
0x9aa: {  	(tag) =	ssettag $0x2  }
0x9ab: {  	s0 =	rddreg [dreg:$0x0];
	s2 =	stileid.u32  }
0x9ac: {  	s1 =	rddreg [dreg:$0x1];
	p0 =	sne.s32 s2, $0x0  }
0x9ad: {  	s3 =	rddreg [dreg:$0x2];
	[bflag:$0x3] =	sbarrier.arrive $0xFFFF;
	s2 =	simm.s32 @!p0 $0x1C05  }
0x9ae: {  	[timem:s3], [sflag:s2] =	dma.local @!p0 [hbm:s0], s1  }
0x9af: {  	s0 =	simm.s32 @!p0 $0x5  }
0x9b0: {  	_ =	swait.ge @!p0 [sflag:s0], s1  }
0x9b1: {  	s1 =	ssub.s32 @!p0 $0x0, s1;
	[sflag:s0] =	ssyncset.done @!p0 $0x0  }
0x9b2: {  	[sflag:s0] =	ssyncadd.s32 @!p0 s1  }
0x9b3: {  	[bflag:$0x3] =	sbarrier.arrive $0xFFFF  }
0x9b4: {  	_ =	shalt  }

</sc_bundles>
